<compile_context>
chip_gen: v7x
topology: tpu7x:2x2x1
jax: 0.10.2.dev20260603
libtpu: 0.0.44.dev20260713+nightly
codegen_flags: <defaults>
</compile_context>

<pallas_src>
import jax
import jax.numpy as jnp
from jax import lax
from jax.experimental import pallas as pl
from jax.experimental.pallas import tpu as pltpu
from jax.experimental.pallas import tpu_sc as plsc

N = 10000
E = 160000
D = 128
HW = 80
B = 1000
NB = N // B
C = 112
NT = 16
KPT = 90
NCPAD = 1444
EPAD = NCPAD * C
NP = 10112
RPT = NP // NT


def _prep_body(src_a, src_t, dstf, wsw, alw, wdw, arw, wsh, alh, wdh, arh,
               haw_ref, hbw_ref, hah_ref, hbh_ref, erw_ref, erh_ref):
    pad0 = jnp.zeros((B, 16), jnp.float32)
    ii = lax.broadcasted_iota(jnp.int32, (B, 16), 1)

    def halves(h, el, a_ref, b_ref):
        a_ref[:, :64] = h[:, :64]
        a_ref[:, 64:HW] = pad0
        b_ref[:, :64] = h[:, 64:]
        b_ref[:, 64:HW] = jnp.where(ii == 0, 1.0, jnp.where(ii == 1, el, 0.0))

    hw = jnp.dot(src_a[...], wsw[...], preferred_element_type=jnp.float32)
    elw = jnp.dot(hw, alw[...], preferred_element_type=jnp.float32)
    halves(hw, elw, haw_ref, hbw_ref)
    hh = jnp.dot(src_t[...], wsh[...], preferred_element_type=jnp.float32)
    elh = jnp.dot(hh, alh[...], preferred_element_type=jnp.float32)
    halves(hh, elh, hah_ref, hbh_ref)
    hdw = jnp.dot(dstf[...], wdw[...], preferred_element_type=jnp.float32)
    erw_ref[...] = jnp.dot(hdw, arw[...], preferred_element_type=jnp.float32)
    hdh = jnp.dot(dstf[...], wdh[...], preferred_element_type=jnp.float32)
    erh_ref[...] = jnp.dot(hdh, arh[...], preferred_element_type=jnp.float32)


def _prep(src_a, src_t, dstf, wsw, alw, wdw, arw, wsh, alh, wdh, arh):
    row = pl.BlockSpec((B, D), lambda i: (i, 0))
    full = pl.BlockSpec((D, D), lambda i: (0, 0))
    vec = pl.BlockSpec((D, 1), lambda i: (0, 0))
    out_row = pl.BlockSpec((B, HW), lambda i: (i, 0))
    out_col = pl.BlockSpec((B, 1), lambda i: (i, 0))
    f32 = jnp.float32
    return pl.pallas_call(
        _prep_body,
        grid=(NB,),
        in_specs=[row, row, row, full, vec, full, vec, full, vec, full, vec],
        out_specs=[out_row, out_row, out_row, out_row, out_col, out_col],
        out_shape=[
            jax.ShapeDtypeStruct((N, HW), f32),
            jax.ShapeDtypeStruct((N, HW), f32),
            jax.ShapeDtypeStruct((N, HW), f32),
            jax.ShapeDtypeStruct((N, HW), f32),
            jax.ShapeDtypeStruct((N, 1), f32),
            jax.ShapeDtypeStruct((N, 1), f32),
        ],
    )(src_a, src_t, dstf, wsw, alw, wdw, arw, wsh, alh, wdh, arh)


def _sc_body(haw, hbw, hah, hbh, erw, erh, sw, dw, sh, dh,
             zrows, acc,
             er_v, s_all, d_all, w_all, r0, r1, r2,
             sem_r0, sem_r1, sem_r2, sem_s0, sem_s1, sem_s2, acc_sh):
    cid = lax.axis_index("c")
    sid = lax.axis_index("s")
    rbuf = (r0, r1, r2)
    sem_r = (sem_r0, sem_r1, sem_r2)
    sem_s = (sem_s0, sem_s1, sem_s2)

    pltpu.sync_copy(zrows, acc_sh.at[pl.ds(sid * RPT, RPT)])
    plsc.subcore_barrier()

    def run_rel(er_hbm, s_hbm, d_hbm, ha_hbm, hb_hbm, rel):
        pltpu.async_copy(er_hbm, er_v, sem_r0)
        pltpu.async_copy(s_hbm.at[pl.ds(sid * KPT, KPT + 2)], s_all, sem_r1)
        pltpu.async_copy(d_hbm.at[pl.ds(sid * KPT, KPT + 2)], d_all, sem_r2)
        pltpu.make_async_copy(er_hbm, er_v, sem_r0).wait()
        pltpu.make_async_copy(s_hbm.at[pl.ds(sid * KPT, KPT + 2)], s_all,
                              sem_r1).wait()
        pltpu.make_async_copy(d_hbm.at[pl.ds(sid * KPT, KPT + 2)], d_all,
                              sem_r2).wait()

        def logits(rows_v, c):
            gchunk = sid * KPT + c

            @plsc.parallel_loop(0, C // 16, unroll=2)
            def _(j):
                lane = lax.broadcasted_iota(jnp.int32, (16,), 0)
                el16 = plsc.load_gather(
                    rows_v, [j * 16 + lane, jnp.broadcast_to(65, (16,))])
                d16 = d_all[c, pl.ds(j * 16, 16)]
                x = el16 + plsc.load_gather(er_v, [d16])
                w = jnp.exp(jnp.where(x >= 0.0, x, 0.2 * x))
                eid = gchunk * C + j * 16 + lane
                w_all[c, pl.ds(j * 16, 16)] = jnp.where(eid < E, w, 0.0)

        def scale(rows_v, c):
            @plsc.parallel_loop(0, C, unroll=4)
            def _(r):
                wr = plsc.load_gather(
                    w_all, [jnp.broadcast_to(c, (16,)),
                            jnp.broadcast_to(r, (16,))])
                for j in range(HW // 16):
                    rows_v[r, pl.ds(j * 16, 16)] = (
                        rows_v[r, pl.ds(j * 16, 16)] * wr)

        def prologue(hx_hbm):
            pltpu.async_copy(hx_hbm.at[s_all.at[0]], r0, sem_r0)
            pltpu.async_copy(hx_hbm.at[s_all.at[1]], r1, sem_r1)
            pltpu.sync_copy(zrows.at[pl.ds(0, C)], r2)
            pltpu.async_copy(r2, acc_sh.at[d_all.at[KPT]], sem_s2, add=True)

        def run_phase(hx_hbm, out_slice, do_logits, next_hx):
            def triple(i, _):
                for o in range(3):
                    cur, nxt = o % 3, (o + 2) % 3
                    c = 3 * i + o
                    pltpu.make_async_copy(hx_hbm.at[s_all.at[c]], rbuf[cur],
                                          sem_r[cur]).wait()
                    if do_logits:
                        logits(rbuf[cur], c)
                    scale(rbuf[cur], c)
                    pltpu.async_copy(rbuf[cur], acc_sh.at[d_all.at[c]],
                                     sem_s[cur], add=True)
                    pltpu.make_async_copy(rbuf[nxt], acc_sh.at[d_all.at[c]],
                                          sem_s[nxt]).wait()
                    pltpu.async_copy(hx_hbm.at[s_all.at[c + 2]], rbuf[nxt],
                                     sem_r[nxt])
                return 0

            lax.fori_loop(0, KPT // 3, triple, 0)
            pltpu.make_async_copy(hx_hbm.at[s_all.at[0]], r0, sem_r0).wait()
            pltpu.make_async_copy(hx_hbm.at[s_all.at[0]], r1, sem_r1).wait()
            pltpu.make_async_copy(r2, acc_sh.at[d_all.at[0]], sem_s2).wait()

            if next_hx is not None:
                prologue(next_hx)
            plsc.subcore_barrier()
            pltpu.sync_copy(acc_sh.at[pl.ds(sid * RPT, RPT)], out_slice)
            pltpu.sync_copy(zrows, acc_sh.at[pl.ds(sid * RPT, RPT)])
            plsc.subcore_barrier()

        prologue(hb_hbm)
        run_phase(hb_hbm, acc.at[rel, 1, pl.ds(sid * RPT, RPT)], True, ha_hbm)
        run_phase(ha_hbm, acc.at[rel, 0, pl.ds(sid * RPT, RPT)], False, None)

    @pl.when(cid == 0)
    def _():
        run_rel(erw, sw, dw, haw, hbw, 0)

    @pl.when(cid == 1)
    def _():
        run_rel(erh, sh, dh, hah, hbh, 1)


def _sc_aggregate(haw, hbw, hah, hbh, erw, erh, sw, dw, sh, dh):
    f32 = jnp.float32
    i32 = jnp.int32
    zrows = jnp.zeros((RPT, HW), f32)
    mesh = plsc.VectorSubcoreMesh(core_axis_name="c", subcore_axis_name="s")
    return pl.kernel(
        _sc_body,
        out_type=jax.ShapeDtypeStruct((2, 2, NP, HW), f32),
        mesh=mesh,
        compiler_params=pltpu.CompilerParams(needs_layout_passes=False,
                                             use_tc_tiling_on_sc=False),
        scratch_types=[
            pltpu.VMEM((N,), f32),
            pltpu.VMEM((KPT + 2, C), i32),
            pltpu.VMEM((KPT + 2, C), i32),
            pltpu.VMEM((KPT, C), f32),
            pltpu.VMEM((C, HW), f32),
            pltpu.VMEM((C, HW), f32),
            pltpu.VMEM((C, HW), f32),
            pltpu.SemaphoreType.DMA,
            pltpu.SemaphoreType.DMA,
            pltpu.SemaphoreType.DMA,
            pltpu.SemaphoreType.DMA,
            pltpu.SemaphoreType.DMA,
            pltpu.SemaphoreType.DMA,
            pltpu.VMEM_SHARED((NP, HW), f32),
        ],
    )(haw, hbw, hah, hbh, erw, erh, sw, dw, sh, dh, zrows)


def _epi_a_body(a0, b0, a1, b1, bw, bh, w1, b1s, w2, z0_ref, z1_ref,
                part_ref):
    def one(lo_ref, hi_ref, b_ref):
        h = jnp.concatenate([lo_ref[:, :64], hi_ref[:, :64]], axis=1)
        den = hi_ref[:, 64:65]
        x = h / (den + 1e-9) + b_ref[...]
        z = jnp.where(x > 0.0, x, jnp.exp(jnp.minimum(x, 0.0)) - 1.0)
        t = jnp.tanh(jnp.dot(z, w1[...], preferred_element_type=jnp.float32)
                     + b1s[...])
        s = jnp.sum(jnp.dot(t, w2[...], preferred_element_type=jnp.float32))
        return z, s

    z0, s0 = one(a0, b0, bw)
    z1, s1 = one(a1, b1, bh)
    z0_ref[...] = z0
    z1_ref[...] = z1
    ii = lax.broadcasted_iota(jnp.int32, (1, 8, D), 2)
    part_ref[...] = jnp.where(ii == 0, s0, jnp.where(ii == 1, s1, 0.0))


def _epi_a(a0, b0, a1, b1, bw, bh, w1, b1s, w2):
    f32 = jnp.float32
    arow = pl.BlockSpec((B, HW), lambda i: (i, 0))
    brow = pl.BlockSpec((1, D), lambda i: (0, 0))
    full = pl.BlockSpec((D, D), lambda i: (0, 0))
    vec = pl.BlockSpec((D, 1), lambda i: (0, 0))
    zrow = pl.BlockSpec((B, D), lambda i: (i, 0))
    prow = pl.BlockSpec((1, 8, D), lambda i: (i, 0, 0))
    return pl.pallas_call(
        _epi_a_body,
        grid=(NB,),
        in_specs=[arow, arow, arow, arow, brow, brow, full, brow, vec],
        out_specs=[zrow, zrow, prow],
        out_shape=[
            jax.ShapeDtypeStruct((N, D), f32),
            jax.ShapeDtypeStruct((N, D), f32),
            jax.ShapeDtypeStruct((NB, 8, D), f32),
        ],
    )(a0, b0, a1, b1, bw, bh, w1, b1s, w2)


def _epi_b_body(z0, z1, part, z_ref, att_ref):
    s0 = jnp.sum(part[:, 0, 0:1]) / N
    s1 = jnp.sum(part[:, 0, 1:2]) / N
    m = jnp.maximum(s0, s1)
    e0 = jnp.exp(s0 - m)
    e1 = jnp.exp(s1 - m)
    a0 = e0 / (e0 + e1)
    a1 = e1 / (e0 + e1)
    z_ref[...] = a0 * z0[...] + a1 * z1[...]
    ii = lax.broadcasted_iota(jnp.int32, (1, D), 1)
    att_ref[...] = jnp.where(ii == 0, a0, jnp.where(ii == 1, a1, 0.0))


def _epi_b(z0, z1, part):
    f32 = jnp.float32
    zrow = pl.BlockSpec((B, D), lambda i: (i, 0))
    pfull = pl.BlockSpec((NB, 8, D), lambda i: (0, 0, 0))
    afull = pl.BlockSpec((1, D), lambda i: (0, 0))
    return pl.pallas_call(
        _epi_b_body,
        grid=(NB,),
        in_specs=[zrow, zrow, pfull],
        out_specs=[zrow, afull],
        out_shape=[
            jax.ShapeDtypeStruct((N, D), f32),
            jax.ShapeDtypeStruct((1, D), f32),
        ],
    )(z0, z1, part)


def kernel(dst_feat, src_feat_author, src_feat_term, edge_index_writes,
           edge_index_has, Wsrc_writes, Wdst_writes, al_writes, ar_writes,
           bias_writes, Wsrc_has, Wdst_has, al_has, ar_has, bias_has,
           W1_sem, b1_sem, w2_sem):
    haw, hbw, hah, hbh, erw, erh = _prep(
        src_feat_author, src_feat_term, dst_feat,
        Wsrc_writes, al_writes.reshape(D, 1),
        Wdst_writes, ar_writes.reshape(D, 1),
        Wsrc_has, al_has.reshape(D, 1),
        Wdst_has, ar_has.reshape(D, 1))

    npad = EPAD - E
    zpad = jnp.zeros((npad,), jnp.int32)

    def padded(ei):
        s = jnp.concatenate([ei[0], zpad]).reshape(NCPAD, C)
        d = jnp.concatenate([ei[1], zpad]).reshape(NCPAD, C)
        return s, d

    sw2, dw2 = padded(edge_index_writes)
    sh2, dh2 = padded(edge_index_has)
    acc = _sc_aggregate(
        haw, hbw, hah, hbh,
        erw.reshape(N), erh.reshape(N),
        sw2, dw2, sh2, dh2)

    z0, z1, part = _epi_a(
        acc[0, 0, :N], acc[0, 1, :N], acc[1, 0, :N], acc[1, 1, :N],
        bias_writes.reshape(1, D), bias_has.reshape(1, D),
        W1_sem, b1_sem.reshape(1, D), w2_sem)

    z, att = _epi_b(z0, z1, part)
    return (z, att[0, :2])

# --- scband reference (transcript-rebuilt; emitter-appended) ---
"""Pipeline reference for scband-hgraph-sage-64415919506091 (READ-ONLY COPY).

The authoritative reference and input builder live on the scoring server;
editing this copy changes nothing except your own understanding.
"""

import jax, jax.numpy as jnp
import numpy as np

N_DST = 10000
N_SRC = 10000
E = 160000
D = 128
H_SEM = 128


def setup_inputs(seed: int = 0) -> dict:
    key = jax.random.key(seed)
    ks = jax.random.split(key, 20)
    sc = 1.0 / np.sqrt(D)
    inp = {
        "dst_feat": jax.random.normal(ks[0], (N_DST, D), jnp.float32),
        "src_feat_author": jax.random.normal(ks[1], (N_SRC, D), jnp.float32),
        "src_feat_term": jax.random.normal(ks[2], (N_SRC, D), jnp.float32),
        "edge_index_writes": jax.random.randint(ks[3], (2, E), 0, N_SRC, dtype=jnp.int32),
        "edge_index_has": jax.random.randint(ks[4], (2, E), 0, N_SRC, dtype=jnp.int32),
        # GATConv params for relation 'writes' (author -> paper)
        "Wsrc_writes": jax.random.normal(ks[5], (D, D), jnp.float32) * sc,
        "Wdst_writes": jax.random.normal(ks[6], (D, D), jnp.float32) * sc,
        "al_writes": jax.random.normal(ks[7], (D,), jnp.float32) * sc,
        "ar_writes": jax.random.normal(ks[8], (D,), jnp.float32) * sc,
        "bias_writes": jnp.zeros((D,), jnp.float32),
        # GATConv params for relation 'has' (term -> paper)
        "Wsrc_has": jax.random.normal(ks[9], (D, D), jnp.float32) * sc,
        "Wdst_has": jax.random.normal(ks[10], (D, D), jnp.float32) * sc,
        "al_has": jax.random.normal(ks[11], (D,), jnp.float32) * sc,
        "ar_has": jax.random.normal(ks[12], (D,), jnp.float32) * sc,
        "bias_has": jnp.zeros((D,), jnp.float32),
        # SemanticAttention params
        "W1_sem": jax.random.normal(ks[13], (D, H_SEM), jnp.float32) * sc,
        "b1_sem": jnp.zeros((H_SEM,), jnp.float32),
        "w2_sem": jax.random.normal(ks[14], (H_SEM, 1), jnp.float32) * (1.0 / np.sqrt(H_SEM)),
    }
    return inp


def _gat_conv(src_feat, dst_feat, edges, Wsrc, Wdst, al, ar, bias):
    # DGL GATConv with num_heads=1, tuple feats, allow_zero_in_degree, activation=elu
    h_src = src_feat @ Wsrc                       # [Ns, D]
    h_dst = dst_feat @ Wdst                       # [Nd, D]
    el = h_src @ al                               # [Ns]
    er = h_dst @ ar                               # [Nd]
    s = edges[0]
    d = edges[1]
    e = jax.nn.leaky_relu(el[s] + er[d], 0.2)     # [E]
    n = dst_feat.shape[0]
    emax = jax.ops.segment_max(e, d, num_segments=n)
    emax = jnp.where(jnp.isfinite(emax), emax, 0.0)
    ee = jnp.exp(e - emax[d])
    denom = jax.ops.segment_sum(ee, d, num_segments=n)
    alpha = ee / (denom[d] + 1e-9)                # edge softmax per dst node
    out = jax.ops.segment_sum(h_src[s] * alpha[:, None], d, num_segments=n)
    return jax.nn.elu(out + bias)


def reference(dst_feat, src_feat_author, src_feat_term, edge_index_writes,
              edge_index_has, Wsrc_writes, Wdst_writes, al_writes, ar_writes,
              bias_writes, Wsrc_has, Wdst_has, al_has, ar_has, bias_has,
              W1_sem, b1_sem, w2_sem):
    # Schema_Relation_Network forward (evaluation path of HGraphSAGE):
    # one GAT per relation targeting dst ntype 'paper', then semantic attention.
    z_writes = _gat_conv(src_feat_author, dst_feat, edge_index_writes,
                         Wsrc_writes, Wdst_writes, al_writes, ar_writes, bias_writes)
    z_has = _gat_conv(src_feat_term, dst_feat, edge_index_has,
                      Wsrc_has, Wdst_has, al_has, ar_has, bias_has)
    z_r = jnp.stack([z_writes, z_has], axis=1)    # [N, R=2, D]
    # SemanticAttention
    w = jnp.tanh(z_r @ W1_sem + b1_sem) @ w2_sem  # [N, R, 1]
    w = w.mean(axis=0)                            # [R, 1]
    a_w = jax.nn.softmax(w, axis=0)               # [R, 1]
    z = (z_r * a_w[None, :, :]).sum(axis=1)       # [N, D]
    att_mp = a_w.squeeze()                        # [R]
    return (z, att_mp)

if __name__ == "__main__":
    import jax
    _d = setup_inputs()
    print(jax.jit(kernel)(*tuple(_d.values())))

</pallas_src>

<mosaic_0001>
#map = affine_map<(d0, d1) -> (0, 0)>
#map1 = affine_map<(d0, d1) -> (0)>
#map2 = affine_map<(d0, d1) -> (0, 0, 0, 0)>
module attributes {stable_mosaic.version = 14 : i64} {
  func.func @_sc_body(%arg0: i32, %arg1: i32, %arg2: memref<10000x80xf32, #tpu.memory_space<hbm>>, %arg3: memref<10000x80xf32, #tpu.memory_space<hbm>>, %arg4: memref<10000x80xf32, #tpu.memory_space<hbm>>, %arg5: memref<10000x80xf32, #tpu.memory_space<hbm>>, %arg6: memref<10000xf32, #tpu.memory_space<hbm>>, %arg7: memref<10000xf32, #tpu.memory_space<hbm>>, %arg8: memref<1444x112xi32, #tpu.memory_space<hbm>>, %arg9: memref<1444x112xi32, #tpu.memory_space<hbm>>, %arg10: memref<1444x112xi32, #tpu.memory_space<hbm>>, %arg11: memref<1444x112xi32, #tpu.memory_space<hbm>>, %arg12: memref<632x80xf32, #tpu.memory_space<hbm>>, %arg13: memref<2x2x10112x80xf32, #tpu.memory_space<hbm>>, %arg14: memref<10000xf32, #tpu.memory_space<vmem>>, %arg15: memref<92x112xi32, #tpu.memory_space<vmem>>, %arg16: memref<92x112xi32, #tpu.memory_space<vmem>>, %arg17: memref<90x112xf32, #tpu.memory_space<vmem>>, %arg18: memref<112x80xf32, #tpu.memory_space<vmem>>, %arg19: memref<112x80xf32, #tpu.memory_space<vmem>>, %arg20: memref<112x80xf32, #tpu.memory_space<vmem>>, %arg21: memref<!tpu.dma_semaphore, #tpu.memory_space<semaphore_mem>>, %arg22: memref<!tpu.dma_semaphore, #tpu.memory_space<semaphore_mem>>, %arg23: memref<!tpu.dma_semaphore, #tpu.memory_space<semaphore_mem>>, %arg24: memref<!tpu.dma_semaphore, #tpu.memory_space<semaphore_mem>>, %arg25: memref<!tpu.dma_semaphore, #tpu.memory_space<semaphore_mem>>, %arg26: memref<!tpu.dma_semaphore, #tpu.memory_space<semaphore_mem>>, %arg27: memref<10112x80xf32, #tpu.memory_space<vmem_shared>>) attributes {dimension_semantics = [#tpu.dimension_semantics<core_parallel>, #tpu.dimension_semantics<subcore_parallel>], iteration_bounds = array<i64: 2, 16>, scalar_prefetch = 0 : i64, scratch_operands = 14 : i64, tpu.core_type = #tpu.core_type<sc_vector_subcore>, window_params = [{transform_indices = #map}, {transform_indices = #map}, {transform_indices = #map}, {transform_indices = #map}, {transform_indices = #map1}, {transform_indices = #map1}, {transform_indices = #map}, {transform_indices = #map}, {transform_indices = #map}, {transform_indices = #map}, {transform_indices = #map}, {transform_indices = #map2}]} {
    %mul3A = arith.constant 632 : i32
    %mul3A_0 = arith.muli %arg1, %mul3A : i32
    "tpu.region"() ({
      %run_scoped3A = tpu.sem_alloc : memref<!tpu.dma_semaphore, #tpu.memory_space<semaphore_mem>>
      %dma_start3A = arith.constant 0 : i32
      %dma_start3A_8 = tpu.memref_slice %arg27[%mul3A_0, %dma_start3A] : memref<10112x80xf32, #tpu.memory_space<vmem_shared>> -> memref<632x80xf32, #tpu.memory_space<vmem_shared>>
      tpu.enqueue_dma source(%arg12 : memref<632x80xf32, #tpu.memory_space<hbm>>) target(%dma_start3A_8 : memref<632x80xf32, #tpu.memory_space<vmem_shared>>) target_semaphore(%run_scoped3A : memref<!tpu.dma_semaphore, #tpu.memory_space<semaphore_mem>>)
      %dma_wait3A = arith.constant 0 : i32
      %dma_wait3A_9 = tpu.memref_slice %arg27[%mul3A_0, %dma_wait3A] : memref<10112x80xf32, #tpu.memory_space<vmem_shared>> -> memref<632x80xf32, #tpu.memory_space<vmem_shared>>
      tpu.wait_dma2 semaphore(%run_scoped3A : memref<!tpu.dma_semaphore, #tpu.memory_space<semaphore_mem>>) src(%arg12 : memref<632x80xf32, #tpu.memory_space<hbm>>) dst(%dma_wait3A_9 : memref<632x80xf32, #tpu.memory_space<vmem_shared>>)
      tpu.yield
    }) : () -> ()
    %barrier3A = arith.constant 0 : index
    tpu.barrier barrier_id(%barrier3A)
    %eq3A = arith.constant 0 : i32
    %eq3A_1 = arith.cmpi eq, %arg0, %eq3A : i32
    %convert_element_type3A = arith.extui %eq3A_1 : i1 to i32
    %cond3A = arith.constant 0 : i32
    %cond3A_2 = arith.cmpi ne, %convert_element_type3A, %cond3A : i32
    scf.if %cond3A_2 {
      tpu.enqueue_dma source(%arg6 : memref<10000xf32, #tpu.memory_space<hbm>>) target(%arg14 : memref<10000xf32, #tpu.memory_space<vmem>>) target_semaphore(%arg21 : memref<!tpu.dma_semaphore, #tpu.memory_space<semaphore_mem>>)
      %mul3A_8 = arith.constant 90 : i32
      %mul3A_9 = arith.muli %arg1, %mul3A_8 : i32
      %dma_start3A = arith.constant 0 : i32
      %dma_start3A_10 = tpu.memref_slice %arg8[%mul3A_9, %dma_start3A] : memref<1444x112xi32, #tpu.memory_space<hbm>> -> memref<92x112xi32, #tpu.memory_space<hbm>>
      %dma_start3A_11 = arith.constant 0 : i32
      %dma_start3A_12 = tpu.memref_slice %arg8[%mul3A_9, %dma_start3A_11] : memref<1444x112xi32, #tpu.memory_space<hbm>> -> memref<92x112xi32, #tpu.memory_space<hbm>>
      tpu.enqueue_dma source(%dma_start3A_12 : memref<92x112xi32, #tpu.memory_space<hbm>>) target(%arg15 : memref<92x112xi32, #tpu.memory_space<vmem>>) target_semaphore(%arg22 : memref<!tpu.dma_semaphore, #tpu.memory_space<semaphore_mem>>)
      %mul3A_13 = arith.constant 90 : i32
      %mul3A_14 = arith.muli %arg1, %mul3A_13 : i32
      %dma_start3A_15 = arith.constant 0 : i32
      %dma_start3A_16 = tpu.memref_slice %arg9[%mul3A_14, %dma_start3A_15] : memref<1444x112xi32, #tpu.memory_space<hbm>> -> memref<92x112xi32, #tpu.memory_space<hbm>>
      %dma_start3A_17 = arith.constant 0 : i32
      %dma_start3A_18 = tpu.memref_slice %arg9[%mul3A_14, %dma_start3A_17] : memref<1444x112xi32, #tpu.memory_space<hbm>> -> memref<92x112xi32, #tpu.memory_space<hbm>>
      tpu.enqueue_dma source(%dma_start3A_18 : memref<92x112xi32, #tpu.memory_space<hbm>>) target(%arg16 : memref<92x112xi32, #tpu.memory_space<vmem>>) target_semaphore(%arg23 : memref<!tpu.dma_semaphore, #tpu.memory_space<semaphore_mem>>)
      tpu.wait_dma2 semaphore(%arg21 : memref<!tpu.dma_semaphore, #tpu.memory_space<semaphore_mem>>) src(%arg6 : memref<10000xf32, #tpu.memory_space<hbm>>) dst(%arg14 : memref<10000xf32, #tpu.memory_space<vmem>>)
      %mul3A_19 = arith.constant 90 : i32
      %mul3A_20 = arith.muli %arg1, %mul3A_19 : i32
      %dma_wait3A = arith.constant 0 : i32
      %dma_wait3A_21 = tpu.memref_slice %arg8[%mul3A_20, %dma_wait3A] : memref<1444x112xi32, #tpu.memory_space<hbm>> -> memref<92x112xi32, #tpu.memory_space<hbm>>
      %dma_wait3A_22 = arith.constant 0 : i32
      %dma_wait3A_23 = tpu.memref_slice %arg8[%mul3A_20, %dma_wait3A_22] : memref<1444x112xi32, #tpu.memory_space<hbm>> -> memref<92x112xi32, #tpu.memory_space<hbm>>
      tpu.wait_dma2 semaphore(%arg22 : memref<!tpu.dma_semaphore, #tpu.memory_space<semaphore_mem>>) src(%dma_wait3A_23 : memref<92x112xi32, #tpu.memory_space<hbm>>) dst(%arg15 : memref<92x112xi32, #tpu.memory_space<vmem>>)
      %mul3A_24 = arith.constant 90 : i32
      %mul3A_25 = arith.muli %arg1, %mul3A_24 : i32
      %dma_wait3A_26 = arith.constant 0 : i32
      %dma_wait3A_27 = tpu.memref_slice %arg9[%mul3A_25, %dma_wait3A_26] : memref<1444x112xi32, #tpu.memory_space<hbm>> -> memref<92x112xi32, #tpu.memory_space<hbm>>
      %dma_wait3A_28 = arith.constant 0 : i32
      %dma_wait3A_29 = tpu.memref_slice %arg9[%mul3A_25, %dma_wait3A_28] : memref<1444x112xi32, #tpu.memory_space<hbm>> -> memref<92x112xi32, #tpu.memory_space<hbm>>
      tpu.wait_dma2 semaphore(%arg23 : memref<!tpu.dma_semaphore, #tpu.memory_space<semaphore_mem>>) src(%dma_wait3A_29 : memref<92x112xi32, #tpu.memory_space<hbm>>) dst(%arg16 : memref<92x112xi32, #tpu.memory_space<vmem>>)
      %dma_start3A_30 = arith.constant 0 : i32
      %dma_start3A_31 = arith.constant 0 : i32
      %dma_start3A_32 = tpu.memref_slice %arg15[%dma_start3A_30, %dma_start3A_31] : memref<92x112xi32, #tpu.memory_space<vmem>> -> memref<1x112xi32, #tpu.memory_space<vmem>>
      %dma_start3A_33 = tpu.memref_squeeze %dma_start3A_32 : memref<1x112xi32, #tpu.memory_space<vmem>> -> memref<112xi32, #tpu.memory_space<vmem>>
      %dma_start3A_34 = arith.constant 0 : i32
      %dma_start3A_35 = arith.constant 0 : i32
      %dma_start3A_36 = tpu.memref_slice %arg3[%dma_start3A_34, %dma_start3A_35] : memref<10000x80xf32, #tpu.memory_space<hbm>> -> memref<10000x80xf32, #tpu.memory_space<hbm>>
      tpu.enqueue_indirect_dma source(%dma_start3A_36 : memref<10000x80xf32, #tpu.memory_space<hbm>>) target(%arg18 : memref<112x80xf32, #tpu.memory_space<vmem>>) offsets(%dma_start3A_33 : memref<112xi32, #tpu.memory_space<vmem>>) semaphore(%arg21 : memref<!tpu.dma_semaphore, #tpu.memory_space<semaphore_mem>>)
      %dma_start3A_37 = arith.constant 1 : i32
      %dma_start3A_38 = arith.constant 0 : i32
      %dma_start3A_39 = tpu.memref_slice %arg15[%dma_start3A_37, %dma_start3A_38] : memref<92x112xi32, #tpu.memory_space<vmem>> -> memref<1x112xi32, #tpu.memory_space<vmem>>
      %dma_start3A_40 = tpu.memref_squeeze %dma_start3A_39 : memref<1x112xi32, #tpu.memory_space<vmem>> -> memref<112xi32, #tpu.memory_space<vmem>>
      %dma_start3A_41 = arith.constant 0 : i32
      %dma_start3A_42 = arith.constant 0 : i32
      %dma_start3A_43 = tpu.memref_slice %arg3[%dma_start3A_41, %dma_start3A_42] : memref<10000x80xf32, #tpu.memory_space<hbm>> -> memref<10000x80xf32, #tpu.memory_space<hbm>>
      tpu.enqueue_indirect_dma source(%dma_start3A_43 : memref<10000x80xf32, #tpu.memory_space<hbm>>) target(%arg19 : memref<112x80xf32, #tpu.memory_space<vmem>>) offsets(%dma_start3A_40 : memref<112xi32, #tpu.memory_space<vmem>>) semaphore(%arg22 : memref<!tpu.dma_semaphore, #tpu.memory_space<semaphore_mem>>)
      "tpu.region"() ({
        %run_scoped3A_146 = tpu.sem_alloc : memref<!tpu.dma_semaphore, #tpu.memory_space<semaphore_mem>>
        %dma_start3A_147 = arith.constant 0 : i32
        %dma_start3A_148 = arith.constant 0 : i32
        %dma_start3A_149 = tpu.memref_slice %arg12[%dma_start3A_147, %dma_start3A_148] : memref<632x80xf32, #tpu.memory_space<hbm>> -> memref<112x80xf32, #tpu.memory_space<hbm>>
        %dma_start3A_150 = arith.constant 0 : i32
        %dma_start3A_151 = arith.constant 0 : i32
        %dma_start3A_152 = tpu.memref_slice %arg12[%dma_start3A_150, %dma_start3A_151] : memref<632x80xf32, #tpu.memory_space<hbm>> -> memref<112x80xf32, #tpu.memory_space<hbm>>
        tpu.enqueue_dma source(%dma_start3A_152 : memref<112x80xf32, #tpu.memory_space<hbm>>) target(%arg20 : memref<112x80xf32, #tpu.memory_space<vmem>>) target_semaphore(%run_scoped3A_146 : memref<!tpu.dma_semaphore, #tpu.memory_space<semaphore_mem>>)
        %dma_wait3A_153 = arith.constant 0 : i32
        %dma_wait3A_154 = arith.constant 0 : i32
        %dma_wait3A_155 = tpu.memref_slice %arg12[%dma_wait3A_153, %dma_wait3A_154] : memref<632x80xf32, #tpu.memory_space<hbm>> -> memref<112x80xf32, #tpu.memory_space<hbm>>
        %dma_wait3A_156 = arith.constant 0 : i32
        %dma_wait3A_157 = arith.constant 0 : i32
        %dma_wait3A_158 = tpu.memref_slice %arg12[%dma_wait3A_156, %dma_wait3A_157] : memref<632x80xf32, #tpu.memory_space<hbm>> -> memref<112x80xf32, #tpu.memory_space<hbm>>
        tpu.wait_dma2 semaphore(%run_scoped3A_146 : memref<!tpu.dma_semaphore, #tpu.memory_space<semaphore_mem>>) src(%dma_wait3A_158 : memref<112x80xf32, #tpu.memory_space<hbm>>) dst(%arg20 : memref<112x80xf32, #tpu.memory_space<vmem>>)
        tpu.yield
      }) : () -> ()
      %dma_start3A_44 = arith.constant 90 : i32
      %dma_start3A_45 = arith.constant 0 : i32
      %dma_start3A_46 = tpu.memref_slice %arg16[%dma_start3A_44, %dma_start3A_45] : memref<92x112xi32, #tpu.memory_space<vmem>> -> memref<1x112xi32, #tpu.memory_space<vmem>>
      %dma_start3A_47 = tpu.memref_squeeze %dma_start3A_46 : memref<1x112xi32, #tpu.memory_space<vmem>> -> memref<112xi32, #tpu.memory_space<vmem>>
      %dma_start3A_48 = arith.constant 0 : i32
      %dma_start3A_49 = arith.constant 0 : i32
      %dma_start3A_50 = tpu.memref_slice %arg27[%dma_start3A_48, %dma_start3A_49] : memref<10112x80xf32, #tpu.memory_space<vmem_shared>> -> memref<10112x80xf32, #tpu.memory_space<vmem_shared>>
      tpu.enqueue_indirect_dma source(%arg20 : memref<112x80xf32, #tpu.memory_space<vmem>>) target(%dma_start3A_50 : memref<10112x80xf32, #tpu.memory_space<vmem_shared>>) offsets(%dma_start3A_47 : memref<112xi32, #tpu.memory_space<vmem>>) semaphore(%arg26 : memref<!tpu.dma_semaphore, #tpu.memory_space<semaphore_mem>>) {add = true}
      %mul3A_51 = arith.constant 632 : i32
      %mul3A_52 = arith.muli %arg1, %mul3A_51 : i32
      %scan3A = arith.constant 0 : i32
      %scan3A_53 = arith.constant 0 : i32
      %scan3A_54 = arith.constant 30 : i32
      %scan3A_55 = arith.addi %scan3A_53, %scan3A_54 : i32
      %scan3A_56 = arith.constant 1 : i32
      %scan3A_57 = scf.for %scan3A_146 = %scan3A_53 to %scan3A_55 step %scan3A_56 iter_args(%scan3A_147 = %scan3A) -> (i32)  : i32 {
        %mul3A_148 = arith.constant 3 : i32
        %mul3A_149 = arith.muli %mul3A_148, %scan3A_146 : i32
        %add3A = arith.constant 0 : i32
        %add3A_150 = arith.addi %mul3A_149, %add3A : i32
        %dma_wait3A_151 = arith.constant 0 : i32
        %dma_wait3A_152 = tpu.memref_slice %arg15[%add3A_150, %dma_wait3A_151] : memref<92x112xi32, #tpu.memory_space<vmem>> -> memref<1x112xi32, #tpu.memory_space<vmem>>
        %dma_wait3A_153 = tpu.memref_squeeze %dma_wait3A_152 : memref<1x112xi32, #tpu.memory_space<vmem>> -> memref<112xi32, #tpu.memory_space<vmem>>
        %dma_wait3A_154 = arith.constant 0 : i32
        %dma_wait3A_155 = arith.constant 0 : i32
        %dma_wait3A_156 = tpu.memref_slice %arg3[%dma_wait3A_154, %dma_wait3A_155] : memref<10000x80xf32, #tpu.memory_space<hbm>> -> memref<10000x80xf32, #tpu.memory_space<hbm>>
        tpu.wait_indirect_dma semaphore(%arg21 : memref<!tpu.dma_semaphore, #tpu.memory_space<semaphore_mem>>) src(%dma_wait3A_156 : memref<10000x80xf32, #tpu.memory_space<hbm>>) dst(%arg18 : memref<112x80xf32, #tpu.memory_space<vmem>>)
        %mul3A_157 = arith.constant 90 : i32
        %mul3A_158 = arith.muli %arg1, %mul3A_157 : i32
        %add3A_159 = arith.addi %mul3A_158, %add3A_150 : i32
        %parallel_loop3A = arith.constant 0 : i32
        %parallel_loop3A_160 = arith.constant 7 : i32
        %parallel_loop3A_161 = arith.constant 1 : i32
        scf.for %parallel_loop3A_264 = %parallel_loop3A to %parallel_loop3A_160 step %parallel_loop3A_161  : i32 {
          %parallel_loop3A_265 = tpu.iota {dimensions = array<i32: 0>} : vector<16xi32>
          %parallel_loop3A_266 = arith.constant 16 : i32
          %parallel_loop3A_267 = arith.muli %parallel_loop3A_264, %parallel_loop3A_266 : i32
          %parallel_loop3A_268 = vector.broadcast %parallel_loop3A_267 : i32 to vector<16xi32>
          %parallel_loop3A_269 = arith.addi %parallel_loop3A_268, %parallel_loop3A_265 : vector<16xi32>
          %parallel_loop3A_270 = arith.constant 65 : i32
          %parallel_loop3A_271 = vector.broadcast %parallel_loop3A_270 : i32 to vector<16xi32>
          %parallel_loop3A_272 = tpu.vector_load_idx %arg18[%parallel_loop3A_269, %parallel_loop3A_271] : memref<112x80xf32, #tpu.memory_space<vmem>>[vector<16xi32>, vector<16xi32>], vector<16xf32>,
          %parallel_loop3A_273 = arith.constant 16 : i32
          %parallel_loop3A_274 = arith.muli %parallel_loop3A_264, %parallel_loop3A_273 : i32
          %parallel_loop3A_275 = arith.index_cast %add3A_150 : i32 to index
          %parallel_loop3A_276 = arith.index_cast %parallel_loop3A_274 : i32 to index
          %parallel_loop3A_277 = tpu.vector_load %arg16[%parallel_loop3A_275, %parallel_loop3A_276] {strides = array<i32>} : memref<92x112xi32, #tpu.memory_space<vmem>>, vector<16xi32>,
          %parallel_loop3A_278 = tpu.vector_load_idx %arg14[%parallel_loop3A_277] : memref<10000xf32, #tpu.memory_space<vmem>>[vector<16xi32>], vector<16xf32>,
          %parallel_loop3A_279 = arith.addf %parallel_loop3A_272, %parallel_loop3A_278 : vector<16xf32>
          %parallel_loop3A_280 = arith.constant 0.000000e+00 : f32
          %parallel_loop3A_281 = vector.broadcast %parallel_loop3A_280 : f32 to vector<16xf32>
          %parallel_loop3A_282 = arith.cmpf oge, %parallel_loop3A_279, %parallel_loop3A_281 : vector<16xf32>
          %parallel_loop3A_283 = arith.constant 2.000000e-01 : f32
          %parallel_loop3A_284 = vector.broadcast %parallel_loop3A_283 : f32 to vector<16xf32>
          %parallel_loop3A_285 = arith.mulf %parallel_loop3A_284, %parallel_loop3A_279 : vector<16xf32>
          %parallel_loop3A_286 = arith.select %parallel_loop3A_282, %parallel_loop3A_279, %parallel_loop3A_285 : vector<16xi1>, vector<16xf32>
          %parallel_loop3A_287 = math.exp %parallel_loop3A_286 : vector<16xf32>
          %parallel_loop3A_288 = arith.constant 112 : i32
          %parallel_loop3A_289 = arith.muli %add3A_159, %parallel_loop3A_288 : i32
          %parallel_loop3A_290 = arith.constant 16 : i32
          %parallel_loop3A_291 = arith.muli %parallel_loop3A_264, %parallel_loop3A_290 : i32
          %parallel_loop3A_292 = arith.addi %parallel_loop3A_289, %parallel_loop3A_291 : i32
          %parallel_loop3A_293 = vector.broadcast %parallel_loop3A_292 : i32 to vector<16xi32>
          %parallel_loop3A_294 = arith.addi %parallel_loop3A_293, %parallel_loop3A_265 : vector<16xi32>
          %parallel_loop3A_295 = arith.constant 160000 : i32
          %parallel_loop3A_296 = vector.broadcast %parallel_loop3A_295 : i32 to vector<16xi32>
          %parallel_loop3A_297 = arith.cmpi slt, %parallel_loop3A_294, %parallel_loop3A_296 : vector<16xi32>
          %parallel_loop3A_298 = arith.constant 0.000000e+00 : f32
          %parallel_loop3A_299 = vector.broadcast %parallel_loop3A_298 : f32 to vector<16xf32>
          %parallel_loop3A_300 = arith.select %parallel_loop3A_297, %parallel_loop3A_287, %parallel_loop3A_299 : vector<16xi1>, vector<16xf32>
          %parallel_loop3A_301 = arith.constant 16 : i32
          %parallel_loop3A_302 = arith.muli %parallel_loop3A_264, %parallel_loop3A_301 : i32
          %parallel_loop3A_303 = arith.index_cast %add3A_150 : i32 to index
          %parallel_loop3A_304 = arith.index_cast %parallel_loop3A_302 : i32 to index
          %parallel_loop3A_305 = tpu.vector_load %arg17[%parallel_loop3A_303, %parallel_loop3A_304] {strides = array<i32>} : memref<90x112xf32, #tpu.memory_space<vmem>>, vector<16xf32>,
          tpu.vector_store %arg17[%parallel_loop3A_303, %parallel_loop3A_304], %parallel_loop3A_300 {strides = array<i32>} : memref<90x112xf32, #tpu.memory_space<vmem>>, vector<16xf32>,
        } {sc.loop_unroll_factor = 2 : i64, sc.parallel_access}
        %parallel_loop3A_162 = arith.constant 0 : i32
        %parallel_loop3A_163 = arith.constant 112 : i32
        %parallel_loop3A_164 = arith.constant 1 : i32
        scf.for %parallel_loop3A_264 = %parallel_loop3A_162 to %parallel_loop3A_163 step %parallel_loop3A_164  : i32 {
          %parallel_loop3A_265 = vector.broadcast %add3A_150 : i32 to vector<16xi32>
          %parallel_loop3A_266 = vector.broadcast %parallel_loop3A_264 : i32 to vector<16xi32>
          %parallel_loop3A_267 = tpu.vector_load_idx %arg17[%parallel_loop3A_265, %parallel_loop3A_266] : memref<90x112xf32, #tpu.memory_space<vmem>>[vector<16xi32>, vector<16xi32>], vector<16xf32>,
          %parallel_loop3A_268 = arith.index_cast %parallel_loop3A_264 : i32 to index
          %parallel_loop3A_269 = arith.constant 0 : index
          %parallel_loop3A_270 = tpu.vector_load %arg18[%parallel_loop3A_268, %parallel_loop3A_269] {strides = array<i32>} : memref<112x80xf32, #tpu.memory_space<vmem>>, vector<16xf32>,
          %parallel_loop3A_271 = arith.mulf %parallel_loop3A_270, %parallel_loop3A_267 : vector<16xf32>
          %parallel_loop3A_272 = arith.index_cast %parallel_loop3A_264 : i32 to index
          %parallel_loop3A_273 = arith.constant 0 : index
          %parallel_loop3A_274 = tpu.vector_load %arg18[%parallel_loop3A_272, %parallel_loop3A_273] {strides = array<i32>} : memref<112x80xf32, #tpu.memory_space<vmem>>, vector<16xf32>,
          tpu.vector_store %arg18[%parallel_loop3A_272, %parallel_loop3A_273], %parallel_loop3A_271 {strides = array<i32>} : memref<112x80xf32, #tpu.memory_space<vmem>>, vector<16xf32>,
          %parallel_loop3A_275 = arith.index_cast %parallel_loop3A_264 : i32 to index
          %parallel_loop3A_276 = arith.constant 16 : index
          %parallel_loop3A_277 = tpu.vector_load %arg18[%parallel_loop3A_275, %parallel_loop3A_276] {strides = array<i32>} : memref<112x80xf32, #tpu.memory_space<vmem>>, vector<16xf32>,
          %parallel_loop3A_278 = arith.mulf %parallel_loop3A_277, %parallel_loop3A_267 : vector<16xf32>
          %parallel_loop3A_279 = arith.index_cast %parallel_loop3A_264 : i32 to index
          %parallel_loop3A_280 = arith.constant 16 : index
          %parallel_loop3A_281 = tpu.vector_load %arg18[%parallel_loop3A_279, %parallel_loop3A_280] {strides = array<i32>} : memref<112x80xf32, #tpu.memory_space<vmem>>, vector<16xf32>,
          tpu.vector_store %arg18[%parallel_loop3A_279, %parallel_loop3A_280], %parallel_loop3A_278 {strides = array<i32>} : memref<112x80xf32, #tpu.memory_space<vmem>>, vector<16xf32>,
          %parallel_loop3A_282 = arith.index_cast %parallel_loop3A_264 : i32 to index
          %parallel_loop3A_283 = arith.constant 32 : index
          %parallel_loop3A_284 = tpu.vector_load %arg18[%parallel_loop3A_282, %parallel_loop3A_283] {strides = array<i32>} : memref<112x80xf32, #tpu.memory_space<vmem>>, vector<16xf32>,
          %parallel_loop3A_285 = arith.mulf %parallel_loop3A_284, %parallel_loop3A_267 : vector<16xf32>
          %parallel_loop3A_286 = arith.index_cast %parallel_loop3A_264 : i32 to index
          %parallel_loop3A_287 = arith.constant 32 : index
          %parallel_loop3A_288 = tpu.vector_load %arg18[%parallel_loop3A_286, %parallel_loop3A_287] {strides = array<i32>} : memref<112x80xf32, #tpu.memory_space<vmem>>, vector<16xf32>,
          tpu.vector_store %arg18[%parallel_loop3A_286, %parallel_loop3A_287], %parallel_loop3A_285 {strides = array<i32>} : memref<112x80xf32, #tpu.memory_space<vmem>>, vector<16xf32>,
          %parallel_loop3A_289 = arith.index_cast %parallel_loop3A_264 : i32 to index
          %parallel_loop3A_290 = arith.constant 48 : index
          %parallel_loop3A_291 = tpu.vector_load %arg18[%parallel_loop3A_289, %parallel_loop3A_290] {strides = array<i32>} : memref<112x80xf32, #tpu.memory_space<vmem>>, vector<16xf32>,
          %parallel_loop3A_292 = arith.mulf %parallel_loop3A_291, %parallel_loop3A_267 : vector<16xf32>
          %parallel_loop3A_293 = arith.index_cast %parallel_loop3A_264 : i32 to index
          %parallel_loop3A_294 = arith.constant 48 : index
          %parallel_loop3A_295 = tpu.vector_load %arg18[%parallel_loop3A_293, %parallel_loop3A_294] {strides = array<i32>} : memref<112x80xf32, #tpu.memory_space<vmem>>, vector<16xf32>,
          tpu.vector_store %arg18[%parallel_loop3A_293, %parallel_loop3A_294], %parallel_loop3A_292 {strides = array<i32>} : memref<112x80xf32, #tpu.memory_space<vmem>>, vector<16xf32>,
          %parallel_loop3A_296 = arith.index_cast %parallel_loop3A_264 : i32 to index
          %parallel_loop3A_297 = arith.constant 64 : index
          %parallel_loop3A_298 = tpu.vector_load %arg18[%parallel_loop3A_296, %parallel_loop3A_297] {strides = array<i32>} : memref<112x80xf32, #tpu.memory_space<vmem>>, vector<16xf32>,
          %parallel_loop3A_299 = arith.mulf %parallel_loop3A_298, %parallel_loop3A_267 : vector<16xf32>
          %parallel_loop3A_300 = arith.index_cast %parallel_loop3A_264 : i32 to index
          %parallel_loop3A_301 = arith.constant 64 : index
          %parallel_loop3A_302 = tpu.vector_load %arg18[%parallel_loop3A_300, %parallel_loop3A_301] {strides = array<i32>} : memref<112x80xf32, #tpu.memory_space<vmem>>, vector<16xf32>,
          tpu.vector_store %arg18[%parallel_loop3A_300, %parallel_loop3A_301], %parallel_loop3A_299 {strides = array<i32>} : memref<112x80xf32, #tpu.memory_space<vmem>>, vector<16xf32>,
        } {sc.loop_unroll_factor = 4 : i64, sc.parallel_access}
        %dma_start3A_165 = arith.constant 0 : i32
        %dma_start3A_166 = tpu.memref_slice %arg16[%add3A_150, %dma_start3A_165] : memref<92x112xi32, #tpu.memory_space<vmem>> -> memref<1x112xi32, #tpu.memory_space<vmem>>
        %dma_start3A_167 = tpu.memref_squeeze %dma_start3A_166 : memref<1x112xi32, #tpu.memory_space<vmem>> -> memref<112xi32, #tpu.memory_space<vmem>>
        %dma_start3A_168 = arith.constant 0 : i32
        %dma_start3A_169 = arith.constant 0 : i32
        %dma_start3A_170 = tpu.memref_slice %arg27[%dma_start3A_168, %dma_start3A_169] : memref<10112x80xf32, #tpu.memory_space<vmem_shared>> -> memref<10112x80xf32, #tpu.memory_space<vmem_shared>>
        tpu.enqueue_indirect_dma source(%arg18 : memref<112x80xf32, #tpu.memory_space<vmem>>) target(%dma_start3A_170 : memref<10112x80xf32, #tpu.memory_space<vmem_shared>>) offsets(%dma_start3A_167 : memref<112xi32, #tpu.memory_space<vmem>>) semaphore(%arg24 : memref<!tpu.dma_semaphore, #tpu.memory_space<semaphore_mem>>) {add = true}
        %dma_wait3A_171 = arith.constant 0 : i32
        %dma_wait3A_172 = tpu.memref_slice %arg16[%add3A_150, %dma_wait3A_171] : memref<92x112xi32, #tpu.memory_space<vmem>> -> memref<1x112xi32, #tpu.memory_space<vmem>>
        %dma_wait3A_173 = tpu.memref_squeeze %dma_wait3A_172 : memref<1x112xi32, #tpu.memory_space<vmem>> -> memref<112xi32, #tpu.memory_space<vmem>>
        %dma_wait3A_174 = arith.constant 0 : i32
        %dma_wait3A_175 = arith.constant 0 : i32
        %dma_wait3A_176 = tpu.memref_slice %arg27[%dma_wait3A_174, %dma_wait3A_175] : memref<10112x80xf32, #tpu.memory_space<vmem_shared>> -> memref<10112x80xf32, #tpu.memory_space<vmem_shared>>
        tpu.wait_indirect_dma semaphore(%arg26 : memref<!tpu.dma_semaphore, #tpu.memory_space<semaphore_mem>>) src(%arg20 : memref<112x80xf32, #tpu.memory_space<vmem>>) dst(%dma_wait3A_176 : memref<10112x80xf32, #tpu.memory_space<vmem_shared>>)
        %add3A_177 = arith.constant 2 : i32
        %add3A_178 = arith.addi %add3A_150, %add3A_177 : i32
        %dma_start3A_179 = arith.constant 0 : i32
        %dma_start3A_180 = tpu.memref_slice %arg15[%add3A_178, %dma_start3A_179] : memref<92x112xi32, #tpu.memory_space<vmem>> -> memref<1x112xi32, #tpu.memory_space<vmem>>
        %dma_start3A_181 = tpu.memref_squeeze %dma_start3A_180 : memref<1x112xi32, #tpu.memory_space<vmem>> -> memref<112xi32, #tpu.memory_space<vmem>>
        %dma_start3A_182 = arith.constant 0 : i32
        %dma_start3A_183 = arith.constant 0 : i32
        %dma_start3A_184 = tpu.memref_slice %arg3[%dma_start3A_182, %dma_start3A_183] : memref<10000x80xf32, #tpu.memory_space<hbm>> -> memref<10000x80xf32, #tpu.memory_space<hbm>>
        tpu.enqueue_indirect_dma source(%dma_start3A_184 : memref<10000x80xf32, #tpu.memory_space<hbm>>) target(%arg20 : memref<112x80xf32, #tpu.memory_space<vmem>>) offsets(%dma_start3A_181 : memref<112xi32, #tpu.memory_space<vmem>>) semaphore(%arg23 : memref<!tpu.dma_semaphore, #tpu.memory_space<semaphore_mem>>)
        %mul3A_185 = arith.constant 3 : i32
        %mul3A_186 = arith.muli %mul3A_185, %scan3A_146 : i32
        %add3A_187 = arith.constant 1 : i32
        %add3A_188 = arith.addi %mul3A_186, %add3A_187 : i32
        %dma_wait3A_189 = arith.constant 0 : i32
        %dma_wait3A_190 = tpu.memref_slice %arg15[%add3A_188, %dma_wait3A_189] : memref<92x112xi32, #tpu.memory_space<vmem>> -> memref<1x112xi32, #tpu.memory_space<vmem>>
        %dma_wait3A_191 = tpu.memref_squeeze %dma_wait3A_190 : memref<1x112xi32, #tpu.memory_space<vmem>> -> memref<112xi32, #tpu.memory_space<vmem>>
        %dma_wait3A_192 = arith.constant 0 : i32
        %dma_wait3A_193 = arith.constant 0 : i32
        %dma_wait3A_194 = tpu.memref_slice %arg3[%dma_wait3A_192, %dma_wait3A_193] : memref<10000x80xf32, #tpu.memory_space<hbm>> -> memref<10000x80xf32, #tpu.memory_space<hbm>>
        tpu.wait_indirect_dma semaphore(%arg22 : memref<!tpu.dma_semaphore, #tpu.memory_space<semaphore_mem>>) src(%dma_wait3A_194 : memref<10000x80xf32, #tpu.memory_space<hbm>>) dst(%arg19 : memref<112x80xf32, #tpu.memory_space<vmem>>)
        %mul3A_195 = arith.constant 90 : i32
        %mul3A_196 = arith.muli %arg1, %mul3A_195 : i32
        %add3A_197 = arith.addi %mul3A_196, %add3A_188 : i32
        %parallel_loop3A_198 = arith.constant 0 : i32
        %parallel_loop3A_199 = arith.constant 7 : i32
        %parallel_loop3A_200 = arith.constant 1 : i32
        scf.for %parallel_loop3A_264 = %parallel_loop3A_198 to %parallel_loop3A_199 step %parallel_loop3A_200  : i32 {
          %parallel_loop3A_265 = tpu.iota {dimensions = array<i32: 0>} : vector<16xi32>
          %parallel_loop3A_266 = arith.constant 16 : i32
          %parallel_loop3A_267 = arith.muli %parallel_loop3A_264, %parallel_loop3A_266 : i32
          %parallel_loop3A_268 = vector.broadcast %parallel_loop3A_267 : i32 to vector<16xi32>
          %parallel_loop3A_269 = arith.addi %parallel_loop3A_268, %parallel_loop3A_265 : vector<16xi32>
          %parallel_loop3A_270 = arith.constant 65 : i32
          %parallel_loop3A_271 = vector.broadcast %parallel_loop3A_270 : i32 to vector<16xi32>
          %parallel_loop3A_272 = tpu.vector_load_idx %arg19[%parallel_loop3A_269, %parallel_loop3A_271] : memref<112x80xf32, #tpu.memory_space<vmem>>[vector<16xi32>, vector<16xi32>], vector<16xf32>,
          %parallel_loop3A_273 = arith.constant 16 : i32
          %parallel_loop3A_274 = arith.muli %parallel_loop3A_264, %parallel_loop3A_273 : i32
          %parallel_loop3A_275 = arith.index_cast %add3A_188 : i32 to index
          %parallel_loop3A_276 = arith.index_cast %parallel_loop3A_274 : i32 to index
          %parallel_loop3A_277 = tpu.vector_load %arg16[%parallel_loop3A_275, %parallel_loop3A_276] {strides = array<i32>} : memref<92x112xi32, #tpu.memory_space<vmem>>, vector<16xi32>,
          %parallel_loop3A_278 = tpu.vector_load_idx %arg14[%parallel_loop3A_277] : memref<10000xf32, #tpu.memory_space<vmem>>[vector<16xi32>], vector<16xf32>,
          %parallel_loop3A_279 = arith.addf %parallel_loop3A_272, %parallel_loop3A_278 : vector<16xf32>
          %parallel_loop3A_280 = arith.constant 0.000000e+00 : f32
          %parallel_loop3A_281 = vector.broadcast %parallel_loop3A_280 : f32 to vector<16xf32>
          %parallel_loop3A_282 = arith.cmpf oge, %parallel_loop3A_279, %parallel_loop3A_281 : vector<16xf32>
          %parallel_loop3A_283 = arith.constant 2.000000e-01 : f32
          %parallel_loop3A_284 = vector.broadcast %parallel_loop3A_283 : f32 to vector<16xf32>
          %parallel_loop3A_285 = arith.mulf %parallel_loop3A_284, %parallel_loop3A_279 : vector<16xf32>
          %parallel_loop3A_286 = arith.select %parallel_loop3A_282, %parallel_loop3A_279, %parallel_loop3A_285 : vector<16xi1>, vector<16xf32>
          %parallel_loop3A_287 = math.exp %parallel_loop3A_286 : vector<16xf32>
          %parallel_loop3A_288 = arith.constant 112 : i32
          %parallel_loop3A_289 = arith.muli %add3A_197, %parallel_loop3A_288 : i32
          %parallel_loop3A_290 = arith.constant 16 : i32
          %parallel_loop3A_291 = arith.muli %parallel_loop3A_264, %parallel_loop3A_290 : i32
          %parallel_loop3A_292 = arith.addi %parallel_loop3A_289, %parallel_loop3A_291 : i32
          %parallel_loop3A_293 = vector.broadcast %parallel_loop3A_292 : i32 to vector<16xi32>
          %parallel_loop3A_294 = arith.addi %parallel_loop3A_293, %parallel_loop3A_265 : vector<16xi32>
          %parallel_loop3A_295 = arith.constant 160000 : i32
          %parallel_loop3A_296 = vector.broadcast %parallel_loop3A_295 : i32 to vector<16xi32>
          %parallel_loop3A_297 = arith.cmpi slt, %parallel_loop3A_294, %parallel_loop3A_296 : vector<16xi32>
          %parallel_loop3A_298 = arith.constant 0.000000e+00 : f32
          %parallel_loop3A_299 = vector.broadcast %parallel_loop3A_298 : f32 to vector<16xf32>
          %parallel_loop3A_300 = arith.select %parallel_loop3A_297, %parallel_loop3A_287, %parallel_loop3A_299 : vector<16xi1>, vector<16xf32>
          %parallel_loop3A_301 = arith.constant 16 : i32
          %parallel_loop3A_302 = arith.muli %parallel_loop3A_264, %parallel_loop3A_301 : i32
          %parallel_loop3A_303 = arith.index_cast %add3A_188 : i32 to index
          %parallel_loop3A_304 = arith.index_cast %parallel_loop3A_302 : i32 to index
          %parallel_loop3A_305 = tpu.vector_load %arg17[%parallel_loop3A_303, %parallel_loop3A_304] {strides = array<i32>} : memref<90x112xf32, #tpu.memory_space<vmem>>, vector<16xf32>,
          tpu.vector_store %arg17[%parallel_loop3A_303, %parallel_loop3A_304], %parallel_loop3A_300 {strides = array<i32>} : memref<90x112xf32, #tpu.memory_space<vmem>>, vector<16xf32>,
        } {sc.loop_unroll_factor = 2 : i64, sc.parallel_access}
        %parallel_loop3A_201 = arith.constant 0 : i32
        %parallel_loop3A_202 = arith.constant 112 : i32
        %parallel_loop3A_203 = arith.constant 1 : i32
        scf.for %parallel_loop3A_264 = %parallel_loop3A_201 to %parallel_loop3A_202 step %parallel_loop3A_203  : i32 {
          %parallel_loop3A_265 = vector.broadcast %add3A_188 : i32 to vector<16xi32>
          %parallel_loop3A_266 = vector.broadcast %parallel_loop3A_264 : i32 to vector<16xi32>
          %parallel_loop3A_267 = tpu.vector_load_idx %arg17[%parallel_loop3A_265, %parallel_loop3A_266] : memref<90x112xf32, #tpu.memory_space<vmem>>[vector<16xi32>, vector<16xi32>], vector<16xf32>,
          %parallel_loop3A_268 = arith.index_cast %parallel_loop3A_264 : i32 to index
          %parallel_loop3A_269 = arith.constant 0 : index
          %parallel_loop3A_270 = tpu.vector_load %arg19[%parallel_loop3A_268, %parallel_loop3A_269] {strides = array<i32>} : memref<112x80xf32, #tpu.memory_space<vmem>>, vector<16xf32>,
          %parallel_loop3A_271 = arith.mulf %parallel_loop3A_270, %parallel_loop3A_267 : vector<16xf32>
          %parallel_loop3A_272 = arith.index_cast %parallel_loop3A_264 : i32 to index
          %parallel_loop3A_273 = arith.constant 0 : index
          %parallel_loop3A_274 = tpu.vector_load %arg19[%parallel_loop3A_272, %parallel_loop3A_273] {strides = array<i32>} : memref<112x80xf32, #tpu.memory_space<vmem>>, vector<16xf32>,
          tpu.vector_store %arg19[%parallel_loop3A_272, %parallel_loop3A_273], %parallel_loop3A_271 {strides = array<i32>} : memref<112x80xf32, #tpu.memory_space<vmem>>, vector<16xf32>,
          %parallel_loop3A_275 = arith.index_cast %parallel_loop3A_264 : i32 to index
          %parallel_loop3A_276 = arith.constant 16 : index
          %parallel_loop3A_277 = tpu.vector_load %arg19[%parallel_loop3A_275, %parallel_loop3A_276] {strides = array<i32>} : memref<112x80xf32, #tpu.memory_space<vmem>>, vector<16xf32>,
          %parallel_loop3A_278 = arith.mulf %parallel_loop3A_277, %parallel_loop3A_267 : vector<16xf32>
          %parallel_loop3A_279 = arith.index_cast %parallel_loop3A_264 : i32 to index
          %parallel_loop3A_280 = arith.constant 16 : index
          %parallel_loop3A_281 = tpu.vector_load %arg19[%parallel_loop3A_279, %parallel_loop3A_280] {strides = array<i32>} : memref<112x80xf32, #tpu.memory_space<vmem>>, vector<16xf32>,
          tpu.vector_store %arg19[%parallel_loop3A_279, %parallel_loop3A_280], %parallel_loop3A_278 {strides = array<i32>} : memref<112x80xf32, #tpu.memory_space<vmem>>, vector<16xf32>,
          %parallel_loop3A_282 = arith.index_cast %parallel_loop3A_264 : i32 to index
          %parallel_loop3A_283 = arith.constant 32 : index
          %parallel_loop3A_284 = tpu.vector_load %arg19[%parallel_loop3A_282, %parallel_loop3A_283] {strides = array<i32>} : memref<112x80xf32, #tpu.memory_space<vmem>>, vector<16xf32>,
          %parallel_loop3A_285 = arith.mulf %parallel_loop3A_284, %parallel_loop3A_267 : vector<16xf32>
          %parallel_loop3A_286 = arith.index_cast %parallel_loop3A_264 : i32 to index
          %parallel_loop3A_287 = arith.constant 32 : index
          %parallel_loop3A_288 = tpu.vector_load %arg19[%parallel_loop3A_286, %parallel_loop3A_287] {strides = array<i32>} : memref<112x80xf32, #tpu.memory_space<vmem>>, vector<16xf32>,
          tpu.vector_store %arg19[%parallel_loop3A_286, %parallel_loop3A_287], %parallel_loop3A_285 {strides = array<i32>} : memref<112x80xf32, #tpu.memory_space<vmem>>, vector<16xf32>,
          %parallel_loop3A_289 = arith.index_cast %parallel_loop3A_264 : i32 to index
          %parallel_loop3A_290 = arith.constant 48 : index
          %parallel_loop3A_291 = tpu.vector_load %arg19[%parallel_loop3A_289, %parallel_loop3A_290] {strides = array<i32>} : memref<112x80xf32, #tpu.memory_space<vmem>>, vector<16xf32>,
          %parallel_loop3A_292 = arith.mulf %parallel_loop3A_291, %parallel_loop3A_267 : vector<16xf32>
          %parallel_loop3A_293 = arith.index_cast %parallel_loop3A_264 : i32 to index
          %parallel_loop3A_294 = arith.constant 48 : index
          %parallel_loop3A_295 = tpu.vector_load %arg19[%parallel_loop3A_293, %parallel_loop3A_294] {strides = array<i32>} : memref<112x80xf32, #tpu.memory_space<vmem>>, vector<16xf32>,
          tpu.vector_store %arg19[%parallel_loop3A_293, %parallel_loop3A_294], %parallel_loop3A_292 {strides = array<i32>} : memref<112x80xf32, #tpu.memory_space<vmem>>, vector<16xf32>,
          %parallel_loop3A_296 = arith.index_cast %parallel_loop3A_264 : i32 to index
          %parallel_loop3A_297 = arith.constant 64 : index
          %parallel_loop3A_298 = tpu.vector_load %arg19[%parallel_loop3A_296, %parallel_loop3A_297] {strides = array<i32>} : memref<112x80xf32, #tpu.memory_space<vmem>>, vector<16xf32>,
          %parallel_loop3A_299 = arith.mulf %parallel_loop3A_298, %parallel_loop3A_267 : vector<16xf32>
          %parallel_loop3A_300 = arith.index_cast %parallel_loop3A_264 : i32 to index
          %parallel_loop3A_301 = arith.constant 64 : index
          %parallel_loop3A_302 = tpu.vector_load %arg19[%parallel_loop3A_300, %parallel_loop3A_301] {strides = array<i32>} : memref<112x80xf32, #tpu.memory_space<vmem>>, vector<16xf32>,
          tpu.vector_store %arg19[%parallel_loop3A_300, %parallel_loop3A_301], %parallel_loop3A_299 {strides = array<i32>} : memref<112x80xf32, #tpu.memory_space<vmem>>, vector<16xf32>,
        } {sc.loop_unroll_factor = 4 : i64, sc.parallel_access}
        %dma_start3A_204 = arith.constant 0 : i32
        %dma_start3A_205 = tpu.memref_slice %arg16[%add3A_188, %dma_start3A_204] : memref<92x112xi32, #tpu.memory_space<vmem>> -> memref<1x112xi32, #tpu.memory_space<vmem>>
        %dma_start3A_206 = tpu.memref_squeeze %dma_start3A_205 : memref<1x112xi32, #tpu.memory_space<vmem>> -> memref<112xi32, #tpu.memory_space<vmem>>
        %dma_start3A_207 = arith.constant 0 : i32
        %dma_start3A_208 = arith.constant 0 : i32
        %dma_start3A_209 = tpu.memref_slice %arg27[%dma_start3A_207, %dma_start3A_208] : memref<10112x80xf32, #tpu.memory_space<vmem_shared>> -> memref<10112x80xf32, #tpu.memory_space<vmem_shared>>
        tpu.enqueue_indirect_dma source(%arg19 : memref<112x80xf32, #tpu.memory_space<vmem>>) target(%dma_start3A_209 : memref<10112x80xf32, #tpu.memory_space<vmem_shared>>) offsets(%dma_start3A_206 : memref<112xi32, #tpu.memory_space<vmem>>) semaphore(%arg25 : memref<!tpu.dma_semaphore, #tpu.memory_space<semaphore_mem>>) {add = true}
        %dma_wait3A_210 = arith.constant 0 : i32
        %dma_wait3A_211 = tpu.memref_slice %arg16[%add3A_188, %dma_wait3A_210] : memref<92x112xi32, #tpu.memory_space<vmem>> -> memref<1x112xi32, #tpu.memory_space<vmem>>
        %dma_wait3A_212 = tpu.memref_squeeze %dma_wait3A_211 : memref<1x112xi32, #tpu.memory_space<vmem>> -> memref<112xi32, #tpu.memory_space<vmem>>
        %dma_wait3A_213 = arith.constant 0 : i32
        %dma_wait3A_214 = arith.constant 0 : i32
        %dma_wait3A_215 = tpu.memref_slice %arg27[%dma_wait3A_213, %dma_wait3A_214] : memref<10112x80xf32, #tpu.memory_space<vmem_shared>> -> memref<10112x80xf32, #tpu.memory_space<vmem_shared>>
        tpu.wait_indirect_dma semaphore(%arg24 : memref<!tpu.dma_semaphore, #tpu.memory_space<semaphore_mem>>) src(%arg18 : memref<112x80xf32, #tpu.memory_space<vmem>>) dst(%dma_wait3A_215 : memref<10112x80xf32, #tpu.memory_space<vmem_shared>>)
        %add3A_216 = arith.constant 2 : i32
        %add3A_217 = arith.addi %add3A_188, %add3A_216 : i32
        %dma_start3A_218 = arith.constant 0 : i32
        %dma_start3A_219 = tpu.memref_slice %arg15[%add3A_217, %dma_start3A_218] : memref<92x112xi32, #tpu.memory_space<vmem>> -> memref<1x112xi32, #tpu.memory_space<vmem>>
        %dma_start3A_220 = tpu.memref_squeeze %dma_start3A_219 : memref<1x112xi32, #tpu.memory_space<vmem>> -> memref<112xi32, #tpu.memory_space<vmem>>
        %dma_start3A_221 = arith.constant 0 : i32
        %dma_start3A_222 = arith.constant 0 : i32
        %dma_start3A_223 = tpu.memref_slice %arg3[%dma_start3A_221, %dma_start3A_222] : memref<10000x80xf32, #tpu.memory_space<hbm>> -> memref<10000x80xf32, #tpu.memory_space<hbm>>
        tpu.enqueue_indirect_dma source(%dma_start3A_223 : memref<10000x80xf32, #tpu.memory_space<hbm>>) target(%arg18 : memref<112x80xf32, #tpu.memory_space<vmem>>) offsets(%dma_start3A_220 : memref<112xi32, #tpu.memory_space<vmem>>) semaphore(%arg21 : memref<!tpu.dma_semaphore, #tpu.memory_space<semaphore_mem>>)
        %mul3A_224 = arith.constant 3 : i32
        %mul3A_225 = arith.muli %mul3A_224, %scan3A_146 : i32
        %add3A_226 = arith.constant 2 : i32
        %add3A_227 = arith.addi %mul3A_225, %add3A_226 : i32
        %dma_wait3A_228 = arith.constant 0 : i32
        %dma_wait3A_229 = tpu.memref_slice %arg15[%add3A_227, %dma_wait3A_228] : memref<92x112xi32, #tpu.memory_space<vmem>> -> memref<1x112xi32, #tpu.memory_space<vmem>>
        %dma_wait3A_230 = tpu.memref_squeeze %dma_wait3A_229 : memref<1x112xi32, #tpu.memory_space<vmem>> -> memref<112xi32, #tpu.memory_space<vmem>>
        %dma_wait3A_231 = arith.constant 0 : i32
        %dma_wait3A_232 = arith.constant 0 : i32
        %dma_wait3A_233 = tpu.memref_slice %arg3[%dma_wait3A_231, %dma_wait3A_232] : memref<10000x80xf32, #tpu.memory_space<hbm>> -> memref<10000x80xf32, #tpu.memory_space<hbm>>
        tpu.wait_indirect_dma semaphore(%arg23 : memref<!tpu.dma_semaphore, #tpu.memory_space<semaphore_mem>>) src(%dma_wait3A_233 : memref<10000x80xf32, #tpu.memory_space<hbm>>) dst(%arg20 : memref<112x80xf32, #tpu.memory_space<vmem>>)
        %mul3A_234 = arith.constant 90 : i32
        %mul3A_235 = arith.muli %arg1, %mul3A_234 : i32
        %add3A_236 = arith.addi %mul3A_235, %add3A_227 : i32
        %parallel_loop3A_237 = arith.constant 0 : i32
        %parallel_loop3A_238 = arith.constant 7 : i32
        %parallel_loop3A_239 = arith.constant 1 : i32
        scf.for %parallel_loop3A_264 = %parallel_loop3A_237 to %parallel_loop3A_238 step %parallel_loop3A_239  : i32 {
          %parallel_loop3A_265 = tpu.iota {dimensions = array<i32: 0>} : vector<16xi32>
          %parallel_loop3A_266 = arith.constant 16 : i32
          %parallel_loop3A_267 = arith.muli %parallel_loop3A_264, %parallel_loop3A_266 : i32
          %parallel_loop3A_268 = vector.broadcast %parallel_loop3A_267 : i32 to vector<16xi32>
          %parallel_loop3A_269 = arith.addi %parallel_loop3A_268, %parallel_loop3A_265 : vector<16xi32>
          %parallel_loop3A_270 = arith.constant 65 : i32
          %parallel_loop3A_271 = vector.broadcast %parallel_loop3A_270 : i32 to vector<16xi32>
          %parallel_loop3A_272 = tpu.vector_load_idx %arg20[%parallel_loop3A_269, %parallel_loop3A_271] : memref<112x80xf32, #tpu.memory_space<vmem>>[vector<16xi32>, vector<16xi32>], vector<16xf32>,
          %parallel_loop3A_273 = arith.constant 16 : i32
          %parallel_loop3A_274 = arith.muli %parallel_loop3A_264, %parallel_loop3A_273 : i32
          %parallel_loop3A_275 = arith.index_cast %add3A_227 : i32 to index
          %parallel_loop3A_276 = arith.index_cast %parallel_loop3A_274 : i32 to index
          %parallel_loop3A_277 = tpu.vector_load %arg16[%parallel_loop3A_275, %parallel_loop3A_276] {strides = array<i32>} : memref<92x112xi32, #tpu.memory_space<vmem>>, vector<16xi32>,
          %parallel_loop3A_278 = tpu.vector_load_idx %arg14[%parallel_loop3A_277] : memref<10000xf32, #tpu.memory_space<vmem>>[vector<16xi32>], vector<16xf32>,
          %parallel_loop3A_279 = arith.addf %parallel_loop3A_272, %parallel_loop3A_278 : vector<16xf32>
          %parallel_loop3A_280 = arith.constant 0.000000e+00 : f32
          %parallel_loop3A_281 = vector.broadcast %parallel_loop3A_280 : f32 to vector<16xf32>
          %parallel_loop3A_282 = arith.cmpf oge, %parallel_loop3A_279, %parallel_loop3A_281 : vector<16xf32>
          %parallel_loop3A_283 = arith.constant 2.000000e-01 : f32
          %parallel_loop3A_284 = vector.broadcast %parallel_loop3A_283 : f32 to vector<16xf32>
          %parallel_loop3A_285 = arith.mulf %parallel_loop3A_284, %parallel_loop3A_279 : vector<16xf32>
          %parallel_loop3A_286 = arith.select %parallel_loop3A_282, %parallel_loop3A_279, %parallel_loop3A_285 : vector<16xi1>, vector<16xf32>
          %parallel_loop3A_287 = math.exp %parallel_loop3A_286 : vector<16xf32>
          %parallel_loop3A_288 = arith.constant 112 : i32
          %parallel_loop3A_289 = arith.muli %add3A_236, %parallel_loop3A_288 : i32
          %parallel_loop3A_290 = arith.constant 16 : i32
          %parallel_loop3A_291 = arith.muli %parallel_loop3A_264, %parallel_loop3A_290 : i32
          %parallel_loop3A_292 = arith.addi %parallel_loop3A_289, %parallel_loop3A_291 : i32
          %parallel_loop3A_293 = vector.broadcast %parallel_loop3A_292 : i32 to vector<16xi32>
          %parallel_loop3A_294 = arith.addi %parallel_loop3A_293, %parallel_loop3A_265 : vector<16xi32>
          %parallel_loop3A_295 = arith.constant 160000 : i32
          %parallel_loop3A_296 = vector.broadcast %parallel_loop3A_295 : i32 to vector<16xi32>
          %parallel_loop3A_297 = arith.cmpi slt, %parallel_loop3A_294, %parallel_loop3A_296 : vector<16xi32>
          %parallel_loop3A_298 = arith.constant 0.000000e+00 : f32
          %parallel_loop3A_299 = vector.broadcast %parallel_loop3A_298 : f32 to vector<16xf32>
          %parallel_loop3A_300 = arith.select %parallel_loop3A_297, %parallel_loop3A_287, %parallel_loop3A_299 : vector<16xi1>, vector<16xf32>
          %parallel_loop3A_301 = arith.constant 16 : i32
          %parallel_loop3A_302 = arith.muli %parallel_loop3A_264, %parallel_loop3A_301 : i32
          %parallel_loop3A_303 = arith.index_cast %add3A_227 : i32 to index
          %parallel_loop3A_304 = arith.index_cast %parallel_loop3A_302 : i32 to index
          %parallel_loop3A_305 = tpu.vector_load %arg17[%parallel_loop3A_303, %parallel_loop3A_304] {strides = array<i32>} : memref<90x112xf32, #tpu.memory_space<vmem>>, vector<16xf32>,
          tpu.vector_store %arg17[%parallel_loop3A_303, %parallel_loop3A_304], %parallel_loop3A_300 {strides = array<i32>} : memref<90x112xf32, #tpu.memory_space<vmem>>, vector<16xf32>,
        } {sc.loop_unroll_factor = 2 : i64, sc.parallel_access}
        %parallel_loop3A_240 = arith.constant 0 : i32
        %parallel_loop3A_241 = arith.constant 112 : i32
        %parallel_loop3A_242 = arith.constant 1 : i32
        scf.for %parallel_loop3A_264 = %parallel_loop3A_240 to %parallel_loop3A_241 step %parallel_loop3A_242  : i32 {
          %parallel_loop3A_265 = vector.broadcast %add3A_227 : i32 to vector<16xi32>
          %parallel_loop3A_266 = vector.broadcast %parallel_loop3A_264 : i32 to vector<16xi32>
          %parallel_loop3A_267 = tpu.vector_load_idx %arg17[%parallel_loop3A_265, %parallel_loop3A_266] : memref<90x112xf32, #tpu.memory_space<vmem>>[vector<16xi32>, vector<16xi32>], vector<16xf32>,
          %parallel_loop3A_268 = arith.index_cast %parallel_loop3A_264 : i32 to index
          %parallel_loop3A_269 = arith.constant 0 : index
          %parallel_loop3A_270 = tpu.vector_load %arg20[%parallel_loop3A_268, %parallel_loop3A_269] {strides = array<i32>} : memref<112x80xf32, #tpu.memory_space<vmem>>, vector<16xf32>,
          %parallel_loop3A_271 = arith.mulf %parallel_loop3A_270, %parallel_loop3A_267 : vector<16xf32>
          %parallel_loop3A_272 = arith.index_cast %parallel_loop3A_264 : i32 to index
          %parallel_loop3A_273 = arith.constant 0 : index
          %parallel_loop3A_274 = tpu.vector_load %arg20[%parallel_loop3A_272, %parallel_loop3A_273] {strides = array<i32>} : memref<112x80xf32, #tpu.memory_space<vmem>>, vector<16xf32>,
          tpu.vector_store %arg20[%parallel_loop3A_272, %parallel_loop3A_273], %parallel_loop3A_271 {strides = array<i32>} : memref<112x80xf32, #tpu.memory_space<vmem>>, vector<16xf32>,
          %parallel_loop3A_275 = arith.index_cast %parallel_loop3A_264 : i32 to index
          %parallel_loop3A_276 = arith.constant 16 : index
          %parallel_loop3A_277 = tpu.vector_load %arg20[%parallel_loop3A_275, %parallel_loop3A_276] {strides = array<i32>} : memref<112x80xf32, #tpu.memory_space<vmem>>, vector<16xf32>,
          %parallel_loop3A_278 = arith.mulf %parallel_loop3A_277, %parallel_loop3A_267 : vector<16xf32>
          %parallel_loop3A_279 = arith.index_cast %parallel_loop3A_264 : i32 to index
          %parallel_loop3A_280 = arith.constant 16 : index
          %parallel_loop3A_281 = tpu.vector_load %arg20[%parallel_loop3A_279, %parallel_loop3A_280] {strides = array<i32>} : memref<112x80xf32, #tpu.memory_space<vmem>>, vector<16xf32>,
          tpu.vector_store %arg20[%parallel_loop3A_279, %parallel_loop3A_280], %parallel_loop3A_278 {strides = array<i32>} : memref<112x80xf32, #tpu.memory_space<vmem>>, vector<16xf32>,
          %parallel_loop3A_282 = arith.index_cast %parallel_loop3A_264 : i32 to index
          %parallel_loop3A_283 = arith.constant 32 : index
          %parallel_loop3A_284 = tpu.vector_load %arg20[%parallel_loop3A_282, %parallel_loop3A_283] {strides = array<i32>} : memref<112x80xf32, #tpu.memory_space<vmem>>, vector<16xf32>,
          %parallel_loop3A_285 = arith.mulf %parallel_loop3A_284, %parallel_loop3A_267 : vector<16xf32>
          %parallel_loop3A_286 = arith.index_cast %parallel_loop3A_264 : i32 to index
          %parallel_loop3A_287 = arith.constant 32 : index
          %parallel_loop3A_288 = tpu.vector_load %arg20[%parallel_loop3A_286, %parallel_loop3A_287] {strides = array<i32>} : memref<112x80xf32, #tpu.memory_space<vmem>>, vector<16xf32>,
          tpu.vector_store %arg20[%parallel_loop3A_286, %parallel_loop3A_287], %parallel_loop3A_285 {strides = array<i32>} : memref<112x80xf32, #tpu.memory_space<vmem>>, vector<16xf32>,
          %parallel_loop3A_289 = arith.index_cast %parallel_loop3A_264 : i32 to index
          %parallel_loop3A_290 = arith.constant 48 : index
          %parallel_loop3A_291 = tpu.vector_load %arg20[%parallel_loop3A_289, %parallel_loop3A_290] {strides = array<i32>} : memref<112x80xf32, #tpu.memory_space<vmem>>, vector<16xf32>,
          %parallel_loop3A_292 = arith.mulf %parallel_loop3A_291, %parallel_loop3A_267 : vector<16xf32>
          %parallel_loop3A_293 = arith.index_cast %parallel_loop3A_264 : i32 to index
          %parallel_loop3A_294 = arith.constant 48 : index
          %parallel_loop3A_295 = tpu.vector_load %arg20[%parallel_loop3A_293, %parallel_loop3A_294] {strides = array<i32>} : memref<112x80xf32, #tpu.memory_space<vmem>>, vector<16xf32>,
          tpu.vector_store %arg20[%parallel_loop3A_293, %parallel_loop3A_294], %parallel_loop3A_292 {strides = array<i32>} : memref<112x80xf32, #tpu.memory_space<vmem>>, vector<16xf32>,
          %parallel_loop3A_296 = arith.index_cast %parallel_loop3A_264 : i32 to index
          %parallel_loop3A_297 = arith.constant 64 : index
          %parallel_loop3A_298 = tpu.vector_load %arg20[%parallel_loop3A_296, %parallel_loop3A_297] {strides = array<i32>} : memref<112x80xf32, #tpu.memory_space<vmem>>, vector<16xf32>,
          %parallel_loop3A_299 = arith.mulf %parallel_loop3A_298, %parallel_loop3A_267 : vector<16xf32>
          %parallel_loop3A_300 = arith.index_cast %parallel_loop3A_264 : i32 to index
          %parallel_loop3A_301 = arith.constant 64 : index
          %parallel_loop3A_302 = tpu.vector_load %arg20[%parallel_loop3A_300, %parallel_loop3A_301] {strides = array<i32>} : memref<112x80xf32, #tpu.memory_space<vmem>>, vector<16xf32>,
          tpu.vector_store %arg20[%parallel_loop3A_300, %parallel_loop3A_301], %parallel_loop3A_299 {strides = array<i32>} : memref<112x80xf32, #tpu.memory_space<vmem>>, vector<16xf32>,
        } {sc.loop_unroll_factor = 4 : i64, sc.parallel_access}
        %dma_start3A_243 = arith.constant 0 : i32
        %dma_start3A_244 = tpu.memref_slice %arg16[%add3A_227, %dma_start3A_243] : memref<92x112xi32, #tpu.memory_space<vmem>> -> memref<1x112xi32, #tpu.memory_space<vmem>>
        %dma_start3A_245 = tpu.memref_squeeze %dma_start3A_244 : memref<1x112xi32, #tpu.memory_space<vmem>> -> memref<112xi32, #tpu.memory_space<vmem>>
        %dma_start3A_246 = arith.constant 0 : i32
        %dma_start3A_247 = arith.constant 0 : i32
        %dma_start3A_248 = tpu.memref_slice %arg27[%dma_start3A_246, %dma_start3A_247] : memref<10112x80xf32, #tpu.memory_space<vmem_shared>> -> memref<10112x80xf32, #tpu.memory_space<vmem_shared>>
        tpu.enqueue_indirect_dma source(%arg20 : memref<112x80xf32, #tpu.memory_space<vmem>>) target(%dma_start3A_248 : memref<10112x80xf32, #tpu.memory_space<vmem_shared>>) offsets(%dma_start3A_245 : memref<112xi32, #tpu.memory_space<vmem>>) semaphore(%arg26 : memref<!tpu.dma_semaphore, #tpu.memory_space<semaphore_mem>>) {add = true}
        %dma_wait3A_249 = arith.constant 0 : i32
        %dma_wait3A_250 = tpu.memref_slice %arg16[%add3A_227, %dma_wait3A_249] : memref<92x112xi32, #tpu.memory_space<vmem>> -> memref<1x112xi32, #tpu.memory_space<vmem>>
        %dma_wait3A_251 = tpu.memref_squeeze %dma_wait3A_250 : memref<1x112xi32, #tpu.memory_space<vmem>> -> memref<112xi32, #tpu.memory_space<vmem>>
        %dma_wait3A_252 = arith.constant 0 : i32
        %dma_wait3A_253 = arith.constant 0 : i32
        %dma_wait3A_254 = tpu.memref_slice %arg27[%dma_wait3A_252, %dma_wait3A_253] : memref<10112x80xf32, #tpu.memory_space<vmem_shared>> -> memref<10112x80xf32, #tpu.memory_space<vmem_shared>>
        tpu.wait_indirect_dma semaphore(%arg25 : memref<!tpu.dma_semaphore, #tpu.memory_space<semaphore_mem>>) src(%arg19 : memref<112x80xf32, #tpu.memory_space<vmem>>) dst(%dma_wait3A_254 : memref<10112x80xf32, #tpu.memory_space<vmem_shared>>)
        %add3A_255 = arith.constant 2 : i32
        %add3A_256 = arith.addi %add3A_227, %add3A_255 : i32
        %dma_start3A_257 = arith.constant 0 : i32
        %dma_start3A_258 = tpu.memref_slice %arg15[%add3A_256, %dma_start3A_257] : memref<92x112xi32, #tpu.memory_space<vmem>> -> memref<1x112xi32, #tpu.memory_space<vmem>>
        %dma_start3A_259 = tpu.memref_squeeze %dma_start3A_258 : memref<1x112xi32, #tpu.memory_space<vmem>> -> memref<112xi32, #tpu.memory_space<vmem>>
        %dma_start3A_260 = arith.constant 0 : i32
        %dma_start3A_261 = arith.constant 0 : i32
        %dma_start3A_262 = tpu.memref_slice %arg3[%dma_start3A_260, %dma_start3A_261] : memref<10000x80xf32, #tpu.memory_space<hbm>> -> memref<10000x80xf32, #tpu.memory_space<hbm>>
        tpu.enqueue_indirect_dma source(%dma_start3A_262 : memref<10000x80xf32, #tpu.memory_space<hbm>>) target(%arg19 : memref<112x80xf32, #tpu.memory_space<vmem>>) offsets(%dma_start3A_259 : memref<112xi32, #tpu.memory_space<vmem>>) semaphore(%arg22 : memref<!tpu.dma_semaphore, #tpu.memory_space<semaphore_mem>>)
        %scan3A_263 = arith.constant 0 : i32
        scf.yield %scan3A_263 : i32
      }
      %scan3A_58 = arith.constant 30 : i32
      %dma_wait3A_59 = arith.constant 0 : i32
      %dma_wait3A_60 = arith.constant 0 : i32
      %dma_wait3A_61 = tpu.memref_slice %arg15[%dma_wait3A_59, %dma_wait3A_60] : memref<92x112xi32, #tpu.memory_space<vmem>> -> memref<1x112xi32, #tpu.memory_space<vmem>>
      %dma_wait3A_62 = tpu.memref_squeeze %dma_wait3A_61 : memref<1x112xi32, #tpu.memory_space<vmem>> -> memref<112xi32, #tpu.memory_space<vmem>>
      %dma_wait3A_63 = arith.constant 0 : i32
      %dma_wait3A_64 = arith.constant 0 : i32
      %dma_wait3A_65 = tpu.memref_slice %arg3[%dma_wait3A_63, %dma_wait3A_64] : memref<10000x80xf32, #tpu.memory_space<hbm>> -> memref<10000x80xf32, #tpu.memory_space<hbm>>
      tpu.wait_indirect_dma semaphore(%arg21 : memref<!tpu.dma_semaphore, #tpu.memory_space<semaphore_mem>>) src(%dma_wait3A_65 : memref<10000x80xf32, #tpu.memory_space<hbm>>) dst(%arg18 : memref<112x80xf32, #tpu.memory_space<vmem>>)
      %dma_wait3A_66 = arith.constant 0 : i32
      %dma_wait3A_67 = arith.constant 0 : i32
      %dma_wait3A_68 = tpu.memref_slice %arg15[%dma_wait3A_66, %dma_wait3A_67] : memref<92x112xi32, #tpu.memory_space<vmem>> -> memref<1x112xi32, #tpu.memory_space<vmem>>
      %dma_wait3A_69 = tpu.memref_squeeze %dma_wait3A_68 : memref<1x112xi32, #tpu.memory_space<vmem>> -> memref<112xi32, #tpu.memory_space<vmem>>
      %dma_wait3A_70 = arith.constant 0 : i32
      %dma_wait3A_71 = arith.constant 0 : i32
      %dma_wait3A_72 = tpu.memref_slice %arg3[%dma_wait3A_70, %dma_wait3A_71] : memref<10000x80xf32, #tpu.memory_space<hbm>> -> memref<10000x80xf32, #tpu.memory_space<hbm>>
      tpu.wait_indirect_dma semaphore(%arg22 : memref<!tpu.dma_semaphore, #tpu.memory_space<semaphore_mem>>) src(%dma_wait3A_72 : memref<10000x80xf32, #tpu.memory_space<hbm>>) dst(%arg19 : memref<112x80xf32, #tpu.memory_space<vmem>>)
      %dma_wait3A_73 = arith.constant 0 : i32
      %dma_wait3A_74 = arith.constant 0 : i32
      %dma_wait3A_75 = tpu.memref_slice %arg16[%dma_wait3A_73, %dma_wait3A_74] : memref<92x112xi32, #tpu.memory_space<vmem>> -> memref<1x112xi32, #tpu.memory_space<vmem>>
      %dma_wait3A_76 = tpu.memref_squeeze %dma_wait3A_75 : memref<1x112xi32, #tpu.memory_space<vmem>> -> memref<112xi32, #tpu.memory_space<vmem>>
      %dma_wait3A_77 = arith.constant 0 : i32
      %dma_wait3A_78 = arith.constant 0 : i32
      %dma_wait3A_79 = tpu.memref_slice %arg27[%dma_wait3A_77, %dma_wait3A_78] : memref<10112x80xf32, #tpu.memory_space<vmem_shared>> -> memref<10112x80xf32, #tpu.memory_space<vmem_shared>>
      tpu.wait_indirect_dma semaphore(%arg26 : memref<!tpu.dma_semaphore, #tpu.memory_space<semaphore_mem>>) src(%arg20 : memref<112x80xf32, #tpu.memory_space<vmem>>) dst(%dma_wait3A_79 : memref<10112x80xf32, #tpu.memory_space<vmem_shared>>)
      %dma_start3A_80 = arith.constant 0 : i32
      %dma_start3A_81 = arith.constant 0 : i32
      %dma_start3A_82 = tpu.memref_slice %arg15[%dma_start3A_80, %dma_start3A_81] : memref<92x112xi32, #tpu.memory_space<vmem>> -> memref<1x112xi32, #tpu.memory_space<vmem>>
      %dma_start3A_83 = tpu.memref_squeeze %dma_start3A_82 : memref<1x112xi32, #tpu.memory_space<vmem>> -> memref<112xi32, #tpu.memory_space<vmem>>
      %dma_start3A_84 = arith.constant 0 : i32
      %dma_start3A_85 = arith.constant 0 : i32
      %dma_start3A_86 = tpu.memref_slice %arg2[%dma_start3A_84, %dma_start3A_85] : memref<10000x80xf32, #tpu.memory_space<hbm>> -> memref<10000x80xf32, #tpu.memory_space<hbm>>
      tpu.enqueue_indirect_dma source(%dma_start3A_86 : memref<10000x80xf32, #tpu.memory_space<hbm>>) target(%arg18 : memref<112x80xf32, #tpu.memory_space<vmem>>) offsets(%dma_start3A_83 : memref<112xi32, #tpu.memory_space<vmem>>) semaphore(%arg21 : memref<!tpu.dma_semaphore, #tpu.memory_space<semaphore_mem>>)
      %dma_start3A_87 = arith.constant 1 : i32
      %dma_start3A_88 = arith.constant 0 : i32
      %dma_start3A_89 = tpu.memref_slice %arg15[%dma_start3A_87, %dma_start3A_88] : memref<92x112xi32, #tpu.memory_space<vmem>> -> memref<1x112xi32, #tpu.memory_space<vmem>>
      %dma_start3A_90 = tpu.memref_squeeze %dma_start3A_89 : memref<1x112xi32, #tpu.memory_space<vmem>> -> memref<112xi32, #tpu.memory_space<vmem>>
      %dma_start3A_91 = arith.constant 0 : i32
      %dma_start3A_92 = arith.constant 0 : i32
      %dma_start3A_93 = tpu.memref_slice %arg2[%dma_start3A_91, %dma_start3A_92] : memref<10000x80xf32, #tpu.memory_space<hbm>> -> memref<10000x80xf32, #tpu.memory_space<hbm>>
      tpu.enqueue_indirect_dma source(%dma_start3A_93 : memref<10000x80xf32, #tpu.memory_space<hbm>>) target(%arg19 : memref<112x80xf32, #tpu.memory_space<vmem>>) offsets(%dma_start3A_90 : memref<112xi32, #tpu.memory_space<vmem>>) semaphore(%arg22 : memref<!tpu.dma_semaphore, #tpu.memory_space<semaphore_mem>>)
      "tpu.region"() ({
        %run_scoped3A_146 = tpu.sem_alloc : memref<!tpu.dma_semaphore, #tpu.memory_space<semaphore_mem>>
        %dma_start3A_147 = arith.constant 0 : i32
        %dma_start3A_148 = arith.constant 0 : i32
        %dma_start3A_149 = tpu.memref_slice %arg12[%dma_start3A_147, %dma_start3A_148] : memref<632x80xf32, #tpu.memory_space<hbm>> -> memref<112x80xf32, #tpu.memory_space<hbm>>
        %dma_start3A_150 = arith.constant 0 : i32
        %dma_start3A_151 = arith.constant 0 : i32
        %dma_start3A_152 = tpu.memref_slice %arg12[%dma_start3A_150, %dma_start3A_151] : memref<632x80xf32, #tpu.memory_space<hbm>> -> memref<112x80xf32, #tpu.memory_space<hbm>>
        tpu.enqueue_dma source(%dma_start3A_152 : memref<112x80xf32, #tpu.memory_space<hbm>>) target(%arg20 : memref<112x80xf32, #tpu.memory_space<vmem>>) target_semaphore(%run_scoped3A_146 : memref<!tpu.dma_semaphore, #tpu.memory_space<semaphore_mem>>)
        %dma_wait3A_153 = arith.constant 0 : i32
        %dma_wait3A_154 = arith.constant 0 : i32
        %dma_wait3A_155 = tpu.memref_slice %arg12[%dma_wait3A_153, %dma_wait3A_154] : memref<632x80xf32, #tpu.memory_space<hbm>> -> memref<112x80xf32, #tpu.memory_space<hbm>>
        %dma_wait3A_156 = arith.constant 0 : i32
        %dma_wait3A_157 = arith.constant 0 : i32
        %dma_wait3A_158 = tpu.memref_slice %arg12[%dma_wait3A_156, %dma_wait3A_157] : memref<632x80xf32, #tpu.memory_space<hbm>> -> memref<112x80xf32, #tpu.memory_space<hbm>>
        tpu.wait_dma2 semaphore(%run_scoped3A_146 : memref<!tpu.dma_semaphore, #tpu.memory_space<semaphore_mem>>) src(%dma_wait3A_158 : memref<112x80xf32, #tpu.memory_space<hbm>>) dst(%arg20 : memref<112x80xf32, #tpu.memory_space<vmem>>)
        tpu.yield
      }) : () -> ()
      %dma_start3A_94 = arith.constant 90 : i32
      %dma_start3A_95 = arith.constant 0 : i32
      %dma_start3A_96 = tpu.memref_slice %arg16[%dma_start3A_94, %dma_start3A_95] : memref<92x112xi32, #tpu.memory_space<vmem>> -> memref<1x112xi32, #tpu.memory_space<vmem>>
      %dma_start3A_97 = tpu.memref_squeeze %dma_start3A_96 : memref<1x112xi32, #tpu.memory_space<vmem>> -> memref<112xi32, #tpu.memory_space<vmem>>
      %dma_start3A_98 = arith.constant 0 : i32
      %dma_start3A_99 = arith.constant 0 : i32
      %dma_start3A_100 = tpu.memref_slice %arg27[%dma_start3A_98, %dma_start3A_99] : memref<10112x80xf32, #tpu.memory_space<vmem_shared>> -> memref<10112x80xf32, #tpu.memory_space<vmem_shared>>
      tpu.enqueue_indirect_dma source(%arg20 : memref<112x80xf32, #tpu.memory_space<vmem>>) target(%dma_start3A_100 : memref<10112x80xf32, #tpu.memory_space<vmem_shared>>) offsets(%dma_start3A_97 : memref<112xi32, #tpu.memory_space<vmem>>) semaphore(%arg26 : memref<!tpu.dma_semaphore, #tpu.memory_space<semaphore_mem>>) {add = true}
      %barrier3A_101 = arith.constant 0 : index
      tpu.barrier barrier_id(%barrier3A_101)
      %mul3A_102 = arith.constant 632 : i32
      %mul3A_103 = arith.muli %arg1, %mul3A_102 : i32
      %run_scoped3A = arith.constant 0 : i32
      %run_scoped3A_104 = arith.constant 1 : i32
      "tpu.region"() ({
        %run_scoped3A_146 = tpu.sem_alloc : memref<!tpu.dma_semaphore, #tpu.memory_space<semaphore_mem>>
        %dma_start3A_147 = arith.constant 0 : i32
        %dma_start3A_148 = tpu.memref_slice %arg13[%run_scoped3A, %run_scoped3A_104, %mul3A_52, %dma_start3A_147] : memref<2x2x10112x80xf32, #tpu.memory_space<hbm>> -> memref<1x1x632x80xf32, #tpu.memory_space<hbm>>
        %dma_start3A_149 = tpu.memref_squeeze %dma_start3A_148 : memref<1x1x632x80xf32, #tpu.memory_space<hbm>> -> memref<632x80xf32, #tpu.memory_space<hbm>>
        %dma_start3A_150 = arith.constant 0 : i32
        %dma_start3A_151 = tpu.memref_slice %arg27[%mul3A_103, %dma_start3A_150] : memref<10112x80xf32, #tpu.memory_space<vmem_shared>> -> memref<632x80xf32, #tpu.memory_space<vmem_shared>>
        tpu.enqueue_dma source(%dma_start3A_151 : memref<632x80xf32, #tpu.memory_space<vmem_shared>>) target(%dma_start3A_149 : memref<632x80xf32, #tpu.memory_space<hbm>>) target_semaphore(%run_scoped3A_146 : memref<!tpu.dma_semaphore, #tpu.memory_space<semaphore_mem>>)
        %dma_wait3A_152 = arith.constant 0 : i32
        %dma_wait3A_153 = tpu.memref_slice %arg13[%run_scoped3A, %run_scoped3A_104, %mul3A_52, %dma_wait3A_152] : memref<2x2x10112x80xf32, #tpu.memory_space<hbm>> -> memref<1x1x632x80xf32, #tpu.memory_space<hbm>>
        %dma_wait3A_154 = tpu.memref_squeeze %dma_wait3A_153 : memref<1x1x632x80xf32, #tpu.memory_space<hbm>> -> memref<632x80xf32, #tpu.memory_space<hbm>>
        %dma_wait3A_155 = arith.constant 0 : i32
        %dma_wait3A_156 = tpu.memref_slice %arg27[%mul3A_103, %dma_wait3A_155] : memref<10112x80xf32, #tpu.memory_space<vmem_shared>> -> memref<632x80xf32, #tpu.memory_space<vmem_shared>>
        tpu.wait_dma2 semaphore(%run_scoped3A_146 : memref<!tpu.dma_semaphore, #tpu.memory_space<semaphore_mem>>) src(%dma_wait3A_156 : memref<632x80xf32, #tpu.memory_space<vmem_shared>>) dst(%dma_wait3A_154 : memref<632x80xf32, #tpu.memory_space<hbm>>)
        tpu.yield
      }) : () -> ()
      %mul3A_105 = arith.constant 632 : i32
      %mul3A_106 = arith.muli %arg1, %mul3A_105 : i32
      "tpu.region"() ({
        %run_scoped3A_146 = tpu.sem_alloc : memref<!tpu.dma_semaphore, #tpu.memory_space<semaphore_mem>>
        %dma_start3A_147 = arith.constant 0 : i32
        %dma_start3A_148 = tpu.memref_slice %arg27[%mul3A_106, %dma_start3A_147] : memref<10112x80xf32, #tpu.memory_space<vmem_shared>> -> memref<632x80xf32, #tpu.memory_space<vmem_shared>>
        tpu.enqueue_dma source(%arg12 : memref<632x80xf32, #tpu.memory_space<hbm>>) target(%dma_start3A_148 : memref<632x80xf32, #tpu.memory_space<vmem_shared>>) target_semaphore(%run_scoped3A_146 : memref<!tpu.dma_semaphore, #tpu.memory_space<semaphore_mem>>)
        %dma_wait3A_149 = arith.constant 0 : i32
        %dma_wait3A_150 = tpu.memref_slice %arg27[%mul3A_106, %dma_wait3A_149] : memref<10112x80xf32, #tpu.memory_space<vmem_shared>> -> memref<632x80xf32, #tpu.memory_space<vmem_shared>>
        tpu.wait_dma2 semaphore(%run_scoped3A_146 : memref<!tpu.dma_semaphore, #tpu.memory_space<semaphore_mem>>) src(%arg12 : memref<632x80xf32, #tpu.memory_space<hbm>>) dst(%dma_wait3A_150 : memref<632x80xf32, #tpu.memory_space<vmem_shared>>)
        tpu.yield
      }) : () -> ()
      %barrier3A_107 = arith.constant 0 : index
      tpu.barrier barrier_id(%barrier3A_107)
      %mul3A_108 = arith.constant 632 : i32
      %mul3A_109 = arith.muli %arg1, %mul3A_108 : i32
      %scan3A_110 = arith.constant 0 : i32
      %scan3A_111 = arith.constant 0 : i32
      %scan3A_112 = arith.constant 30 : i32
      %scan3A_113 = arith.addi %scan3A_111, %scan3A_112 : i32
      %scan3A_114 = arith.constant 1 : i32
      %scan3A_115 = scf.for %scan3A_146 = %scan3A_111 to %scan3A_113 step %scan3A_114 iter_args(%scan3A_147 = %scan3A_110) -> (i32)  : i32 {
        %mul3A_148 = arith.constant 3 : i32
        %mul3A_149 = arith.muli %mul3A_148, %scan3A_146 : i32
        %add3A = arith.constant 0 : i32
        %add3A_150 = arith.addi %mul3A_149, %add3A : i32
        %dma_wait3A_151 = arith.constant 0 : i32
        %dma_wait3A_152 = tpu.memref_slice %arg15[%add3A_150, %dma_wait3A_151] : memref<92x112xi32, #tpu.memory_space<vmem>> -> memref<1x112xi32, #tpu.memory_space<vmem>>
        %dma_wait3A_153 = tpu.memref_squeeze %dma_wait3A_152 : memref<1x112xi32, #tpu.memory_space<vmem>> -> memref<112xi32, #tpu.memory_space<vmem>>
        %dma_wait3A_154 = arith.constant 0 : i32
        %dma_wait3A_155 = arith.constant 0 : i32
        %dma_wait3A_156 = tpu.memref_slice %arg2[%dma_wait3A_154, %dma_wait3A_155] : memref<10000x80xf32, #tpu.memory_space<hbm>> -> memref<10000x80xf32, #tpu.memory_space<hbm>>
        tpu.wait_indirect_dma semaphore(%arg21 : memref<!tpu.dma_semaphore, #tpu.memory_space<semaphore_mem>>) src(%dma_wait3A_156 : memref<10000x80xf32, #tpu.memory_space<hbm>>) dst(%arg18 : memref<112x80xf32, #tpu.memory_space<vmem>>)
        %parallel_loop3A = arith.constant 0 : i32
        %parallel_loop3A_157 = arith.constant 112 : i32
        %parallel_loop3A_158 = arith.constant 1 : i32
        scf.for %parallel_loop3A_246 = %parallel_loop3A to %parallel_loop3A_157 step %parallel_loop3A_158  : i32 {
          %parallel_loop3A_247 = vector.broadcast %add3A_150 : i32 to vector<16xi32>
          %parallel_loop3A_248 = vector.broadcast %parallel_loop3A_246 : i32 to vector<16xi32>
          %parallel_loop3A_249 = tpu.vector_load_idx %arg17[%parallel_loop3A_247, %parallel_loop3A_248] : memref<90x112xf32, #tpu.memory_space<vmem>>[vector<16xi32>, vector<16xi32>], vector<16xf32>,
          %parallel_loop3A_250 = arith.index_cast %parallel_loop3A_246 : i32 to index
          %parallel_loop3A_251 = arith.constant 0 : index
          %parallel_loop3A_252 = tpu.vector_load %arg18[%parallel_loop3A_250, %parallel_loop3A_251] {strides = array<i32>} : memref<112x80xf32, #tpu.memory_space<vmem>>, vector<16xf32>,
          %parallel_loop3A_253 = arith.mulf %parallel_loop3A_252, %parallel_loop3A_249 : vector<16xf32>
          %parallel_loop3A_254 = arith.index_cast %parallel_loop3A_246 : i32 to index
          %parallel_loop3A_255 = arith.constant 0 : index
          %parallel_loop3A_256 = tpu.vector_load %arg18[%parallel_loop3A_254, %parallel_loop3A_255] {strides = array<i32>} : memref<112x80xf32, #tpu.memory_space<vmem>>, vector<16xf32>,
          tpu.vector_store %arg18[%parallel_loop3A_254, %parallel_loop3A_255], %parallel_loop3A_253 {strides = array<i32>} : memref<112x80xf32, #tpu.memory_space<vmem>>, vector<16xf32>,
          %parallel_loop3A_257 = arith.index_cast %parallel_loop3A_246 : i32 to index
          %parallel_loop3A_258 = arith.constant 16 : index
          %parallel_loop3A_259 = tpu.vector_load %arg18[%parallel_loop3A_257, %parallel_loop3A_258] {strides = array<i32>} : memref<112x80xf32, #tpu.memory_space<vmem>>, vector<16xf32>,
          %parallel_loop3A_260 = arith.mulf %parallel_loop3A_259, %parallel_loop3A_249 : vector<16xf32>
          %parallel_loop3A_261 = arith.index_cast %parallel_loop3A_246 : i32 to index
          %parallel_loop3A_262 = arith.constant 16 : index
          %parallel_loop3A_263 = tpu.vector_load %arg18[%parallel_loop3A_261, %parallel_loop3A_262] {strides = array<i32>} : memref<112x80xf32, #tpu.memory_space<vmem>>, vector<16xf32>,
          tpu.vector_store %arg18[%parallel_loop3A_261, %parallel_loop3A_262], %parallel_loop3A_260 {strides = array<i32>} : memref<112x80xf32, #tpu.memory_space<vmem>>, vector<16xf32>,
          %parallel_loop3A_264 = arith.index_cast %parallel_loop3A_246 : i32 to index
          %parallel_loop3A_265 = arith.constant 32 : index
          %parallel_loop3A_266 = tpu.vector_load %arg18[%parallel_loop3A_264, %parallel_loop3A_265] {strides = array<i32>} : memref<112x80xf32, #tpu.memory_space<vmem>>, vector<16xf32>,
          %parallel_loop3A_267 = arith.mulf %parallel_loop3A_266, %parallel_loop3A_249 : vector<16xf32>
          %parallel_loop3A_268 = arith.index_cast %parallel_loop3A_246 : i32 to index
          %parallel_loop3A_269 = arith.constant 32 : index
          %parallel_loop3A_270 = tpu.vector_load %arg18[%parallel_loop3A_268, %parallel_loop3A_269] {strides = array<i32>} : memref<112x80xf32, #tpu.memory_space<vmem>>, vector<16xf32>,
          tpu.vector_store %arg18[%parallel_loop3A_268, %parallel_loop3A_269], %parallel_loop3A_267 {strides = array<i32>} : memref<112x80xf32, #tpu.memory_space<vmem>>, vector<16xf32>,
          %parallel_loop3A_271 = arith.index_cast %parallel_loop3A_246 : i32 to index
          %parallel_loop3A_272 = arith.constant 48 : index
          %parallel_loop3A_273 = tpu.vector_load %arg18[%parallel_loop3A_271, %parallel_loop3A_272] {strides = array<i32>} : memref<112x80xf32, #tpu.memory_space<vmem>>, vector<16xf32>,
          %parallel_loop3A_274 = arith.mulf %parallel_loop3A_273, %parallel_loop3A_249 : vector<16xf32>
          %parallel_loop3A_275 = arith.index_cast %parallel_loop3A_246 : i32 to index
          %parallel_loop3A_276 = arith.constant 48 : index
          %parallel_loop3A_277 = tpu.vector_load %arg18[%parallel_loop3A_275, %parallel_loop3A_276] {strides = array<i32>} : memref<112x80xf32, #tpu.memory_space<vmem>>, vector<16xf32>,
          tpu.vector_store %arg18[%parallel_loop3A_275, %parallel_loop3A_276], %parallel_loop3A_274 {strides = array<i32>} : memref<112x80xf32, #tpu.memory_space<vmem>>, vector<16xf32>,
          %parallel_loop3A_278 = arith.index_cast %parallel_loop3A_246 : i32 to index
          %parallel_loop3A_279 = arith.constant 64 : index
          %parallel_loop3A_280 = tpu.vector_load %arg18[%parallel_loop3A_278, %parallel_loop3A_279] {strides = array<i32>} : memref<112x80xf32, #tpu.memory_space<vmem>>, vector<16xf32>,
          %parallel_loop3A_281 = arith.mulf %parallel_loop3A_280, %parallel_loop3A_249 : vector<16xf32>
          %parallel_loop3A_282 = arith.index_cast %parallel_loop3A_246 : i32 to index
          %parallel_loop3A_283 = arith.constant 64 : index
          %parallel_loop3A_284 = tpu.vector_load %arg18[%parallel_loop3A_282, %parallel_loop3A_283] {strides = array<i32>} : memref<112x80xf32, #tpu.memory_space<vmem>>, vector<16xf32>,
          tpu.vector_store %arg18[%parallel_loop3A_282, %parallel_loop3A_283], %parallel_loop3A_281 {strides = array<i32>} : memref<112x80xf32, #tpu.memory_space<vmem>>, vector<16xf32>,
        } {sc.loop_unroll_factor = 4 : i64, sc.parallel_access}
        %dma_start3A_159 = arith.constant 0 : i32
        %dma_start3A_160 = tpu.memref_slice %arg16[%add3A_150, %dma_start3A_159] : memref<92x112xi32, #tpu.memory_space<vmem>> -> memref<1x112xi32, #tpu.memory_space<vmem>>
        %dma_start3A_161 = tpu.memref_squeeze %dma_start3A_160 : memref<1x112xi32, #tpu.memory_space<vmem>> -> memref<112xi32, #tpu.memory_space<vmem>>
        %dma_start3A_162 = arith.constant 0 : i32
        %dma_start3A_163 = arith.constant 0 : i32
        %dma_start3A_164 = tpu.memref_slice %arg27[%dma_start3A_162, %dma_start3A_163] : memref<10112x80xf32, #tpu.memory_space<vmem_shared>> -> memref<10112x80xf32, #tpu.memory_space<vmem_shared>>
        tpu.enqueue_indirect_dma source(%arg18 : memref<112x80xf32, #tpu.memory_space<vmem>>) target(%dma_start3A_164 : memref<10112x80xf32, #tpu.memory_space<vmem_shared>>) offsets(%dma_start3A_161 : memref<112xi32, #tpu.memory_space<vmem>>) semaphore(%arg24 : memref<!tpu.dma_semaphore, #tpu.memory_space<semaphore_mem>>) {add = true}
        %dma_wait3A_165 = arith.constant 0 : i32
        %dma_wait3A_166 = tpu.memref_slice %arg16[%add3A_150, %dma_wait3A_165] : memref<92x112xi32, #tpu.memory_space<vmem>> -> memref<1x112xi32, #tpu.memory_space<vmem>>
        %dma_wait3A_167 = tpu.memref_squeeze %dma_wait3A_166 : memref<1x112xi32, #tpu.memory_space<vmem>> -> memref<112xi32, #tpu.memory_space<vmem>>
        %dma_wait3A_168 = arith.constant 0 : i32
        %dma_wait3A_169 = arith.constant 0 : i32
        %dma_wait3A_170 = tpu.memref_slice %arg27[%dma_wait3A_168, %dma_wait3A_169] : memref<10112x80xf32, #tpu.memory_space<vmem_shared>> -> memref<10112x80xf32, #tpu.memory_space<vmem_shared>>
        tpu.wait_indirect_dma semaphore(%arg26 : memref<!tpu.dma_semaphore, #tpu.memory_space<semaphore_mem>>) src(%arg20 : memref<112x80xf32, #tpu.memory_space<vmem>>) dst(%dma_wait3A_170 : memref<10112x80xf32, #tpu.memory_space<vmem_shared>>)
        %add3A_171 = arith.constant 2 : i32
        %add3A_172 = arith.addi %add3A_150, %add3A_171 : i32
        %dma_start3A_173 = arith.constant 0 : i32
        %dma_start3A_174 = tpu.memref_slice %arg15[%add3A_172, %dma_start3A_173] : memref<92x112xi32, #tpu.memory_space<vmem>> -> memref<1x112xi32, #tpu.memory_space<vmem>>
        %dma_start3A_175 = tpu.memref_squeeze %dma_start3A_174 : memref<1x112xi32, #tpu.memory_space<vmem>> -> memref<112xi32, #tpu.memory_space<vmem>>
        %dma_start3A_176 = arith.constant 0 : i32
        %dma_start3A_177 = arith.constant 0 : i32
        %dma_start3A_178 = tpu.memref_slice %arg2[%dma_start3A_176, %dma_start3A_177] : memref<10000x80xf32, #tpu.memory_space<hbm>> -> memref<10000x80xf32, #tpu.memory_space<hbm>>
        tpu.enqueue_indirect_dma source(%dma_start3A_178 : memref<10000x80xf32, #tpu.memory_space<hbm>>) target(%arg20 : memref<112x80xf32, #tpu.memory_space<vmem>>) offsets(%dma_start3A_175 : memref<112xi32, #tpu.memory_space<vmem>>) semaphore(%arg23 : memref<!tpu.dma_semaphore, #tpu.memory_space<semaphore_mem>>)
        %mul3A_179 = arith.constant 3 : i32
        %mul3A_180 = arith.muli %mul3A_179, %scan3A_146 : i32
        %add3A_181 = arith.constant 1 : i32
        %add3A_182 = arith.addi %mul3A_180, %add3A_181 : i32
        %dma_wait3A_183 = arith.constant 0 : i32
        %dma_wait3A_184 = tpu.memref_slice %arg15[%add3A_182, %dma_wait3A_183] : memref<92x112xi32, #tpu.memory_space<vmem>> -> memref<1x112xi32, #tpu.memory_space<vmem>>
        %dma_wait3A_185 = tpu.memref_squeeze %dma_wait3A_184 : memref<1x112xi32, #tpu.memory_space<vmem>> -> memref<112xi32, #tpu.memory_space<vmem>>
        %dma_wait3A_186 = arith.constant 0 : i32
        %dma_wait3A_187 = arith.constant 0 : i32
        %dma_wait3A_188 = tpu.memref_slice %arg2[%dma_wait3A_186, %dma_wait3A_187] : memref<10000x80xf32, #tpu.memory_space<hbm>> -> memref<10000x80xf32, #tpu.memory_space<hbm>>
        tpu.wait_indirect_dma semaphore(%arg22 : memref<!tpu.dma_semaphore, #tpu.memory_space<semaphore_mem>>) src(%dma_wait3A_188 : memref<10000x80xf32, #tpu.memory_space<hbm>>) dst(%arg19 : memref<112x80xf32, #tpu.memory_space<vmem>>)
        %parallel_loop3A_189 = arith.constant 0 : i32
        %parallel_loop3A_190 = arith.constant 112 : i32
        %parallel_loop3A_191 = arith.constant 1 : i32
        scf.for %parallel_loop3A_246 = %parallel_loop3A_189 to %parallel_loop3A_190 step %parallel_loop3A_191  : i32 {
          %parallel_loop3A_247 = vector.broadcast %add3A_182 : i32 to vector<16xi32>
          %parallel_loop3A_248 = vector.broadcast %parallel_loop3A_246 : i32 to vector<16xi32>
          %parallel_loop3A_249 = tpu.vector_load_idx %arg17[%parallel_loop3A_247, %parallel_loop3A_248] : memref<90x112xf32, #tpu.memory_space<vmem>>[vector<16xi32>, vector<16xi32>], vector<16xf32>,
          %parallel_loop3A_250 = arith.index_cast %parallel_loop3A_246 : i32 to index
          %parallel_loop3A_251 = arith.constant 0 : index
          %parallel_loop3A_252 = tpu.vector_load %arg19[%parallel_loop3A_250, %parallel_loop3A_251] {strides = array<i32>} : memref<112x80xf32, #tpu.memory_space<vmem>>, vector<16xf32>,
          %parallel_loop3A_253 = arith.mulf %parallel_loop3A_252, %parallel_loop3A_249 : vector<16xf32>
          %parallel_loop3A_254 = arith.index_cast %parallel_loop3A_246 : i32 to index
          %parallel_loop3A_255 = arith.constant 0 : index
          %parallel_loop3A_256 = tpu.vector_load %arg19[%parallel_loop3A_254, %parallel_loop3A_255] {strides = array<i32>} : memref<112x80xf32, #tpu.memory_space<vmem>>, vector<16xf32>,
          tpu.vector_store %arg19[%parallel_loop3A_254, %parallel_loop3A_255], %parallel_loop3A_253 {strides = array<i32>} : memref<112x80xf32, #tpu.memory_space<vmem>>, vector<16xf32>,
          %parallel_loop3A_257 = arith.index_cast %parallel_loop3A_246 : i32 to index
          %parallel_loop3A_258 = arith.constant 16 : index
          %parallel_loop3A_259 = tpu.vector_load %arg19[%parallel_loop3A_257, %parallel_loop3A_258] {strides = array<i32>} : memref<112x80xf32, #tpu.memory_space<vmem>>, vector<16xf32>,
          %parallel_loop3A_260 = arith.mulf %parallel_loop3A_259, %parallel_loop3A_249 : vector<16xf32>
          %parallel_loop3A_261 = arith.index_cast %parallel_loop3A_246 : i32 to index
          %parallel_loop3A_262 = arith.constant 16 : index
          %parallel_loop3A_263 = tpu.vector_load %arg19[%parallel_loop3A_261, %parallel_loop3A_262] {strides = array<i32>} : memref<112x80xf32, #tpu.memory_space<vmem>>, vector<16xf32>,
          tpu.vector_store %arg19[%parallel_loop3A_261, %parallel_loop3A_262], %parallel_loop3A_260 {strides = array<i32>} : memref<112x80xf32, #tpu.memory_space<vmem>>, vector<16xf32>,
          %parallel_loop3A_264 = arith.index_cast %parallel_loop3A_246 : i32 to index
          %parallel_loop3A_265 = arith.constant 32 : index
          %parallel_loop3A_266 = tpu.vector_load %arg19[%parallel_loop3A_264, %parallel_loop3A_265] {strides = array<i32>} : memref<112x80xf32, #tpu.memory_space<vmem>>, vector<16xf32>,
          %parallel_loop3A_267 = arith.mulf %parallel_loop3A_266, %parallel_loop3A_249 : vector<16xf32>
          %parallel_loop3A_268 = arith.index_cast %parallel_loop3A_246 : i32 to index
          %parallel_loop3A_269 = arith.constant 32 : index
          %parallel_loop3A_270 = tpu.vector_load %arg19[%parallel_loop3A_268, %parallel_loop3A_269] {strides = array<i32>} : memref<112x80xf32, #tpu.memory_space<vmem>>, vector<16xf32>,
          tpu.vector_store %arg19[%parallel_loop3A_268, %parallel_loop3A_269], %parallel_loop3A_267 {strides = array<i32>} : memref<112x80xf32, #tpu.memory_space<vmem>>, vector<16xf32>,
          %parallel_loop3A_271 = arith.index_cast %parallel_loop3A_246 : i32 to index
          %parallel_loop3A_272 = arith.constant 48 : index
          %parallel_loop3A_273 = tpu.vector_load %arg19[%parallel_loop3A_271, %parallel_loop3A_272] {strides = array<i32>} : memref<112x80xf32, #tpu.memory_space<vmem>>, vector<16xf32>,
          %parallel_loop3A_274 = arith.mulf %parallel_loop3A_273, %parallel_loop3A_249 : vector<16xf32>
          %parallel_loop3A_275 = arith.index_cast %parallel_loop3A_246 : i32 to index
          %parallel_loop3A_276 = arith.constant 48 : index
          %parallel_loop3A_277 = tpu.vector_load %arg19[%parallel_loop3A_275, %parallel_loop3A_276] {strides = array<i32>} : memref<112x80xf32, #tpu.memory_space<vmem>>, vector<16xf32>,
          tpu.vector_store %arg19[%parallel_loop3A_275, %parallel_loop3A_276], %parallel_loop3A_274 {strides = array<i32>} : memref<112x80xf32, #tpu.memory_space<vmem>>, vector<16xf32>,
          %parallel_loop3A_278 = arith.index_cast %parallel_loop3A_246 : i32 to index
          %parallel_loop3A_279 = arith.constant 64 : index
          %parallel_loop3A_280 = tpu.vector_load %arg19[%parallel_loop3A_278, %parallel_loop3A_279] {strides = array<i32>} : memref<112x80xf32, #tpu.memory_space<vmem>>, vector<16xf32>,
          %parallel_loop3A_281 = arith.mulf %parallel_loop3A_280, %parallel_loop3A_249 : vector<16xf32>
          %parallel_loop3A_282 = arith.index_cast %parallel_loop3A_246 : i32 to index
          %parallel_loop3A_283 = arith.constant 64 : index
          %parallel_loop3A_284 = tpu.vector_load %arg19[%parallel_loop3A_282, %parallel_loop3A_283] {strides = array<i32>} : memref<112x80xf32, #tpu.memory_space<vmem>>, vector<16xf32>,
          tpu.vector_store %arg19[%parallel_loop3A_282, %parallel_loop3A_283], %parallel_loop3A_281 {strides = array<i32>} : memref<112x80xf32, #tpu.memory_space<vmem>>, vector<16xf32>,
        } {sc.loop_unroll_factor = 4 : i64, sc.parallel_access}
        %dma_start3A_192 = arith.constant 0 : i32
        %dma_start3A_193 = tpu.memref_slice %arg16[%add3A_182, %dma_start3A_192] : memref<92x112xi32, #tpu.memory_space<vmem>> -> memref<1x112xi32, #tpu.memory_space<vmem>>
        %dma_start3A_194 = tpu.memref_squeeze %dma_start3A_193 : memref<1x112xi32, #tpu.memory_space<vmem>> -> memref<112xi32, #tpu.memory_space<vmem>>
        %dma_start3A_195 = arith.constant 0 : i32
        %dma_start3A_196 = arith.constant 0 : i32
        %dma_start3A_197 = tpu.memref_slice %arg27[%dma_start3A_195, %dma_start3A_196] : memref<10112x80xf32, #tpu.memory_space<vmem_shared>> -> memref<10112x80xf32, #tpu.memory_space<vmem_shared>>
        tpu.enqueue_indirect_dma source(%arg19 : memref<112x80xf32, #tpu.memory_space<vmem>>) target(%dma_start3A_197 : memref<10112x80xf32, #tpu.memory_space<vmem_shared>>) offsets(%dma_start3A_194 : memref<112xi32, #tpu.memory_space<vmem>>) semaphore(%arg25 : memref<!tpu.dma_semaphore, #tpu.memory_space<semaphore_mem>>) {add = true}
        %dma_wait3A_198 = arith.constant 0 : i32
        %dma_wait3A_199 = tpu.memref_slice %arg16[%add3A_182, %dma_wait3A_198] : memref<92x112xi32, #tpu.memory_space<vmem>> -> memref<1x112xi32, #tpu.memory_space<vmem>>
        %dma_wait3A_200 = tpu.memref_squeeze %dma_wait3A_199 : memref<1x112xi32, #tpu.memory_space<vmem>> -> memref<112xi32, #tpu.memory_space<vmem>>
        %dma_wait3A_201 = arith.constant 0 : i32
        %dma_wait3A_202 = arith.constant 0 : i32
        %dma_wait3A_203 = tpu.memref_slice %arg27[%dma_wait3A_201, %dma_wait3A_202] : memref<10112x80xf32, #tpu.memory_space<vmem_shared>> -> memref<10112x80xf32, #tpu.memory_space<vmem_shared>>
        tpu.wait_indirect_dma semaphore(%arg24 : memref<!tpu.dma_semaphore, #tpu.memory_space<semaphore_mem>>) src(%arg18 : memref<112x80xf32, #tpu.memory_space<vmem>>) dst(%dma_wait3A_203 : memref<10112x80xf32, #tpu.memory_space<vmem_shared>>)
        %add3A_204 = arith.constant 2 : i32
        %add3A_205 = arith.addi %add3A_182, %add3A_204 : i32
        %dma_start3A_206 = arith.constant 0 : i32
        %dma_start3A_207 = tpu.memref_slice %arg15[%add3A_205, %dma_start3A_206] : memref<92x112xi32, #tpu.memory_space<vmem>> -> memref<1x112xi32, #tpu.memory_space<vmem>>
        %dma_start3A_208 = tpu.memref_squeeze %dma_start3A_207 : memref<1x112xi32, #tpu.memory_space<vmem>> -> memref<112xi32, #tpu.memory_space<vmem>>
        %dma_start3A_209 = arith.constant 0 : i32
        %dma_start3A_210 = arith.constant 0 : i32
        %dma_start3A_211 = tpu.memref_slice %arg2[%dma_start3A_209, %dma_start3A_210] : memref<10000x80xf32, #tpu.memory_space<hbm>> -> memref<10000x80xf32, #tpu.memory_space<hbm>>
        tpu.enqueue_indirect_dma source(%dma_start3A_211 : memref<10000x80xf32, #tpu.memory_space<hbm>>) target(%arg18 : memref<112x80xf32, #tpu.memory_space<vmem>>) offsets(%dma_start3A_208 : memref<112xi32, #tpu.memory_space<vmem>>) semaphore(%arg21 : memref<!tpu.dma_semaphore, #tpu.memory_space<semaphore_mem>>)
        %mul3A_212 = arith.constant 3 : i32
        %mul3A_213 = arith.muli %mul3A_212, %scan3A_146 : i32
        %add3A_214 = arith.constant 2 : i32
        %add3A_215 = arith.addi %mul3A_213, %add3A_214 : i32
        %dma_wait3A_216 = arith.constant 0 : i32
        %dma_wait3A_217 = tpu.memref_slice %arg15[%add3A_215, %dma_wait3A_216] : memref<92x112xi32, #tpu.memory_space<vmem>> -> memref<1x112xi32, #tpu.memory_space<vmem>>
        %dma_wait3A_218 = tpu.memref_squeeze %dma_wait3A_217 : memref<1x112xi32, #tpu.memory_space<vmem>> -> memref<112xi32, #tpu.memory_space<vmem>>
        %dma_wait3A_219 = arith.constant 0 : i32
        %dma_wait3A_220 = arith.constant 0 : i32
        %dma_wait3A_221 = tpu.memref_slice %arg2[%dma_wait3A_219, %dma_wait3A_220] : memref<10000x80xf32, #tpu.memory_space<hbm>> -> memref<10000x80xf32, #tpu.memory_space<hbm>>
        tpu.wait_indirect_dma semaphore(%arg23 : memref<!tpu.dma_semaphore, #tpu.memory_space<semaphore_mem>>) src(%dma_wait3A_221 : memref<10000x80xf32, #tpu.memory_space<hbm>>) dst(%arg20 : memref<112x80xf32, #tpu.memory_space<vmem>>)
        %parallel_loop3A_222 = arith.constant 0 : i32
        %parallel_loop3A_223 = arith.constant 112 : i32
        %parallel_loop3A_224 = arith.constant 1 : i32
        scf.for %parallel_loop3A_246 = %parallel_loop3A_222 to %parallel_loop3A_223 step %parallel_loop3A_224  : i32 {
          %parallel_loop3A_247 = vector.broadcast %add3A_215 : i32 to vector<16xi32>
          %parallel_loop3A_248 = vector.broadcast %parallel_loop3A_246 : i32 to vector<16xi32>
          %parallel_loop3A_249 = tpu.vector_load_idx %arg17[%parallel_loop3A_247, %parallel_loop3A_248] : memref<90x112xf32, #tpu.memory_space<vmem>>[vector<16xi32>, vector<16xi32>], vector<16xf32>,
          %parallel_loop3A_250 = arith.index_cast %parallel_loop3A_246 : i32 to index
          %parallel_loop3A_251 = arith.constant 0 : index
          %parallel_loop3A_252 = tpu.vector_load %arg20[%parallel_loop3A_250, %parallel_loop3A_251] {strides = array<i32>} : memref<112x80xf32, #tpu.memory_space<vmem>>, vector<16xf32>,
          %parallel_loop3A_253 = arith.mulf %parallel_loop3A_252, %parallel_loop3A_249 : vector<16xf32>
          %parallel_loop3A_254 = arith.index_cast %parallel_loop3A_246 : i32 to index
          %parallel_loop3A_255 = arith.constant 0 : index
          %parallel_loop3A_256 = tpu.vector_load %arg20[%parallel_loop3A_254, %parallel_loop3A_255] {strides = array<i32>} : memref<112x80xf32, #tpu.memory_space<vmem>>, vector<16xf32>,
          tpu.vector_store %arg20[%parallel_loop3A_254, %parallel_loop3A_255], %parallel_loop3A_253 {strides = array<i32>} : memref<112x80xf32, #tpu.memory_space<vmem>>, vector<16xf32>,
          %parallel_loop3A_257 = arith.index_cast %parallel_loop3A_246 : i32 to index
          %parallel_loop3A_258 = arith.constant 16 : index
          %parallel_loop3A_259 = tpu.vector_load %arg20[%parallel_loop3A_257, %parallel_loop3A_258] {strides = array<i32>} : memref<112x80xf32, #tpu.memory_space<vmem>>, vector<16xf32>,
          %parallel_loop3A_260 = arith.mulf %parallel_loop3A_259, %parallel_loop3A_249 : vector<16xf32>
          %parallel_loop3A_261 = arith.index_cast %parallel_loop3A_246 : i32 to index
          %parallel_loop3A_262 = arith.constant 16 : index
          %parallel_loop3A_263 = tpu.vector_load %arg20[%parallel_loop3A_261, %parallel_loop3A_262] {strides = array<i32>} : memref<112x80xf32, #tpu.memory_space<vmem>>, vector<16xf32>,
          tpu.vector_store %arg20[%parallel_loop3A_261, %parallel_loop3A_262], %parallel_loop3A_260 {strides = array<i32>} : memref<112x80xf32, #tpu.memory_space<vmem>>, vector<16xf32>,
          %parallel_loop3A_264 = arith.index_cast %parallel_loop3A_246 : i32 to index
          %parallel_loop3A_265 = arith.constant 32 : index
          %parallel_loop3A_266 = tpu.vector_load %arg20[%parallel_loop3A_264, %parallel_loop3A_265] {strides = array<i32>} : memref<112x80xf32, #tpu.memory_space<vmem>>, vector<16xf32>,
          %parallel_loop3A_267 = arith.mulf %parallel_loop3A_266, %parallel_loop3A_249 : vector<16xf32>
          %parallel_loop3A_268 = arith.index_cast %parallel_loop3A_246 : i32 to index
          %parallel_loop3A_269 = arith.constant 32 : index
          %parallel_loop3A_270 = tpu.vector_load %arg20[%parallel_loop3A_268, %parallel_loop3A_269] {strides = array<i32>} : memref<112x80xf32, #tpu.memory_space<vmem>>, vector<16xf32>,
          tpu.vector_store %arg20[%parallel_loop3A_268, %parallel_loop3A_269], %parallel_loop3A_267 {strides = array<i32>} : memref<112x80xf32, #tpu.memory_space<vmem>>, vector<16xf32>,
          %parallel_loop3A_271 = arith.index_cast %parallel_loop3A_246 : i32 to index
          %parallel_loop3A_272 = arith.constant 48 : index
          %parallel_loop3A_273 = tpu.vector_load %arg20[%parallel_loop3A_271, %parallel_loop3A_272] {strides = array<i32>} : memref<112x80xf32, #tpu.memory_space<vmem>>, vector<16xf32>,
          %parallel_loop3A_274 = arith.mulf %parallel_loop3A_273, %parallel_loop3A_249 : vector<16xf32>
          %parallel_loop3A_275 = arith.index_cast %parallel_loop3A_246 : i32 to index
          %parallel_loop3A_276 = arith.constant 48 : index
          %parallel_loop3A_277 = tpu.vector_load %arg20[%parallel_loop3A_275, %parallel_loop3A_276] {strides = array<i32>} : memref<112x80xf32, #tpu.memory_space<vmem>>, vector<16xf32>,
          tpu.vector_store %arg20[%parallel_loop3A_275, %parallel_loop3A_276], %parallel_loop3A_274 {strides = array<i32>} : memref<112x80xf32, #tpu.memory_space<vmem>>, vector<16xf32>,
          %parallel_loop3A_278 = arith.index_cast %parallel_loop3A_246 : i32 to index
          %parallel_loop3A_279 = arith.constant 64 : index
          %parallel_loop3A_280 = tpu.vector_load %arg20[%parallel_loop3A_278, %parallel_loop3A_279] {strides = array<i32>} : memref<112x80xf32, #tpu.memory_space<vmem>>, vector<16xf32>,
          %parallel_loop3A_281 = arith.mulf %parallel_loop3A_280, %parallel_loop3A_249 : vector<16xf32>
          %parallel_loop3A_282 = arith.index_cast %parallel_loop3A_246 : i32 to index
          %parallel_loop3A_283 = arith.constant 64 : index
          %parallel_loop3A_284 = tpu.vector_load %arg20[%parallel_loop3A_282, %parallel_loop3A_283] {strides = array<i32>} : memref<112x80xf32, #tpu.memory_space<vmem>>, vector<16xf32>,
          tpu.vector_store %arg20[%parallel_loop3A_282, %parallel_loop3A_283], %parallel_loop3A_281 {strides = array<i32>} : memref<112x80xf32, #tpu.memory_space<vmem>>, vector<16xf32>,
        } {sc.loop_unroll_factor = 4 : i64, sc.parallel_access}
        %dma_start3A_225 = arith.constant 0 : i32
        %dma_start3A_226 = tpu.memref_slice %arg16[%add3A_215, %dma_start3A_225] : memref<92x112xi32, #tpu.memory_space<vmem>> -> memref<1x112xi32, #tpu.memory_space<vmem>>
        %dma_start3A_227 = tpu.memref_squeeze %dma_start3A_226 : memref<1x112xi32, #tpu.memory_space<vmem>> -> memref<112xi32, #tpu.memory_space<vmem>>
        %dma_start3A_228 = arith.constant 0 : i32
        %dma_start3A_229 = arith.constant 0 : i32
        %dma_start3A_230 = tpu.memref_slice %arg27[%dma_start3A_228, %dma_start3A_229] : memref<10112x80xf32, #tpu.memory_space<vmem_shared>> -> memref<10112x80xf32, #tpu.memory_space<vmem_shared>>
        tpu.enqueue_indirect_dma source(%arg20 : memref<112x80xf32, #tpu.memory_space<vmem>>) target(%dma_start3A_230 : memref<10112x80xf32, #tpu.memory_space<vmem_shared>>) offsets(%dma_start3A_227 : memref<112xi32, #tpu.memory_space<vmem>>) semaphore(%arg26 : memref<!tpu.dma_semaphore, #tpu.memory_space<semaphore_mem>>) {add = true}
        %dma_wait3A_231 = arith.constant 0 : i32
        %dma_wait3A_232 = tpu.memref_slice %arg16[%add3A_215, %dma_wait3A_231] : memref<92x112xi32, #tpu.memory_space<vmem>> -> memref<1x112xi32, #tpu.memory_space<vmem>>
        %dma_wait3A_233 = tpu.memref_squeeze %dma_wait3A_232 : memref<1x112xi32, #tpu.memory_space<vmem>> -> memref<112xi32, #tpu.memory_space<vmem>>
        %dma_wait3A_234 = arith.constant 0 : i32
        %dma_wait3A_235 = arith.constant 0 : i32
        %dma_wait3A_236 = tpu.memref_slice %arg27[%dma_wait3A_234, %dma_wait3A_235] : memref<10112x80xf32, #tpu.memory_space<vmem_shared>> -> memref<10112x80xf32, #tpu.memory_space<vmem_shared>>
        tpu.wait_indirect_dma semaphore(%arg25 : memref<!tpu.dma_semaphore, #tpu.memory_space<semaphore_mem>>) src(%arg19 : memref<112x80xf32, #tpu.memory_space<vmem>>) dst(%dma_wait3A_236 : memref<10112x80xf32, #tpu.memory_space<vmem_shared>>)
        %add3A_237 = arith.constant 2 : i32
        %add3A_238 = arith.addi %add3A_215, %add3A_237 : i32
        %dma_start3A_239 = arith.constant 0 : i32
        %dma_start3A_240 = tpu.memref_slice %arg15[%add3A_238, %dma_start3A_239] : memref<92x112xi32, #tpu.memory_space<vmem>> -> memref<1x112xi32, #tpu.memory_space<vmem>>
        %dma_start3A_241 = tpu.memref_squeeze %dma_start3A_240 : memref<1x112xi32, #tpu.memory_space<vmem>> -> memref<112xi32, #tpu.memory_space<vmem>>
        %dma_start3A_242 = arith.constant 0 : i32
        %dma_start3A_243 = arith.constant 0 : i32
        %dma_start3A_244 = tpu.memref_slice %arg2[%dma_start3A_242, %dma_start3A_243] : memref<10000x80xf32, #tpu.memory_space<hbm>> -> memref<10000x80xf32, #tpu.memory_space<hbm>>
        tpu.enqueue_indirect_dma source(%dma_start3A_244 : memref<10000x80xf32, #tpu.memory_space<hbm>>) target(%arg19 : memref<112x80xf32, #tpu.memory_space<vmem>>) offsets(%dma_start3A_241 : memref<112xi32, #tpu.memory_space<vmem>>) semaphore(%arg22 : memref<!tpu.dma_semaphore, #tpu.memory_space<semaphore_mem>>)
        %scan3A_245 = arith.constant 0 : i32
        scf.yield %scan3A_245 : i32
      }
      %scan3A_116 = arith.constant 30 : i32
      %dma_wait3A_117 = arith.constant 0 : i32
      %dma_wait3A_118 = arith.constant 0 : i32
      %dma_wait3A_119 = tpu.memref_slice %arg15[%dma_wait3A_117, %dma_wait3A_118] : memref<92x112xi32, #tpu.memory_space<vmem>> -> memref<1x112xi32, #tpu.memory_space<vmem>>
      %dma_wait3A_120 = tpu.memref_squeeze %dma_wait3A_119 : memref<1x112xi32, #tpu.memory_space<vmem>> -> memref<112xi32, #tpu.memory_space<vmem>>
      %dma_wait3A_121 = arith.constant 0 : i32
      %dma_wait3A_122 = arith.constant 0 : i32
      %dma_wait3A_123 = tpu.memref_slice %arg2[%dma_wait3A_121, %dma_wait3A_122] : memref<10000x80xf32, #tpu.memory_space<hbm>> -> memref<10000x80xf32, #tpu.memory_space<hbm>>
      tpu.wait_indirect_dma semaphore(%arg21 : memref<!tpu.dma_semaphore, #tpu.memory_space<semaphore_mem>>) src(%dma_wait3A_123 : memref<10000x80xf32, #tpu.memory_space<hbm>>) dst(%arg18 : memref<112x80xf32, #tpu.memory_space<vmem>>)
      %dma_wait3A_124 = arith.constant 0 : i32
      %dma_wait3A_125 = arith.constant 0 : i32
      %dma_wait3A_126 = tpu.memref_slice %arg15[%dma_wait3A_124, %dma_wait3A_125] : memref<92x112xi32, #tpu.memory_space<vmem>> -> memref<1x112xi32, #tpu.memory_space<vmem>>
      %dma_wait3A_127 = tpu.memref_squeeze %dma_wait3A_126 : memref<1x112xi32, #tpu.memory_space<vmem>> -> memref<112xi32, #tpu.memory_space<vmem>>
      %dma_wait3A_128 = arith.constant 0 : i32
      %dma_wait3A_129 = arith.constant 0 : i32
      %dma_wait3A_130 = tpu.memref_slice %arg2[%dma_wait3A_128, %dma_wait3A_129] : memref<10000x80xf32, #tpu.memory_space<hbm>> -> memref<10000x80xf32, #tpu.memory_space<hbm>>
      tpu.wait_indirect_dma semaphore(%arg22 : memref<!tpu.dma_semaphore, #tpu.memory_space<semaphore_mem>>) src(%dma_wait3A_130 : memref<10000x80xf32, #tpu.memory_space<hbm>>) dst(%arg19 : memref<112x80xf32, #tpu.memory_space<vmem>>)
      %dma_wait3A_131 = arith.constant 0 : i32
      %dma_wait3A_132 = arith.constant 0 : i32
      %dma_wait3A_133 = tpu.memref_slice %arg16[%dma_wait3A_131, %dma_wait3A_132] : memref<92x112xi32, #tpu.memory_space<vmem>> -> memref<1x112xi32, #tpu.memory_space<vmem>>
      %dma_wait3A_134 = tpu.memref_squeeze %dma_wait3A_133 : memref<1x112xi32, #tpu.memory_space<vmem>> -> memref<112xi32, #tpu.memory_space<vmem>>
      %dma_wait3A_135 = arith.constant 0 : i32
      %dma_wait3A_136 = arith.constant 0 : i32
      %dma_wait3A_137 = tpu.memref_slice %arg27[%dma_wait3A_135, %dma_wait3A_136] : memref<10112x80xf32, #tpu.memory_space<vmem_shared>> -> memref<10112x80xf32, #tpu.memory_space<vmem_shared>>
      tpu.wait_indirect_dma semaphore(%arg26 : memref<!tpu.dma_semaphore, #tpu.memory_space<semaphore_mem>>) src(%arg20 : memref<112x80xf32, #tpu.memory_space<vmem>>) dst(%dma_wait3A_137 : memref<10112x80xf32, #tpu.memory_space<vmem_shared>>)
      %barrier3A_138 = arith.constant 0 : index
      tpu.barrier barrier_id(%barrier3A_138)
      %mul3A_139 = arith.constant 632 : i32
      %mul3A_140 = arith.muli %arg1, %mul3A_139 : i32
      %run_scoped3A_141 = arith.constant 0 : i32
      %run_scoped3A_142 = arith.constant 0 : i32
      "tpu.region"() ({
        %run_scoped3A_146 = tpu.sem_alloc : memref<!tpu.dma_semaphore, #tpu.memory_space<semaphore_mem>>
        %dma_start3A_147 = arith.constant 0 : i32
        %dma_start3A_148 = tpu.memref_slice %arg13[%run_scoped3A_141, %run_scoped3A_142, %mul3A_109, %dma_start3A_147] : memref<2x2x10112x80xf32, #tpu.memory_space<hbm>> -> memref<1x1x632x80xf32, #tpu.memory_space<hbm>>
        %dma_start3A_149 = tpu.memref_squeeze %dma_start3A_148 : memref<1x1x632x80xf32, #tpu.memory_space<hbm>> -> memref<632x80xf32, #tpu.memory_space<hbm>>
        %dma_start3A_150 = arith.constant 0 : i32
        %dma_start3A_151 = tpu.memref_slice %arg27[%mul3A_140, %dma_start3A_150] : memref<10112x80xf32, #tpu.memory_space<vmem_shared>> -> memref<632x80xf32, #tpu.memory_space<vmem_shared>>
        tpu.enqueue_dma source(%dma_start3A_151 : memref<632x80xf32, #tpu.memory_space<vmem_shared>>) target(%dma_start3A_149 : memref<632x80xf32, #tpu.memory_space<hbm>>) target_semaphore(%run_scoped3A_146 : memref<!tpu.dma_semaphore, #tpu.memory_space<semaphore_mem>>)
        %dma_wait3A_152 = arith.constant 0 : i32
        %dma_wait3A_153 = tpu.memref_slice %arg13[%run_scoped3A_141, %run_scoped3A_142, %mul3A_109, %dma_wait3A_152] : memref<2x2x10112x80xf32, #tpu.memory_space<hbm>> -> memref<1x1x632x80xf32, #tpu.memory_space<hbm>>
        %dma_wait3A_154 = tpu.memref_squeeze %dma_wait3A_153 : memref<1x1x632x80xf32, #tpu.memory_space<hbm>> -> memref<632x80xf32, #tpu.memory_space<hbm>>
        %dma_wait3A_155 = arith.constant 0 : i32
        %dma_wait3A_156 = tpu.memref_slice %arg27[%mul3A_140, %dma_wait3A_155] : memref<10112x80xf32, #tpu.memory_space<vmem_shared>> -> memref<632x80xf32, #tpu.memory_space<vmem_shared>>
        tpu.wait_dma2 semaphore(%run_scoped3A_146 : memref<!tpu.dma_semaphore, #tpu.memory_space<semaphore_mem>>) src(%dma_wait3A_156 : memref<632x80xf32, #tpu.memory_space<vmem_shared>>) dst(%dma_wait3A_154 : memref<632x80xf32, #tpu.memory_space<hbm>>)
        tpu.yield
      }) : () -> ()
      %mul3A_143 = arith.constant 632 : i32
      %mul3A_144 = arith.muli %arg1, %mul3A_143 : i32
      "tpu.region"() ({
        %run_scoped3A_146 = tpu.sem_alloc : memref<!tpu.dma_semaphore, #tpu.memory_space<semaphore_mem>>
        %dma_start3A_147 = arith.constant 0 : i32
        %dma_start3A_148 = tpu.memref_slice %arg27[%mul3A_144, %dma_start3A_147] : memref<10112x80xf32, #tpu.memory_space<vmem_shared>> -> memref<632x80xf32, #tpu.memory_space<vmem_shared>>
        tpu.enqueue_dma source(%arg12 : memref<632x80xf32, #tpu.memory_space<hbm>>) target(%dma_start3A_148 : memref<632x80xf32, #tpu.memory_space<vmem_shared>>) target_semaphore(%run_scoped3A_146 : memref<!tpu.dma_semaphore, #tpu.memory_space<semaphore_mem>>)
        %dma_wait3A_149 = arith.constant 0 : i32
        %dma_wait3A_150 = tpu.memref_slice %arg27[%mul3A_144, %dma_wait3A_149] : memref<10112x80xf32, #tpu.memory_space<vmem_shared>> -> memref<632x80xf32, #tpu.memory_space<vmem_shared>>
        tpu.wait_dma2 semaphore(%run_scoped3A_146 : memref<!tpu.dma_semaphore, #tpu.memory_space<semaphore_mem>>) src(%arg12 : memref<632x80xf32, #tpu.memory_space<hbm>>) dst(%dma_wait3A_150 : memref<632x80xf32, #tpu.memory_space<vmem_shared>>)
        tpu.yield
      }) : () -> ()
      %barrier3A_145 = arith.constant 0 : index
      tpu.barrier barrier_id(%barrier3A_145)
    } else {
    }
    %eq3A_3 = arith.constant 1 : i32
    %eq3A_4 = arith.cmpi eq, %arg0, %eq3A_3 : i32
    %convert_element_type3A_5 = arith.extui %eq3A_4 : i1 to i32
    %cond3A_6 = arith.constant 0 : i32
    %cond3A_7 = arith.cmpi ne, %convert_element_type3A_5, %cond3A_6 : i32
    scf.if %cond3A_7 {
      tpu.enqueue_dma source(%arg7 : memref<10000xf32, #tpu.memory_space<hbm>>) target(%arg14 : memref<10000xf32, #tpu.memory_space<vmem>>) target_semaphore(%arg21 : memref<!tpu.dma_semaphore, #tpu.memory_space<semaphore_mem>>)
      %mul3A_8 = arith.constant 90 : i32
      %mul3A_9 = arith.muli %arg1, %mul3A_8 : i32
      %dma_start3A = arith.constant 0 : i32
      %dma_start3A_10 = tpu.memref_slice %arg10[%mul3A_9, %dma_start3A] : memref<1444x112xi32, #tpu.memory_space<hbm>> -> memref<92x112xi32, #tpu.memory_space<hbm>>
      %dma_start3A_11 = arith.constant 0 : i32
      %dma_start3A_12 = tpu.memref_slice %arg10[%mul3A_9, %dma_start3A_11] : memref<1444x112xi32, #tpu.memory_space<hbm>> -> memref<92x112xi32, #tpu.memory_space<hbm>>
      tpu.enqueue_dma source(%dma_start3A_12 : memref<92x112xi32, #tpu.memory_space<hbm>>) target(%arg15 : memref<92x112xi32, #tpu.memory_space<vmem>>) target_semaphore(%arg22 : memref<!tpu.dma_semaphore, #tpu.memory_space<semaphore_mem>>)
      %mul3A_13 = arith.constant 90 : i32
      %mul3A_14 = arith.muli %arg1, %mul3A_13 : i32
      %dma_start3A_15 = arith.constant 0 : i32
      %dma_start3A_16 = tpu.memref_slice %arg11[%mul3A_14, %dma_start3A_15] : memref<1444x112xi32, #tpu.memory_space<hbm>> -> memref<92x112xi32, #tpu.memory_space<hbm>>
      %dma_start3A_17 = arith.constant 0 : i32
      %dma_start3A_18 = tpu.memref_slice %arg11[%mul3A_14, %dma_start3A_17] : memref<1444x112xi32, #tpu.memory_space<hbm>> -> memref<92x112xi32, #tpu.memory_space<hbm>>
      tpu.enqueue_dma source(%dma_start3A_18 : memref<92x112xi32, #tpu.memory_space<hbm>>) target(%arg16 : memref<92x112xi32, #tpu.memory_space<vmem>>) target_semaphore(%arg23 : memref<!tpu.dma_semaphore, #tpu.memory_space<semaphore_mem>>)
      tpu.wait_dma2 semaphore(%arg21 : memref<!tpu.dma_semaphore, #tpu.memory_space<semaphore_mem>>) src(%arg7 : memref<10000xf32, #tpu.memory_space<hbm>>) dst(%arg14 : memref<10000xf32, #tpu.memory_space<vmem>>)
      %mul3A_19 = arith.constant 90 : i32
      %mul3A_20 = arith.muli %arg1, %mul3A_19 : i32
      %dma_wait3A = arith.constant 0 : i32
      %dma_wait3A_21 = tpu.memref_slice %arg10[%mul3A_20, %dma_wait3A] : memref<1444x112xi32, #tpu.memory_space<hbm>> -> memref<92x112xi32, #tpu.memory_space<hbm>>
      %dma_wait3A_22 = arith.constant 0 : i32
      %dma_wait3A_23 = tpu.memref_slice %arg10[%mul3A_20, %dma_wait3A_22] : memref<1444x112xi32, #tpu.memory_space<hbm>> -> memref<92x112xi32, #tpu.memory_space<hbm>>
      tpu.wait_dma2 semaphore(%arg22 : memref<!tpu.dma_semaphore, #tpu.memory_space<semaphore_mem>>) src(%dma_wait3A_23 : memref<92x112xi32, #tpu.memory_space<hbm>>) dst(%arg15 : memref<92x112xi32, #tpu.memory_space<vmem>>)
      %mul3A_24 = arith.constant 90 : i32
      %mul3A_25 = arith.muli %arg1, %mul3A_24 : i32
      %dma_wait3A_26 = arith.constant 0 : i32
      %dma_wait3A_27 = tpu.memref_slice %arg11[%mul3A_25, %dma_wait3A_26] : memref<1444x112xi32, #tpu.memory_space<hbm>> -> memref<92x112xi32, #tpu.memory_space<hbm>>
      %dma_wait3A_28 = arith.constant 0 : i32
      %dma_wait3A_29 = tpu.memref_slice %arg11[%mul3A_25, %dma_wait3A_28] : memref<1444x112xi32, #tpu.memory_space<hbm>> -> memref<92x112xi32, #tpu.memory_space<hbm>>
      tpu.wait_dma2 semaphore(%arg23 : memref<!tpu.dma_semaphore, #tpu.memory_space<semaphore_mem>>) src(%dma_wait3A_29 : memref<92x112xi32, #tpu.memory_space<hbm>>) dst(%arg16 : memref<92x112xi32, #tpu.memory_space<vmem>>)
      %dma_start3A_30 = arith.constant 0 : i32
      %dma_start3A_31 = arith.constant 0 : i32
      %dma_start3A_32 = tpu.memref_slice %arg15[%dma_start3A_30, %dma_start3A_31] : memref<92x112xi32, #tpu.memory_space<vmem>> -> memref<1x112xi32, #tpu.memory_space<vmem>>
      %dma_start3A_33 = tpu.memref_squeeze %dma_start3A_32 : memref<1x112xi32, #tpu.memory_space<vmem>> -> memref<112xi32, #tpu.memory_space<vmem>>
      %dma_start3A_34 = arith.constant 0 : i32
      %dma_start3A_35 = arith.constant 0 : i32
      %dma_start3A_36 = tpu.memref_slice %arg5[%dma_start3A_34, %dma_start3A_35] : memref<10000x80xf32, #tpu.memory_space<hbm>> -> memref<10000x80xf32, #tpu.memory_space<hbm>>
      tpu.enqueue_indirect_dma source(%dma_start3A_36 : memref<10000x80xf32, #tpu.memory_space<hbm>>) target(%arg18 : memref<112x80xf32, #tpu.memory_space<vmem>>) offsets(%dma_start3A_33 : memref<112xi32, #tpu.memory_space<vmem>>) semaphore(%arg21 : memref<!tpu.dma_semaphore, #tpu.memory_space<semaphore_mem>>)
      %dma_start3A_37 = arith.constant 1 : i32
      %dma_start3A_38 = arith.constant 0 : i32
      %dma_start3A_39 = tpu.memref_slice %arg15[%dma_start3A_37, %dma_start3A_38] : memref<92x112xi32, #tpu.memory_space<vmem>> -> memref<1x112xi32, #tpu.memory_space<vmem>>
      %dma_start3A_40 = tpu.memref_squeeze %dma_start3A_39 : memref<1x112xi32, #tpu.memory_space<vmem>> -> memref<112xi32, #tpu.memory_space<vmem>>
      %dma_start3A_41 = arith.constant 0 : i32
      %dma_start3A_42 = arith.constant 0 : i32
      %dma_start3A_43 = tpu.memref_slice %arg5[%dma_start3A_41, %dma_start3A_42] : memref<10000x80xf32, #tpu.memory_space<hbm>> -> memref<10000x80xf32, #tpu.memory_space<hbm>>
      tpu.enqueue_indirect_dma source(%dma_start3A_43 : memref<10000x80xf32, #tpu.memory_space<hbm>>) target(%arg19 : memref<112x80xf32, #tpu.memory_space<vmem>>) offsets(%dma_start3A_40 : memref<112xi32, #tpu.memory_space<vmem>>) semaphore(%arg22 : memref<!tpu.dma_semaphore, #tpu.memory_space<semaphore_mem>>)
      "tpu.region"() ({
        %run_scoped3A_146 = tpu.sem_alloc : memref<!tpu.dma_semaphore, #tpu.memory_space<semaphore_mem>>
        %dma_start3A_147 = arith.constant 0 : i32
        %dma_start3A_148 = arith.constant 0 : i32
        %dma_start3A_149 = tpu.memref_slice %arg12[%dma_start3A_147, %dma_start3A_148] : memref<632x80xf32, #tpu.memory_space<hbm>> -> memref<112x80xf32, #tpu.memory_space<hbm>>
        %dma_start3A_150 = arith.constant 0 : i32
        %dma_start3A_151 = arith.constant 0 : i32
        %dma_start3A_152 = tpu.memref_slice %arg12[%dma_start3A_150, %dma_start3A_151] : memref<632x80xf32, #tpu.memory_space<hbm>> -> memref<112x80xf32, #tpu.memory_space<hbm>>
        tpu.enqueue_dma source(%dma_start3A_152 : memref<112x80xf32, #tpu.memory_space<hbm>>) target(%arg20 : memref<112x80xf32, #tpu.memory_space<vmem>>) target_semaphore(%run_scoped3A_146 : memref<!tpu.dma_semaphore, #tpu.memory_space<semaphore_mem>>)
        %dma_wait3A_153 = arith.constant 0 : i32
        %dma_wait3A_154 = arith.constant 0 : i32
        %dma_wait3A_155 = tpu.memref_slice %arg12[%dma_wait3A_153, %dma_wait3A_154] : memref<632x80xf32, #tpu.memory_space<hbm>> -> memref<112x80xf32, #tpu.memory_space<hbm>>
        %dma_wait3A_156 = arith.constant 0 : i32
        %dma_wait3A_157 = arith.constant 0 : i32
        %dma_wait3A_158 = tpu.memref_slice %arg12[%dma_wait3A_156, %dma_wait3A_157] : memref<632x80xf32, #tpu.memory_space<hbm>> -> memref<112x80xf32, #tpu.memory_space<hbm>>
        tpu.wait_dma2 semaphore(%run_scoped3A_146 : memref<!tpu.dma_semaphore, #tpu.memory_space<semaphore_mem>>) src(%dma_wait3A_158 : memref<112x80xf32, #tpu.memory_space<hbm>>) dst(%arg20 : memref<112x80xf32, #tpu.memory_space<vmem>>)
        tpu.yield
      }) : () -> ()
      %dma_start3A_44 = arith.constant 90 : i32
      %dma_start3A_45 = arith.constant 0 : i32
      %dma_start3A_46 = tpu.memref_slice %arg16[%dma_start3A_44, %dma_start3A_45] : memref<92x112xi32, #tpu.memory_space<vmem>> -> memref<1x112xi32, #tpu.memory_space<vmem>>
      %dma_start3A_47 = tpu.memref_squeeze %dma_start3A_46 : memref<1x112xi32, #tpu.memory_space<vmem>> -> memref<112xi32, #tpu.memory_space<vmem>>
      %dma_start3A_48 = arith.constant 0 : i32
      %dma_start3A_49 = arith.constant 0 : i32
      %dma_start3A_50 = tpu.memref_slice %arg27[%dma_start3A_48, %dma_start3A_49] : memref<10112x80xf32, #tpu.memory_space<vmem_shared>> -> memref<10112x80xf32, #tpu.memory_space<vmem_shared>>
      tpu.enqueue_indirect_dma source(%arg20 : memref<112x80xf32, #tpu.memory_space<vmem>>) target(%dma_start3A_50 : memref<10112x80xf32, #tpu.memory_space<vmem_shared>>) offsets(%dma_start3A_47 : memref<112xi32, #tpu.memory_space<vmem>>) semaphore(%arg26 : memref<!tpu.dma_semaphore, #tpu.memory_space<semaphore_mem>>) {add = true}
      %mul3A_51 = arith.constant 632 : i32
      %mul3A_52 = arith.muli %arg1, %mul3A_51 : i32
      %scan3A = arith.constant 0 : i32
      %scan3A_53 = arith.constant 0 : i32
      %scan3A_54 = arith.constant 30 : i32
      %scan3A_55 = arith.addi %scan3A_53, %scan3A_54 : i32
      %scan3A_56 = arith.constant 1 : i32
      %scan3A_57 = scf.for %scan3A_146 = %scan3A_53 to %scan3A_55 step %scan3A_56 iter_args(%scan3A_147 = %scan3A) -> (i32)  : i32 {
        %mul3A_148 = arith.constant 3 : i32
        %mul3A_149 = arith.muli %mul3A_148, %scan3A_146 : i32
        %add3A = arith.constant 0 : i32
        %add3A_150 = arith.addi %mul3A_149, %add3A : i32
        %dma_wait3A_151 = arith.constant 0 : i32
        %dma_wait3A_152 = tpu.memref_slice %arg15[%add3A_150, %dma_wait3A_151] : memref<92x112xi32, #tpu.memory_space<vmem>> -> memref<1x112xi32, #tpu.memory_space<vmem>>
        %dma_wait3A_153 = tpu.memref_squeeze %dma_wait3A_152 : memref<1x112xi32, #tpu.memory_space<vmem>> -> memref<112xi32, #tpu.memory_space<vmem>>
        %dma_wait3A_154 = arith.constant 0 : i32
        %dma_wait3A_155 = arith.constant 0 : i32
        %dma_wait3A_156 = tpu.memref_slice %arg5[%dma_wait3A_154, %dma_wait3A_155] : memref<10000x80xf32, #tpu.memory_space<hbm>> -> memref<10000x80xf32, #tpu.memory_space<hbm>>
        tpu.wait_indirect_dma semaphore(%arg21 : memref<!tpu.dma_semaphore, #tpu.memory_space<semaphore_mem>>) src(%dma_wait3A_156 : memref<10000x80xf32, #tpu.memory_space<hbm>>) dst(%arg18 : memref<112x80xf32, #tpu.memory_space<vmem>>)
        %mul3A_157 = arith.constant 90 : i32
        %mul3A_158 = arith.muli %arg1, %mul3A_157 : i32
        %add3A_159 = arith.addi %mul3A_158, %add3A_150 : i32
        %parallel_loop3A = arith.constant 0 : i32
        %parallel_loop3A_160 = arith.constant 7 : i32
        %parallel_loop3A_161 = arith.constant 1 : i32
        scf.for %parallel_loop3A_264 = %parallel_loop3A to %parallel_loop3A_160 step %parallel_loop3A_161  : i32 {
          %parallel_loop3A_265 = tpu.iota {dimensions = array<i32: 0>} : vector<16xi32>
          %parallel_loop3A_266 = arith.constant 16 : i32
          %parallel_loop3A_267 = arith.muli %parallel_loop3A_264, %parallel_loop3A_266 : i32
          %parallel_loop3A_268 = vector.broadcast %parallel_loop3A_267 : i32 to vector<16xi32>
          %parallel_loop3A_269 = arith.addi %parallel_loop3A_268, %parallel_loop3A_265 : vector<16xi32>
          %parallel_loop3A_270 = arith.constant 65 : i32
          %parallel_loop3A_271 = vector.broadcast %parallel_loop3A_270 : i32 to vector<16xi32>
          %parallel_loop3A_272 = tpu.vector_load_idx %arg18[%parallel_loop3A_269, %parallel_loop3A_271] : memref<112x80xf32, #tpu.memory_space<vmem>>[vector<16xi32>, vector<16xi32>], vector<16xf32>,
          %parallel_loop3A_273 = arith.constant 16 : i32
          %parallel_loop3A_274 = arith.muli %parallel_loop3A_264, %parallel_loop3A_273 : i32
          %parallel_loop3A_275 = arith.index_cast %add3A_150 : i32 to index
          %parallel_loop3A_276 = arith.index_cast %parallel_loop3A_274 : i32 to index
          %parallel_loop3A_277 = tpu.vector_load %arg16[%parallel_loop3A_275, %parallel_loop3A_276] {strides = array<i32>} : memref<92x112xi32, #tpu.memory_space<vmem>>, vector<16xi32>,
          %parallel_loop3A_278 = tpu.vector_load_idx %arg14[%parallel_loop3A_277] : memref<10000xf32, #tpu.memory_space<vmem>>[vector<16xi32>], vector<16xf32>,
          %parallel_loop3A_279 = arith.addf %parallel_loop3A_272, %parallel_loop3A_278 : vector<16xf32>
          %parallel_loop3A_280 = arith.constant 0.000000e+00 : f32
          %parallel_loop3A_281 = vector.broadcast %parallel_loop3A_280 : f32 to vector<16xf32>
          %parallel_loop3A_282 = arith.cmpf oge, %parallel_loop3A_279, %parallel_loop3A_281 : vector<16xf32>
          %parallel_loop3A_283 = arith.constant 2.000000e-01 : f32
          %parallel_loop3A_284 = vector.broadcast %parallel_loop3A_283 : f32 to vector<16xf32>
          %parallel_loop3A_285 = arith.mulf %parallel_loop3A_284, %parallel_loop3A_279 : vector<16xf32>
          %parallel_loop3A_286 = arith.select %parallel_loop3A_282, %parallel_loop3A_279, %parallel_loop3A_285 : vector<16xi1>, vector<16xf32>
          %parallel_loop3A_287 = math.exp %parallel_loop3A_286 : vector<16xf32>
          %parallel_loop3A_288 = arith.constant 112 : i32
          %parallel_loop3A_289 = arith.muli %add3A_159, %parallel_loop3A_288 : i32
          %parallel_loop3A_290 = arith.constant 16 : i32
          %parallel_loop3A_291 = arith.muli %parallel_loop3A_264, %parallel_loop3A_290 : i32
          %parallel_loop3A_292 = arith.addi %parallel_loop3A_289, %parallel_loop3A_291 : i32
          %parallel_loop3A_293 = vector.broadcast %parallel_loop3A_292 : i32 to vector<16xi32>
          %parallel_loop3A_294 = arith.addi %parallel_loop3A_293, %parallel_loop3A_265 : vector<16xi32>
          %parallel_loop3A_295 = arith.constant 160000 : i32
          %parallel_loop3A_296 = vector.broadcast %parallel_loop3A_295 : i32 to vector<16xi32>
          %parallel_loop3A_297 = arith.cmpi slt, %parallel_loop3A_294, %parallel_loop3A_296 : vector<16xi32>
          %parallel_loop3A_298 = arith.constant 0.000000e+00 : f32
          %parallel_loop3A_299 = vector.broadcast %parallel_loop3A_298 : f32 to vector<16xf32>
          %parallel_loop3A_300 = arith.select %parallel_loop3A_297, %parallel_loop3A_287, %parallel_loop3A_299 : vector<16xi1>, vector<16xf32>
          %parallel_loop3A_301 = arith.constant 16 : i32
          %parallel_loop3A_302 = arith.muli %parallel_loop3A_264, %parallel_loop3A_301 : i32
          %parallel_loop3A_303 = arith.index_cast %add3A_150 : i32 to index
          %parallel_loop3A_304 = arith.index_cast %parallel_loop3A_302 : i32 to index
          %parallel_loop3A_305 = tpu.vector_load %arg17[%parallel_loop3A_303, %parallel_loop3A_304] {strides = array<i32>} : memref<90x112xf32, #tpu.memory_space<vmem>>, vector<16xf32>,
          tpu.vector_store %arg17[%parallel_loop3A_303, %parallel_loop3A_304], %parallel_loop3A_300 {strides = array<i32>} : memref<90x112xf32, #tpu.memory_space<vmem>>, vector<16xf32>,
        } {sc.loop_unroll_factor = 2 : i64, sc.parallel_access}
        %parallel_loop3A_162 = arith.constant 0 : i32
        %parallel_loop3A_163 = arith.constant 112 : i32
        %parallel_loop3A_164 = arith.constant 1 : i32
        scf.for %parallel_loop3A_264 = %parallel_loop3A_162 to %parallel_loop3A_163 step %parallel_loop3A_164  : i32 {
          %parallel_loop3A_265 = vector.broadcast %add3A_150 : i32 to vector<16xi32>
          %parallel_loop3A_266 = vector.broadcast %parallel_loop3A_264 : i32 to vector<16xi32>
          %parallel_loop3A_267 = tpu.vector_load_idx %arg17[%parallel_loop3A_265, %parallel_loop3A_266] : memref<90x112xf32, #tpu.memory_space<vmem>>[vector<16xi32>, vector<16xi32>], vector<16xf32>,
          %parallel_loop3A_268 = arith.index_cast %parallel_loop3A_264 : i32 to index
          %parallel_loop3A_269 = arith.constant 0 : index
          %parallel_loop3A_270 = tpu.vector_load %arg18[%parallel_loop3A_268, %parallel_loop3A_269] {strides = array<i32>} : memref<112x80xf32, #tpu.memory_space<vmem>>, vector<16xf32>,
          %parallel_loop3A_271 = arith.mulf %parallel_loop3A_270, %parallel_loop3A_267 : vector<16xf32>
          %parallel_loop3A_272 = arith.index_cast %parallel_loop3A_264 : i32 to index
          %parallel_loop3A_273 = arith.constant 0 : index
          %parallel_loop3A_274 = tpu.vector_load %arg18[%parallel_loop3A_272, %parallel_loop3A_273] {strides = array<i32>} : memref<112x80xf32, #tpu.memory_space<vmem>>, vector<16xf32>,
          tpu.vector_store %arg18[%parallel_loop3A_272, %parallel_loop3A_273], %parallel_loop3A_271 {strides = array<i32>} : memref<112x80xf32, #tpu.memory_space<vmem>>, vector<16xf32>,
          %parallel_loop3A_275 = arith.index_cast %parallel_loop3A_264 : i32 to index
          %parallel_loop3A_276 = arith.constant 16 : index
          %parallel_loop3A_277 = tpu.vector_load %arg18[%parallel_loop3A_275, %parallel_loop3A_276] {strides = array<i32>} : memref<112x80xf32, #tpu.memory_space<vmem>>, vector<16xf32>,
          %parallel_loop3A_278 = arith.mulf %parallel_loop3A_277, %parallel_loop3A_267 : vector<16xf32>
          %parallel_loop3A_279 = arith.index_cast %parallel_loop3A_264 : i32 to index
          %parallel_loop3A_280 = arith.constant 16 : index
          %parallel_loop3A_281 = tpu.vector_load %arg18[%parallel_loop3A_279, %parallel_loop3A_280] {strides = array<i32>} : memref<112x80xf32, #tpu.memory_space<vmem>>, vector<16xf32>,
          tpu.vector_store %arg18[%parallel_loop3A_279, %parallel_loop3A_280], %parallel_loop3A_278 {strides = array<i32>} : memref<112x80xf32, #tpu.memory_space<vmem>>, vector<16xf32>,
          %parallel_loop3A_282 = arith.index_cast %parallel_loop3A_264 : i32 to index
          %parallel_loop3A_283 = arith.constant 32 : index
          %parallel_loop3A_284 = tpu.vector_load %arg18[%parallel_loop3A_282, %parallel_loop3A_283] {strides = array<i32>} : memref<112x80xf32, #tpu.memory_space<vmem>>, vector<16xf32>,
          %parallel_loop3A_285 = arith.mulf %parallel_loop3A_284, %parallel_loop3A_267 : vector<16xf32>
          %parallel_loop3A_286 = arith.index_cast %parallel_loop3A_264 : i32 to index
          %parallel_loop3A_287 = arith.constant 32 : index
          %parallel_loop3A_288 = tpu.vector_load %arg18[%parallel_loop3A_286, %parallel_loop3A_287] {strides = array<i32>} : memref<112x80xf32, #tpu.memory_space<vmem>>, vector<16xf32>,
          tpu.vector_store %arg18[%parallel_loop3A_286, %parallel_loop3A_287], %parallel_loop3A_285 {strides = array<i32>} : memref<112x80xf32, #tpu.memory_space<vmem>>, vector<16xf32>,
          %parallel_loop3A_289 = arith.index_cast %parallel_loop3A_264 : i32 to index
          %parallel_loop3A_290 = arith.constant 48 : index
          %parallel_loop3A_291 = tpu.vector_load %arg18[%parallel_loop3A_289, %parallel_loop3A_290] {strides = array<i32>} : memref<112x80xf32, #tpu.memory_space<vmem>>, vector<16xf32>,
          %parallel_loop3A_292 = arith.mulf %parallel_loop3A_291, %parallel_loop3A_267 : vector<16xf32>
          %parallel_loop3A_293 = arith.index_cast %parallel_loop3A_264 : i32 to index
          %parallel_loop3A_294 = arith.constant 48 : index
          %parallel_loop3A_295 = tpu.vector_load %arg18[%parallel_loop3A_293, %parallel_loop3A_294] {strides = array<i32>} : memref<112x80xf32, #tpu.memory_space<vmem>>, vector<16xf32>,
          tpu.vector_store %arg18[%parallel_loop3A_293, %parallel_loop3A_294], %parallel_loop3A_292 {strides = array<i32>} : memref<112x80xf32, #tpu.memory_space<vmem>>, vector<16xf32>,
          %parallel_loop3A_296 = arith.index_cast %parallel_loop3A_264 : i32 to index
          %parallel_loop3A_297 = arith.constant 64 : index
          %parallel_loop3A_298 = tpu.vector_load %arg18[%parallel_loop3A_296, %parallel_loop3A_297] {strides = array<i32>} : memref<112x80xf32, #tpu.memory_space<vmem>>, vector<16xf32>,
          %parallel_loop3A_299 = arith.mulf %parallel_loop3A_298, %parallel_loop3A_267 : vector<16xf32>
          %parallel_loop3A_300 = arith.index_cast %parallel_loop3A_264 : i32 to index
          %parallel_loop3A_301 = arith.constant 64 : index
          %parallel_loop3A_302 = tpu.vector_load %arg18[%parallel_loop3A_300, %parallel_loop3A_301] {strides = array<i32>} : memref<112x80xf32, #tpu.memory_space<vmem>>, vector<16xf32>,
          tpu.vector_store %arg18[%parallel_loop3A_300, %parallel_loop3A_301], %parallel_loop3A_299 {strides = array<i32>} : memref<112x80xf32, #tpu.memory_space<vmem>>, vector<16xf32>,
        } {sc.loop_unroll_factor = 4 : i64, sc.parallel_access}
        %dma_start3A_165 = arith.constant 0 : i32
        %dma_start3A_166 = tpu.memref_slice %arg16[%add3A_150, %dma_start3A_165] : memref<92x112xi32, #tpu.memory_space<vmem>> -> memref<1x112xi32, #tpu.memory_space<vmem>>
        %dma_start3A_167 = tpu.memref_squeeze %dma_start3A_166 : memref<1x112xi32, #tpu.memory_space<vmem>> -> memref<112xi32, #tpu.memory_space<vmem>>
        %dma_start3A_168 = arith.constant 0 : i32
        %dma_start3A_169 = arith.constant 0 : i32
        %dma_start3A_170 = tpu.memref_slice %arg27[%dma_start3A_168, %dma_start3A_169] : memref<10112x80xf32, #tpu.memory_space<vmem_shared>> -> memref<10112x80xf32, #tpu.memory_space<vmem_shared>>
        tpu.enqueue_indirect_dma source(%arg18 : memref<112x80xf32, #tpu.memory_space<vmem>>) target(%dma_start3A_170 : memref<10112x80xf32, #tpu.memory_space<vmem_shared>>) offsets(%dma_start3A_167 : memref<112xi32, #tpu.memory_space<vmem>>) semaphore(%arg24 : memref<!tpu.dma_semaphore, #tpu.memory_space<semaphore_mem>>) {add = true}
        %dma_wait3A_171 = arith.constant 0 : i32
        %dma_wait3A_172 = tpu.memref_slice %arg16[%add3A_150, %dma_wait3A_171] : memref<92x112xi32, #tpu.memory_space<vmem>> -> memref<1x112xi32, #tpu.memory_space<vmem>>
        %dma_wait3A_173 = tpu.memref_squeeze %dma_wait3A_172 : memref<1x112xi32, #tpu.memory_space<vmem>> -> memref<112xi32, #tpu.memory_space<vmem>>
        %dma_wait3A_174 = arith.constant 0 : i32
        %dma_wait3A_175 = arith.constant 0 : i32
        %dma_wait3A_176 = tpu.memref_slice %arg27[%dma_wait3A_174, %dma_wait3A_175] : memref<10112x80xf32, #tpu.memory_space<vmem_shared>> -> memref<10112x80xf32, #tpu.memory_space<vmem_shared>>
        tpu.wait_indirect_dma semaphore(%arg26 : memref<!tpu.dma_semaphore, #tpu.memory_space<semaphore_mem>>) src(%arg20 : memref<112x80xf32, #tpu.memory_space<vmem>>) dst(%dma_wait3A_176 : memref<10112x80xf32, #tpu.memory_space<vmem_shared>>)
        %add3A_177 = arith.constant 2 : i32
        %add3A_178 = arith.addi %add3A_150, %add3A_177 : i32
        %dma_start3A_179 = arith.constant 0 : i32
        %dma_start3A_180 = tpu.memref_slice %arg15[%add3A_178, %dma_start3A_179] : memref<92x112xi32, #tpu.memory_space<vmem>> -> memref<1x112xi32, #tpu.memory_space<vmem>>
        %dma_start3A_181 = tpu.memref_squeeze %dma_start3A_180 : memref<1x112xi32, #tpu.memory_space<vmem>> -> memref<112xi32, #tpu.memory_space<vmem>>
        %dma_start3A_182 = arith.constant 0 : i32
        %dma_start3A_183 = arith.constant 0 : i32
        %dma_start3A_184 = tpu.memref_slice %arg5[%dma_start3A_182, %dma_start3A_183] : memref<10000x80xf32, #tpu.memory_space<hbm>> -> memref<10000x80xf32, #tpu.memory_space<hbm>>
        tpu.enqueue_indirect_dma source(%dma_start3A_184 : memref<10000x80xf32, #tpu.memory_space<hbm>>) target(%arg20 : memref<112x80xf32, #tpu.memory_space<vmem>>) offsets(%dma_start3A_181 : memref<112xi32, #tpu.memory_space<vmem>>) semaphore(%arg23 : memref<!tpu.dma_semaphore, #tpu.memory_space<semaphore_mem>>)
        %mul3A_185 = arith.constant 3 : i32
        %mul3A_186 = arith.muli %mul3A_185, %scan3A_146 : i32
        %add3A_187 = arith.constant 1 : i32
        %add3A_188 = arith.addi %mul3A_186, %add3A_187 : i32
        %dma_wait3A_189 = arith.constant 0 : i32
        %dma_wait3A_190 = tpu.memref_slice %arg15[%add3A_188, %dma_wait3A_189] : memref<92x112xi32, #tpu.memory_space<vmem>> -> memref<1x112xi32, #tpu.memory_space<vmem>>
        %dma_wait3A_191 = tpu.memref_squeeze %dma_wait3A_190 : memref<1x112xi32, #tpu.memory_space<vmem>> -> memref<112xi32, #tpu.memory_space<vmem>>
        %dma_wait3A_192 = arith.constant 0 : i32
        %dma_wait3A_193 = arith.constant 0 : i32
        %dma_wait3A_194 = tpu.memref_slice %arg5[%dma_wait3A_192, %dma_wait3A_193] : memref<10000x80xf32, #tpu.memory_space<hbm>> -> memref<10000x80xf32, #tpu.memory_space<hbm>>
        tpu.wait_indirect_dma semaphore(%arg22 : memref<!tpu.dma_semaphore, #tpu.memory_space<semaphore_mem>>) src(%dma_wait3A_194 : memref<10000x80xf32, #tpu.memory_space<hbm>>) dst(%arg19 : memref<112x80xf32, #tpu.memory_space<vmem>>)
        %mul3A_195 = arith.constant 90 : i32
        %mul3A_196 = arith.muli %arg1, %mul3A_195 : i32
        %add3A_197 = arith.addi %mul3A_196, %add3A_188 : i32
        %parallel_loop3A_198 = arith.constant 0 : i32
        %parallel_loop3A_199 = arith.constant 7 : i32
        %parallel_loop3A_200 = arith.constant 1 : i32
        scf.for %parallel_loop3A_264 = %parallel_loop3A_198 to %parallel_loop3A_199 step %parallel_loop3A_200  : i32 {
          %parallel_loop3A_265 = tpu.iota {dimensions = array<i32: 0>} : vector<16xi32>
          %parallel_loop3A_266 = arith.constant 16 : i32
          %parallel_loop3A_267 = arith.muli %parallel_loop3A_264, %parallel_loop3A_266 : i32
          %parallel_loop3A_268 = vector.broadcast %parallel_loop3A_267 : i32 to vector<16xi32>
          %parallel_loop3A_269 = arith.addi %parallel_loop3A_268, %parallel_loop3A_265 : vector<16xi32>
          %parallel_loop3A_270 = arith.constant 65 : i32
          %parallel_loop3A_271 = vector.broadcast %parallel_loop3A_270 : i32 to vector<16xi32>
          %parallel_loop3A_272 = tpu.vector_load_idx %arg19[%parallel_loop3A_269, %parallel_loop3A_271] : memref<112x80xf32, #tpu.memory_space<vmem>>[vector<16xi32>, vector<16xi32>], vector<16xf32>,
          %parallel_loop3A_273 = arith.constant 16 : i32
          %parallel_loop3A_274 = arith.muli %parallel_loop3A_264, %parallel_loop3A_273 : i32
          %parallel_loop3A_275 = arith.index_cast %add3A_188 : i32 to index
          %parallel_loop3A_276 = arith.index_cast %parallel_loop3A_274 : i32 to index
          %parallel_loop3A_277 = tpu.vector_load %arg16[%parallel_loop3A_275, %parallel_loop3A_276] {strides = array<i32>} : memref<92x112xi32, #tpu.memory_space<vmem>>, vector<16xi32>,
          %parallel_loop3A_278 = tpu.vector_load_idx %arg14[%parallel_loop3A_277] : memref<10000xf32, #tpu.memory_space<vmem>>[vector<16xi32>], vector<16xf32>,
          %parallel_loop3A_279 = arith.addf %parallel_loop3A_272, %parallel_loop3A_278 : vector<16xf32>
          %parallel_loop3A_280 = arith.constant 0.000000e+00 : f32
          %parallel_loop3A_281 = vector.broadcast %parallel_loop3A_280 : f32 to vector<16xf32>
          %parallel_loop3A_282 = arith.cmpf oge, %parallel_loop3A_279, %parallel_loop3A_281 : vector<16xf32>
          %parallel_loop3A_283 = arith.constant 2.000000e-01 : f32
          %parallel_loop3A_284 = vector.broadcast %parallel_loop3A_283 : f32 to vector<16xf32>
          %parallel_loop3A_285 = arith.mulf %parallel_loop3A_284, %parallel_loop3A_279 : vector<16xf32>
          %parallel_loop3A_286 = arith.select %parallel_loop3A_282, %parallel_loop3A_279, %parallel_loop3A_285 : vector<16xi1>, vector<16xf32>
          %parallel_loop3A_287 = math.exp %parallel_loop3A_286 : vector<16xf32>
          %parallel_loop3A_288 = arith.constant 112 : i32
          %parallel_loop3A_289 = arith.muli %add3A_197, %parallel_loop3A_288 : i32
          %parallel_loop3A_290 = arith.constant 16 : i32
          %parallel_loop3A_291 = arith.muli %parallel_loop3A_264, %parallel_loop3A_290 : i32
          %parallel_loop3A_292 = arith.addi %parallel_loop3A_289, %parallel_loop3A_291 : i32
          %parallel_loop3A_293 = vector.broadcast %parallel_loop3A_292 : i32 to vector<16xi32>
          %parallel_loop3A_294 = arith.addi %parallel_loop3A_293, %parallel_loop3A_265 : vector<16xi32>
          %parallel_loop3A_295 = arith.constant 160000 : i32
          %parallel_loop3A_296 = vector.broadcast %parallel_loop3A_295 : i32 to vector<16xi32>
          %parallel_loop3A_297 = arith.cmpi slt, %parallel_loop3A_294, %parallel_loop3A_296 : vector<16xi32>
          %parallel_loop3A_298 = arith.constant 0.000000e+00 : f32
          %parallel_loop3A_299 = vector.broadcast %parallel_loop3A_298 : f32 to vector<16xf32>
          %parallel_loop3A_300 = arith.select %parallel_loop3A_297, %parallel_loop3A_287, %parallel_loop3A_299 : vector<16xi1>, vector<16xf32>
          %parallel_loop3A_301 = arith.constant 16 : i32
          %parallel_loop3A_302 = arith.muli %parallel_loop3A_264, %parallel_loop3A_301 : i32
          %parallel_loop3A_303 = arith.index_cast %add3A_188 : i32 to index
          %parallel_loop3A_304 = arith.index_cast %parallel_loop3A_302 : i32 to index
          %parallel_loop3A_305 = tpu.vector_load %arg17[%parallel_loop3A_303, %parallel_loop3A_304] {strides = array<i32>} : memref<90x112xf32, #tpu.memory_space<vmem>>, vector<16xf32>,
          tpu.vector_store %arg17[%parallel_loop3A_303, %parallel_loop3A_304], %parallel_loop3A_300 {strides = array<i32>} : memref<90x112xf32, #tpu.memory_space<vmem>>, vector<16xf32>,
        } {sc.loop_unroll_factor = 2 : i64, sc.parallel_access}
        %parallel_loop3A_201 = arith.constant 0 : i32
        %parallel_loop3A_202 = arith.constant 112 : i32
        %parallel_loop3A_203 = arith.constant 1 : i32
        scf.for %parallel_loop3A_264 = %parallel_loop3A_201 to %parallel_loop3A_202 step %parallel_loop3A_203  : i32 {
          %parallel_loop3A_265 = vector.broadcast %add3A_188 : i32 to vector<16xi32>
          %parallel_loop3A_266 = vector.broadcast %parallel_loop3A_264 : i32 to vector<16xi32>
          %parallel_loop3A_267 = tpu.vector_load_idx %arg17[%parallel_loop3A_265, %parallel_loop3A_266] : memref<90x112xf32, #tpu.memory_space<vmem>>[vector<16xi32>, vector<16xi32>], vector<16xf32>,
          %parallel_loop3A_268 = arith.index_cast %parallel_loop3A_264 : i32 to index
          %parallel_loop3A_269 = arith.constant 0 : index
          %parallel_loop3A_270 = tpu.vector_load %arg19[%parallel_loop3A_268, %parallel_loop3A_269] {strides = array<i32>} : memref<112x80xf32, #tpu.memory_space<vmem>>, vector<16xf32>,
          %parallel_loop3A_271 = arith.mulf %parallel_loop3A_270, %parallel_loop3A_267 : vector<16xf32>
          %parallel_loop3A_272 = arith.index_cast %parallel_loop3A_264 : i32 to index
          %parallel_loop3A_273 = arith.constant 0 : index
          %parallel_loop3A_274 = tpu.vector_load %arg19[%parallel_loop3A_272, %parallel_loop3A_273] {strides = array<i32>} : memref<112x80xf32, #tpu.memory_space<vmem>>, vector<16xf32>,
          tpu.vector_store %arg19[%parallel_loop3A_272, %parallel_loop3A_273], %parallel_loop3A_271 {strides = array<i32>} : memref<112x80xf32, #tpu.memory_space<vmem>>, vector<16xf32>,
          %parallel_loop3A_275 = arith.index_cast %parallel_loop3A_264 : i32 to index
          %parallel_loop3A_276 = arith.constant 16 : index
          %parallel_loop3A_277 = tpu.vector_load %arg19[%parallel_loop3A_275, %parallel_loop3A_276] {strides = array<i32>} : memref<112x80xf32, #tpu.memory_space<vmem>>, vector<16xf32>,
          %parallel_loop3A_278 = arith.mulf %parallel_loop3A_277, %parallel_loop3A_267 : vector<16xf32>
          %parallel_loop3A_279 = arith.index_cast %parallel_loop3A_264 : i32 to index
          %parallel_loop3A_280 = arith.constant 16 : index
          %parallel_loop3A_281 = tpu.vector_load %arg19[%parallel_loop3A_279, %parallel_loop3A_280] {strides = array<i32>} : memref<112x80xf32, #tpu.memory_space<vmem>>, vector<16xf32>,
          tpu.vector_store %arg19[%parallel_loop3A_279, %parallel_loop3A_280], %parallel_loop3A_278 {strides = array<i32>} : memref<112x80xf32, #tpu.memory_space<vmem>>, vector<16xf32>,
          %parallel_loop3A_282 = arith.index_cast %parallel_loop3A_264 : i32 to index
          %parallel_loop3A_283 = arith.constant 32 : index
          %parallel_loop3A_284 = tpu.vector_load %arg19[%parallel_loop3A_282, %parallel_loop3A_283] {strides = array<i32>} : memref<112x80xf32, #tpu.memory_space<vmem>>, vector<16xf32>,
          %parallel_loop3A_285 = arith.mulf %parallel_loop3A_284, %parallel_loop3A_267 : vector<16xf32>
          %parallel_loop3A_286 = arith.index_cast %parallel_loop3A_264 : i32 to index
          %parallel_loop3A_287 = arith.constant 32 : index
          %parallel_loop3A_288 = tpu.vector_load %arg19[%parallel_loop3A_286, %parallel_loop3A_287] {strides = array<i32>} : memref<112x80xf32, #tpu.memory_space<vmem>>, vector<16xf32>,
          tpu.vector_store %arg19[%parallel_loop3A_286, %parallel_loop3A_287], %parallel_loop3A_285 {strides = array<i32>} : memref<112x80xf32, #tpu.memory_space<vmem>>, vector<16xf32>,
          %parallel_loop3A_289 = arith.index_cast %parallel_loop3A_264 : i32 to index
          %parallel_loop3A_290 = arith.constant 48 : index
          %parallel_loop3A_291 = tpu.vector_load %arg19[%parallel_loop3A_289, %parallel_loop3A_290] {strides = array<i32>} : memref<112x80xf32, #tpu.memory_space<vmem>>, vector<16xf32>,
          %parallel_loop3A_292 = arith.mulf %parallel_loop3A_291, %parallel_loop3A_267 : vector<16xf32>
          %parallel_loop3A_293 = arith.index_cast %parallel_loop3A_264 : i32 to index
          %parallel_loop3A_294 = arith.constant 48 : index
          %parallel_loop3A_295 = tpu.vector_load %arg19[%parallel_loop3A_293, %parallel_loop3A_294] {strides = array<i32>} : memref<112x80xf32, #tpu.memory_space<vmem>>, vector<16xf32>,
          tpu.vector_store %arg19[%parallel_loop3A_293, %parallel_loop3A_294], %parallel_loop3A_292 {strides = array<i32>} : memref<112x80xf32, #tpu.memory_space<vmem>>, vector<16xf32>,
          %parallel_loop3A_296 = arith.index_cast %parallel_loop3A_264 : i32 to index
          %parallel_loop3A_297 = arith.constant 64 : index
          %parallel_loop3A_298 = tpu.vector_load %arg19[%parallel_loop3A_296, %parallel_loop3A_297] {strides = array<i32>} : memref<112x80xf32, #tpu.memory_space<vmem>>, vector<16xf32>,
          %parallel_loop3A_299 = arith.mulf %parallel_loop3A_298, %parallel_loop3A_267 : vector<16xf32>
          %parallel_loop3A_300 = arith.index_cast %parallel_loop3A_264 : i32 to index
          %parallel_loop3A_301 = arith.constant 64 : index
          %parallel_loop3A_302 = tpu.vector_load %arg19[%parallel_loop3A_300, %parallel_loop3A_301] {strides = array<i32>} : memref<112x80xf32, #tpu.memory_space<vmem>>, vector<16xf32>,
          tpu.vector_store %arg19[%parallel_loop3A_300, %parallel_loop3A_301], %parallel_loop3A_299 {strides = array<i32>} : memref<112x80xf32, #tpu.memory_space<vmem>>, vector<16xf32>,
        } {sc.loop_unroll_factor = 4 : i64, sc.parallel_access}
        %dma_start3A_204 = arith.constant 0 : i32
        %dma_start3A_205 = tpu.memref_slice %arg16[%add3A_188, %dma_start3A_204] : memref<92x112xi32, #tpu.memory_space<vmem>> -> memref<1x112xi32, #tpu.memory_space<vmem>>
        %dma_start3A_206 = tpu.memref_squeeze %dma_start3A_205 : memref<1x112xi32, #tpu.memory_space<vmem>> -> memref<112xi32, #tpu.memory_space<vmem>>
        %dma_start3A_207 = arith.constant 0 : i32
        %dma_start3A_208 = arith.constant 0 : i32
        %dma_start3A_209 = tpu.memref_slice %arg27[%dma_start3A_207, %dma_start3A_208] : memref<10112x80xf32, #tpu.memory_space<vmem_shared>> -> memref<10112x80xf32, #tpu.memory_space<vmem_shared>>
        tpu.enqueue_indirect_dma source(%arg19 : memref<112x80xf32, #tpu.memory_space<vmem>>) target(%dma_start3A_209 : memref<10112x80xf32, #tpu.memory_space<vmem_shared>>) offsets(%dma_start3A_206 : memref<112xi32, #tpu.memory_space<vmem>>) semaphore(%arg25 : memref<!tpu.dma_semaphore, #tpu.memory_space<semaphore_mem>>) {add = true}
        %dma_wait3A_210 = arith.constant 0 : i32
        %dma_wait3A_211 = tpu.memref_slice %arg16[%add3A_188, %dma_wait3A_210] : memref<92x112xi32, #tpu.memory_space<vmem>> -> memref<1x112xi32, #tpu.memory_space<vmem>>
        %dma_wait3A_212 = tpu.memref_squeeze %dma_wait3A_211 : memref<1x112xi32, #tpu.memory_space<vmem>> -> memref<112xi32, #tpu.memory_space<vmem>>
        %dma_wait3A_213 = arith.constant 0 : i32
        %dma_wait3A_214 = arith.constant 0 : i32
        %dma_wait3A_215 = tpu.memref_slice %arg27[%dma_wait3A_213, %dma_wait3A_214] : memref<10112x80xf32, #tpu.memory_space<vmem_shared>> -> memref<10112x80xf32, #tpu.memory_space<vmem_shared>>
        tpu.wait_indirect_dma semaphore(%arg24 : memref<!tpu.dma_semaphore, #tpu.memory_space<semaphore_mem>>) src(%arg18 : memref<112x80xf32, #tpu.memory_space<vmem>>) dst(%dma_wait3A_215 : memref<10112x80xf32, #tpu.memory_space<vmem_shared>>)
        %add3A_216 = arith.constant 2 : i32
        %add3A_217 = arith.addi %add3A_188, %add3A_216 : i32
        %dma_start3A_218 = arith.constant 0 : i32
        %dma_start3A_219 = tpu.memref_slice %arg15[%add3A_217, %dma_start3A_218] : memref<92x112xi32, #tpu.memory_space<vmem>> -> memref<1x112xi32, #tpu.memory_space<vmem>>
        %dma_start3A_220 = tpu.memref_squeeze %dma_start3A_219 : memref<1x112xi32, #tpu.memory_space<vmem>> -> memref<112xi32, #tpu.memory_space<vmem>>
        %dma_start3A_221 = arith.constant 0 : i32
        %dma_start3A_222 = arith.constant 0 : i32
        %dma_start3A_223 = tpu.memref_slice %arg5[%dma_start3A_221, %dma_start3A_222] : memref<10000x80xf32, #tpu.memory_space<hbm>> -> memref<10000x80xf32, #tpu.memory_space<hbm>>
        tpu.enqueue_indirect_dma source(%dma_start3A_223 : memref<10000x80xf32, #tpu.memory_space<hbm>>) target(%arg18 : memref<112x80xf32, #tpu.memory_space<vmem>>) offsets(%dma_start3A_220 : memref<112xi32, #tpu.memory_space<vmem>>) semaphore(%arg21 : memref<!tpu.dma_semaphore, #tpu.memory_space<semaphore_mem>>)
        %mul3A_224 = arith.constant 3 : i32
        %mul3A_225 = arith.muli %mul3A_224, %scan3A_146 : i32
        %add3A_226 = arith.constant 2 : i32
        %add3A_227 = arith.addi %mul3A_225, %add3A_226 : i32
        %dma_wait3A_228 = arith.constant 0 : i32
        %dma_wait3A_229 = tpu.memref_slice %arg15[%add3A_227, %dma_wait3A_228] : memref<92x112xi32, #tpu.memory_space<vmem>> -> memref<1x112xi32, #tpu.memory_space<vmem>>
        %dma_wait3A_230 = tpu.memref_squeeze %dma_wait3A_229 : memref<1x112xi32, #tpu.memory_space<vmem>> -> memref<112xi32, #tpu.memory_space<vmem>>
        %dma_wait3A_231 = arith.constant 0 : i32
        %dma_wait3A_232 = arith.constant 0 : i32
        %dma_wait3A_233 = tpu.memref_slice %arg5[%dma_wait3A_231, %dma_wait3A_232] : memref<10000x80xf32, #tpu.memory_space<hbm>> -> memref<10000x80xf32, #tpu.memory_space<hbm>>
        tpu.wait_indirect_dma semaphore(%arg23 : memref<!tpu.dma_semaphore, #tpu.memory_space<semaphore_mem>>) src(%dma_wait3A_233 : memref<10000x80xf32, #tpu.memory_space<hbm>>) dst(%arg20 : memref<112x80xf32, #tpu.memory_space<vmem>>)
        %mul3A_234 = arith.constant 90 : i32
        %mul3A_235 = arith.muli %arg1, %mul3A_234 : i32
        %add3A_236 = arith.addi %mul3A_235, %add3A_227 : i32
        %parallel_loop3A_237 = arith.constant 0 : i32
        %parallel_loop3A_238 = arith.constant 7 : i32
        %parallel_loop3A_239 = arith.constant 1 : i32
        scf.for %parallel_loop3A_264 = %parallel_loop3A_237 to %parallel_loop3A_238 step %parallel_loop3A_239  : i32 {
          %parallel_loop3A_265 = tpu.iota {dimensions = array<i32: 0>} : vector<16xi32>
          %parallel_loop3A_266 = arith.constant 16 : i32
          %parallel_loop3A_267 = arith.muli %parallel_loop3A_264, %parallel_loop3A_266 : i32
          %parallel_loop3A_268 = vector.broadcast %parallel_loop3A_267 : i32 to vector<16xi32>
          %parallel_loop3A_269 = arith.addi %parallel_loop3A_268, %parallel_loop3A_265 : vector<16xi32>
          %parallel_loop3A_270 = arith.constant 65 : i32
          %parallel_loop3A_271 = vector.broadcast %parallel_loop3A_270 : i32 to vector<16xi32>
          %parallel_loop3A_272 = tpu.vector_load_idx %arg20[%parallel_loop3A_269, %parallel_loop3A_271] : memref<112x80xf32, #tpu.memory_space<vmem>>[vector<16xi32>, vector<16xi32>], vector<16xf32>,
          %parallel_loop3A_273 = arith.constant 16 : i32
          %parallel_loop3A_274 = arith.muli %parallel_loop3A_264, %parallel_loop3A_273 : i32
          %parallel_loop3A_275 = arith.index_cast %add3A_227 : i32 to index
          %parallel_loop3A_276 = arith.index_cast %parallel_loop3A_274 : i32 to index
          %parallel_loop3A_277 = tpu.vector_load %arg16[%parallel_loop3A_275, %parallel_loop3A_276] {strides = array<i32>} : memref<92x112xi32, #tpu.memory_space<vmem>>, vector<16xi32>,
          %parallel_loop3A_278 = tpu.vector_load_idx %arg14[%parallel_loop3A_277] : memref<10000xf32, #tpu.memory_space<vmem>>[vector<16xi32>], vector<16xf32>,
          %parallel_loop3A_279 = arith.addf %parallel_loop3A_272, %parallel_loop3A_278 : vector<16xf32>
          %parallel_loop3A_280 = arith.constant 0.000000e+00 : f32
          %parallel_loop3A_281 = vector.broadcast %parallel_loop3A_280 : f32 to vector<16xf32>
          %parallel_loop3A_282 = arith.cmpf oge, %parallel_loop3A_279, %parallel_loop3A_281 : vector<16xf32>
          %parallel_loop3A_283 = arith.constant 2.000000e-01 : f32
          %parallel_loop3A_284 = vector.broadcast %parallel_loop3A_283 : f32 to vector<16xf32>
          %parallel_loop3A_285 = arith.mulf %parallel_loop3A_284, %parallel_loop3A_279 : vector<16xf32>
          %parallel_loop3A_286 = arith.select %parallel_loop3A_282, %parallel_loop3A_279, %parallel_loop3A_285 : vector<16xi1>, vector<16xf32>
          %parallel_loop3A_287 = math.exp %parallel_loop3A_286 : vector<16xf32>
          %parallel_loop3A_288 = arith.constant 112 : i32
          %parallel_loop3A_289 = arith.muli %add3A_236, %parallel_loop3A_288 : i32
          %parallel_loop3A_290 = arith.constant 16 : i32
          %parallel_loop3A_291 = arith.muli %parallel_loop3A_264, %parallel_loop3A_290 : i32
          %parallel_loop3A_292 = arith.addi %parallel_loop3A_289, %parallel_loop3A_291 : i32
          %parallel_loop3A_293 = vector.broadcast %parallel_loop3A_292 : i32 to vector<16xi32>
          %parallel_loop3A_294 = arith.addi %parallel_loop3A_293, %parallel_loop3A_265 : vector<16xi32>
          %parallel_loop3A_295 = arith.constant 160000 : i32
          %parallel_loop3A_296 = vector.broadcast %parallel_loop3A_295 : i32 to vector<16xi32>
          %parallel_loop3A_297 = arith.cmpi slt, %parallel_loop3A_294, %parallel_loop3A_296 : vector<16xi32>
          %parallel_loop3A_298 = arith.constant 0.000000e+00 : f32
          %parallel_loop3A_299 = vector.broadcast %parallel_loop3A_298 : f32 to vector<16xf32>
          %parallel_loop3A_300 = arith.select %parallel_loop3A_297, %parallel_loop3A_287, %parallel_loop3A_299 : vector<16xi1>, vector<16xf32>
          %parallel_loop3A_301 = arith.constant 16 : i32
          %parallel_loop3A_302 = arith.muli %parallel_loop3A_264, %parallel_loop3A_301 : i32
          %parallel_loop3A_303 = arith.index_cast %add3A_227 : i32 to index
          %parallel_loop3A_304 = arith.index_cast %parallel_loop3A_302 : i32 to index
          %parallel_loop3A_305 = tpu.vector_load %arg17[%parallel_loop3A_303, %parallel_loop3A_304] {strides = array<i32>} : memref<90x112xf32, #tpu.memory_space<vmem>>, vector<16xf32>,
          tpu.vector_store %arg17[%parallel_loop3A_303, %parallel_loop3A_304], %parallel_loop3A_300 {strides = array<i32>} : memref<90x112xf32, #tpu.memory_space<vmem>>, vector<16xf32>,
        } {sc.loop_unroll_factor = 2 : i64, sc.parallel_access}
        %parallel_loop3A_240 = arith.constant 0 : i32
        %parallel_loop3A_241 = arith.constant 112 : i32
        %parallel_loop3A_242 = arith.constant 1 : i32
        scf.for %parallel_loop3A_264 = %parallel_loop3A_240 to %parallel_loop3A_241 step %parallel_loop3A_242  : i32 {
          %parallel_loop3A_265 = vector.broadcast %add3A_227 : i32 to vector<16xi32>
          %parallel_loop3A_266 = vector.broadcast %parallel_loop3A_264 : i32 to vector<16xi32>
          %parallel_loop3A_267 = tpu.vector_load_idx %arg17[%parallel_loop3A_265, %parallel_loop3A_266] : memref<90x112xf32, #tpu.memory_space<vmem>>[vector<16xi32>, vector<16xi32>], vector<16xf32>,
          %parallel_loop3A_268 = arith.index_cast %parallel_loop3A_264 : i32 to index
          %parallel_loop3A_269 = arith.constant 0 : index
          %parallel_loop3A_270 = tpu.vector_load %arg20[%parallel_loop3A_268, %parallel_loop3A_269] {strides = array<i32>} : memref<112x80xf32, #tpu.memory_space<vmem>>, vector<16xf32>,
          %parallel_loop3A_271 = arith.mulf %parallel_loop3A_270, %parallel_loop3A_267 : vector<16xf32>
          %parallel_loop3A_272 = arith.index_cast %parallel_loop3A_264 : i32 to index
          %parallel_loop3A_273 = arith.constant 0 : index
          %parallel_loop3A_274 = tpu.vector_load %arg20[%parallel_loop3A_272, %parallel_loop3A_273] {strides = array<i32>} : memref<112x80xf32, #tpu.memory_space<vmem>>, vector<16xf32>,
          tpu.vector_store %arg20[%parallel_loop3A_272, %parallel_loop3A_273], %parallel_loop3A_271 {strides = array<i32>} : memref<112x80xf32, #tpu.memory_space<vmem>>, vector<16xf32>,
          %parallel_loop3A_275 = arith.index_cast %parallel_loop3A_264 : i32 to index
          %parallel_loop3A_276 = arith.constant 16 : index
          %parallel_loop3A_277 = tpu.vector_load %arg20[%parallel_loop3A_275, %parallel_loop3A_276] {strides = array<i32>} : memref<112x80xf32, #tpu.memory_space<vmem>>, vector<16xf32>,
          %parallel_loop3A_278 = arith.mulf %parallel_loop3A_277, %parallel_loop3A_267 : vector<16xf32>
          %parallel_loop3A_279 = arith.index_cast %parallel_loop3A_264 : i32 to index
          %parallel_loop3A_280 = arith.constant 16 : index
          %parallel_loop3A_281 = tpu.vector_load %arg20[%parallel_loop3A_279, %parallel_loop3A_280] {strides = array<i32>} : memref<112x80xf32, #tpu.memory_space<vmem>>, vector<16xf32>,
          tpu.vector_store %arg20[%parallel_loop3A_279, %parallel_loop3A_280], %parallel_loop3A_278 {strides = array<i32>} : memref<112x80xf32, #tpu.memory_space<vmem>>, vector<16xf32>,
          %parallel_loop3A_282 = arith.index_cast %parallel_loop3A_264 : i32 to index
          %parallel_loop3A_283 = arith.constant 32 : index
          %parallel_loop3A_284 = tpu.vector_load %arg20[%parallel_loop3A_282, %parallel_loop3A_283] {strides = array<i32>} : memref<112x80xf32, #tpu.memory_space<vmem>>, vector<16xf32>,
          %parallel_loop3A_285 = arith.mulf %parallel_loop3A_284, %parallel_loop3A_267 : vector<16xf32>
          %parallel_loop3A_286 = arith.index_cast %parallel_loop3A_264 : i32 to index
          %parallel_loop3A_287 = arith.constant 32 : index
          %parallel_loop3A_288 = tpu.vector_load %arg20[%parallel_loop3A_286, %parallel_loop3A_287] {strides = array<i32>} : memref<112x80xf32, #tpu.memory_space<vmem>>, vector<16xf32>,
          tpu.vector_store %arg20[%parallel_loop3A_286, %parallel_loop3A_287], %parallel_loop3A_285 {strides = array<i32>} : memref<112x80xf32, #tpu.memory_space<vmem>>, vector<16xf32>,
          %parallel_loop3A_289 = arith.index_cast %parallel_loop3A_264 : i32 to index
          %parallel_loop3A_290 = arith.constant 48 : index
          %parallel_loop3A_291 = tpu.vector_load %arg20[%parallel_loop3A_289, %parallel_loop3A_290] {strides = array<i32>} : memref<112x80xf32, #tpu.memory_space<vmem>>, vector<16xf32>,
          %parallel_loop3A_292 = arith.mulf %parallel_loop3A_291, %parallel_loop3A_267 : vector<16xf32>
          %parallel_loop3A_293 = arith.index_cast %parallel_loop3A_264 : i32 to index
          %parallel_loop3A_294 = arith.constant 48 : index
          %parallel_loop3A_295 = tpu.vector_load %arg20[%parallel_loop3A_293, %parallel_loop3A_294] {strides = array<i32>} : memref<112x80xf32, #tpu.memory_space<vmem>>, vector<16xf32>,
          tpu.vector_store %arg20[%parallel_loop3A_293, %parallel_loop3A_294], %parallel_loop3A_292 {strides = array<i32>} : memref<112x80xf32, #tpu.memory_space<vmem>>, vector<16xf32>,
          %parallel_loop3A_296 = arith.index_cast %parallel_loop3A_264 : i32 to index
          %parallel_loop3A_297 = arith.constant 64 : index
          %parallel_loop3A_298 = tpu.vector_load %arg20[%parallel_loop3A_296, %parallel_loop3A_297] {strides = array<i32>} : memref<112x80xf32, #tpu.memory_space<vmem>>, vector<16xf32>,
          %parallel_loop3A_299 = arith.mulf %parallel_loop3A_298, %parallel_loop3A_267 : vector<16xf32>
          %parallel_loop3A_300 = arith.index_cast %parallel_loop3A_264 : i32 to index
          %parallel_loop3A_301 = arith.constant 64 : index
          %parallel_loop3A_302 = tpu.vector_load %arg20[%parallel_loop3A_300, %parallel_loop3A_301] {strides = array<i32>} : memref<112x80xf32, #tpu.memory_space<vmem>>, vector<16xf32>,
          tpu.vector_store %arg20[%parallel_loop3A_300, %parallel_loop3A_301], %parallel_loop3A_299 {strides = array<i32>} : memref<112x80xf32, #tpu.memory_space<vmem>>, vector<16xf32>,
        } {sc.loop_unroll_factor = 4 : i64, sc.parallel_access}
        %dma_start3A_243 = arith.constant 0 : i32
        %dma_start3A_244 = tpu.memref_slice %arg16[%add3A_227, %dma_start3A_243] : memref<92x112xi32, #tpu.memory_space<vmem>> -> memref<1x112xi32, #tpu.memory_space<vmem>>
        %dma_start3A_245 = tpu.memref_squeeze %dma_start3A_244 : memref<1x112xi32, #tpu.memory_space<vmem>> -> memref<112xi32, #tpu.memory_space<vmem>>
        %dma_start3A_246 = arith.constant 0 : i32
        %dma_start3A_247 = arith.constant 0 : i32
        %dma_start3A_248 = tpu.memref_slice %arg27[%dma_start3A_246, %dma_start3A_247] : memref<10112x80xf32, #tpu.memory_space<vmem_shared>> -> memref<10112x80xf32, #tpu.memory_space<vmem_shared>>
        tpu.enqueue_indirect_dma source(%arg20 : memref<112x80xf32, #tpu.memory_space<vmem>>) target(%dma_start3A_248 : memref<10112x80xf32, #tpu.memory_space<vmem_shared>>) offsets(%dma_start3A_245 : memref<112xi32, #tpu.memory_space<vmem>>) semaphore(%arg26 : memref<!tpu.dma_semaphore, #tpu.memory_space<semaphore_mem>>) {add = true}
        %dma_wait3A_249 = arith.constant 0 : i32
        %dma_wait3A_250 = tpu.memref_slice %arg16[%add3A_227, %dma_wait3A_249] : memref<92x112xi32, #tpu.memory_space<vmem>> -> memref<1x112xi32, #tpu.memory_space<vmem>>
        %dma_wait3A_251 = tpu.memref_squeeze %dma_wait3A_250 : memref<1x112xi32, #tpu.memory_space<vmem>> -> memref<112xi32, #tpu.memory_space<vmem>>
        %dma_wait3A_252 = arith.constant 0 : i32
        %dma_wait3A_253 = arith.constant 0 : i32
        %dma_wait3A_254 = tpu.memref_slice %arg27[%dma_wait3A_252, %dma_wait3A_253] : memref<10112x80xf32, #tpu.memory_space<vmem_shared>> -> memref<10112x80xf32, #tpu.memory_space<vmem_shared>>
        tpu.wait_indirect_dma semaphore(%arg25 : memref<!tpu.dma_semaphore, #tpu.memory_space<semaphore_mem>>) src(%arg19 : memref<112x80xf32, #tpu.memory_space<vmem>>) dst(%dma_wait3A_254 : memref<10112x80xf32, #tpu.memory_space<vmem_shared>>)
        %add3A_255 = arith.constant 2 : i32
        %add3A_256 = arith.addi %add3A_227, %add3A_255 : i32
        %dma_start3A_257 = arith.constant 0 : i32
        %dma_start3A_258 = tpu.memref_slice %arg15[%add3A_256, %dma_start3A_257] : memref<92x112xi32, #tpu.memory_space<vmem>> -> memref<1x112xi32, #tpu.memory_space<vmem>>
        %dma_start3A_259 = tpu.memref_squeeze %dma_start3A_258 : memref<1x112xi32, #tpu.memory_space<vmem>> -> memref<112xi32, #tpu.memory_space<vmem>>
        %dma_start3A_260 = arith.constant 0 : i32
        %dma_start3A_261 = arith.constant 0 : i32
        %dma_start3A_262 = tpu.memref_slice %arg5[%dma_start3A_260, %dma_start3A_261] : memref<10000x80xf32, #tpu.memory_space<hbm>> -> memref<10000x80xf32, #tpu.memory_space<hbm>>
        tpu.enqueue_indirect_dma source(%dma_start3A_262 : memref<10000x80xf32, #tpu.memory_space<hbm>>) target(%arg19 : memref<112x80xf32, #tpu.memory_space<vmem>>) offsets(%dma_start3A_259 : memref<112xi32, #tpu.memory_space<vmem>>) semaphore(%arg22 : memref<!tpu.dma_semaphore, #tpu.memory_space<semaphore_mem>>)
        %scan3A_263 = arith.constant 0 : i32
        scf.yield %scan3A_263 : i32
      }
      %scan3A_58 = arith.constant 30 : i32
      %dma_wait3A_59 = arith.constant 0 : i32
      %dma_wait3A_60 = arith.constant 0 : i32
      %dma_wait3A_61 = tpu.memref_slice %arg15[%dma_wait3A_59, %dma_wait3A_60] : memref<92x112xi32, #tpu.memory_space<vmem>> -> memref<1x112xi32, #tpu.memory_space<vmem>>
      %dma_wait3A_62 = tpu.memref_squeeze %dma_wait3A_61 : memref<1x112xi32, #tpu.memory_space<vmem>> -> memref<112xi32, #tpu.memory_space<vmem>>
      %dma_wait3A_63 = arith.constant 0 : i32
      %dma_wait3A_64 = arith.constant 0 : i32
      %dma_wait3A_65 = tpu.memref_slice %arg5[%dma_wait3A_63, %dma_wait3A_64] : memref<10000x80xf32, #tpu.memory_space<hbm>> -> memref<10000x80xf32, #tpu.memory_space<hbm>>
      tpu.wait_indirect_dma semaphore(%arg21 : memref<!tpu.dma_semaphore, #tpu.memory_space<semaphore_mem>>) src(%dma_wait3A_65 : memref<10000x80xf32, #tpu.memory_space<hbm>>) dst(%arg18 : memref<112x80xf32, #tpu.memory_space<vmem>>)
      %dma_wait3A_66 = arith.constant 0 : i32
      %dma_wait3A_67 = arith.constant 0 : i32
      %dma_wait3A_68 = tpu.memref_slice %arg15[%dma_wait3A_66, %dma_wait3A_67] : memref<92x112xi32, #tpu.memory_space<vmem>> -> memref<1x112xi32, #tpu.memory_space<vmem>>
      %dma_wait3A_69 = tpu.memref_squeeze %dma_wait3A_68 : memref<1x112xi32, #tpu.memory_space<vmem>> -> memref<112xi32, #tpu.memory_space<vmem>>
      %dma_wait3A_70 = arith.constant 0 : i32
      %dma_wait3A_71 = arith.constant 0 : i32
      %dma_wait3A_72 = tpu.memref_slice %arg5[%dma_wait3A_70, %dma_wait3A_71] : memref<10000x80xf32, #tpu.memory_space<hbm>> -> memref<10000x80xf32, #tpu.memory_space<hbm>>
      tpu.wait_indirect_dma semaphore(%arg22 : memref<!tpu.dma_semaphore, #tpu.memory_space<semaphore_mem>>) src(%dma_wait3A_72 : memref<10000x80xf32, #tpu.memory_space<hbm>>) dst(%arg19 : memref<112x80xf32, #tpu.memory_space<vmem>>)
      %dma_wait3A_73 = arith.constant 0 : i32
      %dma_wait3A_74 = arith.constant 0 : i32
      %dma_wait3A_75 = tpu.memref_slice %arg16[%dma_wait3A_73, %dma_wait3A_74] : memref<92x112xi32, #tpu.memory_space<vmem>> -> memref<1x112xi32, #tpu.memory_space<vmem>>
      %dma_wait3A_76 = tpu.memref_squeeze %dma_wait3A_75 : memref<1x112xi32, #tpu.memory_space<vmem>> -> memref<112xi32, #tpu.memory_space<vmem>>
      %dma_wait3A_77 = arith.constant 0 : i32
      %dma_wait3A_78 = arith.constant 0 : i32
      %dma_wait3A_79 = tpu.memref_slice %arg27[%dma_wait3A_77, %dma_wait3A_78] : memref<10112x80xf32, #tpu.memory_space<vmem_shared>> -> memref<10112x80xf32, #tpu.memory_space<vmem_shared>>
      tpu.wait_indirect_dma semaphore(%arg26 : memref<!tpu.dma_semaphore, #tpu.memory_space<semaphore_mem>>) src(%arg20 : memref<112x80xf32, #tpu.memory_space<vmem>>) dst(%dma_wait3A_79 : memref<10112x80xf32, #tpu.memory_space<vmem_shared>>)
      %dma_start3A_80 = arith.constant 0 : i32
      %dma_start3A_81 = arith.constant 0 : i32
      %dma_start3A_82 = tpu.memref_slice %arg15[%dma_start3A_80, %dma_start3A_81] : memref<92x112xi32, #tpu.memory_space<vmem>> -> memref<1x112xi32, #tpu.memory_space<vmem>>
      %dma_start3A_83 = tpu.memref_squeeze %dma_start3A_82 : memref<1x112xi32, #tpu.memory_space<vmem>> -> memref<112xi32, #tpu.memory_space<vmem>>
      %dma_start3A_84 = arith.constant 0 : i32
      %dma_start3A_85 = arith.constant 0 : i32
      %dma_start3A_86 = tpu.memref_slice %arg4[%dma_start3A_84, %dma_start3A_85] : memref<10000x80xf32, #tpu.memory_space<hbm>> -> memref<10000x80xf32, #tpu.memory_space<hbm>>
      tpu.enqueue_indirect_dma source(%dma_start3A_86 : memref<10000x80xf32, #tpu.memory_space<hbm>>) target(%arg18 : memref<112x80xf32, #tpu.memory_space<vmem>>) offsets(%dma_start3A_83 : memref<112xi32, #tpu.memory_space<vmem>>) semaphore(%arg21 : memref<!tpu.dma_semaphore, #tpu.memory_space<semaphore_mem>>)
      %dma_start3A_87 = arith.constant 1 : i32
      %dma_start3A_88 = arith.constant 0 : i32
      %dma_start3A_89 = tpu.memref_slice %arg15[%dma_start3A_87, %dma_start3A_88] : memref<92x112xi32, #tpu.memory_space<vmem>> -> memref<1x112xi32, #tpu.memory_space<vmem>>
      %dma_start3A_90 = tpu.memref_squeeze %dma_start3A_89 : memref<1x112xi32, #tpu.memory_space<vmem>> -> memref<112xi32, #tpu.memory_space<vmem>>
      %dma_start3A_91 = arith.constant 0 : i32
      %dma_start3A_92 = arith.constant 0 : i32
      %dma_start3A_93 = tpu.memref_slice %arg4[%dma_start3A_91, %dma_start3A_92] : memref<10000x80xf32, #tpu.memory_space<hbm>> -> memref<10000x80xf32, #tpu.memory_space<hbm>>
      tpu.enqueue_indirect_dma source(%dma_start3A_93 : memref<10000x80xf32, #tpu.memory_space<hbm>>) target(%arg19 : memref<112x80xf32, #tpu.memory_space<vmem>>) offsets(%dma_start3A_90 : memref<112xi32, #tpu.memory_space<vmem>>) semaphore(%arg22 : memref<!tpu.dma_semaphore, #tpu.memory_space<semaphore_mem>>)
      "tpu.region"() ({
        %run_scoped3A_146 = tpu.sem_alloc : memref<!tpu.dma_semaphore, #tpu.memory_space<semaphore_mem>>
        %dma_start3A_147 = arith.constant 0 : i32
        %dma_start3A_148 = arith.constant 0 : i32
        %dma_start3A_149 = tpu.memref_slice %arg12[%dma_start3A_147, %dma_start3A_148] : memref<632x80xf32, #tpu.memory_space<hbm>> -> memref<112x80xf32, #tpu.memory_space<hbm>>
        %dma_start3A_150 = arith.constant 0 : i32
        %dma_start3A_151 = arith.constant 0 : i32
        %dma_start3A_152 = tpu.memref_slice %arg12[%dma_start3A_150, %dma_start3A_151] : memref<632x80xf32, #tpu.memory_space<hbm>> -> memref<112x80xf32, #tpu.memory_space<hbm>>
        tpu.enqueue_dma source(%dma_start3A_152 : memref<112x80xf32, #tpu.memory_space<hbm>>) target(%arg20 : memref<112x80xf32, #tpu.memory_space<vmem>>) target_semaphore(%run_scoped3A_146 : memref<!tpu.dma_semaphore, #tpu.memory_space<semaphore_mem>>)
        %dma_wait3A_153 = arith.constant 0 : i32
        %dma_wait3A_154 = arith.constant 0 : i32
        %dma_wait3A_155 = tpu.memref_slice %arg12[%dma_wait3A_153, %dma_wait3A_154] : memref<632x80xf32, #tpu.memory_space<hbm>> -> memref<112x80xf32, #tpu.memory_space<hbm>>
        %dma_wait3A_156 = arith.constant 0 : i32
        %dma_wait3A_157 = arith.constant 0 : i32
        %dma_wait3A_158 = tpu.memref_slice %arg12[%dma_wait3A_156, %dma_wait3A_157] : memref<632x80xf32, #tpu.memory_space<hbm>> -> memref<112x80xf32, #tpu.memory_space<hbm>>
        tpu.wait_dma2 semaphore(%run_scoped3A_146 : memref<!tpu.dma_semaphore, #tpu.memory_space<semaphore_mem>>) src(%dma_wait3A_158 : memref<112x80xf32, #tpu.memory_space<hbm>>) dst(%arg20 : memref<112x80xf32, #tpu.memory_space<vmem>>)
        tpu.yield
      }) : () -> ()
      %dma_start3A_94 = arith.constant 90 : i32
      %dma_start3A_95 = arith.constant 0 : i32
      %dma_start3A_96 = tpu.memref_slice %arg16[%dma_start3A_94, %dma_start3A_95] : memref<92x112xi32, #tpu.memory_space<vmem>> -> memref<1x112xi32, #tpu.memory_space<vmem>>
      %dma_start3A_97 = tpu.memref_squeeze %dma_start3A_96 : memref<1x112xi32, #tpu.memory_space<vmem>> -> memref<112xi32, #tpu.memory_space<vmem>>
      %dma_start3A_98 = arith.constant 0 : i32
      %dma_start3A_99 = arith.constant 0 : i32
      %dma_start3A_100 = tpu.memref_slice %arg27[%dma_start3A_98, %dma_start3A_99] : memref<10112x80xf32, #tpu.memory_space<vmem_shared>> -> memref<10112x80xf32, #tpu.memory_space<vmem_shared>>
      tpu.enqueue_indirect_dma source(%arg20 : memref<112x80xf32, #tpu.memory_space<vmem>>) target(%dma_start3A_100 : memref<10112x80xf32, #tpu.memory_space<vmem_shared>>) offsets(%dma_start3A_97 : memref<112xi32, #tpu.memory_space<vmem>>) semaphore(%arg26 : memref<!tpu.dma_semaphore, #tpu.memory_space<semaphore_mem>>) {add = true}
      %barrier3A_101 = arith.constant 0 : index
      tpu.barrier barrier_id(%barrier3A_101)
      %mul3A_102 = arith.constant 632 : i32
      %mul3A_103 = arith.muli %arg1, %mul3A_102 : i32
      %run_scoped3A = arith.constant 1 : i32
      %run_scoped3A_104 = arith.constant 1 : i32
      "tpu.region"() ({
        %run_scoped3A_146 = tpu.sem_alloc : memref<!tpu.dma_semaphore, #tpu.memory_space<semaphore_mem>>
        %dma_start3A_147 = arith.constant 0 : i32
        %dma_start3A_148 = tpu.memref_slice %arg13[%run_scoped3A, %run_scoped3A_104, %mul3A_52, %dma_start3A_147] : memref<2x2x10112x80xf32, #tpu.memory_space<hbm>> -> memref<1x1x632x80xf32, #tpu.memory_space<hbm>>
        %dma_start3A_149 = tpu.memref_squeeze %dma_start3A_148 : memref<1x1x632x80xf32, #tpu.memory_space<hbm>> -> memref<632x80xf32, #tpu.memory_space<hbm>>
        %dma_start3A_150 = arith.constant 0 : i32
        %dma_start3A_151 = tpu.memref_slice %arg27[%mul3A_103, %dma_start3A_150] : memref<10112x80xf32, #tpu.memory_space<vmem_shared>> -> memref<632x80xf32, #tpu.memory_space<vmem_shared>>
        tpu.enqueue_dma source(%dma_start3A_151 : memref<632x80xf32, #tpu.memory_space<vmem_shared>>) target(%dma_start3A_149 : memref<632x80xf32, #tpu.memory_space<hbm>>) target_semaphore(%run_scoped3A_146 : memref<!tpu.dma_semaphore, #tpu.memory_space<semaphore_mem>>)
        %dma_wait3A_152 = arith.constant 0 : i32
        %dma_wait3A_153 = tpu.memref_slice %arg13[%run_scoped3A, %run_scoped3A_104, %mul3A_52, %dma_wait3A_152] : memref<2x2x10112x80xf32, #tpu.memory_space<hbm>> -> memref<1x1x632x80xf32, #tpu.memory_space<hbm>>
        %dma_wait3A_154 = tpu.memref_squeeze %dma_wait3A_153 : memref<1x1x632x80xf32, #tpu.memory_space<hbm>> -> memref<632x80xf32, #tpu.memory_space<hbm>>
        %dma_wait3A_155 = arith.constant 0 : i32
        %dma_wait3A_156 = tpu.memref_slice %arg27[%mul3A_103, %dma_wait3A_155] : memref<10112x80xf32, #tpu.memory_space<vmem_shared>> -> memref<632x80xf32, #tpu.memory_space<vmem_shared>>
        tpu.wait_dma2 semaphore(%run_scoped3A_146 : memref<!tpu.dma_semaphore, #tpu.memory_space<semaphore_mem>>) src(%dma_wait3A_156 : memref<632x80xf32, #tpu.memory_space<vmem_shared>>) dst(%dma_wait3A_154 : memref<632x80xf32, #tpu.memory_space<hbm>>)
        tpu.yield
      }) : () -> ()
      %mul3A_105 = arith.constant 632 : i32
      %mul3A_106 = arith.muli %arg1, %mul3A_105 : i32
      "tpu.region"() ({
        %run_scoped3A_146 = tpu.sem_alloc : memref<!tpu.dma_semaphore, #tpu.memory_space<semaphore_mem>>
        %dma_start3A_147 = arith.constant 0 : i32
        %dma_start3A_148 = tpu.memref_slice %arg27[%mul3A_106, %dma_start3A_147] : memref<10112x80xf32, #tpu.memory_space<vmem_shared>> -> memref<632x80xf32, #tpu.memory_space<vmem_shared>>
        tpu.enqueue_dma source(%arg12 : memref<632x80xf32, #tpu.memory_space<hbm>>) target(%dma_start3A_148 : memref<632x80xf32, #tpu.memory_space<vmem_shared>>) target_semaphore(%run_scoped3A_146 : memref<!tpu.dma_semaphore, #tpu.memory_space<semaphore_mem>>)
        %dma_wait3A_149 = arith.constant 0 : i32
        %dma_wait3A_150 = tpu.memref_slice %arg27[%mul3A_106, %dma_wait3A_149] : memref<10112x80xf32, #tpu.memory_space<vmem_shared>> -> memref<632x80xf32, #tpu.memory_space<vmem_shared>>
        tpu.wait_dma2 semaphore(%run_scoped3A_146 : memref<!tpu.dma_semaphore, #tpu.memory_space<semaphore_mem>>) src(%arg12 : memref<632x80xf32, #tpu.memory_space<hbm>>) dst(%dma_wait3A_150 : memref<632x80xf32, #tpu.memory_space<vmem_shared>>)
        tpu.yield
      }) : () -> ()
      %barrier3A_107 = arith.constant 0 : index
      tpu.barrier barrier_id(%barrier3A_107)
      %mul3A_108 = arith.constant 632 : i32
      %mul3A_109 = arith.muli %arg1, %mul3A_108 : i32
      %scan3A_110 = arith.constant 0 : i32
      %scan3A_111 = arith.constant 0 : i32
      %scan3A_112 = arith.constant 30 : i32
      %scan3A_113 = arith.addi %scan3A_111, %scan3A_112 : i32
      %scan3A_114 = arith.constant 1 : i32
      %scan3A_115 = scf.for %scan3A_146 = %scan3A_111 to %scan3A_113 step %scan3A_114 iter_args(%scan3A_147 = %scan3A_110) -> (i32)  : i32 {
        %mul3A_148 = arith.constant 3 : i32
        %mul3A_149 = arith.muli %mul3A_148, %scan3A_146 : i32
        %add3A = arith.constant 0 : i32
        %add3A_150 = arith.addi %mul3A_149, %add3A : i32
        %dma_wait3A_151 = arith.constant 0 : i32
        %dma_wait3A_152 = tpu.memref_slice %arg15[%add3A_150, %dma_wait3A_151] : memref<92x112xi32, #tpu.memory_space<vmem>> -> memref<1x112xi32, #tpu.memory_space<vmem>>
        %dma_wait3A_153 = tpu.memref_squeeze %dma_wait3A_152 : memref<1x112xi32, #tpu.memory_space<vmem>> -> memref<112xi32, #tpu.memory_space<vmem>>
        %dma_wait3A_154 = arith.constant 0 : i32
        %dma_wait3A_155 = arith.constant 0 : i32
        %dma_wait3A_156 = tpu.memref_slice %arg4[%dma_wait3A_154, %dma_wait3A_155] : memref<10000x80xf32, #tpu.memory_space<hbm>> -> memref<10000x80xf32, #tpu.memory_space<hbm>>
        tpu.wait_indirect_dma semaphore(%arg21 : memref<!tpu.dma_semaphore, #tpu.memory_space<semaphore_mem>>) src(%dma_wait3A_156 : memref<10000x80xf32, #tpu.memory_space<hbm>>) dst(%arg18 : memref<112x80xf32, #tpu.memory_space<vmem>>)
        %parallel_loop3A = arith.constant 0 : i32
        %parallel_loop3A_157 = arith.constant 112 : i32
        %parallel_loop3A_158 = arith.constant 1 : i32
        scf.for %parallel_loop3A_246 = %parallel_loop3A to %parallel_loop3A_157 step %parallel_loop3A_158  : i32 {
          %parallel_loop3A_247 = vector.broadcast %add3A_150 : i32 to vector<16xi32>
          %parallel_loop3A_248 = vector.broadcast %parallel_loop3A_246 : i32 to vector<16xi32>
          %parallel_loop3A_249 = tpu.vector_load_idx %arg17[%parallel_loop3A_247, %parallel_loop3A_248] : memref<90x112xf32, #tpu.memory_space<vmem>>[vector<16xi32>, vector<16xi32>], vector<16xf32>,
          %parallel_loop3A_250 = arith.index_cast %parallel_loop3A_246 : i32 to index
          %parallel_loop3A_251 = arith.constant 0 : index
          %parallel_loop3A_252 = tpu.vector_load %arg18[%parallel_loop3A_250, %parallel_loop3A_251] {strides = array<i32>} : memref<112x80xf32, #tpu.memory_space<vmem>>, vector<16xf32>,
          %parallel_loop3A_253 = arith.mulf %parallel_loop3A_252, %parallel_loop3A_249 : vector<16xf32>
          %parallel_loop3A_254 = arith.index_cast %parallel_loop3A_246 : i32 to index
          %parallel_loop3A_255 = arith.constant 0 : index
          %parallel_loop3A_256 = tpu.vector_load %arg18[%parallel_loop3A_254, %parallel_loop3A_255] {strides = array<i32>} : memref<112x80xf32, #tpu.memory_space<vmem>>, vector<16xf32>,
          tpu.vector_store %arg18[%parallel_loop3A_254, %parallel_loop3A_255], %parallel_loop3A_253 {strides = array<i32>} : memref<112x80xf32, #tpu.memory_space<vmem>>, vector<16xf32>,
          %parallel_loop3A_257 = arith.index_cast %parallel_loop3A_246 : i32 to index
          %parallel_loop3A_258 = arith.constant 16 : index
          %parallel_loop3A_259 = tpu.vector_load %arg18[%parallel_loop3A_257, %parallel_loop3A_258] {strides = array<i32>} : memref<112x80xf32, #tpu.memory_space<vmem>>, vector<16xf32>,
          %parallel_loop3A_260 = arith.mulf %parallel_loop3A_259, %parallel_loop3A_249 : vector<16xf32>
          %parallel_loop3A_261 = arith.index_cast %parallel_loop3A_246 : i32 to index
          %parallel_loop3A_262 = arith.constant 16 : index
          %parallel_loop3A_263 = tpu.vector_load %arg18[%parallel_loop3A_261, %parallel_loop3A_262] {strides = array<i32>} : memref<112x80xf32, #tpu.memory_space<vmem>>, vector<16xf32>,
          tpu.vector_store %arg18[%parallel_loop3A_261, %parallel_loop3A_262], %parallel_loop3A_260 {strides = array<i32>} : memref<112x80xf32, #tpu.memory_space<vmem>>, vector<16xf32>,
          %parallel_loop3A_264 = arith.index_cast %parallel_loop3A_246 : i32 to index
          %parallel_loop3A_265 = arith.constant 32 : index
          %parallel_loop3A_266 = tpu.vector_load %arg18[%parallel_loop3A_264, %parallel_loop3A_265] {strides = array<i32>} : memref<112x80xf32, #tpu.memory_space<vmem>>, vector<16xf32>,
          %parallel_loop3A_267 = arith.mulf %parallel_loop3A_266, %parallel_loop3A_249 : vector<16xf32>
          %parallel_loop3A_268 = arith.index_cast %parallel_loop3A_246 : i32 to index
          %parallel_loop3A_269 = arith.constant 32 : index
          %parallel_loop3A_270 = tpu.vector_load %arg18[%parallel_loop3A_268, %parallel_loop3A_269] {strides = array<i32>} : memref<112x80xf32, #tpu.memory_space<vmem>>, vector<16xf32>,
          tpu.vector_store %arg18[%parallel_loop3A_268, %parallel_loop3A_269], %parallel_loop3A_267 {strides = array<i32>} : memref<112x80xf32, #tpu.memory_space<vmem>>, vector<16xf32>,
          %parallel_loop3A_271 = arith.index_cast %parallel_loop3A_246 : i32 to index
          %parallel_loop3A_272 = arith.constant 48 : index
          %parallel_loop3A_273 = tpu.vector_load %arg18[%parallel_loop3A_271, %parallel_loop3A_272] {strides = array<i32>} : memref<112x80xf32, #tpu.memory_space<vmem>>, vector<16xf32>,
          %parallel_loop3A_274 = arith.mulf %parallel_loop3A_273, %parallel_loop3A_249 : vector<16xf32>
          %parallel_loop3A_275 = arith.index_cast %parallel_loop3A_246 : i32 to index
          %parallel_loop3A_276 = arith.constant 48 : index
          %parallel_loop3A_277 = tpu.vector_load %arg18[%parallel_loop3A_275, %parallel_loop3A_276] {strides = array<i32>} : memref<112x80xf32, #tpu.memory_space<vmem>>, vector<16xf32>,
          tpu.vector_store %arg18[%parallel_loop3A_275, %parallel_loop3A_276], %parallel_loop3A_274 {strides = array<i32>} : memref<112x80xf32, #tpu.memory_space<vmem>>, vector<16xf32>,
          %parallel_loop3A_278 = arith.index_cast %parallel_loop3A_246 : i32 to index
          %parallel_loop3A_279 = arith.constant 64 : index
          %parallel_loop3A_280 = tpu.vector_load %arg18[%parallel_loop3A_278, %parallel_loop3A_279] {strides = array<i32>} : memref<112x80xf32, #tpu.memory_space<vmem>>, vector<16xf32>,
          %parallel_loop3A_281 = arith.mulf %parallel_loop3A_280, %parallel_loop3A_249 : vector<16xf32>
          %parallel_loop3A_282 = arith.index_cast %parallel_loop3A_246 : i32 to index
          %parallel_loop3A_283 = arith.constant 64 : index
          %parallel_loop3A_284 = tpu.vector_load %arg18[%parallel_loop3A_282, %parallel_loop3A_283] {strides = array<i32>} : memref<112x80xf32, #tpu.memory_space<vmem>>, vector<16xf32>,
          tpu.vector_store %arg18[%parallel_loop3A_282, %parallel_loop3A_283], %parallel_loop3A_281 {strides = array<i32>} : memref<112x80xf32, #tpu.memory_space<vmem>>, vector<16xf32>,
        } {sc.loop_unroll_factor = 4 : i64, sc.parallel_access}
        %dma_start3A_159 = arith.constant 0 : i32
        %dma_start3A_160 = tpu.memref_slice %arg16[%add3A_150, %dma_start3A_159] : memref<92x112xi32, #tpu.memory_space<vmem>> -> memref<1x112xi32, #tpu.memory_space<vmem>>
        %dma_start3A_161 = tpu.memref_squeeze %dma_start3A_160 : memref<1x112xi32, #tpu.memory_space<vmem>> -> memref<112xi32, #tpu.memory_space<vmem>>
        %dma_start3A_162 = arith.constant 0 : i32
        %dma_start3A_163 = arith.constant 0 : i32
        %dma_start3A_164 = tpu.memref_slice %arg27[%dma_start3A_162, %dma_start3A_163] : memref<10112x80xf32, #tpu.memory_space<vmem_shared>> -> memref<10112x80xf32, #tpu.memory_space<vmem_shared>>
        tpu.enqueue_indirect_dma source(%arg18 : memref<112x80xf32, #tpu.memory_space<vmem>>) target(%dma_start3A_164 : memref<10112x80xf32, #tpu.memory_space<vmem_shared>>) offsets(%dma_start3A_161 : memref<112xi32, #tpu.memory_space<vmem>>) semaphore(%arg24 : memref<!tpu.dma_semaphore, #tpu.memory_space<semaphore_mem>>) {add = true}
        %dma_wait3A_165 = arith.constant 0 : i32
        %dma_wait3A_166 = tpu.memref_slice %arg16[%add3A_150, %dma_wait3A_165] : memref<92x112xi32, #tpu.memory_space<vmem>> -> memref<1x112xi32, #tpu.memory_space<vmem>>
        %dma_wait3A_167 = tpu.memref_squeeze %dma_wait3A_166 : memref<1x112xi32, #tpu.memory_space<vmem>> -> memref<112xi32, #tpu.memory_space<vmem>>
        %dma_wait3A_168 = arith.constant 0 : i32
        %dma_wait3A_169 = arith.constant 0 : i32
        %dma_wait3A_170 = tpu.memref_slice %arg27[%dma_wait3A_168, %dma_wait3A_169] : memref<10112x80xf32, #tpu.memory_space<vmem_shared>> -> memref<10112x80xf32, #tpu.memory_space<vmem_shared>>
        tpu.wait_indirect_dma semaphore(%arg26 : memref<!tpu.dma_semaphore, #tpu.memory_space<semaphore_mem>>) src(%arg20 : memref<112x80xf32, #tpu.memory_space<vmem>>) dst(%dma_wait3A_170 : memref<10112x80xf32, #tpu.memory_space<vmem_shared>>)
        %add3A_171 = arith.constant 2 : i32
        %add3A_172 = arith.addi %add3A_150, %add3A_171 : i32
        %dma_start3A_173 = arith.constant 0 : i32
        %dma_start3A_174 = tpu.memref_slice %arg15[%add3A_172, %dma_start3A_173] : memref<92x112xi32, #tpu.memory_space<vmem>> -> memref<1x112xi32, #tpu.memory_space<vmem>>
        %dma_start3A_175 = tpu.memref_squeeze %dma_start3A_174 : memref<1x112xi32, #tpu.memory_space<vmem>> -> memref<112xi32, #tpu.memory_space<vmem>>
        %dma_start3A_176 = arith.constant 0 : i32
        %dma_start3A_177 = arith.constant 0 : i32
        %dma_start3A_178 = tpu.memref_slice %arg4[%dma_start3A_176, %dma_start3A_177] : memref<10000x80xf32, #tpu.memory_space<hbm>> -> memref<10000x80xf32, #tpu.memory_space<hbm>>
        tpu.enqueue_indirect_dma source(%dma_start3A_178 : memref<10000x80xf32, #tpu.memory_space<hbm>>) target(%arg20 : memref<112x80xf32, #tpu.memory_space<vmem>>) offsets(%dma_start3A_175 : memref<112xi32, #tpu.memory_space<vmem>>) semaphore(%arg23 : memref<!tpu.dma_semaphore, #tpu.memory_space<semaphore_mem>>)
        %mul3A_179 = arith.constant 3 : i32
        %mul3A_180 = arith.muli %mul3A_179, %scan3A_146 : i32
        %add3A_181 = arith.constant 1 : i32
        %add3A_182 = arith.addi %mul3A_180, %add3A_181 : i32
        %dma_wait3A_183 = arith.constant 0 : i32
        %dma_wait3A_184 = tpu.memref_slice %arg15[%add3A_182, %dma_wait3A_183] : memref<92x112xi32, #tpu.memory_space<vmem>> -> memref<1x112xi32, #tpu.memory_space<vmem>>
        %dma_wait3A_185 = tpu.memref_squeeze %dma_wait3A_184 : memref<1x112xi32, #tpu.memory_space<vmem>> -> memref<112xi32, #tpu.memory_space<vmem>>
        %dma_wait3A_186 = arith.constant 0 : i32
        %dma_wait3A_187 = arith.constant 0 : i32
        %dma_wait3A_188 = tpu.memref_slice %arg4[%dma_wait3A_186, %dma_wait3A_187] : memref<10000x80xf32, #tpu.memory_space<hbm>> -> memref<10000x80xf32, #tpu.memory_space<hbm>>
        tpu.wait_indirect_dma semaphore(%arg22 : memref<!tpu.dma_semaphore, #tpu.memory_space<semaphore_mem>>) src(%dma_wait3A_188 : memref<10000x80xf32, #tpu.memory_space<hbm>>) dst(%arg19 : memref<112x80xf32, #tpu.memory_space<vmem>>)
        %parallel_loop3A_189 = arith.constant 0 : i32
        %parallel_loop3A_190 = arith.constant 112 : i32
        %parallel_loop3A_191 = arith.constant 1 : i32
        scf.for %parallel_loop3A_246 = %parallel_loop3A_189 to %parallel_loop3A_190 step %parallel_loop3A_191  : i32 {
          %parallel_loop3A_247 = vector.broadcast %add3A_182 : i32 to vector<16xi32>
          %parallel_loop3A_248 = vector.broadcast %parallel_loop3A_246 : i32 to vector<16xi32>
          %parallel_loop3A_249 = tpu.vector_load_idx %arg17[%parallel_loop3A_247, %parallel_loop3A_248] : memref<90x112xf32, #tpu.memory_space<vmem>>[vector<16xi32>, vector<16xi32>], vector<16xf32>,
          %parallel_loop3A_250 = arith.index_cast %parallel_loop3A_246 : i32 to index
          %parallel_loop3A_251 = arith.constant 0 : index
          %parallel_loop3A_252 = tpu.vector_load %arg19[%parallel_loop3A_250, %parallel_loop3A_251] {strides = array<i32>} : memref<112x80xf32, #tpu.memory_space<vmem>>, vector<16xf32>,
          %parallel_loop3A_253 = arith.mulf %parallel_loop3A_252, %parallel_loop3A_249 : vector<16xf32>
          %parallel_loop3A_254 = arith.index_cast %parallel_loop3A_246 : i32 to index
          %parallel_loop3A_255 = arith.constant 0 : index
          %parallel_loop3A_256 = tpu.vector_load %arg19[%parallel_loop3A_254, %parallel_loop3A_255] {strides = array<i32>} : memref<112x80xf32, #tpu.memory_space<vmem>>, vector<16xf32>,
          tpu.vector_store %arg19[%parallel_loop3A_254, %parallel_loop3A_255], %parallel_loop3A_253 {strides = array<i32>} : memref<112x80xf32, #tpu.memory_space<vmem>>, vector<16xf32>,
          %parallel_loop3A_257 = arith.index_cast %parallel_loop3A_246 : i32 to index
          %parallel_loop3A_258 = arith.constant 16 : index
          %parallel_loop3A_259 = tpu.vector_load %arg19[%parallel_loop3A_257, %parallel_loop3A_258] {strides = array<i32>} : memref<112x80xf32, #tpu.memory_space<vmem>>, vector<16xf32>,
          %parallel_loop3A_260 = arith.mulf %parallel_loop3A_259, %parallel_loop3A_249 : vector<16xf32>
          %parallel_loop3A_261 = arith.index_cast %parallel_loop3A_246 : i32 to index
          %parallel_loop3A_262 = arith.constant 16 : index
          %parallel_loop3A_263 = tpu.vector_load %arg19[%parallel_loop3A_261, %parallel_loop3A_262] {strides = array<i32>} : memref<112x80xf32, #tpu.memory_space<vmem>>, vector<16xf32>,
          tpu.vector_store %arg19[%parallel_loop3A_261, %parallel_loop3A_262], %parallel_loop3A_260 {strides = array<i32>} : memref<112x80xf32, #tpu.memory_space<vmem>>, vector<16xf32>,
          %parallel_loop3A_264 = arith.index_cast %parallel_loop3A_246 : i32 to index
          %parallel_loop3A_265 = arith.constant 32 : index
          %parallel_loop3A_266 = tpu.vector_load %arg19[%parallel_loop3A_264, %parallel_loop3A_265] {strides = array<i32>} : memref<112x80xf32, #tpu.memory_space<vmem>>, vector<16xf32>,
          %parallel_loop3A_267 = arith.mulf %parallel_loop3A_266, %parallel_loop3A_249 : vector<16xf32>
          %parallel_loop3A_268 = arith.index_cast %parallel_loop3A_246 : i32 to index
          %parallel_loop3A_269 = arith.constant 32 : index
          %parallel_loop3A_270 = tpu.vector_load %arg19[%parallel_loop3A_268, %parallel_loop3A_269] {strides = array<i32>} : memref<112x80xf32, #tpu.memory_space<vmem>>, vector<16xf32>,
          tpu.vector_store %arg19[%parallel_loop3A_268, %parallel_loop3A_269], %parallel_loop3A_267 {strides = array<i32>} : memref<112x80xf32, #tpu.memory_space<vmem>>, vector<16xf32>,
          %parallel_loop3A_271 = arith.index_cast %parallel_loop3A_246 : i32 to index
          %parallel_loop3A_272 = arith.constant 48 : index
          %parallel_loop3A_273 = tpu.vector_load %arg19[%parallel_loop3A_271, %parallel_loop3A_272] {strides = array<i32>} : memref<112x80xf32, #tpu.memory_space<vmem>>, vector<16xf32>,
          %parallel_loop3A_274 = arith.mulf %parallel_loop3A_273, %parallel_loop3A_249 : vector<16xf32>
          %parallel_loop3A_275 = arith.index_cast %parallel_loop3A_246 : i32 to index
          %parallel_loop3A_276 = arith.constant 48 : index
          %parallel_loop3A_277 = tpu.vector_load %arg19[%parallel_loop3A_275, %parallel_loop3A_276] {strides = array<i32>} : memref<112x80xf32, #tpu.memory_space<vmem>>, vector<16xf32>,
          tpu.vector_store %arg19[%parallel_loop3A_275, %parallel_loop3A_276], %parallel_loop3A_274 {strides = array<i32>} : memref<112x80xf32, #tpu.memory_space<vmem>>, vector<16xf32>,
          %parallel_loop3A_278 = arith.index_cast %parallel_loop3A_246 : i32 to index
          %parallel_loop3A_279 = arith.constant 64 : index
          %parallel_loop3A_280 = tpu.vector_load %arg19[%parallel_loop3A_278, %parallel_loop3A_279] {strides = array<i32>} : memref<112x80xf32, #tpu.memory_space<vmem>>, vector<16xf32>,
          %parallel_loop3A_281 = arith.mulf %parallel_loop3A_280, %parallel_loop3A_249 : vector<16xf32>
          %parallel_loop3A_282 = arith.index_cast %parallel_loop3A_246 : i32 to index
          %parallel_loop3A_283 = arith.constant 64 : index
          %parallel_loop3A_284 = tpu.vector_load %arg19[%parallel_loop3A_282, %parallel_loop3A_283] {strides = array<i32>} : memref<112x80xf32, #tpu.memory_space<vmem>>, vector<16xf32>,
          tpu.vector_store %arg19[%parallel_loop3A_282, %parallel_loop3A_283], %parallel_loop3A_281 {strides = array<i32>} : memref<112x80xf32, #tpu.memory_space<vmem>>, vector<16xf32>,
        } {sc.loop_unroll_factor = 4 : i64, sc.parallel_access}
        %dma_start3A_192 = arith.constant 0 : i32
        %dma_start3A_193 = tpu.memref_slice %arg16[%add3A_182, %dma_start3A_192] : memref<92x112xi32, #tpu.memory_space<vmem>> -> memref<1x112xi32, #tpu.memory_space<vmem>>
        %dma_start3A_194 = tpu.memref_squeeze %dma_start3A_193 : memref<1x112xi32, #tpu.memory_space<vmem>> -> memref<112xi32, #tpu.memory_space<vmem>>
        %dma_start3A_195 = arith.constant 0 : i32
        %dma_start3A_196 = arith.constant 0 : i32
        %dma_start3A_197 = tpu.memref_slice %arg27[%dma_start3A_195, %dma_start3A_196] : memref<10112x80xf32, #tpu.memory_space<vmem_shared>> -> memref<10112x80xf32, #tpu.memory_space<vmem_shared>>
        tpu.enqueue_indirect_dma source(%arg19 : memref<112x80xf32, #tpu.memory_space<vmem>>) target(%dma_start3A_197 : memref<10112x80xf32, #tpu.memory_space<vmem_shared>>) offsets(%dma_start3A_194 : memref<112xi32, #tpu.memory_space<vmem>>) semaphore(%arg25 : memref<!tpu.dma_semaphore, #tpu.memory_space<semaphore_mem>>) {add = true}
        %dma_wait3A_198 = arith.constant 0 : i32
        %dma_wait3A_199 = tpu.memref_slice %arg16[%add3A_182, %dma_wait3A_198] : memref<92x112xi32, #tpu.memory_space<vmem>> -> memref<1x112xi32, #tpu.memory_space<vmem>>
        %dma_wait3A_200 = tpu.memref_squeeze %dma_wait3A_199 : memref<1x112xi32, #tpu.memory_space<vmem>> -> memref<112xi32, #tpu.memory_space<vmem>>
        %dma_wait3A_201 = arith.constant 0 : i32
        %dma_wait3A_202 = arith.constant 0 : i32
        %dma_wait3A_203 = tpu.memref_slice %arg27[%dma_wait3A_201, %dma_wait3A_202] : memref<10112x80xf32, #tpu.memory_space<vmem_shared>> -> memref<10112x80xf32, #tpu.memory_space<vmem_shared>>
        tpu.wait_indirect_dma semaphore(%arg24 : memref<!tpu.dma_semaphore, #tpu.memory_space<semaphore_mem>>) src(%arg18 : memref<112x80xf32, #tpu.memory_space<vmem>>) dst(%dma_wait3A_203 : memref<10112x80xf32, #tpu.memory_space<vmem_shared>>)
        %add3A_204 = arith.constant 2 : i32
        %add3A_205 = arith.addi %add3A_182, %add3A_204 : i32
        %dma_start3A_206 = arith.constant 0 : i32
        %dma_start3A_207 = tpu.memref_slice %arg15[%add3A_205, %dma_start3A_206] : memref<92x112xi32, #tpu.memory_space<vmem>> -> memref<1x112xi32, #tpu.memory_space<vmem>>
        %dma_start3A_208 = tpu.memref_squeeze %dma_start3A_207 : memref<1x112xi32, #tpu.memory_space<vmem>> -> memref<112xi32, #tpu.memory_space<vmem>>
        %dma_start3A_209 = arith.constant 0 : i32
        %dma_start3A_210 = arith.constant 0 : i32
        %dma_start3A_211 = tpu.memref_slice %arg4[%dma_start3A_209, %dma_start3A_210] : memref<10000x80xf32, #tpu.memory_space<hbm>> -> memref<10000x80xf32, #tpu.memory_space<hbm>>
        tpu.enqueue_indirect_dma source(%dma_start3A_211 : memref<10000x80xf32, #tpu.memory_space<hbm>>) target(%arg18 : memref<112x80xf32, #tpu.memory_space<vmem>>) offsets(%dma_start3A_208 : memref<112xi32, #tpu.memory_space<vmem>>) semaphore(%arg21 : memref<!tpu.dma_semaphore, #tpu.memory_space<semaphore_mem>>)
        %mul3A_212 = arith.constant 3 : i32
        %mul3A_213 = arith.muli %mul3A_212, %scan3A_146 : i32
        %add3A_214 = arith.constant 2 : i32
        %add3A_215 = arith.addi %mul3A_213, %add3A_214 : i32
        %dma_wait3A_216 = arith.constant 0 : i32
        %dma_wait3A_217 = tpu.memref_slice %arg15[%add3A_215, %dma_wait3A_216] : memref<92x112xi32, #tpu.memory_space<vmem>> -> memref<1x112xi32, #tpu.memory_space<vmem>>
        %dma_wait3A_218 = tpu.memref_squeeze %dma_wait3A_217 : memref<1x112xi32, #tpu.memory_space<vmem>> -> memref<112xi32, #tpu.memory_space<vmem>>
        %dma_wait3A_219 = arith.constant 0 : i32
        %dma_wait3A_220 = arith.constant 0 : i32
        %dma_wait3A_221 = tpu.memref_slice %arg4[%dma_wait3A_219, %dma_wait3A_220] : memref<10000x80xf32, #tpu.memory_space<hbm>> -> memref<10000x80xf32, #tpu.memory_space<hbm>>
        tpu.wait_indirect_dma semaphore(%arg23 : memref<!tpu.dma_semaphore, #tpu.memory_space<semaphore_mem>>) src(%dma_wait3A_221 : memref<10000x80xf32, #tpu.memory_space<hbm>>) dst(%arg20 : memref<112x80xf32, #tpu.memory_space<vmem>>)
        %parallel_loop3A_222 = arith.constant 0 : i32
        %parallel_loop3A_223 = arith.constant 112 : i32
        %parallel_loop3A_224 = arith.constant 1 : i32
        scf.for %parallel_loop3A_246 = %parallel_loop3A_222 to %parallel_loop3A_223 step %parallel_loop3A_224  : i32 {
          %parallel_loop3A_247 = vector.broadcast %add3A_215 : i32 to vector<16xi32>
          %parallel_loop3A_248 = vector.broadcast %parallel_loop3A_246 : i32 to vector<16xi32>
          %parallel_loop3A_249 = tpu.vector_load_idx %arg17[%parallel_loop3A_247, %parallel_loop3A_248] : memref<90x112xf32, #tpu.memory_space<vmem>>[vector<16xi32>, vector<16xi32>], vector<16xf32>,
          %parallel_loop3A_250 = arith.index_cast %parallel_loop3A_246 : i32 to index
          %parallel_loop3A_251 = arith.constant 0 : index
          %parallel_loop3A_252 = tpu.vector_load %arg20[%parallel_loop3A_250, %parallel_loop3A_251] {strides = array<i32>} : memref<112x80xf32, #tpu.memory_space<vmem>>, vector<16xf32>,
          %parallel_loop3A_253 = arith.mulf %parallel_loop3A_252, %parallel_loop3A_249 : vector<16xf32>
          %parallel_loop3A_254 = arith.index_cast %parallel_loop3A_246 : i32 to index
          %parallel_loop3A_255 = arith.constant 0 : index
          %parallel_loop3A_256 = tpu.vector_load %arg20[%parallel_loop3A_254, %parallel_loop3A_255] {strides = array<i32>} : memref<112x80xf32, #tpu.memory_space<vmem>>, vector<16xf32>,
          tpu.vector_store %arg20[%parallel_loop3A_254, %parallel_loop3A_255], %parallel_loop3A_253 {strides = array<i32>} : memref<112x80xf32, #tpu.memory_space<vmem>>, vector<16xf32>,
          %parallel_loop3A_257 = arith.index_cast %parallel_loop3A_246 : i32 to index
          %parallel_loop3A_258 = arith.constant 16 : index
          %parallel_loop3A_259 = tpu.vector_load %arg20[%parallel_loop3A_257, %parallel_loop3A_258] {strides = array<i32>} : memref<112x80xf32, #tpu.memory_space<vmem>>, vector<16xf32>,
          %parallel_loop3A_260 = arith.mulf %parallel_loop3A_259, %parallel_loop3A_249 : vector<16xf32>
          %parallel_loop3A_261 = arith.index_cast %parallel_loop3A_246 : i32 to index
          %parallel_loop3A_262 = arith.constant 16 : index
          %parallel_loop3A_263 = tpu.vector_load %arg20[%parallel_loop3A_261, %parallel_loop3A_262] {strides = array<i32>} : memref<112x80xf32, #tpu.memory_space<vmem>>, vector<16xf32>,
          tpu.vector_store %arg20[%parallel_loop3A_261, %parallel_loop3A_262], %parallel_loop3A_260 {strides = array<i32>} : memref<112x80xf32, #tpu.memory_space<vmem>>, vector<16xf32>,
          %parallel_loop3A_264 = arith.index_cast %parallel_loop3A_246 : i32 to index
          %parallel_loop3A_265 = arith.constant 32 : index
          %parallel_loop3A_266 = tpu.vector_load %arg20[%parallel_loop3A_264, %parallel_loop3A_265] {strides = array<i32>} : memref<112x80xf32, #tpu.memory_space<vmem>>, vector<16xf32>,
          %parallel_loop3A_267 = arith.mulf %parallel_loop3A_266, %parallel_loop3A_249 : vector<16xf32>
          %parallel_loop3A_268 = arith.index_cast %parallel_loop3A_246 : i32 to index
          %parallel_loop3A_269 = arith.constant 32 : index
          %parallel_loop3A_270 = tpu.vector_load %arg20[%parallel_loop3A_268, %parallel_loop3A_269] {strides = array<i32>} : memref<112x80xf32, #tpu.memory_space<vmem>>, vector<16xf32>,
          tpu.vector_store %arg20[%parallel_loop3A_268, %parallel_loop3A_269], %parallel_loop3A_267 {strides = array<i32>} : memref<112x80xf32, #tpu.memory_space<vmem>>, vector<16xf32>,
          %parallel_loop3A_271 = arith.index_cast %parallel_loop3A_246 : i32 to index
          %parallel_loop3A_272 = arith.constant 48 : index
          %parallel_loop3A_273 = tpu.vector_load %arg20[%parallel_loop3A_271, %parallel_loop3A_272] {strides = array<i32>} : memref<112x80xf32, #tpu.memory_space<vmem>>, vector<16xf32>,
          %parallel_loop3A_274 = arith.mulf %parallel_loop3A_273, %parallel_loop3A_249 : vector<16xf32>
          %parallel_loop3A_275 = arith.index_cast %parallel_loop3A_246 : i32 to index
          %parallel_loop3A_276 = arith.constant 48 : index
          %parallel_loop3A_277 = tpu.vector_load %arg20[%parallel_loop3A_275, %parallel_loop3A_276] {strides = array<i32>} : memref<112x80xf32, #tpu.memory_space<vmem>>, vector<16xf32>,
          tpu.vector_store %arg20[%parallel_loop3A_275, %parallel_loop3A_276], %parallel_loop3A_274 {strides = array<i32>} : memref<112x80xf32, #tpu.memory_space<vmem>>, vector<16xf32>,
          %parallel_loop3A_278 = arith.index_cast %parallel_loop3A_246 : i32 to index
          %parallel_loop3A_279 = arith.constant 64 : index
          %parallel_loop3A_280 = tpu.vector_load %arg20[%parallel_loop3A_278, %parallel_loop3A_279] {strides = array<i32>} : memref<112x80xf32, #tpu.memory_space<vmem>>, vector<16xf32>,
          %parallel_loop3A_281 = arith.mulf %parallel_loop3A_280, %parallel_loop3A_249 : vector<16xf32>
          %parallel_loop3A_282 = arith.index_cast %parallel_loop3A_246 : i32 to index
          %parallel_loop3A_283 = arith.constant 64 : index
          %parallel_loop3A_284 = tpu.vector_load %arg20[%parallel_loop3A_282, %parallel_loop3A_283] {strides = array<i32>} : memref<112x80xf32, #tpu.memory_space<vmem>>, vector<16xf32>,
          tpu.vector_store %arg20[%parallel_loop3A_282, %parallel_loop3A_283], %parallel_loop3A_281 {strides = array<i32>} : memref<112x80xf32, #tpu.memory_space<vmem>>, vector<16xf32>,
        } {sc.loop_unroll_factor = 4 : i64, sc.parallel_access}
        %dma_start3A_225 = arith.constant 0 : i32
        %dma_start3A_226 = tpu.memref_slice %arg16[%add3A_215, %dma_start3A_225] : memref<92x112xi32, #tpu.memory_space<vmem>> -> memref<1x112xi32, #tpu.memory_space<vmem>>
        %dma_start3A_227 = tpu.memref_squeeze %dma_start3A_226 : memref<1x112xi32, #tpu.memory_space<vmem>> -> memref<112xi32, #tpu.memory_space<vmem>>
        %dma_start3A_228 = arith.constant 0 : i32
        %dma_start3A_229 = arith.constant 0 : i32
        %dma_start3A_230 = tpu.memref_slice %arg27[%dma_start3A_228, %dma_start3A_229] : memref<10112x80xf32, #tpu.memory_space<vmem_shared>> -> memref<10112x80xf32, #tpu.memory_space<vmem_shared>>
        tpu.enqueue_indirect_dma source(%arg20 : memref<112x80xf32, #tpu.memory_space<vmem>>) target(%dma_start3A_230 : memref<10112x80xf32, #tpu.memory_space<vmem_shared>>) offsets(%dma_start3A_227 : memref<112xi32, #tpu.memory_space<vmem>>) semaphore(%arg26 : memref<!tpu.dma_semaphore, #tpu.memory_space<semaphore_mem>>) {add = true}
        %dma_wait3A_231 = arith.constant 0 : i32
        %dma_wait3A_232 = tpu.memref_slice %arg16[%add3A_215, %dma_wait3A_231] : memref<92x112xi32, #tpu.memory_space<vmem>> -> memref<1x112xi32, #tpu.memory_space<vmem>>
        %dma_wait3A_233 = tpu.memref_squeeze %dma_wait3A_232 : memref<1x112xi32, #tpu.memory_space<vmem>> -> memref<112xi32, #tpu.memory_space<vmem>>
        %dma_wait3A_234 = arith.constant 0 : i32
        %dma_wait3A_235 = arith.constant 0 : i32
        %dma_wait3A_236 = tpu.memref_slice %arg27[%dma_wait3A_234, %dma_wait3A_235] : memref<10112x80xf32, #tpu.memory_space<vmem_shared>> -> memref<10112x80xf32, #tpu.memory_space<vmem_shared>>
        tpu.wait_indirect_dma semaphore(%arg25 : memref<!tpu.dma_semaphore, #tpu.memory_space<semaphore_mem>>) src(%arg19 : memref<112x80xf32, #tpu.memory_space<vmem>>) dst(%dma_wait3A_236 : memref<10112x80xf32, #tpu.memory_space<vmem_shared>>)
        %add3A_237 = arith.constant 2 : i32
        %add3A_238 = arith.addi %add3A_215, %add3A_237 : i32
        %dma_start3A_239 = arith.constant 0 : i32
        %dma_start3A_240 = tpu.memref_slice %arg15[%add3A_238, %dma_start3A_239] : memref<92x112xi32, #tpu.memory_space<vmem>> -> memref<1x112xi32, #tpu.memory_space<vmem>>
        %dma_start3A_241 = tpu.memref_squeeze %dma_start3A_240 : memref<1x112xi32, #tpu.memory_space<vmem>> -> memref<112xi32, #tpu.memory_space<vmem>>
        %dma_start3A_242 = arith.constant 0 : i32
        %dma_start3A_243 = arith.constant 0 : i32
        %dma_start3A_244 = tpu.memref_slice %arg4[%dma_start3A_242, %dma_start3A_243] : memref<10000x80xf32, #tpu.memory_space<hbm>> -> memref<10000x80xf32, #tpu.memory_space<hbm>>
        tpu.enqueue_indirect_dma source(%dma_start3A_244 : memref<10000x80xf32, #tpu.memory_space<hbm>>) target(%arg19 : memref<112x80xf32, #tpu.memory_space<vmem>>) offsets(%dma_start3A_241 : memref<112xi32, #tpu.memory_space<vmem>>) semaphore(%arg22 : memref<!tpu.dma_semaphore, #tpu.memory_space<semaphore_mem>>)
        %scan3A_245 = arith.constant 0 : i32
        scf.yield %scan3A_245 : i32
      }
      %scan3A_116 = arith.constant 30 : i32
      %dma_wait3A_117 = arith.constant 0 : i32
      %dma_wait3A_118 = arith.constant 0 : i32
      %dma_wait3A_119 = tpu.memref_slice %arg15[%dma_wait3A_117, %dma_wait3A_118] : memref<92x112xi32, #tpu.memory_space<vmem>> -> memref<1x112xi32, #tpu.memory_space<vmem>>
      %dma_wait3A_120 = tpu.memref_squeeze %dma_wait3A_119 : memref<1x112xi32, #tpu.memory_space<vmem>> -> memref<112xi32, #tpu.memory_space<vmem>>
      %dma_wait3A_121 = arith.constant 0 : i32
      %dma_wait3A_122 = arith.constant 0 : i32
      %dma_wait3A_123 = tpu.memref_slice %arg4[%dma_wait3A_121, %dma_wait3A_122] : memref<10000x80xf32, #tpu.memory_space<hbm>> -> memref<10000x80xf32, #tpu.memory_space<hbm>>
      tpu.wait_indirect_dma semaphore(%arg21 : memref<!tpu.dma_semaphore, #tpu.memory_space<semaphore_mem>>) src(%dma_wait3A_123 : memref<10000x80xf32, #tpu.memory_space<hbm>>) dst(%arg18 : memref<112x80xf32, #tpu.memory_space<vmem>>)
      %dma_wait3A_124 = arith.constant 0 : i32
      %dma_wait3A_125 = arith.constant 0 : i32
      %dma_wait3A_126 = tpu.memref_slice %arg15[%dma_wait3A_124, %dma_wait3A_125] : memref<92x112xi32, #tpu.memory_space<vmem>> -> memref<1x112xi32, #tpu.memory_space<vmem>>
      %dma_wait3A_127 = tpu.memref_squeeze %dma_wait3A_126 : memref<1x112xi32, #tpu.memory_space<vmem>> -> memref<112xi32, #tpu.memory_space<vmem>>
      %dma_wait3A_128 = arith.constant 0 : i32
      %dma_wait3A_129 = arith.constant 0 : i32
      %dma_wait3A_130 = tpu.memref_slice %arg4[%dma_wait3A_128, %dma_wait3A_129] : memref<10000x80xf32, #tpu.memory_space<hbm>> -> memref<10000x80xf32, #tpu.memory_space<hbm>>
      tpu.wait_indirect_dma semaphore(%arg22 : memref<!tpu.dma_semaphore, #tpu.memory_space<semaphore_mem>>) src(%dma_wait3A_130 : memref<10000x80xf32, #tpu.memory_space<hbm>>) dst(%arg19 : memref<112x80xf32, #tpu.memory_space<vmem>>)
      %dma_wait3A_131 = arith.constant 0 : i32
      %dma_wait3A_132 = arith.constant 0 : i32
      %dma_wait3A_133 = tpu.memref_slice %arg16[%dma_wait3A_131, %dma_wait3A_132] : memref<92x112xi32, #tpu.memory_space<vmem>> -> memref<1x112xi32, #tpu.memory_space<vmem>>
      %dma_wait3A_134 = tpu.memref_squeeze %dma_wait3A_133 : memref<1x112xi32, #tpu.memory_space<vmem>> -> memref<112xi32, #tpu.memory_space<vmem>>
      %dma_wait3A_135 = arith.constant 0 : i32
      %dma_wait3A_136 = arith.constant 0 : i32
      %dma_wait3A_137 = tpu.memref_slice %arg27[%dma_wait3A_135, %dma_wait3A_136] : memref<10112x80xf32, #tpu.memory_space<vmem_shared>> -> memref<10112x80xf32, #tpu.memory_space<vmem_shared>>
      tpu.wait_indirect_dma semaphore(%arg26 : memref<!tpu.dma_semaphore, #tpu.memory_space<semaphore_mem>>) src(%arg20 : memref<112x80xf32, #tpu.memory_space<vmem>>) dst(%dma_wait3A_137 : memref<10112x80xf32, #tpu.memory_space<vmem_shared>>)
      %barrier3A_138 = arith.constant 0 : index
      tpu.barrier barrier_id(%barrier3A_138)
      %mul3A_139 = arith.constant 632 : i32
      %mul3A_140 = arith.muli %arg1, %mul3A_139 : i32
      %run_scoped3A_141 = arith.constant 1 : i32
      %run_scoped3A_142 = arith.constant 0 : i32
      "tpu.region"() ({
        %run_scoped3A_146 = tpu.sem_alloc : memref<!tpu.dma_semaphore, #tpu.memory_space<semaphore_mem>>
        %dma_start3A_147 = arith.constant 0 : i32
        %dma_start3A_148 = tpu.memref_slice %arg13[%run_scoped3A_141, %run_scoped3A_142, %mul3A_109, %dma_start3A_147] : memref<2x2x10112x80xf32, #tpu.memory_space<hbm>> -> memref<1x1x632x80xf32, #tpu.memory_space<hbm>>
        %dma_start3A_149 = tpu.memref_squeeze %dma_start3A_148 : memref<1x1x632x80xf32, #tpu.memory_space<hbm>> -> memref<632x80xf32, #tpu.memory_space<hbm>>
        %dma_start3A_150 = arith.constant 0 : i32
        %dma_start3A_151 = tpu.memref_slice %arg27[%mul3A_140, %dma_start3A_150] : memref<10112x80xf32, #tpu.memory_space<vmem_shared>> -> memref<632x80xf32, #tpu.memory_space<vmem_shared>>
        tpu.enqueue_dma source(%dma_start3A_151 : memref<632x80xf32, #tpu.memory_space<vmem_shared>>) target(%dma_start3A_149 : memref<632x80xf32, #tpu.memory_space<hbm>>) target_semaphore(%run_scoped3A_146 : memref<!tpu.dma_semaphore, #tpu.memory_space<semaphore_mem>>)
        %dma_wait3A_152 = arith.constant 0 : i32
        %dma_wait3A_153 = tpu.memref_slice %arg13[%run_scoped3A_141, %run_scoped3A_142, %mul3A_109, %dma_wait3A_152] : memref<2x2x10112x80xf32, #tpu.memory_space<hbm>> -> memref<1x1x632x80xf32, #tpu.memory_space<hbm>>
        %dma_wait3A_154 = tpu.memref_squeeze %dma_wait3A_153 : memref<1x1x632x80xf32, #tpu.memory_space<hbm>> -> memref<632x80xf32, #tpu.memory_space<hbm>>
        %dma_wait3A_155 = arith.constant 0 : i32
        %dma_wait3A_156 = tpu.memref_slice %arg27[%mul3A_140, %dma_wait3A_155] : memref<10112x80xf32, #tpu.memory_space<vmem_shared>> -> memref<632x80xf32, #tpu.memory_space<vmem_shared>>
        tpu.wait_dma2 semaphore(%run_scoped3A_146 : memref<!tpu.dma_semaphore, #tpu.memory_space<semaphore_mem>>) src(%dma_wait3A_156 : memref<632x80xf32, #tpu.memory_space<vmem_shared>>) dst(%dma_wait3A_154 : memref<632x80xf32, #tpu.memory_space<hbm>>)
        tpu.yield
      }) : () -> ()
      %mul3A_143 = arith.constant 632 : i32
      %mul3A_144 = arith.muli %arg1, %mul3A_143 : i32
      "tpu.region"() ({
        %run_scoped3A_146 = tpu.sem_alloc : memref<!tpu.dma_semaphore, #tpu.memory_space<semaphore_mem>>
        %dma_start3A_147 = arith.constant 0 : i32
        %dma_start3A_148 = tpu.memref_slice %arg27[%mul3A_144, %dma_start3A_147] : memref<10112x80xf32, #tpu.memory_space<vmem_shared>> -> memref<632x80xf32, #tpu.memory_space<vmem_shared>>
        tpu.enqueue_dma source(%arg12 : memref<632x80xf32, #tpu.memory_space<hbm>>) target(%dma_start3A_148 : memref<632x80xf32, #tpu.memory_space<vmem_shared>>) target_semaphore(%run_scoped3A_146 : memref<!tpu.dma_semaphore, #tpu.memory_space<semaphore_mem>>)
        %dma_wait3A_149 = arith.constant 0 : i32
        %dma_wait3A_150 = tpu.memref_slice %arg27[%mul3A_144, %dma_wait3A_149] : memref<10112x80xf32, #tpu.memory_space<vmem_shared>> -> memref<632x80xf32, #tpu.memory_space<vmem_shared>>
        tpu.wait_dma2 semaphore(%run_scoped3A_146 : memref<!tpu.dma_semaphore, #tpu.memory_space<semaphore_mem>>) src(%arg12 : memref<632x80xf32, #tpu.memory_space<hbm>>) dst(%dma_wait3A_150 : memref<632x80xf32, #tpu.memory_space<vmem_shared>>)
        tpu.yield
      }) : () -> ()
      %barrier3A_145 = arith.constant 0 : index
      tpu.barrier barrier_id(%barrier3A_145)
    } else {
    }
    return
  }
}

module attributes {stable_mosaic.version = 14 : i64} {
  func.func @_prep_body(%arg0: i32, %arg1: memref<1000x128xf32, #tpu.memory_space<vmem>>, %arg2: memref<1000x128xf32, #tpu.memory_space<vmem>>, %arg3: memref<1000x128xf32, #tpu.memory_space<vmem>>, %arg4: memref<128x128xf32, #tpu.memory_space<vmem>>, %arg5: memref<128x1xf32, #tpu.memory_space<vmem>>, %arg6: memref<128x128xf32, #tpu.memory_space<vmem>>, %arg7: memref<128x1xf32, #tpu.memory_space<vmem>>, %arg8: memref<128x128xf32, #tpu.memory_space<vmem>>, %arg9: memref<128x1xf32, #tpu.memory_space<vmem>>, %arg10: memref<128x128xf32, #tpu.memory_space<vmem>>, %arg11: memref<128x1xf32, #tpu.memory_space<vmem>>, %arg12: memref<1000x80xf32, #tpu.memory_space<vmem>>, %arg13: memref<1000x80xf32, #tpu.memory_space<vmem>>, %arg14: memref<1000x80xf32, #tpu.memory_space<vmem>>, %arg15: memref<1000x80xf32, #tpu.memory_space<vmem>>, %arg16: memref<1000x1xf32, #tpu.memory_space<vmem>>, %arg17: memref<1000x1xf32, #tpu.memory_space<vmem>>) attributes {dimension_semantics = [#tpu.dimension_semantics<arbitrary>], iteration_bounds = array<i64: 10>, scalar_prefetch = 0 : i64, scratch_operands = 0 : i64, tpu.core_type = #tpu.core_type<tc>, window_params = [{transform_indices = @transform_0, window_bounds = array<i64: 1000, 128>}, {transform_indices = @transform_1, window_bounds = array<i64: 1000, 128>}, {transform_indices = @transform_2, window_bounds = array<i64: 1000, 128>}, {pipeline_mode = #tpu.pipeline_mode<synchronous>, transform_indices = @transform_3, window_bounds = array<i64: 128, 128>}, {pipeline_mode = #tpu.pipeline_mode<synchronous>, transform_indices = @transform_4, window_bounds = array<i64: 128, 1>}, {pipeline_mode = #tpu.pipeline_mode<synchronous>, transform_indices = @transform_5, window_bounds = array<i64: 128, 128>}, {pipeline_mode = #tpu.pipeline_mode<synchronous>, transform_indices = @transform_6, window_bounds = array<i64: 128, 1>}, {pipeline_mode = #tpu.pipeline_mode<synchronous>, transform_indices = @transform_7, window_bounds = array<i64: 128, 128>}, {pipeline_mode = #tpu.pipeline_mode<synchronous>, transform_indices = @transform_8, window_bounds = array<i64: 128, 1>}, {pipeline_mode = #tpu.pipeline_mode<synchronous>, transform_indices = @transform_9, window_bounds = array<i64: 128, 128>}, {pipeline_mode = #tpu.pipeline_mode<synchronous>, transform_indices = @transform_10, window_bounds = array<i64: 128, 1>}, {transform_indices = @transform_11, window_bounds = array<i64: 1000, 80>}, {transform_indices = @transform_12, window_bounds = array<i64: 1000, 80>}, {transform_indices = @transform_13, window_bounds = array<i64: 1000, 80>}, {transform_indices = @transform_14, window_bounds = array<i64: 1000, 80>}, {transform_indices = @transform_15, window_bounds = array<i64: 1000, 1>}, {transform_indices = @transform_16, window_bounds = array<i64: 1000, 1>}]} {
    %broadcast_in_dim3A = arith.constant 0.000000e+00 : f32
    %broadcast_in_dim3A_0 = vector.broadcast %broadcast_in_dim3A : f32 to vector<1000x16xf32>
    %iota3A = tpu.iota {dimensions = array<i32: 1>} : vector<1000x16xi32>
    %get3A = arith.constant 0 : index
    %get3A_1 = arith.constant 0 : index
    %get3A_2 = vector.load %arg1[%get3A, %get3A_1] : memref<1000x128xf32, #tpu.memory_space<vmem>>, vector<1000x128xf32>
    %get3A_3 = arith.constant 0 : index
    %get3A_4 = arith.constant 0 : index
    %get3A_5 = vector.load %arg4[%get3A_3, %get3A_4] : memref<128x128xf32, #tpu.memory_space<vmem>>, vector<128x128xf32>
    %dot_general3A = arith.constant dense<0.000000e+00> : vector<1000x128xf32>
    %dot_general3A_6 = tpu.matmul %get3A_2, %get3A_5, %dot_general3A {dimension_numbers = #tpu.dot_dimension_numbers<[1], [0], [0], [1], [0, 0, 1, 1], [], []>, transpose_lhs_hint = false} : vector<1000x128xf32>, vector<128x128xf32>, vector<1000x128xf32> -> vector<1000x128xf32>
    %get3A_7 = arith.constant 0 : index
    %get3A_8 = arith.constant 0 : index
    %get3A_9 = vector.load %arg5[%get3A_7, %get3A_8] : memref<128x1xf32, #tpu.memory_space<vmem>>, vector<128x1xf32>
    %dot_general3A_10 = arith.constant dense<0.000000e+00> : vector<1000x1xf32>
    %dot_general3A_11 = tpu.matmul %dot_general3A_6, %get3A_9, %dot_general3A_10 {dimension_numbers = #tpu.dot_dimension_numbers<[1], [0], [0], [1], [0, 0, 1, 1], [], []>, transpose_lhs_hint = false} : vector<1000x128xf32>, vector<128x1xf32>, vector<1000x1xf32> -> vector<1000x1xf32>
    %slice3A = vector.extract_strided_slice %dot_general3A_6 {offsets = [0, 0], sizes = [1000, 64], strides = [1, 1]} : vector<1000x128xf32> to vector<1000x64xf32>
    %swap3A = arith.constant 0 : index
    %swap3A_12 = arith.constant 0 : index
    %swap3A_13 = vector.load %arg12[%swap3A, %swap3A_12] : memref<1000x80xf32, #tpu.memory_space<vmem>>, vector<1000x64xf32>
    tpu.vector_store %arg12[%swap3A, %swap3A_12], %slice3A {strides = array<i32>} : memref<1000x80xf32, #tpu.memory_space<vmem>>, vector<1000x64xf32>,
    %swap3A_14 = arith.constant 0 : index
    %swap3A_15 = arith.constant 64 : index
    %swap3A_16 = vector.load %arg12[%swap3A_14, %swap3A_15] : memref<1000x80xf32, #tpu.memory_space<vmem>>, vector<1000x16xf32>
    tpu.vector_store %arg12[%swap3A_14, %swap3A_15], %broadcast_in_dim3A_0 {strides = array<i32>} : memref<1000x80xf32, #tpu.memory_space<vmem>>, vector<1000x16xf32>,
    %slice3A_17 = vector.extract_strided_slice %dot_general3A_6 {offsets = [0, 64], sizes = [1000, 64], strides = [1, 1]} : vector<1000x128xf32> to vector<1000x64xf32>
    %swap3A_18 = arith.constant 0 : index
    %swap3A_19 = arith.constant 0 : index
    %swap3A_20 = vector.load %arg13[%swap3A_18, %swap3A_19] : memref<1000x80xf32, #tpu.memory_space<vmem>>, vector<1000x64xf32>
    tpu.vector_store %arg13[%swap3A_18, %swap3A_19], %slice3A_17 {strides = array<i32>} : memref<1000x80xf32, #tpu.memory_space<vmem>>, vector<1000x64xf32>,
    %eq3A = arith.constant 0 : i32
    %eq3A_21 = vector.broadcast %eq3A : i32 to vector<1000x16xi32>
    %eq3A_22 = arith.cmpi eq, %iota3A, %eq3A_21 : vector<1000x16xi32>
    %eq3A_23 = arith.constant 1 : i32
    %eq3A_24 = vector.broadcast %eq3A_23 : i32 to vector<1000x16xi32>
    %eq3A_25 = arith.cmpi eq, %iota3A, %eq3A_24 : vector<1000x16xi32>
    %jit3A = arith.constant 0.000000e+00 : f32
    %broadcast_in_dim3A_26 = vector.shape_cast %dot_general3A_11 : vector<1000x1xf32> to vector<1000x1xf32>
    %broadcast_in_dim3A_27 = vector.broadcast %broadcast_in_dim3A_26 : vector<1000x1xf32> to vector<1000x16xf32>
    %broadcast_in_dim3A_28 = vector.broadcast %jit3A : f32 to vector<1000x16xf32>
    %select_n3A = arith.select %eq3A_25, %broadcast_in_dim3A_27, %broadcast_in_dim3A_28 : vector<1000x16xi1>, vector<1000x16xf32>
    %jit3A_29 = arith.constant 1.000000e+00 : f32
    %broadcast_in_dim3A_30 = vector.broadcast %jit3A_29 : f32 to vector<1000x16xf32>
    %select_n3A_31 = arith.select %eq3A_22, %broadcast_in_dim3A_30, %select_n3A : vector<1000x16xi1>, vector<1000x16xf32>
    %swap3A_32 = arith.constant 0 : index
    %swap3A_33 = arith.constant 64 : index
    %swap3A_34 = vector.load %arg13[%swap3A_32, %swap3A_33] : memref<1000x80xf32, #tpu.memory_space<vmem>>, vector<1000x16xf32>
    tpu.vector_store %arg13[%swap3A_32, %swap3A_33], %select_n3A_31 {strides = array<i32>} : memref<1000x80xf32, #tpu.memory_space<vmem>>, vector<1000x16xf32>,
    %get3A_35 = arith.constant 0 : index
    %get3A_36 = arith.constant 0 : index
    %get3A_37 = vector.load %arg2[%get3A_35, %get3A_36] : memref<1000x128xf32, #tpu.memory_space<vmem>>, vector<1000x128xf32>
    %get3A_38 = arith.constant 0 : index
    %get3A_39 = arith.constant 0 : index
    %get3A_40 = vector.load %arg8[%get3A_38, %get3A_39] : memref<128x128xf32, #tpu.memory_space<vmem>>, vector<128x128xf32>
    %dot_general3A_41 = arith.constant dense<0.000000e+00> : vector<1000x128xf32>
    %dot_general3A_42 = tpu.matmul %get3A_37, %get3A_40, %dot_general3A_41 {dimension_numbers = #tpu.dot_dimension_numbers<[1], [0], [0], [1], [0, 0, 1, 1], [], []>, transpose_lhs_hint = false} : vector<1000x128xf32>, vector<128x128xf32>, vector<1000x128xf32> -> vector<1000x128xf32>
    %get3A_43 = arith.constant 0 : index
    %get3A_44 = arith.constant 0 : index
    %get3A_45 = vector.load %arg9[%get3A_43, %get3A_44] : memref<128x1xf32, #tpu.memory_space<vmem>>, vector<128x1xf32>
    %dot_general3A_46 = arith.constant dense<0.000000e+00> : vector<1000x1xf32>
    %dot_general3A_47 = tpu.matmul %dot_general3A_42, %get3A_45, %dot_general3A_46 {dimension_numbers = #tpu.dot_dimension_numbers<[1], [0], [0], [1], [0, 0, 1, 1], [], []>, transpose_lhs_hint = false} : vector<1000x128xf32>, vector<128x1xf32>, vector<1000x1xf32> -> vector<1000x1xf32>
    %slice3A_48 = vector.extract_strided_slice %dot_general3A_42 {offsets = [0, 0], sizes = [1000, 64], strides = [1, 1]} : vector<1000x128xf32> to vector<1000x64xf32>
    %swap3A_49 = arith.constant 0 : index
    %swap3A_50 = arith.constant 0 : index
    %swap3A_51 = vector.load %arg14[%swap3A_49, %swap3A_50] : memref<1000x80xf32, #tpu.memory_space<vmem>>, vector<1000x64xf32>
    tpu.vector_store %arg14[%swap3A_49, %swap3A_50], %slice3A_48 {strides = array<i32>} : memref<1000x80xf32, #tpu.memory_space<vmem>>, vector<1000x64xf32>,
    %swap3A_52 = arith.constant 0 : index
    %swap3A_53 = arith.constant 64 : index
    %swap3A_54 = vector.load %arg14[%swap3A_52, %swap3A_53] : memref<1000x80xf32, #tpu.memory_space<vmem>>, vector<1000x16xf32>
    tpu.vector_store %arg14[%swap3A_52, %swap3A_53], %broadcast_in_dim3A_0 {strides = array<i32>} : memref<1000x80xf32, #tpu.memory_space<vmem>>, vector<1000x16xf32>,
    %slice3A_55 = vector.extract_strided_slice %dot_general3A_42 {offsets = [0, 64], sizes = [1000, 64], strides = [1, 1]} : vector<1000x128xf32> to vector<1000x64xf32>
    %swap3A_56 = arith.constant 0 : index
    %swap3A_57 = arith.constant 0 : index
    %swap3A_58 = vector.load %arg15[%swap3A_56, %swap3A_57] : memref<1000x80xf32, #tpu.memory_space<vmem>>, vector<1000x64xf32>
    tpu.vector_store %arg15[%swap3A_56, %swap3A_57], %slice3A_55 {strides = array<i32>} : memref<1000x80xf32, #tpu.memory_space<vmem>>, vector<1000x64xf32>,
    %eq3A_59 = arith.constant 0 : i32
    %eq3A_60 = vector.broadcast %eq3A_59 : i32 to vector<1000x16xi32>
    %eq3A_61 = arith.cmpi eq, %iota3A, %eq3A_60 : vector<1000x16xi32>
    %eq3A_62 = arith.constant 1 : i32
    %eq3A_63 = vector.broadcast %eq3A_62 : i32 to vector<1000x16xi32>
    %eq3A_64 = arith.cmpi eq, %iota3A, %eq3A_63 : vector<1000x16xi32>
    %jit3A_65 = arith.constant 0.000000e+00 : f32
    %broadcast_in_dim3A_66 = vector.shape_cast %dot_general3A_47 : vector<1000x1xf32> to vector<1000x1xf32>
    %broadcast_in_dim3A_67 = vector.broadcast %broadcast_in_dim3A_66 : vector<1000x1xf32> to vector<1000x16xf32>
    %broadcast_in_dim3A_68 = vector.broadcast %jit3A_65 : f32 to vector<1000x16xf32>
    %select_n3A_69 = arith.select %eq3A_64, %broadcast_in_dim3A_67, %broadcast_in_dim3A_68 : vector<1000x16xi1>, vector<1000x16xf32>
    %jit3A_70 = arith.constant 1.000000e+00 : f32
    %broadcast_in_dim3A_71 = vector.broadcast %jit3A_70 : f32 to vector<1000x16xf32>
    %select_n3A_72 = arith.select %eq3A_61, %broadcast_in_dim3A_71, %select_n3A_69 : vector<1000x16xi1>, vector<1000x16xf32>
    %swap3A_73 = arith.constant 0 : index
    %swap3A_74 = arith.constant 64 : index
    %swap3A_75 = vector.load %arg15[%swap3A_73, %swap3A_74] : memref<1000x80xf32, #tpu.memory_space<vmem>>, vector<1000x16xf32>
    tpu.vector_store %arg15[%swap3A_73, %swap3A_74], %select_n3A_72 {strides = array<i32>} : memref<1000x80xf32, #tpu.memory_space<vmem>>, vector<1000x16xf32>,
    %get3A_76 = arith.constant 0 : index
    %get3A_77 = arith.constant 0 : index
    %get3A_78 = vector.load %arg3[%get3A_76, %get3A_77] : memref<1000x128xf32, #tpu.memory_space<vmem>>, vector<1000x128xf32>
    %get3A_79 = arith.constant 0 : index
    %get3A_80 = arith.constant 0 : index
    %get3A_81 = vector.load %arg6[%get3A_79, %get3A_80] : memref<128x128xf32, #tpu.memory_space<vmem>>, vector<128x128xf32>
    %dot_general3A_82 = arith.constant dense<0.000000e+00> : vector<1000x128xf32>
    %dot_general3A_83 = tpu.matmul %get3A_78, %get3A_81, %dot_general3A_82 {dimension_numbers = #tpu.dot_dimension_numbers<[1], [0], [0], [1], [0, 0, 1, 1], [], []>, transpose_lhs_hint = false} : vector<1000x128xf32>, vector<128x128xf32>, vector<1000x128xf32> -> vector<1000x128xf32>
    %get3A_84 = arith.constant 0 : index
    %get3A_85 = arith.constant 0 : index
    %get3A_86 = vector.load %arg7[%get3A_84, %get3A_85] : memref<128x1xf32, #tpu.memory_space<vmem>>, vector<128x1xf32>
    %dot_general3A_87 = arith.constant dense<0.000000e+00> : vector<1000x1xf32>
    %dot_general3A_88 = tpu.matmul %dot_general3A_83, %get3A_86, %dot_general3A_87 {dimension_numbers = #tpu.dot_dimension_numbers<[1], [0], [0], [1], [0, 0, 1, 1], [], []>, transpose_lhs_hint = false} : vector<1000x128xf32>, vector<128x1xf32>, vector<1000x1xf32> -> vector<1000x1xf32>
    %swap3A_89 = arith.constant 0 : index
    %swap3A_90 = arith.constant 0 : index
    %swap3A_91 = vector.load %arg16[%swap3A_89, %swap3A_90] : memref<1000x1xf32, #tpu.memory_space<vmem>>, vector<1000x1xf32>
    tpu.vector_store %arg16[%swap3A_89, %swap3A_90], %dot_general3A_88 {strides = array<i32>} : memref<1000x1xf32, #tpu.memory_space<vmem>>, vector<1000x1xf32>,
    %get3A_92 = arith.constant 0 : index
    %get3A_93 = arith.constant 0 : index
    %get3A_94 = vector.load %arg3[%get3A_92, %get3A_93] : memref<1000x128xf32, #tpu.memory_space<vmem>>, vector<1000x128xf32>
    %get3A_95 = arith.constant 0 : index
    %get3A_96 = arith.constant 0 : index
    %get3A_97 = vector.load %arg10[%get3A_95, %get3A_96] : memref<128x128xf32, #tpu.memory_space<vmem>>, vector<128x128xf32>
    %dot_general3A_98 = arith.constant dense<0.000000e+00> : vector<1000x128xf32>
    %dot_general3A_99 = tpu.matmul %get3A_94, %get3A_97, %dot_general3A_98 {dimension_numbers = #tpu.dot_dimension_numbers<[1], [0], [0], [1], [0, 0, 1, 1], [], []>, transpose_lhs_hint = false} : vector<1000x128xf32>, vector<128x128xf32>, vector<1000x128xf32> -> vector<1000x128xf32>
    %get3A_100 = arith.constant 0 : index
    %get3A_101 = arith.constant 0 : index
    %get3A_102 = vector.load %arg11[%get3A_100, %get3A_101] : memref<128x1xf32, #tpu.memory_space<vmem>>, vector<128x1xf32>
    %dot_general3A_103 = arith.constant dense<0.000000e+00> : vector<1000x1xf32>
    %dot_general3A_104 = tpu.matmul %dot_general3A_99, %get3A_102, %dot_general3A_103 {dimension_numbers = #tpu.dot_dimension_numbers<[1], [0], [0], [1], [0, 0, 1, 1], [], []>, transpose_lhs_hint = false} : vector<1000x128xf32>, vector<128x1xf32>, vector<1000x1xf32> -> vector<1000x1xf32>
    %swap3A_105 = arith.constant 0 : index
    %swap3A_106 = arith.constant 0 : index
    %swap3A_107 = vector.load %arg17[%swap3A_105, %swap3A_106] : memref<1000x1xf32, #tpu.memory_space<vmem>>, vector<1000x1xf32>
    tpu.vector_store %arg17[%swap3A_105, %swap3A_106], %dot_general3A_104 {strides = array<i32>} : memref<1000x1xf32, #tpu.memory_space<vmem>>, vector<1000x1xf32>,
    return
  }
  func.func @transform_0(%arg0: i32) -> (i32, i32) {
    %c0_i32 = arith.constant 0 : i32
    %c0_i32_0 = arith.constant 0 : i32
    return %arg0, %c0_i32 : i32, i32
  }
  func.func @transform_1(%arg0: i32) -> (i32, i32) {
    %c0_i32 = arith.constant 0 : i32
    %c0_i32_0 = arith.constant 0 : i32
    return %arg0, %c0_i32 : i32, i32
  }
  func.func @transform_2(%arg0: i32) -> (i32, i32) {
    %c0_i32 = arith.constant 0 : i32
    %c0_i32_0 = arith.constant 0 : i32
    return %arg0, %c0_i32 : i32, i32
  }
  func.func @transform_3(%arg0: i32) -> (i32, i32) {
    %c0_i32 = arith.constant 0 : i32
    %c0_i32_0 = arith.constant 0 : i32
    %c0_i32_1 = arith.constant 0 : i32
    return %c0_i32, %c0_i32_0 : i32, i32
  }
  func.func @transform_4(%arg0: i32) -> (i32, i32) {
    %c0_i32 = arith.constant 0 : i32
    %c0_i32_0 = arith.constant 0 : i32
    %c0_i32_1 = arith.constant 0 : i32
    return %c0_i32, %c0_i32_0 : i32, i32
  }
  func.func @transform_5(%arg0: i32) -> (i32, i32) {
    %c0_i32 = arith.constant 0 : i32
    %c0_i32_0 = arith.constant 0 : i32
    %c0_i32_1 = arith.constant 0 : i32
    return %c0_i32, %c0_i32_0 : i32, i32
  }
  func.func @transform_6(%arg0: i32) -> (i32, i32) {
    %c0_i32 = arith.constant 0 : i32
    %c0_i32_0 = arith.constant 0 : i32
    %c0_i32_1 = arith.constant 0 : i32
    return %c0_i32, %c0_i32_0 : i32, i32
  }
  func.func @transform_7(%arg0: i32) -> (i32, i32) {
    %c0_i32 = arith.constant 0 : i32
    %c0_i32_0 = arith.constant 0 : i32
    %c0_i32_1 = arith.constant 0 : i32
    return %c0_i32, %c0_i32_0 : i32, i32
  }
  func.func @transform_8(%arg0: i32) -> (i32, i32) {
    %c0_i32 = arith.constant 0 : i32
    %c0_i32_0 = arith.constant 0 : i32
    %c0_i32_1 = arith.constant 0 : i32
    return %c0_i32, %c0_i32_0 : i32, i32
  }
  func.func @transform_9(%arg0: i32) -> (i32, i32) {
    %c0_i32 = arith.constant 0 : i32
    %c0_i32_0 = arith.constant 0 : i32
    %c0_i32_1 = arith.constant 0 : i32
    return %c0_i32, %c0_i32_0 : i32, i32
  }
  func.func @transform_10(%arg0: i32) -> (i32, i32) {
    %c0_i32 = arith.constant 0 : i32
    %c0_i32_0 = arith.constant 0 : i32
    %c0_i32_1 = arith.constant 0 : i32
    return %c0_i32, %c0_i32_0 : i32, i32
  }
  func.func @transform_11(%arg0: i32) -> (i32, i32) {
    %c0_i32 = arith.constant 0 : i32
    %c0_i32_0 = arith.constant 0 : i32
    return %arg0, %c0_i32 : i32, i32
  }
  func.func @transform_12(%arg0: i32) -> (i32, i32) {
    %c0_i32 = arith.constant 0 : i32
    %c0_i32_0 = arith.constant 0 : i32
    return %arg0, %c0_i32 : i32, i32
  }
  func.func @transform_13(%arg0: i32) -> (i32, i32) {
    %c0_i32 = arith.constant 0 : i32
    %c0_i32_0 = arith.constant 0 : i32
    return %arg0, %c0_i32 : i32, i32
  }
  func.func @transform_14(%arg0: i32) -> (i32, i32) {
    %c0_i32 = arith.constant 0 : i32
    %c0_i32_0 = arith.constant 0 : i32
    return %arg0, %c0_i32 : i32, i32
  }
  func.func @transform_15(%arg0: i32) -> (i32, i32) {
    %c0_i32 = arith.constant 0 : i32
    %c0_i32_0 = arith.constant 0 : i32
    return %arg0, %c0_i32 : i32, i32
  }
  func.func @transform_16(%arg0: i32) -> (i32, i32) {
    %c0_i32 = arith.constant 0 : i32
    %c0_i32_0 = arith.constant 0 : i32
    return %arg0, %c0_i32 : i32, i32
  }
}

module attributes {stable_mosaic.version = 14 : i64} {
  func.func @_epi_a_body(%arg0: i32, %arg1: memref<1000x80xf32, #tpu.memory_space<vmem>>, %arg2: memref<1000x80xf32, #tpu.memory_space<vmem>>, %arg3: memref<1000x80xf32, #tpu.memory_space<vmem>>, %arg4: memref<1000x80xf32, #tpu.memory_space<vmem>>, %arg5: memref<1x128xf32, #tpu.memory_space<vmem>>, %arg6: memref<1x128xf32, #tpu.memory_space<vmem>>, %arg7: memref<128x128xf32, #tpu.memory_space<vmem>>, %arg8: memref<1x128xf32, #tpu.memory_space<vmem>>, %arg9: memref<128x1xf32, #tpu.memory_space<vmem>>, %arg10: memref<1000x128xf32, #tpu.memory_space<vmem>>, %arg11: memref<1000x128xf32, #tpu.memory_space<vmem>>, %arg12: memref<1x8x128xf32, #tpu.memory_space<vmem>>) attributes {dimension_semantics = [#tpu.dimension_semantics<arbitrary>], iteration_bounds = array<i64: 10>, scalar_prefetch = 0 : i64, scratch_operands = 0 : i64, tpu.core_type = #tpu.core_type<tc>, window_params = [{transform_indices = @transform_0, window_bounds = array<i64: 1000, 80>}, {transform_indices = @transform_1, window_bounds = array<i64: 1000, 80>}, {transform_indices = @transform_2, window_bounds = array<i64: 1000, 80>}, {transform_indices = @transform_3, window_bounds = array<i64: 1000, 80>}, {pipeline_mode = #tpu.pipeline_mode<synchronous>, transform_indices = @transform_4, window_bounds = array<i64: 1, 128>}, {pipeline_mode = #tpu.pipeline_mode<synchronous>, transform_indices = @transform_5, window_bounds = array<i64: 1, 128>}, {pipeline_mode = #tpu.pipeline_mode<synchronous>, transform_indices = @transform_6, window_bounds = array<i64: 128, 128>}, {pipeline_mode = #tpu.pipeline_mode<synchronous>, transform_indices = @transform_7, window_bounds = array<i64: 1, 128>}, {pipeline_mode = #tpu.pipeline_mode<synchronous>, transform_indices = @transform_8, window_bounds = array<i64: 128, 1>}, {transform_indices = @transform_9, window_bounds = array<i64: 1000, 128>}, {transform_indices = @transform_10, window_bounds = array<i64: 1000, 128>}, {transform_indices = @transform_11, window_bounds = array<i64: 1, 8, 128>}]} {
    %get3A = arith.constant 0 : index
    %get3A_0 = arith.constant 0 : index
    %get3A_1 = vector.load %arg1[%get3A, %get3A_0] : memref<1000x80xf32, #tpu.memory_space<vmem>>, vector<1000x64xf32>
    %get3A_2 = arith.constant 0 : index
    %get3A_3 = arith.constant 0 : index
    %get3A_4 = vector.load %arg2[%get3A_2, %get3A_3] : memref<1000x80xf32, #tpu.memory_space<vmem>>, vector<1000x64xf32>
    %concatenate3A = tpu.concatenate %get3A_1, %get3A_4 in 1 : vector<1000x64xf32>, vector<1000x64xf32> -> vector<1000x128xf32>
    %get3A_5 = arith.constant 0 : index
    %get3A_6 = arith.constant 64 : index
    %get3A_7 = vector.load %arg2[%get3A_5, %get3A_6] : memref<1000x80xf32, #tpu.memory_space<vmem>>, vector<1000x1xf32>
    %add3A = arith.constant 9.99999971E-10 : f32
    %add3A_8 = vector.broadcast %add3A : f32 to vector<1000x1xf32>
    %add3A_9 = arith.addf %get3A_7, %add3A_8 : vector<1000x1xf32>
    %div3A = vector.broadcast %add3A_9 : vector<1000x1xf32> to vector<1000x128xf32>
    %div3A_10 = arith.divf %concatenate3A, %div3A : vector<1000x128xf32>
    %get3A_11 = arith.constant 0 : index
    %get3A_12 = arith.constant 0 : index
    %get3A_13 = vector.load %arg5[%get3A_11, %get3A_12] : memref<1x128xf32, #tpu.memory_space<vmem>>, vector<1x128xf32>
    %add3A_14 = vector.broadcast %get3A_13 : vector<1x128xf32> to vector<1000x128xf32>
    %add3A_15 = arith.addf %div3A_10, %add3A_14 : vector<1000x128xf32>
    %gt3A = arith.constant 0.000000e+00 : f32
    %gt3A_16 = vector.broadcast %gt3A : f32 to vector<1000x128xf32>
    %gt3A_17 = arith.cmpf ogt, %add3A_15, %gt3A_16 : vector<1000x128xf32>
    %min3A = arith.constant 0.000000e+00 : f32
    %min3A_18 = vector.broadcast %min3A : f32 to vector<1000x128xf32>
    %min3A_19 = arith.minimumf %add3A_15, %min3A_18 : vector<1000x128xf32>
    %exp3A = math.exp %min3A_19 : vector<1000x128xf32>
    %sub3A = arith.constant 1.000000e+00 : f32
    %sub3A_20 = vector.broadcast %sub3A : f32 to vector<1000x128xf32>
    %sub3A_21 = arith.subf %exp3A, %sub3A_20 : vector<1000x128xf32>
    %select_n3A = arith.select %gt3A_17, %add3A_15, %sub3A_21 : vector<1000x128xi1>, vector<1000x128xf32>
    %get3A_22 = arith.constant 0 : index
    %get3A_23 = arith.constant 0 : index
    %get3A_24 = vector.load %arg7[%get3A_22, %get3A_23] : memref<128x128xf32, #tpu.memory_space<vmem>>, vector<128x128xf32>
    %dot_general3A = arith.constant dense<0.000000e+00> : vector<1000x128xf32>
    %dot_general3A_25 = tpu.matmul %select_n3A, %get3A_24, %dot_general3A {dimension_numbers = #tpu.dot_dimension_numbers<[1], [0], [0], [1], [0, 0, 1, 1], [], []>, transpose_lhs_hint = false} : vector<1000x128xf32>, vector<128x128xf32>, vector<1000x128xf32> -> vector<1000x128xf32>
    %get3A_26 = arith.constant 0 : index
    %get3A_27 = arith.constant 0 : index
    %get3A_28 = vector.load %arg8[%get3A_26, %get3A_27] : memref<1x128xf32, #tpu.memory_space<vmem>>, vector<1x128xf32>
    %add3A_29 = vector.broadcast %get3A_28 : vector<1x128xf32> to vector<1000x128xf32>
    %add3A_30 = arith.addf %dot_general3A_25, %add3A_29 : vector<1000x128xf32>
    %tanh3A = math.tanh %add3A_30 : vector<1000x128xf32>
    %get3A_31 = arith.constant 0 : index
    %get3A_32 = arith.constant 0 : index
    %get3A_33 = vector.load %arg9[%get3A_31, %get3A_32] : memref<128x1xf32, #tpu.memory_space<vmem>>, vector<128x1xf32>
    %dot_general3A_34 = arith.constant dense<0.000000e+00> : vector<1000x1xf32>
    %dot_general3A_35 = tpu.matmul %tanh3A, %get3A_33, %dot_general3A_34 {dimension_numbers = #tpu.dot_dimension_numbers<[1], [0], [0], [1], [0, 0, 1, 1], [], []>, transpose_lhs_hint = false} : vector<1000x128xf32>, vector<128x1xf32>, vector<1000x1xf32> -> vector<1000x1xf32>
    %reduce_sum3A = vector.shape_cast %dot_general3A_35 : vector<1000x1xf32> to vector<1x1000x1xf32>
    %reduce_sum3A_36 = arith.constant dense<0.000000e+00> : vector<1xf32>
    %reduce_sum3A_37 = vector.multi_reduction <add>, %reduce_sum3A, %reduce_sum3A_36 [1, 2] : vector<1x1000x1xf32> to vector<1xf32>
    %reduce_sum3A_38 = vector.shape_cast %reduce_sum3A_37 : vector<1xf32> to vector<1x1x1xf32>
    %reduce_sum3A_39 = vector.extract %reduce_sum3A_38[0, 0, 0] : f32 from vector<1x1x1xf32>
    %get3A_40 = arith.constant 0 : index
    %get3A_41 = arith.constant 0 : index
    %get3A_42 = vector.load %arg3[%get3A_40, %get3A_41] : memref<1000x80xf32, #tpu.memory_space<vmem>>, vector<1000x64xf32>
    %get3A_43 = arith.constant 0 : index
    %get3A_44 = arith.constant 0 : index
    %get3A_45 = vector.load %arg4[%get3A_43, %get3A_44] : memref<1000x80xf32, #tpu.memory_space<vmem>>, vector<1000x64xf32>
    %concatenate3A_46 = tpu.concatenate %get3A_42, %get3A_45 in 1 : vector<1000x64xf32>, vector<1000x64xf32> -> vector<1000x128xf32>
    %get3A_47 = arith.constant 0 : index
    %get3A_48 = arith.constant 64 : index
    %get3A_49 = vector.load %arg4[%get3A_47, %get3A_48] : memref<1000x80xf32, #tpu.memory_space<vmem>>, vector<1000x1xf32>
    %add3A_50 = arith.constant 9.99999971E-10 : f32
    %add3A_51 = vector.broadcast %add3A_50 : f32 to vector<1000x1xf32>
    %add3A_52 = arith.addf %get3A_49, %add3A_51 : vector<1000x1xf32>
    %div3A_53 = vector.broadcast %add3A_52 : vector<1000x1xf32> to vector<1000x128xf32>
    %div3A_54 = arith.divf %concatenate3A_46, %div3A_53 : vector<1000x128xf32>
    %get3A_55 = arith.constant 0 : index
    %get3A_56 = arith.constant 0 : index
    %get3A_57 = vector.load %arg6[%get3A_55, %get3A_56] : memref<1x128xf32, #tpu.memory_space<vmem>>, vector<1x128xf32>
    %add3A_58 = vector.broadcast %get3A_57 : vector<1x128xf32> to vector<1000x128xf32>
    %add3A_59 = arith.addf %div3A_54, %add3A_58 : vector<1000x128xf32>
    %gt3A_60 = arith.constant 0.000000e+00 : f32
    %gt3A_61 = vector.broadcast %gt3A_60 : f32 to vector<1000x128xf32>
    %gt3A_62 = arith.cmpf ogt, %add3A_59, %gt3A_61 : vector<1000x128xf32>
    %min3A_63 = arith.constant 0.000000e+00 : f32
    %min3A_64 = vector.broadcast %min3A_63 : f32 to vector<1000x128xf32>
    %min3A_65 = arith.minimumf %add3A_59, %min3A_64 : vector<1000x128xf32>
    %exp3A_66 = math.exp %min3A_65 : vector<1000x128xf32>
    %sub3A_67 = arith.constant 1.000000e+00 : f32
    %sub3A_68 = vector.broadcast %sub3A_67 : f32 to vector<1000x128xf32>
    %sub3A_69 = arith.subf %exp3A_66, %sub3A_68 : vector<1000x128xf32>
    %select_n3A_70 = arith.select %gt3A_62, %add3A_59, %sub3A_69 : vector<1000x128xi1>, vector<1000x128xf32>
    %get3A_71 = arith.constant 0 : index
    %get3A_72 = arith.constant 0 : index
    %get3A_73 = vector.load %arg7[%get3A_71, %get3A_72] : memref<128x128xf32, #tpu.memory_space<vmem>>, vector<128x128xf32>
    %dot_general3A_74 = arith.constant dense<0.000000e+00> : vector<1000x128xf32>
    %dot_general3A_75 = tpu.matmul %select_n3A_70, %get3A_73, %dot_general3A_74 {dimension_numbers = #tpu.dot_dimension_numbers<[1], [0], [0], [1], [0, 0, 1, 1], [], []>, transpose_lhs_hint = false} : vector<1000x128xf32>, vector<128x128xf32>, vector<1000x128xf32> -> vector<1000x128xf32>
    %get3A_76 = arith.constant 0 : index
    %get3A_77 = arith.constant 0 : index
    %get3A_78 = vector.load %arg8[%get3A_76, %get3A_77] : memref<1x128xf32, #tpu.memory_space<vmem>>, vector<1x128xf32>
    %add3A_79 = vector.broadcast %get3A_78 : vector<1x128xf32> to vector<1000x128xf32>
    %add3A_80 = arith.addf %dot_general3A_75, %add3A_79 : vector<1000x128xf32>
    %tanh3A_81 = math.tanh %add3A_80 : vector<1000x128xf32>
    %get3A_82 = arith.constant 0 : index
    %get3A_83 = arith.constant 0 : index
    %get3A_84 = vector.load %arg9[%get3A_82, %get3A_83] : memref<128x1xf32, #tpu.memory_space<vmem>>, vector<128x1xf32>
    %dot_general3A_85 = arith.constant dense<0.000000e+00> : vector<1000x1xf32>
    %dot_general3A_86 = tpu.matmul %tanh3A_81, %get3A_84, %dot_general3A_85 {dimension_numbers = #tpu.dot_dimension_numbers<[1], [0], [0], [1], [0, 0, 1, 1], [], []>, transpose_lhs_hint = false} : vector<1000x128xf32>, vector<128x1xf32>, vector<1000x1xf32> -> vector<1000x1xf32>
    %reduce_sum3A_87 = vector.shape_cast %dot_general3A_86 : vector<1000x1xf32> to vector<1x1000x1xf32>
    %reduce_sum3A_88 = arith.constant dense<0.000000e+00> : vector<1xf32>
    %reduce_sum3A_89 = vector.multi_reduction <add>, %reduce_sum3A_87, %reduce_sum3A_88 [1, 2] : vector<1x1000x1xf32> to vector<1xf32>
    %reduce_sum3A_90 = vector.shape_cast %reduce_sum3A_89 : vector<1xf32> to vector<1x1x1xf32>
    %reduce_sum3A_91 = vector.extract %reduce_sum3A_90[0, 0, 0] : f32 from vector<1x1x1xf32>
    %swap3A = arith.constant 0 : index
    %swap3A_92 = arith.constant 0 : index
    %swap3A_93 = vector.load %arg10[%swap3A, %swap3A_92] : memref<1000x128xf32, #tpu.memory_space<vmem>>, vector<1000x128xf32>
    tpu.vector_store %arg10[%swap3A, %swap3A_92], %select_n3A {strides = array<i32>} : memref<1000x128xf32, #tpu.memory_space<vmem>>, vector<1000x128xf32>,
    %swap3A_94 = arith.constant 0 : index
    %swap3A_95 = arith.constant 0 : index
    %swap3A_96 = vector.load %arg11[%swap3A_94, %swap3A_95] : memref<1000x128xf32, #tpu.memory_space<vmem>>, vector<1000x128xf32>
    tpu.vector_store %arg11[%swap3A_94, %swap3A_95], %select_n3A_70 {strides = array<i32>} : memref<1000x128xf32, #tpu.memory_space<vmem>>, vector<1000x128xf32>,
    %iota3A = tpu.iota {dimensions = array<i32: 2>} : vector<1x8x128xi32>
    %eq3A = arith.constant 0 : i32
    %eq3A_97 = vector.broadcast %eq3A : i32 to vector<1x8x128xi32>
    %eq3A_98 = arith.cmpi eq, %iota3A, %eq3A_97 : vector<1x8x128xi32>
    %eq3A_99 = arith.constant 1 : i32
    %eq3A_100 = vector.broadcast %eq3A_99 : i32 to vector<1x8x128xi32>
    %eq3A_101 = arith.cmpi eq, %iota3A, %eq3A_100 : vector<1x8x128xi32>
    %jit3A = arith.constant 0.000000e+00 : f32
    %broadcast_in_dim3A = vector.broadcast %reduce_sum3A_91 : f32 to vector<1x8x128xf32>
    %broadcast_in_dim3A_102 = vector.broadcast %jit3A : f32 to vector<1x8x128xf32>
    %select_n3A_103 = arith.select %eq3A_101, %broadcast_in_dim3A, %broadcast_in_dim3A_102 : vector<1x8x128xi1>, vector<1x8x128xf32>
    %broadcast_in_dim3A_104 = vector.broadcast %reduce_sum3A_39 : f32 to vector<1x8x128xf32>
    %select_n3A_105 = arith.select %eq3A_98, %broadcast_in_dim3A_104, %select_n3A_103 : vector<1x8x128xi1>, vector<1x8x128xf32>
    %swap3A_106 = arith.constant 0 : index
    %swap3A_107 = arith.constant 0 : index
    %swap3A_108 = arith.constant 0 : index
    %swap3A_109 = vector.load %arg12[%swap3A_106, %swap3A_107, %swap3A_108] : memref<1x8x128xf32, #tpu.memory_space<vmem>>, vector<1x8x128xf32>
    tpu.vector_store %arg12[%swap3A_106, %swap3A_107, %swap3A_108], %select_n3A_105 {strides = array<i32>} : memref<1x8x128xf32, #tpu.memory_space<vmem>>, vector<1x8x128xf32>,
    return
  }
  func.func @transform_0(%arg0: i32) -> (i32, i32) {
    %c0_i32 = arith.constant 0 : i32
    %c0_i32_0 = arith.constant 0 : i32
    return %arg0, %c0_i32 : i32, i32
  }
  func.func @transform_1(%arg0: i32) -> (i32, i32) {
    %c0_i32 = arith.constant 0 : i32
    %c0_i32_0 = arith.constant 0 : i32
    return %arg0, %c0_i32 : i32, i32
  }
  func.func @transform_2(%arg0: i32) -> (i32, i32) {
    %c0_i32 = arith.constant 0 : i32
    %c0_i32_0 = arith.constant 0 : i32
    return %arg0, %c0_i32 : i32, i32
  }
  func.func @transform_3(%arg0: i32) -> (i32, i32) {
    %c0_i32 = arith.constant 0 : i32
    %c0_i32_0 = arith.constant 0 : i32
    return %arg0, %c0_i32 : i32, i32
  }
  func.func @transform_4(%arg0: i32) -> (i32, i32) {
    %c0_i32 = arith.constant 0 : i32
    %c0_i32_0 = arith.constant 0 : i32
    %c0_i32_1 = arith.constant 0 : i32
    return %c0_i32, %c0_i32_0 : i32, i32
  }
  func.func @transform_5(%arg0: i32) -> (i32, i32) {
    %c0_i32 = arith.constant 0 : i32
    %c0_i32_0 = arith.constant 0 : i32
    %c0_i32_1 = arith.constant 0 : i32
    return %c0_i32, %c0_i32_0 : i32, i32
  }
  func.func @transform_6(%arg0: i32) -> (i32, i32) {
    %c0_i32 = arith.constant 0 : i32
    %c0_i32_0 = arith.constant 0 : i32
    %c0_i32_1 = arith.constant 0 : i32
    return %c0_i32, %c0_i32_0 : i32, i32
  }
  func.func @transform_7(%arg0: i32) -> (i32, i32) {
    %c0_i32 = arith.constant 0 : i32
    %c0_i32_0 = arith.constant 0 : i32
    %c0_i32_1 = arith.constant 0 : i32
    return %c0_i32, %c0_i32_0 : i32, i32
  }
  func.func @transform_8(%arg0: i32) -> (i32, i32) {
    %c0_i32 = arith.constant 0 : i32
    %c0_i32_0 = arith.constant 0 : i32
    %c0_i32_1 = arith.constant 0 : i32
    return %c0_i32, %c0_i32_0 : i32, i32
  }
  func.func @transform_9(%arg0: i32) -> (i32, i32) {
    %c0_i32 = arith.constant 0 : i32
    %c0_i32_0 = arith.constant 0 : i32
    return %arg0, %c0_i32 : i32, i32
  }
  func.func @transform_10(%arg0: i32) -> (i32, i32) {
    %c0_i32 = arith.constant 0 : i32
    %c0_i32_0 = arith.constant 0 : i32
    return %arg0, %c0_i32 : i32, i32
  }
  func.func @transform_11(%arg0: i32) -> (i32, i32, i32) {
    %c0_i32 = arith.constant 0 : i32
    %c0_i32_0 = arith.constant 0 : i32
    %c0_i32_1 = arith.constant 0 : i32
    return %arg0, %c0_i32, %c0_i32_0 : i32, i32, i32
  }
}

module attributes {stable_mosaic.version = 14 : i64} {
  func.func @_epi_b_body(%arg0: i32, %arg1: memref<1000x128xf32, #tpu.memory_space<vmem>>, %arg2: memref<1000x128xf32, #tpu.memory_space<vmem>>, %arg3: memref<10x8x128xf32, #tpu.memory_space<vmem>>, %arg4: memref<1000x128xf32, #tpu.memory_space<vmem>>, %arg5: memref<1x128xf32, #tpu.memory_space<vmem>>) attributes {dimension_semantics = [#tpu.dimension_semantics<arbitrary>], iteration_bounds = array<i64: 10>, scalar_prefetch = 0 : i64, scratch_operands = 0 : i64, tpu.core_type = #tpu.core_type<tc>, window_params = [{transform_indices = @transform_0, window_bounds = array<i64: 1000, 128>}, {transform_indices = @transform_1, window_bounds = array<i64: 1000, 128>}, {pipeline_mode = #tpu.pipeline_mode<synchronous>, transform_indices = @transform_2, window_bounds = array<i64: 10, 8, 128>}, {transform_indices = @transform_3, window_bounds = array<i64: 1000, 128>}, {pipeline_mode = #tpu.pipeline_mode<synchronous>, transform_indices = @transform_4, window_bounds = array<i64: 1, 128>}]} {
    %get3A = arith.constant 0 : index
    %get3A_0 = arith.constant 0 : index
    %get3A_1 = arith.constant 0 : index
    %get3A_2 = vector.load %arg3[%get3A, %get3A_0, %get3A_1] : memref<10x8x128xf32, #tpu.memory_space<vmem>>, vector<10x1x1xf32>
    %get3A_3 = vector.shape_cast %get3A_2 : vector<10x1x1xf32> to vector<10x1xf32>
    %reduce_sum3A = vector.shape_cast %get3A_3 : vector<10x1xf32> to vector<1x10x1xf32>
    %reduce_sum3A_4 = arith.constant dense<0.000000e+00> : vector<1xf32>
    %reduce_sum3A_5 = vector.multi_reduction <add>, %reduce_sum3A, %reduce_sum3A_4 [1, 2] : vector<1x10x1xf32> to vector<1xf32>
    %reduce_sum3A_6 = vector.shape_cast %reduce_sum3A_5 : vector<1xf32> to vector<1x1x1xf32>
    %reduce_sum3A_7 = vector.extract %reduce_sum3A_6[0, 0, 0] : f32 from vector<1x1x1xf32>
    %div3A = arith.constant 1.000000e+04 : f32
    %div3A_8 = arith.divf %reduce_sum3A_7, %div3A : f32
    %get3A_9 = arith.constant 0 : index
    %get3A_10 = arith.constant 0 : index
    %get3A_11 = arith.constant 1 : index
    %get3A_12 = vector.load %arg3[%get3A_9, %get3A_10, %get3A_11] : memref<10x8x128xf32, #tpu.memory_space<vmem>>, vector<10x1x1xf32>
    %get3A_13 = vector.shape_cast %get3A_12 : vector<10x1x1xf32> to vector<10x1xf32>
    %reduce_sum3A_14 = vector.shape_cast %get3A_13 : vector<10x1xf32> to vector<1x10x1xf32>
    %reduce_sum3A_15 = arith.constant dense<0.000000e+00> : vector<1xf32>
    %reduce_sum3A_16 = vector.multi_reduction <add>, %reduce_sum3A_14, %reduce_sum3A_15 [1, 2] : vector<1x10x1xf32> to vector<1xf32>
    %reduce_sum3A_17 = vector.shape_cast %reduce_sum3A_16 : vector<1xf32> to vector<1x1x1xf32>
    %reduce_sum3A_18 = vector.extract %reduce_sum3A_17[0, 0, 0] : f32 from vector<1x1x1xf32>
    %div3A_19 = arith.constant 1.000000e+04 : f32
    %div3A_20 = arith.divf %reduce_sum3A_18, %div3A_19 : f32
    %max3A = arith.maximumf %div3A_8, %div3A_20 : f32
    %sub3A = arith.subf %div3A_8, %max3A : f32
    %exp3A = math.exp %sub3A : f32
    %sub3A_21 = arith.subf %div3A_20, %max3A : f32
    %exp3A_22 = math.exp %sub3A_21 : f32
    %add3A = arith.addf %exp3A, %exp3A_22 : f32
    %div3A_23 = arith.divf %exp3A, %add3A : f32
    %add3A_24 = arith.addf %exp3A, %exp3A_22 : f32
    %div3A_25 = arith.divf %exp3A_22, %add3A_24 : f32
    %get3A_26 = arith.constant 0 : index
    %get3A_27 = arith.constant 0 : index
    %get3A_28 = vector.load %arg1[%get3A_26, %get3A_27] : memref<1000x128xf32, #tpu.memory_space<vmem>>, vector<1000x128xf32>
    %mul3A = vector.broadcast %div3A_23 : f32 to vector<1000x128xf32>
    %mul3A_29 = arith.mulf %mul3A, %get3A_28 : vector<1000x128xf32>
    %get3A_30 = arith.constant 0 : index
    %get3A_31 = arith.constant 0 : index
    %get3A_32 = vector.load %arg2[%get3A_30, %get3A_31] : memref<1000x128xf32, #tpu.memory_space<vmem>>, vector<1000x128xf32>
    %mul3A_33 = vector.broadcast %div3A_25 : f32 to vector<1000x128xf32>
    %mul3A_34 = arith.mulf %mul3A_33, %get3A_32 : vector<1000x128xf32>
    %add3A_35 = arith.addf %mul3A_29, %mul3A_34 : vector<1000x128xf32>
    %swap3A = arith.constant 0 : index
    %swap3A_36 = arith.constant 0 : index
    %swap3A_37 = vector.load %arg4[%swap3A, %swap3A_36] : memref<1000x128xf32, #tpu.memory_space<vmem>>, vector<1000x128xf32>
    tpu.vector_store %arg4[%swap3A, %swap3A_36], %add3A_35 {strides = array<i32>} : memref<1000x128xf32, #tpu.memory_space<vmem>>, vector<1000x128xf32>,
    %iota3A = tpu.iota {dimensions = array<i32: 1>} : vector<1x128xi32>
    %eq3A = arith.constant 0 : i32
    %eq3A_38 = vector.broadcast %eq3A : i32 to vector<1x128xi32>
    %eq3A_39 = arith.cmpi eq, %iota3A, %eq3A_38 : vector<1x128xi32>
    %eq3A_40 = arith.constant 1 : i32
    %eq3A_41 = vector.broadcast %eq3A_40 : i32 to vector<1x128xi32>
    %eq3A_42 = arith.cmpi eq, %iota3A, %eq3A_41 : vector<1x128xi32>
    %jit3A = arith.constant 0.000000e+00 : f32
    %broadcast_in_dim3A = vector.broadcast %div3A_25 : f32 to vector<1x128xf32>
    %broadcast_in_dim3A_43 = vector.broadcast %jit3A : f32 to vector<1x128xf32>
    %select_n3A = arith.select %eq3A_42, %broadcast_in_dim3A, %broadcast_in_dim3A_43 : vector<1x128xi1>, vector<1x128xf32>
    %broadcast_in_dim3A_44 = vector.broadcast %div3A_23 : f32 to vector<1x128xf32>
    %select_n3A_45 = arith.select %eq3A_39, %broadcast_in_dim3A_44, %select_n3A : vector<1x128xi1>, vector<1x128xf32>
    %swap3A_46 = arith.constant 0 : index
    %swap3A_47 = arith.constant 0 : index
    %swap3A_48 = vector.load %arg5[%swap3A_46, %swap3A_47] : memref<1x128xf32, #tpu.memory_space<vmem>>, vector<1x128xf32>
    tpu.vector_store %arg5[%swap3A_46, %swap3A_47], %select_n3A_45 {strides = array<i32>} : memref<1x128xf32, #tpu.memory_space<vmem>>, vector<1x128xf32>,
    return
  }
  func.func @transform_0(%arg0: i32) -> (i32, i32) {
    %c0_i32 = arith.constant 0 : i32
    %c0_i32_0 = arith.constant 0 : i32
    return %arg0, %c0_i32 : i32, i32
  }
  func.func @transform_1(%arg0: i32) -> (i32, i32) {
    %c0_i32 = arith.constant 0 : i32
    %c0_i32_0 = arith.constant 0 : i32
    return %arg0, %c0_i32 : i32, i32
  }
  func.func @transform_2(%arg0: i32) -> (i32, i32, i32) {
    %c0_i32 = arith.constant 0 : i32
    %c0_i32_0 = arith.constant 0 : i32
    %c0_i32_1 = arith.constant 0 : i32
    %c0_i32_2 = arith.constant 0 : i32
    return %c0_i32, %c0_i32_0, %c0_i32_1 : i32, i32, i32
  }
  func.func @transform_3(%arg0: i32) -> (i32, i32) {
    %c0_i32 = arith.constant 0 : i32
    %c0_i32_0 = arith.constant 0 : i32
    return %arg0, %c0_i32 : i32, i32
  }
  func.func @transform_4(%arg0: i32) -> (i32, i32) {
    %c0_i32 = arith.constant 0 : i32
    %c0_i32_0 = arith.constant 0 : i32
    %c0_i32_1 = arith.constant 0 : i32
    return %c0_i32, %c0_i32_0 : i32, i32
  }
}

</mosaic_0001>

<sc_bundles>
// kernel: kernel.6.cloned.1.call-start
scs
__scs_entry_jumppad:
0x0: {  	(pc) =	sbr.rel $0x88, $3  }
0x1: {  	(tag) =	ssettag $0x0;
	lr =	simm.s32 $0x1  }
0x2: {  	[smem:$0x3F8F] =	sst lr;
	_ =	strace $0xD0000000  }
0x3: {  	_ = 	snop  }
0x4: {  	_ = 	snop  }
0x5: {  	_ = 	snop  }
0x6: {  	_ = 	snop  }
0x7: {  	_ = 	snop  }
__scs_overlays_trampoline_lowered:
0x8: {  	[smem:$0x3F9E] =	sst s0  }
0x9: {  	[smem:$0x3F9F] =	sst s1  }
0xa: {  	[smem:$0x3FA0] =	sst s2  }
0xb: {  	[smem:$0x3FA1] =	sst s3  }
0xc: {  	[smem:$0x3FA2] =	sst s4  }
0xd: {  	[smem:$0x3FA3] =	sst s5  }
0xe: {  	[smem:$0x3FA4] =	sst s6  }
0xf: {  	[smem:$0x3FA5] =	sst s7  }
0x10: {  	[smem:$0x3FA6] =	sst s8  }
0x11: {  	[smem:$0x3FA7] =	sst s9;
	s0 =	simm.s32 @!p0 $0x0  }
0x12: {  	s1 =	sld [smem:$0x3F8D];
	s0 =	simm.s32 @p0 $0x1  }
0x13: {  	[smem:$0x3FA8] =	sst s0;
	s0 =	simm.s32 @!p1 $0x0  }
0x14: {  	s2 =	sld [smem:$0x3F8C];
	s0 =	simm.s32 @p1 $0x1  }
0x15: {  	[smem:$0x3FA9] =	sst s0;
	s0 =	simm.s32 @!p2 $0x0  }
0x16: {  	s3 =	sld [smem:$0x3FDB];
	s0 =	simm.s32 @p2 $0x1  }
0x17: {  	s4 =	simm.s32 $0x1BF5;
	[smem:$0x3FAB] =	sst s0  }
0x18: {  	s0 =	sld [smem:$0x3F8E];
	_ =	swait.ge [sflag:s4], $0x0  }
0x19: {  	s7 =	sld [smem:$0x3F8F]  }
0x1a: {  	s8 =	sadd.s32 $0xFFFFE003, lr  }
0x1b: {  	s9 =	sadd.s32 $0xFFFFFEF7, lr;
	s5 =	simm.s32 $0xFFFFFFFF;
	p2 =	slt.u32 s8, $0xFFFFF086  }
0x1c: {  	p1 =	slt.u32 s9, $0xF7A;
	s5 =	simm.s32 @!p2 $0x0  }
0x1d: {  	s5 =	simm.s32 @p1 $0x1;
	p0 =	seq.s32 s7, s2  }
0x1e: {  	s7 =	smul.u32 @!p0 $0xF7A, s2;
	p2 =	seq.s32 @!p0 s5, $0x0  }
0x1f: {  	s9 =	smul.u32 $0xF7A, s1;
	s8 =	simm.s32 @!p0 $0x1BF5;
	p2 =	por !p2, p0  }
0x20: {  	[sflag:s8] =	ssyncset.s32 @!p0 $0xFFFFF086;
	s6 =	sadd.s32 @!p0 s3, s7;
	s7 =	simm.s32 @!p0 $0x108  }
0x21: {  	s3 =	sadd.s32 s3, s9;
	s6 =	sadd.s32 @!p0 $0x88, s6;
	s7 =	simm.s32 @p2 $0x1082  }
0x22: {  	[simem:s7], [sflag:s8] =	dma.local @!p0 [hbm:s6], $0xF7A  }
0x23: {  	s9 =	sor.u32 $0xD0000000, s2;
	s6 =	simm.s32 $0x108;
	_ =	swait.ge @!p0 [sflag:s8], $0x0  }
0x24: {  	s3 =	sadd.s32 $0x88, s3;
	s6 =	simm.s32 @!p1 $0x1082;
	[sflag:s4] =	ssyncset.s32 $0xFFFFF086  }
0x25: {  	[simem:s6], [sflag:s4] =	dma.local [hbm:s3], $0xF7A  }
0x26: {  	[smem:$0x3F8F] =	sst s1;
	(tag) =	ssettag s2;
	_ =	strace s9  }
0x27: {  	s1 =	sld [smem:$0x3F9F]  }
0x28: {  	s2 =	sld [smem:$0x3FA0]  }
0x29: {  	s4 =	sld [smem:$0x3FA2]  }
0x2a: {  	p0 =	seq.s32 s5, $0x0;
	s5 =	sld [smem:$0x3FA3]  }
0x2b: {  	s6 =	sld [smem:$0x3FA4]  }
0x2c: {  	s7 =	sld [smem:$0x3FA5]  }
0x2d: {  	s3 =	simm.s32 $0x108;
	s8 =	sld [smem:$0x3FA6]  }
0x2e: {  	s3 =	simm.s32 @!p0 $0x1082;
	s9 =	sld [smem:$0x3FA7]  }
0x2f: {  	lr =	sadd.s32 s0, s3;
	s0 =	sld [smem:$0x3F9E]  }
0x30: {  	s3 =	sld [smem:$0x3FA1]  }
0x31: {  	[smem:$0x3FAA] =	sst s10  }
0x32: {  	s10 =	sld [smem:$0x3FA8];
	_ =	sdelay $0x3  }
0x33: {  	p0 =	seq.s32 s10, $0x1;
	s10 =	sld [smem:$0x3FAA];
	_ =	sdelay $0x3  }
0x34: {  	[smem:$0x3FAA] =	sst s10  }
0x35: {  	s10 =	sld [smem:$0x3FA9];
	_ =	sdelay $0x3  }
0x36: {  	p1 =	seq.s32 s10, $0x1;
	s10 =	sld [smem:$0x3FAA];
	_ =	sdelay $0x3  }
0x37: {  	[smem:$0x3FAA] =	sst s10  }
0x38: {  	s10 =	sld [smem:$0x3FAB]  }
0x39: {  	_ = 	snop;
	(pc) =	sbr.ind lr, $3  }
0x3a: {  	_ = 	snop  }
0x3b: {  	_ = 	snop  }
0x3c: {  	p2 =	seq.s32 s10, $0x1;
	s10 =	sld [smem:$0x3FAA]  }
0x3d: {  	_ =	shalt  }
0x3e: {  	_ =	shalt  }
0x3f: {  	_ =	shalt  }
0x40: {  	_ =	shalt  }
0x41: {  	_ =	shalt  }
0x42: {  	_ =	shalt  }
0x43: {  	_ =	shalt  }
0x44: {  	_ =	shalt  }
0x45: {  	_ =	shalt  }
0x46: {  	_ =	shalt  }
0x47: {  	_ =	shalt  }
0x48: {  	_ =	shalt  }
0x49: {  	_ =	shalt  }
0x4a: {  	_ =	shalt  }
0x4b: {  	_ =	shalt  }
0x4c: {  	_ =	shalt  }
0x4d: {  	_ =	shalt  }
0x4e: {  	_ =	shalt  }
0x4f: {  	_ =	shalt  }
0x50: {  	_ =	shalt  }
0x51: {  	_ =	shalt  }
0x52: {  	_ =	shalt  }
0x53: {  	_ =	shalt  }
0x54: {  	_ =	shalt  }
0x55: {  	_ =	shalt  }
0x56: {  	_ =	shalt  }
0x57: {  	_ =	shalt  }
0x58: {  	_ =	shalt  }
0x59: {  	_ =	shalt  }
0x5a: {  	_ =	shalt  }
0x5b: {  	_ =	shalt  }
0x5c: {  	_ =	shalt  }
0x5d: {  	_ =	shalt  }
0x5e: {  	_ =	shalt  }
0x5f: {  	_ =	shalt  }
0x60: {  	_ =	shalt  }
0x61: {  	_ =	shalt  }
0x62: {  	_ =	shalt  }
0x63: {  	_ =	shalt  }
0x64: {  	_ =	shalt  }
0x65: {  	_ =	shalt  }
0x66: {  	_ =	shalt  }
0x67: {  	_ =	shalt  }
0x68: {  	_ =	shalt  }
0x69: {  	_ =	shalt  }
0x6a: {  	_ =	shalt  }
0x6b: {  	_ =	shalt  }
0x6c: {  	_ =	shalt  }
0x6d: {  	_ =	shalt  }
0x6e: {  	_ =	shalt  }
0x6f: {  	_ =	shalt  }
0x70: {  	_ =	shalt  }
0x71: {  	_ =	shalt  }
0x72: {  	_ =	shalt  }
0x73: {  	_ =	shalt  }
0x74: {  	_ =	shalt  }
0x75: {  	_ =	shalt  }
0x76: {  	_ =	shalt  }
0x77: {  	_ =	shalt  }
0x78: {  	_ =	shalt  }
0x79: {  	_ =	shalt  }
0x7a: {  	_ =	shalt  }
0x7b: {  	_ =	shalt  }
0x7c: {  	_ =	shalt  }
0x7d: {  	_ =	shalt  }
0x7e: {  	_ =	shalt  }
0x7f: {  	_ =	shalt  }
0x80: {  	_ =	shalt  }
0x81: {  	_ =	shalt  }
0x82: {  	_ =	shalt  }
0x83: {  	_ =	shalt  }
0x84: {  	_ =	shalt  }
0x85: {  	_ =	shalt  }
0x86: {  	_ =	shalt  }
0x87: {  	_ =	shalt  }
.Lfunc_end0:
.L_simem_size_0:
called_computation_lowered:
.L_overlay_start_0:
0x88: {  	s2 =	sld [smem:$0x3FD9]  }
0x89: {  	s3 =	sld [smem:$0x3FFE];
	_ =	sdelay $0x1  }
0x8a: {  	s1 =	srdreg.scid  }
0x8b: {  	s0 =	sand.u32 $0x1, s1  }
0x8c: {  	s14 =	sshll.u32 s0, $0xA;
	s2 =	sadd.s32 s3, s2  }
0x8d: {  	s2 =	sadd.s32 s2, s14  }
0x8e: {  	[smem:$0x3FB6] =	sst s2  }
0x8f: {  	_ = 	snop  }
0x90: {  	s2 =	sld [smem:$0x3FD0];
	_ =	sdelay $0x2  }
0x91: {  	s15 =	simm.s32 $0xA;
	s4 =	simm.s32 $0x10  }
0x92: {  	[smem:s4], [sflag:s15] =	dma.local [hbm:s2], $0x1  }
0x93: {  	_ =	swait.eq [sflag:s15], $0x1  }
0x94: {  	[sflag:s15] =	ssyncset.done $0x0  }
0x95: {  	[sflag:s15] =	ssyncadd.s32 $0xFFFFFFFF  }
0x96: {  	s16 =	sld [smem:$0x10];
	(tm) =	ssettm $0x1  }
0x97: {  	s17 =	sld [smem:$0x3FFB];
	_ =	sdelay $0x3  }
0x98: {  	_ =	strace s17  }
0x99: {  	s3 =	sld [smem:$0x3FFC];
	_ =	sdelay $0x3  }
0x9a: {  	_ =	strace s3  }
0x9b: {  	s3 =	sld [smem:$0x3FFD];
	_ =	sdelay $0x3  }
0x9c: {  	_ =	strace s3  }
0x9d: {  	_ =	strace $0x8FFFFFFF  }
0x9e: {  	s18 =	sld [smem:$0x3FDB];
	_ =	sdelay $0x1  }
0x9f: {  	s19 =	simm.s32 $_scs_section_size  }
0xa0: {  	s5 =	simm.s32 $_size__tile_overlayer_lowered;
	s6 =	simm.s32 $_tile_overlayer_lowered  }
0xa1: {  	s22 =	simm.s32 $0x1BFF;
	s21 =	sshll.u32 s6, $0x1;
	s3 =	sadd.s32 s19, s18  }
0xa2: {  	s7 =	simm.s32 $0x0;
	s20 =	sshll.u32 s5, $0x1;
	s5 =	sadd.s32 s21, s3  }
0xa3: {  	[timem:s7], [sflag:s22] =	dma.local [hbm:s5], s20  }
0xa4: {  	_ =	swait.ge [sflag:s22], s20  }
0xa5: {  	s4 =	ssub.s32 $0x0, s20;
	[sflag:s22] =	ssyncset.done $0x0  }
0xa6: {  	[sflag:s22] =	ssyncadd.s32 s4;
	_ =	sdelay $0x1  }
0xa7: {  	s23 =	simm.s32 $0x1B8B  }
0xa8: {  	_ =	swait.ge [sflag:s23], $0x1  }
0xa9: {  	[sflag:s23] =	ssyncset.done $0x0  }
0xaa: {  	s25 =	simm.s32 $0x1B8E;
	s24 =	sld [smem:$0x3FFE];
	[sflag:s23] =	ssyncadd.s32 $0xFFFFFFFF  }
0xab: {  	s26 =	simm.s32 $execute0_lowered;
	[smem:$0x3FD2] =	sst s25  }
0xac: {  	s5 =	sshll.u32 s26, $0x1;
	_ =	strace $0x80000046;
	[dreg:$0x1] =	wrdreg $0xFFFFFFFF  }
0xad: {  	s28 =	simm.s32 $_size_execute0_lowered;
	s3 =	sadd.s32 s3, s5;
	[dreg:$0x0] =	wrdreg $0x0  }
0xae: {  	s5 =	sshll.u32 s28, $0x1;
	[dreg:$0x2] =	wrdreg s3  }
0xaf: {  	[dreg:$0x3] =	wrdreg s5  }
0xb0: {  	[dreg:$0x4] =	wrdreg $0xC0  }
0xb1: {  	_ =	task [dreg:s7], $0x5FFFF  }
0xb2: {  	[dreg:$0x1] =	wrdreg $0xFFFFFFFF  }
0xb3: {  	[dreg:$0x0] =	wrdreg $0x60  }
0xb4: {  	[dreg:$0x2] =	wrdreg s24  }
0xb5: {  	[dreg:$0x3] =	wrdreg s16  }
0xb6: {  	[dreg:$0x4] =	wrdreg $0x107F00  }
0xb7: {  	[dreg:$0x5] =	wrdreg $0x9  }
0xb8: {  	_ =	task.clear_ibuf [dreg:s7], $0x6FFFF;
	_ =	strace $0x90000046  }
0xb9: {  	s29 =	simm.s32 $0x9;
	_ =	strace $0x80000048  }
0xba: {  	_ =	swait.ge [sflag:s29], $0x1  }
0xbb: {  	[sflag:s29] =	ssyncadd.s32 $0xFFFFFFFF  }
0xbc: {  	_ =	strace $0x90000048  }
0xbd: {  	_ =	sfence  }
0xbe: {  	s30 =	sld [smem:$0x0];
	_ =	sdelay $0x2  }
0xbf: {  	s31 =	sshll.u32 s1, $0xD;
	s1 =	sshrl.u32 s1, $0x2  }
0xc0: {  	s3 =	sand.u32 $0x4000, s31;
	s1 =	sadd.s32 s1, s30  }
0xc1: {  	s0 =	sor.u32 s3, s0;
	s1 =	sshll.u32 s1, $0x11  }
0xc2: {  	s0 =	sor.u32 s1, s0  }
0xc3: {  	s0 =	sadd.s32 $0x8F2B, s0  }
0xc4: {  	[sflag:s0] =	ssyncadd.remote.s32 $0x1  }
0xc5: {  	_ =	sfence.sel $0xFFFF  }
0xc6: {  	[dreg:$0x0] =	wrdreg $0xFFFFFFFF;
	(pc) =	sbr.abs _section_cstart, $3  }
0xc7: {  	[dreg:$0x1] =	wrdreg $0xFFFFFFFF  }
0xc8: {  	_ =	task.clear_ibuf [dreg:s7], $0x2FFFF;
	_ =	strace $0x9FFFFFFF  }
0xc9: {  	(tm) =	ssettm $0x7FFFFFFF  }
tec
execute0_lowered:
.L_overlay_start_1:
0x0: {  	(tag) =	ssettag $0x1  }
0x1: {  	s0 =	rddreg [dreg:$0x0]  }
0x2: {  	s2 =	rddreg [dreg:$0x1]  }
0x3: {  	s19 =	rddreg [dreg:$0x2];
	s3 =	simm.s32 $0x0  }
0x4: {  	s1 =	stileid.u32;
	s10 =	srdreg.scid;
	s29 =	simm.s32 $0x1  }
0x5: {  	s30 =	simm.s32 $0x2;
	[smem:$0x7FF] =	sst s3;
	s4 =	sadd.s32 $0x59600, s0  }
0x6: {  	s5 =	sadd.s32 $0x28600, s0;
	_ =	strace $0x80000047;
	[dreg:$0x5] =	wrdreg s4  }
0x7: {  	s31 =	simm.s32 $0x3;
	s9 =	sadd.s32 $0x8A600, s0;
	[dreg:$0x7] =	wrdreg s5  }
0x8: {  	s28 =	simm.s32 $0x76B0;
	s6 =	sadd.s32 $0x1400, s0;
	[dreg:$0x8] =	wrdreg s9  }
0x9: {  	s15 =	sadd.s32 $0x71E00, s0;
	s24 =	sadd.s32 $0x10A00, s0;
	[dreg:$0x9] =	wrdreg s6  }
0xa: {  	s23 =	sadd.s32 $0x40E00, s0;
	s26 =	smul.u32 $0x4EC, s1;
	[dreg:$0xa] =	wrdreg s24  }
0xb: {  	s8 =	sshll.u32 s1, $0x6;
	s14 =	smul.u32 $0x5A, s1;
	[dreg:$0x4] =	wrdreg s15  }
0xc: {  	s5 =	sand.u32 $0x1, s10;
	s9 =	smul.u32 $0xC580, s1;
	[dreg:$0x6] =	wrdreg s23  }
0xd: {  	s10 =	sadd.s32 $0x8AC00, s0;
	s6 =	simm.s32 $0x7;
	[dreg:$0xf] =	wrdreg s14  }
0xe: {  	s11 =	sadd.s32 s26, s0;
	s2 =	sadd.s32 s2, s26;
	[dreg:$0xc] =	wrdreg s10  }
0xf: {  	s7 =	ssub.s32 $0x2, s5;
	p0 =	seq.s32 s5, $0x1;
	[dreg:$0x10] =	wrdreg s2  }
0x10: {  	s26 =	smul.u32 $0x2760, s1;
	s13 =	sadd.s32 s9, s19;
	[dreg:$0xb] =	wrdreg s9  }
0x11: {  	s5 =	simm.s32 $0x0;
	s17 =	sadd.s32 $0xBA00, s11;
	[dreg:$0xd] =	wrdreg s13  }
0x12: {  	s12 =	sshrl.u32 s7, $0x1;
	s21 =	sadd.s32 $0x6A00, s11;
	[dreg:$0x11] =	wrdreg s17  }
0x13: {  	s16 =	sshrl.u32 s9, $0x3;
	s22 =	sadd.s32 $0x1A00, s11;
	[dreg:$0x13] =	wrdreg s21  }
0x14: {  	s25 =	sadd.s32 $0x18B000, s9;
	s9 =	simm.s32 $0xE4F0;
	[dreg:$0x14] =	wrdreg s22  }
0x15: {  	s0 =	ssub.s32 s7, s12;
	s7 =	sor.u32 $0x1C07, s8;
	[dreg:$0x16] =	wrdreg s25  }
0x16: {  	s18 =	sadd.s32 s10, s16;
	[dreg:$0x18] =	wrdreg s26;
	s25 =	simm.s32 $0x2710  }
.Ltmp0:
0x17: {  	s20 =	sadd.s32 $0x18B00, s18;
	[dreg:$0xe] =	wrdreg s7;
	(pc) =	sbr.rel .LBB2_1-.Ltmp0, $4  }
0x18: {  	v0 =	vlaneseq.u32;
	s26 =	simm.s32 $0x2780;
	s2 =	sadd.s32 $0x4A100, s18;
	[dreg:$0x12] =	wrdreg s20  }
0x19: {  	v1 =	vmul.u32 $0x50, v0;
	s8 =	simm.s32 $0xC1F0;
	s0 =	smax.u32 s0, $0x1;
	[dreg:$0x15] =	wrdreg s2  }
0x1a: {  	s17 =	simm.s32 $0x7790;
	s18 =	simm.s32 $0x6;
	[dreg:$0x17] =	wrdreg s0  }
0x1b: {  	v0 =	vadd.s32 $0x41, v1;
	v1 =	vadd.s32 $0x1E41, v1;
	s0 =	simm.s32 $0x70;
	s2 =	simm.s32 $0x9EF0;
	s20 =	simm.s32 $0x5  }
.LBB2_48:
0x1c: {  	_ =	swait.ge [sflag:s29], $0x2300  }
0x1d: {  	[sflag:s29] =	ssyncset.done $0x0  }
0x1e: {  	[sflag:s29] =	ssyncadd.s32 $0xFFFFDD00  }
0x1f: {  	_ =	swait.ge [sflag:s30], $0x2300  }
0x20: {  	[sflag:s30] =	ssyncset.done $0x0  }
0x21: {  	[sflag:s30] =	ssyncadd.s32 $0xFFFFDD00  }
0x22: {  	_ =	swait.ge [sflag:s18], $0x2300  }
0x23: {  	[sflag:s18] =	ssyncset.done $0x0  }
0x24: {  	[sflag:s18] =	ssyncadd.s32 $0xFFFFDD00  }
0x25: {  	s1 =	sshrl.u32 s4, $0x3;
	s21 =	rddreg [dreg:$0xc];
	[bflag:$0x0] =	sbarrier.arrive $0xFFFF  }
0x26: {  	s1 =	sadd.s32 s21, s1;
	s22 =	rddreg [dreg:$0x1a]  }
0x27: {  	[hbm:s1], [sflag:s7] =	dma.local [spmem:s22], $0x18B0  }
0x28: {  	_ =	swait.ge [sflag:s6], $0x18B0  }
0x29: {  	[sflag:s6] =	ssyncset.done $0x0  }
0x2a: {  	[sflag:s6] =	ssyncadd.s32 $0xFFFFE750  }
0x2b: {  	[spmem:s22], [sflag:s7] =	dma.local [hbm:s24], $0x18B0  }
0x2c: {  	_ =	swait.ge [sflag:s6], $0x18B0  }
0x2d: {  	s5 =	sadd.s32 $0x1, s5;
	s23 =	rddreg [dreg:$0x17]  }
0x2e: {  	p1 =	sne.s32 s5, s23  }
.Ltmp1:
0x2f: {  	_ = 	snop;
	(pc) =	sbr.rel @!p1 .LBB2_49-.Ltmp1, $3  }
0x30: {  	[sflag:s6] =	ssyncset.done $0x0  }
0x31: {  	[sflag:s6] =	ssyncadd.s32 $0xFFFFE750  }
0x32: {  	[bflag:$0x0] =	sbarrier.arrive $0xFFFF;
	_ =	sdelay $0x1  }
.LBB2_1:
0x33: {  	s1 =	rddreg [dreg:$0xd]  }
0x34: {  	[dreg:$0x19] =	wrdreg s5;
	s1 =	sshrl.u32 s1, $0x3  }
0x35: {  	[dreg:$0x1a] =	wrdreg s1  }
0x36: {  	[spmem:s1], [sflag:s7] =	dma.local [hbm:s24], $0x18B0  }
.Ltmp2:
0x37: {  	_ =	swait.ge [sflag:s6], $0x18B0;
	(pc) =	sbr.rel @!p0 .LBB2_2-.Ltmp2, $4  }
0x38: {  	[sflag:s6] =	ssyncset.done $0x0  }
0x39: {  	[sflag:s6] =	ssyncadd.s32 $0xFFFFE750  }
0x3a: {  	[bflag:$0x0] =	sbarrier.arrive $0xFFFF  }
0x3b: {  	s5 =	simm.s32 $0x0  }
0x3c: {  	s1 =	rddreg [dreg:$0x9]  }
0x3d: {  	[tilespmem:s5], [sflag:$0x1] =	stream.linear.gather [hbm4b:s1+s5], $0x2710, $0x38;
	[tilespmem:$0x1CD70] =	vst v63  }
0x3e: {  	s21 =	rddreg [dreg:$0x13]  }
0x3f: {  	[tilespmem:s25], [sflag:$0x2] =	stream.linear.gather [hbm4b:s21+s5], $0x2840, $0x38;
	[tilespmem:$0x1CD70] =	vst v63  }
0x40: {  	s22 =	rddreg [dreg:$0x14];
	s4 =	simm.s32 $0x4F50  }
0x41: {  	[tilespmem:s4], [sflag:$0x3] =	stream.linear.gather [hbm4b:s22+s5], $0x2840, $0x38;
	[tilespmem:$0x1CD70] =	vst v63  }
0x42: {  	_ =	swait.ge [sflag:s29], $0x2710  }
0x43: {  	[sflag:s29] =	ssyncset.done $0x0  }
0x44: {  	[sflag:s29] =	ssyncadd.s32 $0xFFFFD8F0  }
0x45: {  	_ =	swait.ge [sflag:s30], $0x2840  }
0x46: {  	[sflag:s30] =	ssyncset.done $0x0  }
0x47: {  	[sflag:s30] =	ssyncadd.s32 $0xFFFFD7C0  }
0x48: {  	_ =	swait.ge [sflag:s31], $0x2840  }
0x49: {  	[sflag:s31] =	ssyncset.done $0x0  }
0x4a: {  	s23 =	rddreg [dreg:$0x7];
	[sflag:s31] =	ssyncadd.s32 $0xFFFFD7C0  }
0x4b: {  	[tilespmem:s2], [sflag:$0x1] =	stream.indirect.gather [hbm4b:s23+s0], $0x50, s25, s0, $0xb8;
	[tilespmem:$0x1CD70] =	vst v63  }
0x4c: {  	_ = 	snop  }
0x4d: {  	[tilespmem:s8], [sflag:$0x2] =	stream.indirect.gather [hbm4b:s23+s0], $0x50, s26, s0, $0xb8;
	[tilespmem:$0x1CD70] =	vst v63  }
0x4e: {  	_ = 	snop  }
0x4f: {  	[tilespmem:s9], [sflag:$0x7] =	stream.linear.gather [hbm4b:s24+s5], $0x2300, $0x38;
	[tilespmem:$0x1CD70] =	vst v63  }
0x50: {  	s16 =	simm.s32 $0x77A0;
	_ =	swait.ge [sflag:s6], $0x2300  }
0x51: {  	s13 =	simm.s32 $0x4FD0;
	s12 =	simm.s32 $0x7880;
	[sflag:s6] =	ssyncset.done $0x0  }
0x52: {  	s10 =	simm.s32 $0x0;
	s23 =	simm.s32 $0x7810;
	[sflag:s6] =	ssyncadd.s32 $0xFFFFDD00  }
0x53: {  	[spmem:s19] =	stream.indirect.scatter.add.f32 [tilespmem:s9], [sflag:$0x6], $0x50, s28, s0, $0xb8;
	[tilespmem:$0x1CD70] =	vst v63  }
0x54: {  	s24 =	simm.s32 $0x5040;
	s26 =	rddreg [dreg:$0x18];
	s28 =	simm.s32 $0x4F60  }
.LBB2_26:
0x55: {  	_ =	swait.ge [sflag:s29], $0x2300  }
0x56: {  	s1 =	simm.s32 $0x10;
	[sflag:s29] =	ssyncset.done $0x0  }
0x57: {  	v2 =	vmov s1;
	[sflag:s29] =	ssyncadd.s32 $0xFFFFDD00  }
0x58: {  	v2 =	vmul.u32 $0x50, v2;
	v3 =	vld [tilespmem:s28+$0x0];
	_ =	sdelay $0x1  }
0x59: {  	v2 =	vbroadcast v2, $0x0;
	_ =	sdelay $0x1  }
0x5a: {  	v2 =	vadd.s32 v0, v2;
	_ =	sdelay $0x2  }
0x5b: {  	s21 =	simm.s32 $0x0  }
0x5c: {  	v4 =	vmov s21;
	v3 =	vld.idx.msk [tilespmem:v3+s3+$0x0], $0xffff  }
0x5d: {  	v4 =	vmul.u32 $0x50, v4;
	v2 =	vld.idx.msk [tilespmem:v2+s2+$0x0], $0xffff;
	_ =	sdelay $0x1  }
0x5e: {  	v5 =	vld [tilespmem:s28+$0xFFFFFFF0];
	v4 =	vbroadcast v4, $0x0;
	_ =	sdelay $0x1  }
0x5f: {  	v4 =	vadd.s32 v0, v4  }
0x60: {  	v2 =	vadd.f32 v3, v2;
	_ =	sdelay $0x1  }
0x61: {  	s5 =	sadd.s32 $0x20, s28;
	v3 =	vmul.f32 $2.000000030e-01, v2  }
0x62: {  	v7 =	vld [tilespmem:s5+$0x0];
	vm0 =	vge.f32 v2, $0.0e+00  }
0x63: {  	v2 =	vsel vm0, v2, v3;
	v3 =	vld.idx.msk [tilespmem:v4+s2+$0x0], $0xffff  }
0x64: {  	v4 =	vld.idx.msk [tilespmem:v5+s3+$0x0], $0xffff  }
0x65: {  	v2 =	vmul.f32 $1.442695020e+00, v2  }
0x66: {  	s22 =	simm.s32 $0x30  }
0x67: {  	v6 =	vmov s22;
	(erf) = vpow2.f32 v2  }
0x68: {  	v6 =	vmul.u32 $0x50, v6  }
0x69: {  	s4 =	simm.s32 $0x20;
	v3 =	vadd.f32 v4, v3  }
0x6a: {  	v5 =	vbroadcast v6, $0x0;
	v6 =	vmov s4  }
0x6b: {  	v2 =	vmul.u32 $0x50, v6;
	v4 =	vld.idx.msk [tilespmem:v7+s3+$0x0], $0xffff;
	v7 =	vmul.f32 $2.000000030e-01, v3  }
0x6c: {  	vm15 =	vge.f32 v3, $0.0e+00  }
0x6d: {  	v5 =	vadd.s32 v0, v5;
	v6 =	vld [tilespmem:s5+$0xFFFFFFF0];
	v2 =	vbroadcast v2, $0x0;
	v3 =	vsel vm15, v3, v7  }
0x6e: {  	v3 =	vmul.f32 $1.442695020e+00, v3  }
0x6f: {  	v2 =	vadd.s32 v0, v2  }
0x70: {  	v7 =	vpop (erf);
	(erf) = vpow2.f32 v3;
	_ =	sdelay $0x1  }
0x71: {  	v5 =	vld.idx.msk [tilespmem:v5+s2+$0x0], $0xffff  }
0x72: {  	s25 =	sadd.s32 $0x0, s26  }
0x73: {  	s14 =	smul.u32 $0x3, s10;
	s6 =	sadd.s32 $0x10, s25;
	v2 =	vld.idx.msk [tilespmem:v2+s2+$0x0], $0xffff  }
0x74: {  	s15 =	simm.s32 $0x40;
	s7 =	rddreg [dreg:$0xf];
	p1 =	slt.u32 s6, $0x27100;
	v3 =	vld.idx.msk [tilespmem:v6+s3+$0x0], $0xffff  }
0x75: {  	s21 =	smul.u32 $0x150, s10;
	s7 =	sadd.s32 s7, s14;
	s6 =	smov.u32 s16;
	v7 =	vpsel !p1, $0x0, v7  }
0x76: {  	s11 =	smul.u32 $0x70, s7;
	s7 =	simm.s32 $0x2;
	v4 =	vadd.f32 v4, v5;
	p1 =	slt.u32 s25, $0x27100;
	[tilespmem:s16+$0x0] =	vst v7  }
.LBB2_27:
0x77: {  	v5 =	vmov s15;
	s1 =	sadd.s32 $0x10, s15;
	s7 =	sadd.s32 $0x2, s7  }
0x78: {  	s5 =	sadd.s32 $0x20, s5;
	v5 =	vmul.u32 $0x50, v5;
	v6 =	vmov s1;
	p2 =	slt.u32 s7, $0x4;
	v7 =	vmul.f32 $2.000000030e-01, v4;
	v8 =	vpop (erf)  }
0x79: {  	v2 =	vadd.f32 v3, v2;
	vm0 =	vge.f32 v4, $0.0e+00;
	v6 =	vmul.u32 $0x50, v6;
	v9 =	vld [tilespmem:s5+$0x0]  }
0x7a: {  	v3 =	vbroadcast v5, $0x0;
	v5 =	vld [tilespmem:s5+$0xFFFFFFF0];
	v4 =	vsel vm0, v4, v7;
	v7 =	vpsel !p1, $0x0, v8  }
0x7b: {  	vm0 =	vge.f32 v2, $0.0e+00;
	v6 =	vbroadcast v6, $0x0;
	v4 =	vmul.f32 $1.442695020e+00, v4;
	[tilespmem:s6+$0xFFFFFFF0] =	vst v7  }
0x7c: {  	v7 =	vmul.f32 $2.000000030e-01, v2;
	v3 =	vadd.s32 v0, v3  }
0x7d: {  	v6 =	vadd.s32 v0, v6;
	(erf) = vpow2.f32 v4  }
0x7e: {  	v2 =	vsel vm0, v2, v7  }
0x7f: {  	v2 =	vmul.f32 $1.442695020e+00, v2;
	_ =	sdelay $0x1  }
0x80: {  	v4 =	vld.idx.msk [tilespmem:v9+s3+$0x0], $0xffff;
	(erf) = vpow2.f32 v2  }
0x81: {  	v6 =	vld.idx.msk [tilespmem:v6+s2+$0x0], $0xffff  }
0x82: {  	v2 =	vld.idx.msk [tilespmem:v3+s2+$0x0], $0xffff  }
.Ltmp3:
0x83: {  	s1 =	sadd.s32 s4, s26;
	s4 =	smov.u32 s15;
	v3 =	vld.idx.msk [tilespmem:v5+s3+$0x0], $0xffff;
	(pc) =	sbr.rel @p2 .LBB2_27-.Ltmp3, $4  }
0x84: {  	p1 =	slt.u32 s1, $0x27100;
	s1 =	sadd.s32 $0x10, s1  }
0x85: {  	p3 =	slt.u32 s1, $0x27100;
	v5 =	vpop (erf)  }
0x86: {  	s6 =	sadd.s32 $0x20, s6;
	v5 =	vpsel !p3, $0x0, v5  }
0x87: {  	s15 =	sadd.s32 $0x20, s15;
	v4 =	vadd.f32 v4, v6;
	[tilespmem:s6+$0x0] =	vst v5  }
0x88: {  	v2 =	vadd.f32 v3, v2  }
0x89: {  	v3 =	vmul.f32 $2.000000030e-01, v4  }
0x8a: {  	vm0 =	vge.f32 v4, $0.0e+00;
	v5 =	vmul.f32 $2.000000030e-01, v2  }
0x8b: {  	vm14 =	vge.f32 v2, $0.0e+00;
	v3 =	vsel vm0, v4, v3  }
0x8c: {  	v3 =	vmul.f32 $1.442695020e+00, v3;
	v2 =	vsel vm14, v2, v5  }
0x8d: {  	v2 =	vmul.f32 $1.442695020e+00, v2  }
0x8e: {  	(erf) = vpow2.f32 v3  }
0x8f: {  	(erf) = vpow2.f32 v2;
	_ =	sdelay $0x5  }
0x90: {  	s1 =	sadd.s32 s4, s26  }
0x91: {  	s4 =	sadd.s32 $0x10, s1;
	v2 =	vpop (erf)  }
0x92: {  	p5 =	slt.u32 s4, $0x27100;
	v2 =	vpsel !p1, $0x0, v2;
	v3 =	vpop (erf)  }
0x93: {  	s22 =	sadd.s32 $0x20, s6;
	p2 =	slt.u32 s1, $0x27100;
	[tilespmem:s6+$0xFFFFFFF0] =	vst v2;
	v2 =	vpsel !p5, $0x0, v3;
	v3 =	vpop (erf)  }
0x94: {  	[tilespmem:s22+$0x0] =	vst v2;
	v2 =	vpsel !p2, $0x0, v3  }
0x95: {  	[tilespmem:s22+$0xFFFFFFF0] =	vst v2  }
0x96: {  	v2 =	vld [tilespmem:s21+$0x4FB0];
	_ =	sdelay $0x6  }
0x97: {  	s25 =	simm.s32 $0x0;
	v3 =	vld.idx.msk [tilespmem:v1+s2+$0x0], $0xffff  }
0x98: {  	v2 =	vld.idx.msk [tilespmem:v2+s25+$0x0], $0xffff;
	_ =	sdelay $0x4  }
0x99: {  	v2 =	vadd.f32 v2, v3;
	_ =	sdelay $0x1  }
0x9a: {  	v3 =	vmul.f32 $2.000000030e-01, v2  }
0x9b: {  	vm15 =	vge.f32 v2, $0.0e+00  }
0x9c: {  	v2 =	vsel vm15, v2, v3  }
0x9d: {  	v2 =	vmul.f32 $1.442695020e+00, v2;
	_ =	sdelay $0x1  }
0x9e: {  	(erf) = vpow2.f32 v2  }
0x9f: {  	v2 =	vmov s14  }
0xa0: {  	v2 =	vmul.u32 $0x70, v2  }
0xa1: {  	s4 =	simm.s32 $0x1  }
0xa2: {  	v5 =	vmov s4;
	v3 =	vmov s25;
	v2 =	vbroadcast v2, $0x0  }
0xa3: {  	v7 =	vand.u32 $0x5, v5;
	v4 =	vand.u32 $0x78, v3  }
0xa4: {  	s5 =	simm.s32 $0x2;
	v5 =	vand.u32 $0x78, v5;
	v3 =	vand.u32 $0x4, v3;
	v4 =	vadd.s32 v2, v4  }
0xa5: {  	v6 =	vmov s5;
	v5 =	vadd.s32 v2, v5;
	v3 =	vor.u32 v3, v4  }
0xa6: {  	s7 =	sadd.s32 $0x60, s11;
	s6 =	simm.s32 $0x3;
	v4 =	vand.u32 $0x78, v6;
	v5 =	vor.u32 v7, v5  }
0xa7: {  	p6 =	slt.u32 s7, $0x27100;
	v8 =	vand.u32 $0x6, v6;
	v6 =	vmov s6;
	v4 =	vadd.s32 v2, v4;
	v9 =	vpop (erf)  }
0xa8: {  	v7 =	vand.u32 $0x78, v6;
	v4 =	vor.u32 v8, v4;
	v8 =	vpsel !p6, $0x0, v9  }
0xa9: {  	v6 =	vand.u32 $0x7, v6;
	v7 =	vadd.s32 v2, v7;
	[tilespmem:s21+$0x77F0] =	vst v8  }
0xaa: {  	v6 =	vor.u32 v6, v7;
	v7 =	vld.idx.msk [tilespmem:v3+s17+$0x0], $0xffff  }
0xab: {  	s22 =	simm.s32 $0x9F90;
	v5 =	vld.idx.msk [tilespmem:v5+s17+$0x0], $0xffff  }
0xac: {  	v8 =	vld [tilespmem:s22+$0xFFFFFF60]  }
0xad: {  	v9 =	vld [tilespmem:s22+$0xFFFFFF70]  }
0xae: {  	v10 =	vld [tilespmem:s22+$0xFFFFFF80]  }
0xaf: {  	v12 =	vld [tilespmem:s22+$0xFFFFFFA0]  }
0xb0: {  	v3 =	vld.idx.msk [tilespmem:v6+s17+$0x0], $0xffff  }
0xb1: {  	v6 =	vld [tilespmem:s22+$0x90]  }
0xb2: {  	v11 =	vld [tilespmem:s22+$0xFFFFFF90]  }
0xb3: {  	v13 =	vld [tilespmem:s22+$0xFFFFFFB0];
	v8 =	vmul.f32 v8, v7  }
0xb4: {  	v14 =	vld [tilespmem:s22+$0xFFFFFFC0];
	v9 =	vmul.f32 v9, v7  }
0xb5: {  	v4 =	vld.idx.msk [tilespmem:v4+s17+$0x0], $0xffff;
	v18 =	vmul.f32 v12, v7;
	[tilespmem:s22+$0xFFFFFF60] =	vst v8  }
0xb6: {  	s15 =	simm.s32 $0x5;
	s25 =	simm.s32 $0x6;
	v6 =	vmul.f32 v6, v3;
	v8 =	vmul.f32 v10, v7;
	v10 =	vld [tilespmem:s22+$0xFFFFFFD0];
	[tilespmem:s22+$0xFFFFFF70] =	vst v9  }
0xb7: {  	s11 =	simm.s32 $0x4;
	v16 =	vmov s15;
	v17 =	vmov s25;
	v9 =	vmul.f32 v11, v7;
	v11 =	vld [tilespmem:s22+$0xFFFFFFE0];
	[tilespmem:s22+$0xFFFFFFA0] =	vst v18  }
0xb8: {  	v12 =	vand.u32 $0x5, v16;
	v19 =	vmul.f32 v13, v5;
	v7 =	vld [tilespmem:s22+$0xFFFFFFF0];
	[tilespmem:s22+$0x90] =	vst v6;
	v6 =	vmov s11  }
0xb9: {  	v16 =	vand.u32 $0x78, v16;
	v13 =	vand.u32 $0x6, v17;
	[tilespmem:s22+$0xFFFFFF80] =	vst v8;
	v8 =	vld [tilespmem:s22+$0x0];
	v15 =	vand.u32 $0x78, v6  }
0xba: {  	v18 =	vmul.f32 v14, v5;
	[tilespmem:s22+$0xFFFFFF90] =	vst v9;
	v9 =	vld [tilespmem:s22+$0x10];
	v6 =	vand.u32 $0x4, v6;
	v15 =	vadd.s32 v2, v15  }
0xbb: {  	[tilespmem:s22+$0xFFFFFFB0] =	vst v19;
	v6 =	vor.u32 v6, v15;
	v15 =	vand.u32 $0x78, v17;
	v14 =	vmul.f32 v10, v5;
	v10 =	vld [tilespmem:s22+$0x20]  }
0xbc: {  	s5 =	simm.s32 $0x7;
	s4 =	simm.s32 $0x8;
	s25 =	simm.s32 $0x9F90;
	[tilespmem:s22+$0xFFFFFFC0] =	vst v18;
	v17 =	vadd.s32 v2, v16;
	v16 =	vadd.s32 v2, v15;
	v15 =	vmul.f32 v11, v5;
	v11 =	vld [tilespmem:s22+$0x30]  }
.LBB2_29:
0xbd: {  	p1 =	slt.u32 s4, $0x6C;
	v12 =	vor.u32 v12, v17;
	v17 =	vmov s5;
	[tilespmem:s22+$0xFFFFFFD0] =	vst v14;
	v5 =	vmul.f32 v7, v5;
	v7 =	vld [tilespmem:s22+$0x40]  }
0xbe: {  	v13 =	vor.u32 v13, v16;
	v14 =	vand.u32 $0x78, v17;
	[tilespmem:s22+$0xFFFFFFE0] =	vst v15;
	v8 =	vmul.f32 v8, v4;
	v15 =	vld [tilespmem:s22+$0x50]  }
0xbf: {  	v16 =	vand.u32 $0x7, v17;
	v14 =	vadd.s32 v2, v14;
	[tilespmem:s22+$0xFFFFFFF0] =	vst v5;
	v5 =	vmul.f32 v9, v4;
	v9 =	vld [tilespmem:s22+$0x60]  }
0xc0: {  	v14 =	vor.u32 v16, v14;
	[tilespmem:s22+$0x0] =	vst v8;
	v8 =	vmul.f32 v10, v4;
	v10 =	vld [tilespmem:s22+$0x70]  }
0xc1: {  	[tilespmem:s22+$0x10] =	vst v5;
	v11 =	vmul.f32 v11, v4;
	v16 =	vld [tilespmem:s22+$0x80]  }
0xc2: {  	v6 =	vld.idx.msk [tilespmem:v6+s17+$0x0], $0xffff;
	[tilespmem:s22+$0x20] =	vst v8;
	v7 =	vmul.f32 v7, v4  }
0xc3: {  	v5 =	vld.idx.msk [tilespmem:v12+s17+$0x0], $0xffff;
	[tilespmem:s22+$0x30] =	vst v11;
	v8 =	vmul.f32 v15, v3  }
0xc4: {  	v4 =	vld.idx.msk [tilespmem:v13+s17+$0x0], $0xffff;
	[tilespmem:s22+$0x40] =	vst v7;
	v7 =	vmul.f32 v9, v3  }
0xc5: {  	s22 =	sadd.s32 $0x140, s22;
	v9 =	vld.idx.msk [tilespmem:v14+s17+$0x0], $0xffff;
	[tilespmem:s25+$0x50] =	vst v8;
	v8 =	vmul.f32 v10, v3  }
0xc6: {  	v10 =	vld [tilespmem:s22+$0x90];
	[tilespmem:s25+$0x60] =	vst v7;
	v3 =	vmul.f32 v16, v3  }
0xc7: {  	v7 =	vld [tilespmem:s22+$0xFFFFFF60];
	[tilespmem:s25+$0x70] =	vst v8  }
0xc8: {  	v8 =	vld [tilespmem:s22+$0xFFFFFF70];
	[tilespmem:s25+$0x80] =	vst v3;
	s25 =	smov.u32 s22  }
0xc9: {  	v11 =	vld [tilespmem:s22+$0xFFFFFF80]  }
0xca: {  	v12 =	vld [tilespmem:s22+$0xFFFFFF90]  }
0xcb: {  	v3 =	vmov v9;
	v13 =	vld [tilespmem:s22+$0xFFFFFFA0];
	v10 =	vmul.f32 v10, v9  }
0xcc: {  	v7 =	vmul.f32 v7, v6;
	v9 =	vld [tilespmem:s22+$0xFFFFFFB0]  }
0xcd: {  	v8 =	vmul.f32 v8, v6;
	v14 =	vld [tilespmem:s22+$0xFFFFFFC0];
	[tilespmem:s22+$0x90] =	vst v10  }
0xce: {  	v10 =	vmov s4;
	[tilespmem:s22+$0xFFFFFF60] =	vst v7;
	v7 =	vmul.f32 v11, v6;
	v11 =	vld [tilespmem:s22+$0xFFFFFFD0]  }
0xcf: {  	s1 =	sadd.s32 $0x1, s4;
	s5 =	sadd.s32 $0x2, s4;
	v15 =	vand.u32 $0x78, v10;
	v10 =	vand.u32 $0x4, v10;
	[tilespmem:s22+$0xFFFFFF70] =	vst v8;
	v8 =	vmul.f32 v12, v6;
	v18 =	vld [tilespmem:s22+$0xFFFFFFE0]  }
.Ltmp4:
0xd0: {  	v17 =	vmov s5;
	v16 =	vmov s1;
	[tilespmem:s22+$0xFFFFFF80] =	vst v7;
	v6 =	vmul.f32 v13, v6;
	v7 =	vld [tilespmem:s22+$0xFFFFFFF0];
	(pc) =	sbr.rel @p1 .LBB2_29-.Ltmp4, $4  }
0xd1: {  	v15 =	vadd.s32 v2, v15;
	v12 =	vand.u32 $0x5, v16;
	[tilespmem:s22+$0xFFFFFF90] =	vst v8;
	v19 =	vmul.f32 v9, v5;
	v8 =	vld [tilespmem:s22+$0x0]  }
0xd2: {  	v16 =	vand.u32 $0x78, v16;
	v13 =	vand.u32 $0x6, v17;
	[tilespmem:s22+$0xFFFFFFA0] =	vst v6;
	v20 =	vmul.f32 v14, v5;
	v9 =	vld [tilespmem:s22+$0x10]  }
0xd3: {  	v6 =	vor.u32 v10, v15;
	v15 =	vand.u32 $0x78, v17;
	[tilespmem:s22+$0xFFFFFFB0] =	vst v19;
	v14 =	vmul.f32 v11, v5;
	v10 =	vld [tilespmem:s22+$0x20]  }
0xd4: {  	s5 =	sadd.s32 $0x3, s4;
	s4 =	sadd.s32 $0x4, s4;
	v17 =	vadd.s32 v2, v16;
	v16 =	vadd.s32 v2, v15;
	[tilespmem:s22+$0xFFFFFFC0] =	vst v20;
	v15 =	vmul.f32 v18, v5;
	v11 =	vld [tilespmem:s22+$0x30]  }
0xd5: {  	v19 =	vld [tilespmem:s22+$0x40]  }
0xd6: {  	v20 =	vld [tilespmem:s22+$0x50]  }
0xd7: {  	v18 =	vmov s5;
	v47 =	vld [tilespmem:s22+$0x60]  }
0xd8: {  	v48 =	vld [tilespmem:s22+$0x70];
	v5 =	vmul.f32 v7, v5;
	v45 =	vand.u32 $0x78, v18  }
0xd9: {  	[tilespmem:s22+$0xFFFFFFD0] =	vst v14;
	v7 =	vld [tilespmem:s22+$0x80];
	v46 =	vand.u32 $0x7, v18;
	v2 =	vadd.s32 v2, v45  }
0xda: {  	v6 =	vld.idx.msk [tilespmem:v6+s17+$0x0], $0xffff;
	s4 =	sadd.s32 $0x140, s22;
	[tilespmem:s22+$0xFFFFFFF0] =	vst v5;
	v5 =	vmul.f32 v9, v4;
	v2 =	vor.u32 v46, v2  }
0xdb: {  	[tilespmem:s22+$0xFFFFFFE0] =	vst v15;
	v8 =	vmul.f32 v8, v4;
	v52 =	vld [tilespmem:s4+$0x90]  }
0xdc: {  	v53 =	vld [tilespmem:s4+$0xFFFFFF60];
	[tilespmem:s22+$0x10] =	vst v5;
	v5 =	vmul.f32 v11, v4  }
0xdd: {  	v54 =	vld [tilespmem:s4+$0xFFFFFF70];
	[tilespmem:s22+$0x0] =	vst v8;
	v50 =	vmul.f32 v10, v4;
	v4 =	vmul.f32 v19, v4  }
0xde: {  	v55 =	vld [tilespmem:s4+$0xFFFFFF80];
	[tilespmem:s22+$0x30] =	vst v5;
	v5 =	vmul.f32 v20, v3  }
0xdf: {  	v12 =	vor.u32 v12, v17;
	[tilespmem:s22+$0x40] =	vst v4;
	v4 =	vmul.f32 v47, v3;
	v2 =	vld.idx.msk [tilespmem:v2+s17+$0x0], $0xffff  }
0xe0: {  	v56 =	vld [tilespmem:s4+$0xFFFFFFB0];
	[tilespmem:s25+$0x50] =	vst v5;
	v5 =	vmul.f32 v48, v3  }
0xe1: {  	v58 =	vld [tilespmem:s4+$0xFFFFFFC0];
	v3 =	vmul.f32 v7, v3;
	[tilespmem:s25+$0x60] =	vst v4  }
0xe2: {  	v13 =	vor.u32 v13, v16;
	v4 =	vld [tilespmem:s4+$0xFFFFFF90];
	[tilespmem:s25+$0x70] =	vst v5  }
0xe3: {  	v5 =	vld [tilespmem:s4+$0xFFFFFFA0];
	[tilespmem:s25+$0x80] =	vst v3;
	v3 =	vmul.f32 v53, v6  }
0xe4: {  	v49 =	vld.idx.msk [tilespmem:v12+s17+$0x0], $0xffff;
	[tilespmem:s22+$0x20] =	vst v50;
	v7 =	vmul.f32 v52, v2  }
0xe5: {  	v59 =	vld [tilespmem:s4+$0xFFFFFFE0];
	v57 =	vmul.f32 v54, v6;
	[tilespmem:s4+$0xFFFFFF60] =	vst v3  }
0xe6: {  	v3 =	vmul.f32 v55, v6;
	[tilespmem:s4+$0x90] =	vst v7;
	v7 =	vld [tilespmem:s4+$0xFFFFFFD0]  }
0xe7: {  	v51 =	vld.idx.msk [tilespmem:v13+s17+$0x0], $0xffff;
	[tilespmem:s4+$0xFFFFFF70] =	vst v57;
	v4 =	vmul.f32 v4, v6  }
0xe8: {  	[tilespmem:s4+$0xFFFFFF80] =	vst v3;
	v3 =	vmul.f32 v5, v6;
	v5 =	vld [tilespmem:s4+$0xFFFFFFF0]  }
0xe9: {  	v6 =	vld [tilespmem:s4+$0x0];
	[tilespmem:s4+$0xFFFFFF90] =	vst v4;
	v4 =	vmul.f32 v56, v49  }
0xea: {  	v60 =	vld [tilespmem:s4+$0x10];
	[tilespmem:s4+$0xFFFFFFA0] =	vst v3;
	v3 =	vmul.f32 v58, v49  }
0xeb: {  	[tilespmem:s4+$0xFFFFFFB0] =	vst v4;
	v4 =	vmul.f32 v7, v49;
	v7 =	vld [tilespmem:s4+$0x20]  }
0xec: {  	v61 =	vld [tilespmem:s4+$0x30];
	[tilespmem:s4+$0xFFFFFFC0] =	vst v3;
	v3 =	vmul.f32 v59, v49  }
0xed: {  	[tilespmem:s4+$0xFFFFFFD0] =	vst v4;
	v4 =	vmul.f32 v5, v49;
	v5 =	vld [tilespmem:s4+$0x40]  }
0xee: {  	[tilespmem:s4+$0xFFFFFFE0] =	vst v3;
	v3 =	vmul.f32 v6, v51;
	v6 =	vld [tilespmem:s4+$0x50]  }
0xef: {  	v62 =	vld [tilespmem:s4+$0x60];
	[tilespmem:s4+$0xFFFFFFF0] =	vst v4;
	v4 =	vmul.f32 v60, v51  }
0xf0: {  	[tilespmem:s4+$0x0] =	vst v3;
	v3 =	vmul.f32 v7, v51;
	v7 =	vld [tilespmem:s4+$0x70]  }
0xf1: {  	v63 =	vld [tilespmem:s4+$0x80];
	[tilespmem:s4+$0x10] =	vst v4;
	v4 =	vmul.f32 v61, v51  }
0xf2: {  	[tilespmem:s4+$0x20] =	vst v3;
	v3 =	vmul.f32 v5, v51  }
0xf3: {  	[tilespmem:s4+$0x30] =	vst v4;
	v4 =	vmul.f32 v6, v2  }
0xf4: {  	[tilespmem:s4+$0x40] =	vst v3;
	v3 =	vmul.f32 v62, v2  }
0xf5: {  	[tilespmem:s4+$0x50] =	vst v4;
	v4 =	vmul.f32 v7, v2  }
0xf6: {  	v2 =	vmul.f32 v63, v2;
	[tilespmem:s4+$0x60] =	vst v3  }
0xf7: {  	[tilespmem:s4+$0x70] =	vst v4  }
0xf8: {  	s1 =	sadd.s32 $0x4F50, s21;
	[tilespmem:s4+$0x80] =	vst v2  }
0xf9: {  	[spmem:s19] =	stream.indirect.scatter.add.f32 [tilespmem:s2], [sflag:$0x4], $0x50, s1, s0, $0xb8;
	[tilespmem:$0x1CD70] =	vst v63  }
0xfa: {  	s21 =	smul.u32 $0x70, s14;
	_ =	swait.ge [sflag:s18], $0x2300  }
0xfb: {  	s7 =	simm.s32 $0x10;
	[sflag:s18] =	ssyncset.done $0x0  }
0xfc: {  	s5 =	sadd.s32 $0x27F0, s21;
	s6 =	rddreg [dreg:$0x7];
	[sflag:s18] =	ssyncadd.s32 $0xFFFFDD00  }
0xfd: {  	[tilespmem:s9], [sflag:$0x3] =	stream.indirect.gather [hbm4b:s6+s0], $0x50, s5, s0, $0xb8;
	[tilespmem:$0x1CD70] =	vst v63  }
0xfe: {  	v2 =	vmov s7;
	_ =	swait.ge [sflag:s30], $0x2300  }
0xff: {  	v2 =	vmul.u32 $0x50, v2;
	[sflag:s30] =	ssyncset.done $0x0  }
0x100: {  	[sflag:s30] =	ssyncadd.s32 $0xFFFFDD00  }
0x101: {  	v2 =	vbroadcast v2, $0x0;
	v3 =	vld [tilespmem:s13+$0x0];
	_ =	sdelay $0x1  }
0x102: {  	v2 =	vadd.s32 v0, v2;
	_ =	sdelay $0x3  }
0x103: {  	s11 =	simm.s32 $0x0  }
0x104: {  	v4 =	vmov s11;
	v2 =	vld.idx.msk [tilespmem:v2+s8+$0x0], $0xffff  }
0x105: {  	v4 =	vmul.u32 $0x50, v4;
	v3 =	vld.idx.msk [tilespmem:v3+s3+$0x0], $0xffff;
	_ =	sdelay $0x1  }
0x106: {  	v4 =	vbroadcast v4, $0x0;
	v5 =	vld [tilespmem:s13+$0xFFFFFFF0];
	_ =	sdelay $0x1  }
0x107: {  	v4 =	vadd.s32 v0, v4  }
0x108: {  	v2 =	vadd.f32 v3, v2;
	_ =	sdelay $0x1  }
0x109: {  	s5 =	sadd.s32 $0x20, s13;
	v3 =	vmul.f32 $2.000000030e-01, v2  }
0x10a: {  	v7 =	vld [tilespmem:s5+$0x0];
	vm0 =	vge.f32 v2, $0.0e+00  }
0x10b: {  	v2 =	vsel vm0, v2, v3;
	v3 =	vld.idx.msk [tilespmem:v4+s8+$0x0], $0xffff  }
0x10c: {  	v4 =	vld.idx.msk [tilespmem:v5+s3+$0x0], $0xffff  }
0x10d: {  	v2 =	vmul.f32 $1.442695020e+00, v2  }
0x10e: {  	s15 =	simm.s32 $0x30  }
0x10f: {  	v6 =	vmov s15;
	(erf) = vpow2.f32 v2  }
0x110: {  	v6 =	vmul.u32 $0x50, v6  }
0x111: {  	s25 =	simm.s32 $0x20;
	v3 =	vadd.f32 v4, v3  }
0x112: {  	v5 =	vbroadcast v6, $0x0;
	v6 =	vmov s25  }
0x113: {  	v2 =	vmul.u32 $0x50, v6;
	v4 =	vld.idx.msk [tilespmem:v7+s3+$0x0], $0xffff;
	v7 =	vmul.f32 $2.000000030e-01, v3  }
0x114: {  	vm15 =	vge.f32 v3, $0.0e+00  }
0x115: {  	v5 =	vadd.s32 v0, v5;
	v6 =	vld [tilespmem:s5+$0xFFFFFFF0];
	v2 =	vbroadcast v2, $0x0;
	v3 =	vsel vm15, v3, v7  }
0x116: {  	v3 =	vmul.f32 $1.442695020e+00, v3  }
0x117: {  	v2 =	vadd.s32 v0, v2  }
0x118: {  	v7 =	vpop (erf);
	(erf) = vpow2.f32 v3;
	_ =	sdelay $0x1  }
0x119: {  	v5 =	vld.idx.msk [tilespmem:v5+s8+$0x0], $0xffff  }
0x11a: {  	s22 =	sadd.s32 $0x2, s14;
	s15 =	simm.s32 $0x40;
	s6 =	sadd.s32 $0x0, s26  }
0x11b: {  	s4 =	sadd.s32 $0x1, s14;
	s14 =	sadd.s32 $0xE0, s21;
	s7 =	sadd.s32 $0x80, s6;
	v2 =	vld.idx.msk [tilespmem:v2+s8+$0x0], $0xffff  }
0x11c: {  	s21 =	sadd.s32 $0x70, s21;
	s11 =	rddreg [dreg:$0xf];
	p1 =	slt.u32 s7, $0x27100;
	v3 =	vld.idx.msk [tilespmem:v6+s3+$0x0], $0xffff  }
0x11d: {  	s19 =	sadd.s32 $0x70, s6;
	s6 =	smov.u32 s23;
	s11 =	sadd.s32 s11, s4;
	v7 =	vpsel !p1, $0x0, v7  }
0x11e: {  	s7 =	simm.s32 $0x2;
	p2 =	slt.u32 s19, $0x27100;
	s11 =	smul.u32 $0x70, s11;
	v4 =	vadd.f32 v4, v5;
	[tilespmem:s23+$0x0] =	vst v7  }
.LBB2_31:
0x11f: {  	v5 =	vmov s15;
	s1 =	sadd.s32 $0x10, s15;
	s7 =	sadd.s32 $0x2, s7  }
0x120: {  	s5 =	sadd.s32 $0x20, s5;
	v5 =	vmul.u32 $0x50, v5;
	v6 =	vmov s1;
	p1 =	slt.u32 s7, $0x4;
	v7 =	vmul.f32 $2.000000030e-01, v4;
	v8 =	vpop (erf)  }
0x121: {  	v2 =	vadd.f32 v3, v2;
	vm0 =	vge.f32 v4, $0.0e+00;
	v6 =	vmul.u32 $0x50, v6;
	v9 =	vld [tilespmem:s5+$0x0]  }
0x122: {  	v3 =	vbroadcast v5, $0x0;
	v5 =	vld [tilespmem:s5+$0xFFFFFFF0];
	v4 =	vsel vm0, v4, v7;
	v7 =	vpsel !p2, $0x0, v8  }
0x123: {  	vm0 =	vge.f32 v2, $0.0e+00;
	v6 =	vbroadcast v6, $0x0;
	v4 =	vmul.f32 $1.442695020e+00, v4;
	[tilespmem:s6+$0xFFFFFFF0] =	vst v7  }
0x124: {  	v7 =	vmul.f32 $2.000000030e-01, v2;
	v3 =	vadd.s32 v0, v3  }
0x125: {  	v6 =	vadd.s32 v0, v6;
	(erf) = vpow2.f32 v4  }
0x126: {  	v2 =	vsel vm0, v2, v7  }
0x127: {  	v2 =	vmul.f32 $1.442695020e+00, v2;
	_ =	sdelay $0x1  }
0x128: {  	v4 =	vld.idx.msk [tilespmem:v9+s3+$0x0], $0xffff;
	(erf) = vpow2.f32 v2  }
0x129: {  	v6 =	vld.idx.msk [tilespmem:v6+s8+$0x0], $0xffff  }
0x12a: {  	v2 =	vld.idx.msk [tilespmem:v3+s8+$0x0], $0xffff  }
.Ltmp5:
0x12b: {  	s1 =	sadd.s32 s25, s26;
	s25 =	smov.u32 s15;
	v3 =	vld.idx.msk [tilespmem:v5+s3+$0x0], $0xffff;
	(pc) =	sbr.rel @p1 .LBB2_31-.Ltmp5, $4  }
0x12c: {  	s19 =	sadd.s32 $0x70, s1;
	s1 =	sadd.s32 $0x80, s1  }
0x12d: {  	p2 =	slt.u32 s19, $0x27100;
	p3 =	slt.u32 s1, $0x27100;
	v5 =	vpop (erf)  }
0x12e: {  	s6 =	sadd.s32 $0x20, s6;
	v5 =	vpsel !p3, $0x0, v5  }
0x12f: {  	s15 =	sadd.s32 $0x20, s15;
	v4 =	vadd.f32 v4, v6;
	[tilespmem:s6+$0x0] =	vst v5  }
0x130: {  	v2 =	vadd.f32 v3, v2  }
0x131: {  	v3 =	vmul.f32 $2.000000030e-01, v4  }
0x132: {  	vm0 =	vge.f32 v4, $0.0e+00;
	v5 =	vmul.f32 $2.000000030e-01, v2  }
0x133: {  	vm14 =	vge.f32 v2, $0.0e+00;
	v3 =	vsel vm0, v4, v3  }
0x134: {  	v3 =	vmul.f32 $1.442695020e+00, v3;
	v2 =	vsel vm14, v2, v5  }
0x135: {  	v2 =	vmul.f32 $1.442695020e+00, v2  }
0x136: {  	(erf) = vpow2.f32 v3  }
0x137: {  	(erf) = vpow2.f32 v2;
	_ =	sdelay $0x5  }
0x138: {  	s1 =	sadd.s32 s25, s26  }
0x139: {  	s5 =	sadd.s32 $0x80, s1;
	v2 =	vpop (erf)  }
0x13a: {  	s1 =	sadd.s32 $0x70, s1;
	p1 =	slt.u32 s5, $0x27100;
	v2 =	vpsel !p2, $0x0, v2;
	v3 =	vpop (erf)  }
0x13b: {  	s19 =	sadd.s32 $0x20, s6;
	p5 =	slt.u32 s1, $0x27100;
	[tilespmem:s6+$0xFFFFFFF0] =	vst v2;
	v2 =	vpsel !p1, $0x0, v3;
	v3 =	vpop (erf)  }
0x13c: {  	[tilespmem:s19+$0x0] =	vst v2;
	v2 =	vpsel !p5, $0x0, v3  }
0x13d: {  	[tilespmem:s19+$0xFFFFFFF0] =	vst v2  }
0x13e: {  	v2 =	vld [tilespmem:s21+$0x4FB0];
	_ =	sdelay $0x6  }
0x13f: {  	s25 =	simm.s32 $0x0;
	v3 =	vld.idx.msk [tilespmem:v1+s8+$0x0], $0xffff  }
0x140: {  	v2 =	vld.idx.msk [tilespmem:v2+s25+$0x0], $0xffff;
	_ =	sdelay $0x4  }
0x141: {  	v2 =	vadd.f32 v2, v3;
	_ =	sdelay $0x1  }
0x142: {  	v3 =	vmul.f32 $2.000000030e-01, v2  }
0x143: {  	vm15 =	vge.f32 v2, $0.0e+00  }
0x144: {  	v2 =	vsel vm15, v2, v3  }
0x145: {  	v2 =	vmul.f32 $1.442695020e+00, v2;
	_ =	sdelay $0x1  }
0x146: {  	(erf) = vpow2.f32 v2  }
0x147: {  	v2 =	vmov s4  }
0x148: {  	v2 =	vmul.u32 $0x70, v2;
	_ =	sdelay $0x1  }
0x149: {  	v3 =	vmov s25;
	s4 =	simm.s32 $0x1;
	v2 =	vbroadcast v2, $0x0  }
0x14a: {  	v4 =	vand.u32 $0x78, v3;
	v3 =	vand.u32 $0x4, v3;
	v5 =	vmov s4  }
0x14b: {  	s5 =	simm.s32 $0x2;
	v7 =	vand.u32 $0x5, v5;
	v5 =	vand.u32 $0x78, v5;
	v4 =	vadd.s32 v2, v4  }
0x14c: {  	v6 =	vmov s5;
	v5 =	vadd.s32 v2, v5;
	v3 =	vor.u32 v3, v4  }
0x14d: {  	s7 =	sadd.s32 $0x60, s11;
	s6 =	simm.s32 $0x3;
	v4 =	vand.u32 $0x78, v6;
	v5 =	vor.u32 v7, v5  }
0x14e: {  	p6 =	slt.u32 s7, $0x27100;
	v8 =	vand.u32 $0x6, v6;
	v6 =	vmov s6;
	v4 =	vadd.s32 v2, v4;
	v9 =	vpop (erf)  }
0x14f: {  	v7 =	vand.u32 $0x78, v6;
	v4 =	vor.u32 v8, v4;
	v8 =	vpsel !p6, $0x0, v9  }
0x150: {  	v6 =	vand.u32 $0x7, v6;
	v7 =	vadd.s32 v2, v7;
	[tilespmem:s21+$0x77F0] =	vst v8  }
0x151: {  	v6 =	vor.u32 v6, v7;
	v7 =	vld.idx.msk [tilespmem:v3+s17+$0x0], $0xffff  }
0x152: {  	s25 =	simm.s32 $0xC290;
	v5 =	vld.idx.msk [tilespmem:v5+s17+$0x0], $0xffff  }
0x153: {  	v8 =	vld [tilespmem:s25+$0xFFFFFF60]  }
0x154: {  	v9 =	vld [tilespmem:s25+$0xFFFFFF70]  }
0x155: {  	v10 =	vld [tilespmem:s25+$0xFFFFFF80]  }
0x156: {  	v12 =	vld [tilespmem:s25+$0xFFFFFFA0]  }
0x157: {  	v3 =	vld.idx.msk [tilespmem:v6+s17+$0x0], $0xffff  }
0x158: {  	v6 =	vld [tilespmem:s25+$0x90]  }
0x159: {  	v11 =	vld [tilespmem:s25+$0xFFFFFF90]  }
0x15a: {  	v13 =	vld [tilespmem:s25+$0xFFFFFFB0];
	v8 =	vmul.f32 v8, v7  }
0x15b: {  	v14 =	vld [tilespmem:s25+$0xFFFFFFC0];
	v9 =	vmul.f32 v9, v7  }
0x15c: {  	v4 =	vld.idx.msk [tilespmem:v4+s17+$0x0], $0xffff;
	v18 =	vmul.f32 v12, v7;
	[tilespmem:s25+$0xFFFFFF60] =	vst v8  }
0x15d: {  	s15 =	simm.s32 $0x5;
	s19 =	simm.s32 $0x6;
	v6 =	vmul.f32 v6, v3;
	v8 =	vmul.f32 v10, v7;
	v10 =	vld [tilespmem:s25+$0xFFFFFFD0];
	[tilespmem:s25+$0xFFFFFF70] =	vst v9  }
0x15e: {  	s11 =	simm.s32 $0x4;
	v16 =	vmov s15;
	v17 =	vmov s19;
	v9 =	vmul.f32 v11, v7;
	v11 =	vld [tilespmem:s25+$0xFFFFFFE0];
	[tilespmem:s25+$0xFFFFFFA0] =	vst v18  }
0x15f: {  	v12 =	vand.u32 $0x5, v16;
	v19 =	vmul.f32 v13, v5;
	v7 =	vld [tilespmem:s25+$0xFFFFFFF0];
	[tilespmem:s25+$0x90] =	vst v6;
	v6 =	vmov s11  }
0x160: {  	v16 =	vand.u32 $0x78, v16;
	v13 =	vand.u32 $0x6, v17;
	[tilespmem:s25+$0xFFFFFF80] =	vst v8;
	v8 =	vld [tilespmem:s25+$0x0];
	v15 =	vand.u32 $0x78, v6  }
0x161: {  	v18 =	vmul.f32 v14, v5;
	[tilespmem:s25+$0xFFFFFF90] =	vst v9;
	v9 =	vld [tilespmem:s25+$0x10];
	v6 =	vand.u32 $0x4, v6;
	v15 =	vadd.s32 v2, v15  }
0x162: {  	[tilespmem:s25+$0xFFFFFFB0] =	vst v19;
	v6 =	vor.u32 v6, v15;
	v15 =	vand.u32 $0x78, v17;
	v14 =	vmul.f32 v10, v5;
	v10 =	vld [tilespmem:s25+$0x20]  }
0x163: {  	s5 =	simm.s32 $0x7;
	s4 =	simm.s32 $0x8;
	[tilespmem:s25+$0xFFFFFFC0] =	vst v18;
	s11 =	simm.s32 $0xC290;
	v17 =	vadd.s32 v2, v16;
	v16 =	vadd.s32 v2, v15;
	v15 =	vmul.f32 v11, v5;
	v11 =	vld [tilespmem:s25+$0x30]  }
.LBB2_33:
0x164: {  	p1 =	slt.u32 s4, $0x6C;
	v12 =	vor.u32 v12, v17;
	v17 =	vmov s5;
	[tilespmem:s25+$0xFFFFFFD0] =	vst v14;
	v5 =	vmul.f32 v7, v5;
	v7 =	vld [tilespmem:s25+$0x40]  }
0x165: {  	v13 =	vor.u32 v13, v16;
	v14 =	vand.u32 $0x78, v17;
	[tilespmem:s25+$0xFFFFFFE0] =	vst v15;
	v8 =	vmul.f32 v8, v4;
	v15 =	vld [tilespmem:s25+$0x50]  }
0x166: {  	v16 =	vand.u32 $0x7, v17;
	v14 =	vadd.s32 v2, v14;
	[tilespmem:s25+$0xFFFFFFF0] =	vst v5;
	v5 =	vmul.f32 v9, v4;
	v9 =	vld [tilespmem:s25+$0x60]  }
0x167: {  	v14 =	vor.u32 v16, v14;
	[tilespmem:s25+$0x0] =	vst v8;
	v8 =	vmul.f32 v10, v4;
	v10 =	vld [tilespmem:s25+$0x70]  }
0x168: {  	[tilespmem:s25+$0x10] =	vst v5;
	v11 =	vmul.f32 v11, v4;
	v16 =	vld [tilespmem:s25+$0x80]  }
0x169: {  	v6 =	vld.idx.msk [tilespmem:v6+s17+$0x0], $0xffff;
	[tilespmem:s25+$0x20] =	vst v8;
	v7 =	vmul.f32 v7, v4  }
0x16a: {  	v5 =	vld.idx.msk [tilespmem:v12+s17+$0x0], $0xffff;
	[tilespmem:s25+$0x30] =	vst v11;
	v8 =	vmul.f32 v15, v3  }
0x16b: {  	v4 =	vld.idx.msk [tilespmem:v13+s17+$0x0], $0xffff;
	[tilespmem:s25+$0x40] =	vst v7;
	v7 =	vmul.f32 v9, v3  }
0x16c: {  	s25 =	sadd.s32 $0x140, s25;
	v9 =	vld.idx.msk [tilespmem:v14+s17+$0x0], $0xffff;
	[tilespmem:s11+$0x50] =	vst v8;
	v8 =	vmul.f32 v10, v3  }
0x16d: {  	v10 =	vld [tilespmem:s25+$0x90];
	[tilespmem:s11+$0x60] =	vst v7;
	v3 =	vmul.f32 v16, v3  }
0x16e: {  	v7 =	vld [tilespmem:s25+$0xFFFFFF60];
	[tilespmem:s11+$0x70] =	vst v8  }
0x16f: {  	v8 =	vld [tilespmem:s25+$0xFFFFFF70];
	[tilespmem:s11+$0x80] =	vst v3;
	s11 =	smov.u32 s25  }
0x170: {  	v11 =	vld [tilespmem:s25+$0xFFFFFF80]  }
0x171: {  	v12 =	vld [tilespmem:s25+$0xFFFFFF90]  }
0x172: {  	v3 =	vmov v9;
	v13 =	vld [tilespmem:s25+$0xFFFFFFA0];
	v10 =	vmul.f32 v10, v9  }
0x173: {  	v7 =	vmul.f32 v7, v6;
	v9 =	vld [tilespmem:s25+$0xFFFFFFB0]  }
0x174: {  	v8 =	vmul.f32 v8, v6;
	v14 =	vld [tilespmem:s25+$0xFFFFFFC0];
	[tilespmem:s25+$0x90] =	vst v10  }
0x175: {  	v10 =	vmov s4;
	[tilespmem:s25+$0xFFFFFF60] =	vst v7;
	v7 =	vmul.f32 v11, v6;
	v11 =	vld [tilespmem:s25+$0xFFFFFFD0]  }
0x176: {  	s1 =	sadd.s32 $0x1, s4;
	s5 =	sadd.s32 $0x2, s4;
	v15 =	vand.u32 $0x78, v10;
	v10 =	vand.u32 $0x4, v10;
	[tilespmem:s25+$0xFFFFFF70] =	vst v8;
	v8 =	vmul.f32 v12, v6;
	v18 =	vld [tilespmem:s25+$0xFFFFFFE0]  }
.Ltmp6:
0x177: {  	v17 =	vmov s5;
	v16 =	vmov s1;
	[tilespmem:s25+$0xFFFFFF80] =	vst v7;
	v6 =	vmul.f32 v13, v6;
	v7 =	vld [tilespmem:s25+$0xFFFFFFF0];
	(pc) =	sbr.rel @p1 .LBB2_33-.Ltmp6, $4  }
0x178: {  	v15 =	vadd.s32 v2, v15;
	v12 =	vand.u32 $0x5, v16;
	[tilespmem:s25+$0xFFFFFF90] =	vst v8;
	v19 =	vmul.f32 v9, v5;
	v8 =	vld [tilespmem:s25+$0x0]  }
0x179: {  	v16 =	vand.u32 $0x78, v16;
	v13 =	vand.u32 $0x6, v17;
	[tilespmem:s25+$0xFFFFFFA0] =	vst v6;
	v20 =	vmul.f32 v14, v5;
	v9 =	vld [tilespmem:s25+$0x10]  }
0x17a: {  	v6 =	vor.u32 v10, v15;
	v15 =	vand.u32 $0x78, v17;
	[tilespmem:s25+$0xFFFFFFB0] =	vst v19;
	v14 =	vmul.f32 v11, v5;
	v10 =	vld [tilespmem:s25+$0x20]  }
0x17b: {  	s5 =	sadd.s32 $0x3, s4;
	s4 =	sadd.s32 $0x4, s4;
	v17 =	vadd.s32 v2, v16;
	v16 =	vadd.s32 v2, v15;
	[tilespmem:s25+$0xFFFFFFC0] =	vst v20;
	v15 =	vmul.f32 v18, v5;
	v11 =	vld [tilespmem:s25+$0x30]  }
0x17c: {  	v19 =	vld [tilespmem:s25+$0x40]  }
0x17d: {  	v20 =	vld [tilespmem:s25+$0x50]  }
0x17e: {  	v18 =	vmov s5;
	v47 =	vld [tilespmem:s25+$0x60]  }
0x17f: {  	v48 =	vld [tilespmem:s25+$0x70];
	v5 =	vmul.f32 v7, v5;
	v45 =	vand.u32 $0x78, v18  }
0x180: {  	[tilespmem:s25+$0xFFFFFFD0] =	vst v14;
	v7 =	vld [tilespmem:s25+$0x80];
	v46 =	vand.u32 $0x7, v18;
	v2 =	vadd.s32 v2, v45  }
0x181: {  	v6 =	vld.idx.msk [tilespmem:v6+s17+$0x0], $0xffff;
	s4 =	sadd.s32 $0x140, s25;
	[tilespmem:s25+$0xFFFFFFF0] =	vst v5;
	v5 =	vmul.f32 v9, v4;
	v2 =	vor.u32 v46, v2  }
0x182: {  	[tilespmem:s25+$0xFFFFFFE0] =	vst v15;
	v8 =	vmul.f32 v8, v4;
	v52 =	vld [tilespmem:s4+$0x90]  }
0x183: {  	v53 =	vld [tilespmem:s4+$0xFFFFFF60];
	[tilespmem:s25+$0x10] =	vst v5;
	v5 =	vmul.f32 v11, v4  }
0x184: {  	v54 =	vld [tilespmem:s4+$0xFFFFFF70];
	[tilespmem:s25+$0x0] =	vst v8;
	v50 =	vmul.f32 v10, v4;
	v4 =	vmul.f32 v19, v4  }
0x185: {  	v55 =	vld [tilespmem:s4+$0xFFFFFF80];
	[tilespmem:s25+$0x30] =	vst v5;
	v5 =	vmul.f32 v20, v3  }
0x186: {  	v12 =	vor.u32 v12, v17;
	[tilespmem:s25+$0x40] =	vst v4;
	v4 =	vmul.f32 v47, v3;
	v2 =	vld.idx.msk [tilespmem:v2+s17+$0x0], $0xffff  }
0x187: {  	v56 =	vld [tilespmem:s4+$0xFFFFFFB0];
	[tilespmem:s11+$0x50] =	vst v5;
	v5 =	vmul.f32 v48, v3  }
0x188: {  	v58 =	vld [tilespmem:s4+$0xFFFFFFC0];
	v3 =	vmul.f32 v7, v3;
	[tilespmem:s11+$0x60] =	vst v4  }
0x189: {  	v13 =	vor.u32 v13, v16;
	v4 =	vld [tilespmem:s4+$0xFFFFFF90];
	[tilespmem:s11+$0x70] =	vst v5  }
0x18a: {  	v5 =	vld [tilespmem:s4+$0xFFFFFFA0];
	[tilespmem:s11+$0x80] =	vst v3;
	v3 =	vmul.f32 v53, v6  }
0x18b: {  	v49 =	vld.idx.msk [tilespmem:v12+s17+$0x0], $0xffff;
	[tilespmem:s25+$0x20] =	vst v50;
	v7 =	vmul.f32 v52, v2  }
0x18c: {  	v59 =	vld [tilespmem:s4+$0xFFFFFFE0];
	v57 =	vmul.f32 v54, v6;
	[tilespmem:s4+$0xFFFFFF60] =	vst v3  }
0x18d: {  	v3 =	vmul.f32 v55, v6;
	[tilespmem:s4+$0x90] =	vst v7;
	v7 =	vld [tilespmem:s4+$0xFFFFFFD0]  }
0x18e: {  	v51 =	vld.idx.msk [tilespmem:v13+s17+$0x0], $0xffff;
	[tilespmem:s4+$0xFFFFFF70] =	vst v57;
	v4 =	vmul.f32 v4, v6  }
0x18f: {  	[tilespmem:s4+$0xFFFFFF80] =	vst v3;
	v3 =	vmul.f32 v5, v6;
	v5 =	vld [tilespmem:s4+$0xFFFFFFF0]  }
0x190: {  	v6 =	vld [tilespmem:s4+$0x0];
	[tilespmem:s4+$0xFFFFFF90] =	vst v4;
	v4 =	vmul.f32 v56, v49  }
0x191: {  	v60 =	vld [tilespmem:s4+$0x10];
	[tilespmem:s4+$0xFFFFFFA0] =	vst v3;
	v3 =	vmul.f32 v58, v49  }
0x192: {  	[tilespmem:s4+$0xFFFFFFB0] =	vst v4;
	v4 =	vmul.f32 v7, v49;
	v7 =	vld [tilespmem:s4+$0x20]  }
0x193: {  	v61 =	vld [tilespmem:s4+$0x30];
	[tilespmem:s4+$0xFFFFFFC0] =	vst v3;
	v3 =	vmul.f32 v59, v49  }
0x194: {  	[tilespmem:s4+$0xFFFFFFD0] =	vst v4;
	v4 =	vmul.f32 v5, v49;
	v5 =	vld [tilespmem:s4+$0x40]  }
0x195: {  	[tilespmem:s4+$0xFFFFFFE0] =	vst v3;
	v3 =	vmul.f32 v6, v51;
	v6 =	vld [tilespmem:s4+$0x50]  }
0x196: {  	v62 =	vld [tilespmem:s4+$0x60];
	[tilespmem:s4+$0xFFFFFFF0] =	vst v4;
	v4 =	vmul.f32 v60, v51  }
0x197: {  	[tilespmem:s4+$0x0] =	vst v3;
	v3 =	vmul.f32 v7, v51;
	v7 =	vld [tilespmem:s4+$0x70]  }
0x198: {  	v63 =	vld [tilespmem:s4+$0x80];
	[tilespmem:s4+$0x10] =	vst v4;
	v4 =	vmul.f32 v61, v51  }
0x199: {  	[tilespmem:s4+$0x20] =	vst v3;
	v3 =	vmul.f32 v5, v51  }
0x19a: {  	[tilespmem:s4+$0x30] =	vst v4;
	v4 =	vmul.f32 v6, v2  }
0x19b: {  	[tilespmem:s4+$0x40] =	vst v3;
	v3 =	vmul.f32 v62, v2  }
0x19c: {  	[tilespmem:s4+$0x50] =	vst v4;
	v4 =	vmul.f32 v7, v2  }
0x19d: {  	v2 =	vmul.f32 v63, v2;
	[tilespmem:s4+$0x60] =	vst v3  }
0x19e: {  	s1 =	sadd.s32 $0x4F50, s21;
	[tilespmem:s4+$0x70] =	vst v4  }
0x19f: {  	s5 =	smul.u32 $0x540, s10;
	s6 =	simm.s32 $0x4;
	s25 =	rddreg [dreg:$0x2];
	[tilespmem:s4+$0x80] =	vst v2  }
0x1a0: {  	[spmem:s25] =	stream.indirect.scatter.add.f32 [tilespmem:s8], [sflag:$0x5], $0x50, s1, s0, $0xb8;
	[tilespmem:$0x1CD70] =	vst v63  }
0x1a1: {  	_ =	swait.ge [sflag:s6], $0x2300  }
0x1a2: {  	s21 =	sshra.s32 s5, $0x2;
	s11 =	simm.s32 $0x10;
	[sflag:s6] =	ssyncset.done $0x0  }
0x1a3: {  	s1 =	sadd.s32 $0x2860, s21;
	s7 =	rddreg [dreg:$0x7];
	[sflag:s6] =	ssyncadd.s32 $0xFFFFDD00  }
0x1a4: {  	[tilespmem:s2], [sflag:$0x1] =	stream.indirect.gather [hbm4b:s7+s0], $0x50, s1, s0, $0xb8;
	[tilespmem:$0x1CD70] =	vst v63  }
0x1a5: {  	v2 =	vmov s11;
	_ =	swait.ge [sflag:s31], $0x2300  }
0x1a6: {  	v2 =	vmul.u32 $0x50, v2;
	[sflag:s31] =	ssyncset.done $0x0  }
0x1a7: {  	[sflag:s31] =	ssyncadd.s32 $0xFFFFDD00  }
0x1a8: {  	v2 =	vbroadcast v2, $0x0;
	v3 =	vld [tilespmem:s24+$0x0];
	_ =	sdelay $0x1  }
0x1a9: {  	v2 =	vadd.s32 v0, v2;
	_ =	sdelay $0x3  }
0x1aa: {  	s15 =	simm.s32 $0x0  }
0x1ab: {  	v4 =	vmov s15;
	v2 =	vld.idx.msk [tilespmem:v2+s9+$0x0], $0xffff  }
0x1ac: {  	v4 =	vmul.u32 $0x50, v4;
	v3 =	vld.idx.msk [tilespmem:v3+s3+$0x0], $0xffff;
	_ =	sdelay $0x1  }
0x1ad: {  	v4 =	vbroadcast v4, $0x0;
	v5 =	vld [tilespmem:s24+$0xFFFFFFF0];
	_ =	sdelay $0x1  }
0x1ae: {  	v4 =	vadd.s32 v0, v4  }
0x1af: {  	v2 =	vadd.f32 v3, v2;
	_ =	sdelay $0x1  }
0x1b0: {  	s5 =	sadd.s32 $0x20, s24;
	v3 =	vmul.f32 $2.000000030e-01, v2  }
0x1b1: {  	v7 =	vld [tilespmem:s5+$0x0];
	vm0 =	vge.f32 v2, $0.0e+00  }
0x1b2: {  	v2 =	vsel vm0, v2, v3;
	v3 =	vld.idx.msk [tilespmem:v4+s9+$0x0], $0xffff  }
0x1b3: {  	v4 =	vld.idx.msk [tilespmem:v5+s3+$0x0], $0xffff  }
0x1b4: {  	v2 =	vmul.f32 $1.442695020e+00, v2  }
0x1b5: {  	s19 =	simm.s32 $0x30  }
0x1b6: {  	v6 =	vmov s19;
	(erf) = vpow2.f32 v2  }
0x1b7: {  	v6 =	vmul.u32 $0x50, v6  }
0x1b8: {  	s4 =	simm.s32 $0x20;
	v3 =	vadd.f32 v4, v3  }
0x1b9: {  	v5 =	vbroadcast v6, $0x0;
	v6 =	vmov s4  }
0x1ba: {  	v2 =	vmul.u32 $0x50, v6;
	v4 =	vld.idx.msk [tilespmem:v7+s3+$0x0], $0xffff;
	v7 =	vmul.f32 $2.000000030e-01, v3  }
0x1bb: {  	vm15 =	vge.f32 v3, $0.0e+00  }
0x1bc: {  	v5 =	vadd.s32 v0, v5;
	v6 =	vld [tilespmem:s5+$0xFFFFFFF0];
	v2 =	vbroadcast v2, $0x0;
	v3 =	vsel vm15, v3, v7  }
0x1bd: {  	v3 =	vmul.f32 $1.442695020e+00, v3  }
0x1be: {  	v2 =	vadd.s32 v0, v2  }
0x1bf: {  	v7 =	vpop (erf);
	(erf) = vpow2.f32 v3;
	_ =	sdelay $0x1  }
0x1c0: {  	v5 =	vld.idx.msk [tilespmem:v5+s9+$0x0], $0xffff  }
0x1c1: {  	s25 =	sadd.s32 $0x0, s26  }
0x1c2: {  	s6 =	sadd.s32 $0xF0, s25;
	v2 =	vld.idx.msk [tilespmem:v2+s9+$0x0], $0xffff  }
0x1c3: {  	s15 =	simm.s32 $0x40;
	p1 =	slt.u32 s6, $0x27100;
	s7 =	rddreg [dreg:$0xf];
	v3 =	vld.idx.msk [tilespmem:v6+s3+$0x0], $0xffff  }
0x1c4: {  	s1 =	sadd.s32 $0xE0, s25;
	s6 =	smov.u32 s12;
	s7 =	sadd.s32 s7, s22;
	v7 =	vpsel !p1, $0x0, v7  }
0x1c5: {  	p2 =	slt.u32 s1, $0x27100;
	s11 =	smul.u32 $0x70, s7;
	s7 =	simm.s32 $0x2;
	v4 =	vadd.f32 v4, v5;
	[tilespmem:s12+$0x0] =	vst v7  }
.LBB2_35:
0x1c6: {  	v5 =	vmov s15;
	s1 =	sadd.s32 $0x10, s15;
	s7 =	sadd.s32 $0x2, s7  }
0x1c7: {  	s5 =	sadd.s32 $0x20, s5;
	v5 =	vmul.u32 $0x50, v5;
	v6 =	vmov s1;
	p1 =	slt.u32 s7, $0x4;
	v7 =	vmul.f32 $2.000000030e-01, v4;
	v8 =	vpop (erf)  }
0x1c8: {  	v2 =	vadd.f32 v3, v2;
	vm0 =	vge.f32 v4, $0.0e+00;
	v6 =	vmul.u32 $0x50, v6;
	v9 =	vld [tilespmem:s5+$0x0]  }
0x1c9: {  	v3 =	vbroadcast v5, $0x0;
	v5 =	vld [tilespmem:s5+$0xFFFFFFF0];
	v4 =	vsel vm0, v4, v7;
	v7 =	vpsel !p2, $0x0, v8  }
0x1ca: {  	vm0 =	vge.f32 v2, $0.0e+00;
	v6 =	vbroadcast v6, $0x0;
	v4 =	vmul.f32 $1.442695020e+00, v4;
	[tilespmem:s6+$0xFFFFFFF0] =	vst v7  }
0x1cb: {  	v7 =	vmul.f32 $2.000000030e-01, v2;
	v3 =	vadd.s32 v0, v3  }
0x1cc: {  	v6 =	vadd.s32 v0, v6;
	(erf) = vpow2.f32 v4  }
0x1cd: {  	v2 =	vsel vm0, v2, v7  }
0x1ce: {  	v2 =	vmul.f32 $1.442695020e+00, v2;
	_ =	sdelay $0x1  }
0x1cf: {  	v4 =	vld.idx.msk [tilespmem:v9+s3+$0x0], $0xffff;
	(erf) = vpow2.f32 v2  }
0x1d0: {  	v6 =	vld.idx.msk [tilespmem:v6+s9+$0x0], $0xffff  }
0x1d1: {  	v2 =	vld.idx.msk [tilespmem:v3+s9+$0x0], $0xffff  }
.Ltmp7:
0x1d2: {  	s1 =	sadd.s32 s4, s26;
	s4 =	smov.u32 s15;
	v3 =	vld.idx.msk [tilespmem:v5+s3+$0x0], $0xffff;
	(pc) =	sbr.rel @p1 .LBB2_35-.Ltmp7, $4  }
0x1d3: {  	s19 =	sadd.s32 $0xE0, s1;
	s1 =	sadd.s32 $0xF0, s1  }
0x1d4: {  	p2 =	slt.u32 s19, $0x27100;
	p3 =	slt.u32 s1, $0x27100;
	v5 =	vpop (erf)  }
0x1d5: {  	s6 =	sadd.s32 $0x20, s6;
	v5 =	vpsel !p3, $0x0, v5  }
0x1d6: {  	s15 =	sadd.s32 $0x20, s15;
	v4 =	vadd.f32 v4, v6;
	[tilespmem:s6+$0x0] =	vst v5  }
0x1d7: {  	v2 =	vadd.f32 v3, v2  }
0x1d8: {  	v3 =	vmul.f32 $2.000000030e-01, v4  }
0x1d9: {  	vm0 =	vge.f32 v4, $0.0e+00;
	v5 =	vmul.f32 $2.000000030e-01, v2  }
0x1da: {  	vm14 =	vge.f32 v2, $0.0e+00;
	v3 =	vsel vm0, v4, v3  }
0x1db: {  	v3 =	vmul.f32 $1.442695020e+00, v3;
	v2 =	vsel vm14, v2, v5  }
0x1dc: {  	v2 =	vmul.f32 $1.442695020e+00, v2  }
0x1dd: {  	(erf) = vpow2.f32 v3  }
0x1de: {  	(erf) = vpow2.f32 v2;
	_ =	sdelay $0x5  }
0x1df: {  	s1 =	sadd.s32 s4, s26  }
0x1e0: {  	s4 =	sadd.s32 $0xF0, s1;
	v2 =	vpop (erf)  }
0x1e1: {  	s1 =	sadd.s32 $0xE0, s1;
	p1 =	slt.u32 s4, $0x27100;
	v2 =	vpsel !p2, $0x0, v2;
	v3 =	vpop (erf)  }
0x1e2: {  	s25 =	sadd.s32 $0x20, s6;
	p5 =	slt.u32 s1, $0x27100;
	[tilespmem:s6+$0xFFFFFFF0] =	vst v2;
	v2 =	vpsel !p1, $0x0, v3;
	v3 =	vpop (erf)  }
0x1e3: {  	[tilespmem:s25+$0x0] =	vst v2;
	v2 =	vpsel !p5, $0x0, v3  }
0x1e4: {  	[tilespmem:s25+$0xFFFFFFF0] =	vst v2  }
0x1e5: {  	v2 =	vld [tilespmem:s14+$0x4FB0];
	_ =	sdelay $0x6  }
0x1e6: {  	s4 =	simm.s32 $0x0;
	v3 =	vld.idx.msk [tilespmem:v1+s9+$0x0], $0xffff  }
0x1e7: {  	v2 =	vld.idx.msk [tilespmem:v2+s4+$0x0], $0xffff;
	_ =	sdelay $0x4  }
0x1e8: {  	v2 =	vadd.f32 v2, v3;
	_ =	sdelay $0x1  }
0x1e9: {  	v3 =	vmul.f32 $2.000000030e-01, v2  }
0x1ea: {  	vm15 =	vge.f32 v2, $0.0e+00  }
0x1eb: {  	v2 =	vsel vm15, v2, v3  }
0x1ec: {  	v2 =	vmul.f32 $1.442695020e+00, v2;
	_ =	sdelay $0x1  }
0x1ed: {  	(erf) = vpow2.f32 v2  }
0x1ee: {  	v2 =	vmov s22  }
0x1ef: {  	v2 =	vmul.u32 $0x70, v2  }
0x1f0: {  	s5 =	simm.s32 $0x1  }
0x1f1: {  	v5 =	vmov s5;
	v3 =	vmov s4;
	v2 =	vbroadcast v2, $0x0  }
0x1f2: {  	v7 =	vand.u32 $0x5, v5;
	v4 =	vand.u32 $0x78, v3  }
0x1f3: {  	v5 =	vand.u32 $0x78, v5;
	s6 =	simm.s32 $0x2;
	v3 =	vand.u32 $0x4, v3;
	v4 =	vadd.s32 v2, v4  }
0x1f4: {  	v6 =	vmov s6;
	v5 =	vadd.s32 v2, v5;
	v3 =	vor.u32 v3, v4  }
0x1f5: {  	s7 =	simm.s32 $0x3;
	s11 =	sadd.s32 $0x60, s11;
	v4 =	vand.u32 $0x78, v6;
	v5 =	vor.u32 v7, v5  }
0x1f6: {  	p6 =	slt.u32 s11, $0x27100;
	v8 =	vand.u32 $0x6, v6;
	v6 =	vmov s7;
	v4 =	vadd.s32 v2, v4;
	v9 =	vpop (erf)  }
0x1f7: {  	v7 =	vand.u32 $0x78, v6;
	v4 =	vor.u32 v8, v4;
	v8 =	vpsel !p6, $0x0, v9  }
0x1f8: {  	v6 =	vand.u32 $0x7, v6;
	v7 =	vadd.s32 v2, v7;
	[tilespmem:s14+$0x77F0] =	vst v8  }
0x1f9: {  	v6 =	vor.u32 v6, v7;
	v7 =	vld.idx.msk [tilespmem:v3+s17+$0x0], $0xffff  }
0x1fa: {  	s22 =	simm.s32 $0xE590;
	v5 =	vld.idx.msk [tilespmem:v5+s17+$0x0], $0xffff  }
0x1fb: {  	v8 =	vld [tilespmem:s22+$0xFFFFFF60]  }
0x1fc: {  	v9 =	vld [tilespmem:s22+$0xFFFFFF70]  }
0x1fd: {  	v10 =	vld [tilespmem:s22+$0xFFFFFF80]  }
0x1fe: {  	v12 =	vld [tilespmem:s22+$0xFFFFFFA0]  }
0x1ff: {  	v3 =	vld.idx.msk [tilespmem:v6+s17+$0x0], $0xffff  }
0x200: {  	v6 =	vld [tilespmem:s22+$0x90]  }
0x201: {  	v11 =	vld [tilespmem:s22+$0xFFFFFF90]  }
0x202: {  	v13 =	vld [tilespmem:s22+$0xFFFFFFB0];
	v8 =	vmul.f32 v8, v7  }
0x203: {  	v14 =	vld [tilespmem:s22+$0xFFFFFFC0];
	v9 =	vmul.f32 v9, v7  }
0x204: {  	v4 =	vld.idx.msk [tilespmem:v4+s17+$0x0], $0xffff;
	v18 =	vmul.f32 v12, v7;
	[tilespmem:s22+$0xFFFFFF60] =	vst v8  }
0x205: {  	s19 =	simm.s32 $0x5;
	s25 =	simm.s32 $0x6;
	v6 =	vmul.f32 v6, v3;
	v8 =	vmul.f32 v10, v7;
	v10 =	vld [tilespmem:s22+$0xFFFFFFD0];
	[tilespmem:s22+$0xFFFFFF70] =	vst v9  }
0x206: {  	s15 =	simm.s32 $0x4;
	v16 =	vmov s19;
	v17 =	vmov s25;
	v9 =	vmul.f32 v11, v7;
	v11 =	vld [tilespmem:s22+$0xFFFFFFE0];
	[tilespmem:s22+$0xFFFFFFA0] =	vst v18  }
0x207: {  	v12 =	vand.u32 $0x5, v16;
	v19 =	vmul.f32 v13, v5;
	v7 =	vld [tilespmem:s22+$0xFFFFFFF0];
	[tilespmem:s22+$0x90] =	vst v6;
	v6 =	vmov s15  }
0x208: {  	v16 =	vand.u32 $0x78, v16;
	v13 =	vand.u32 $0x6, v17;
	[tilespmem:s22+$0xFFFFFF80] =	vst v8;
	v8 =	vld [tilespmem:s22+$0x0];
	v15 =	vand.u32 $0x78, v6  }
0x209: {  	v18 =	vmul.f32 v14, v5;
	[tilespmem:s22+$0xFFFFFF90] =	vst v9;
	v9 =	vld [tilespmem:s22+$0x10];
	v6 =	vand.u32 $0x4, v6;
	v15 =	vadd.s32 v2, v15  }
0x20a: {  	[tilespmem:s22+$0xFFFFFFB0] =	vst v19;
	v6 =	vor.u32 v6, v15;
	v15 =	vand.u32 $0x78, v17;
	v14 =	vmul.f32 v10, v5;
	v10 =	vld [tilespmem:s22+$0x20]  }
0x20b: {  	s11 =	simm.s32 $0xE590;
	s5 =	simm.s32 $0x7;
	s4 =	simm.s32 $0x8;
	[tilespmem:s22+$0xFFFFFFC0] =	vst v18;
	v17 =	vadd.s32 v2, v16;
	v16 =	vadd.s32 v2, v15;
	v15 =	vmul.f32 v11, v5;
	v11 =	vld [tilespmem:s22+$0x30]  }
.LBB2_37:
0x20c: {  	p1 =	slt.u32 s4, $0x6C;
	v12 =	vor.u32 v12, v17;
	v17 =	vmov s5;
	[tilespmem:s22+$0xFFFFFFD0] =	vst v14;
	v5 =	vmul.f32 v7, v5;
	v7 =	vld [tilespmem:s22+$0x40]  }
0x20d: {  	v13 =	vor.u32 v13, v16;
	v14 =	vand.u32 $0x78, v17;
	[tilespmem:s22+$0xFFFFFFE0] =	vst v15;
	v8 =	vmul.f32 v8, v4;
	v15 =	vld [tilespmem:s22+$0x50]  }
0x20e: {  	v16 =	vand.u32 $0x7, v17;
	v14 =	vadd.s32 v2, v14;
	[tilespmem:s22+$0xFFFFFFF0] =	vst v5;
	v5 =	vmul.f32 v9, v4;
	v9 =	vld [tilespmem:s22+$0x60]  }
0x20f: {  	v14 =	vor.u32 v16, v14;
	[tilespmem:s22+$0x0] =	vst v8;
	v8 =	vmul.f32 v10, v4;
	v10 =	vld [tilespmem:s22+$0x70]  }
0x210: {  	[tilespmem:s22+$0x10] =	vst v5;
	v11 =	vmul.f32 v11, v4;
	v16 =	vld [tilespmem:s22+$0x80]  }
0x211: {  	v6 =	vld.idx.msk [tilespmem:v6+s17+$0x0], $0xffff;
	[tilespmem:s22+$0x20] =	vst v8;
	v7 =	vmul.f32 v7, v4  }
0x212: {  	v5 =	vld.idx.msk [tilespmem:v12+s17+$0x0], $0xffff;
	[tilespmem:s22+$0x30] =	vst v11;
	v8 =	vmul.f32 v15, v3  }
0x213: {  	v4 =	vld.idx.msk [tilespmem:v13+s17+$0x0], $0xffff;
	[tilespmem:s22+$0x40] =	vst v7;
	v7 =	vmul.f32 v9, v3  }
0x214: {  	s22 =	sadd.s32 $0x140, s22;
	v9 =	vld.idx.msk [tilespmem:v14+s17+$0x0], $0xffff;
	[tilespmem:s11+$0x50] =	vst v8;
	v8 =	vmul.f32 v10, v3  }
0x215: {  	v10 =	vld [tilespmem:s22+$0x90];
	[tilespmem:s11+$0x60] =	vst v7;
	v3 =	vmul.f32 v16, v3  }
0x216: {  	v7 =	vld [tilespmem:s22+$0xFFFFFF60];
	[tilespmem:s11+$0x70] =	vst v8  }
0x217: {  	v8 =	vld [tilespmem:s22+$0xFFFFFF70];
	[tilespmem:s11+$0x80] =	vst v3;
	s11 =	smov.u32 s22  }
0x218: {  	v11 =	vld [tilespmem:s22+$0xFFFFFF80]  }
0x219: {  	v12 =	vld [tilespmem:s22+$0xFFFFFF90]  }
0x21a: {  	v3 =	vmov v9;
	v13 =	vld [tilespmem:s22+$0xFFFFFFA0];
	v10 =	vmul.f32 v10, v9  }
0x21b: {  	v7 =	vmul.f32 v7, v6;
	v9 =	vld [tilespmem:s22+$0xFFFFFFB0]  }
0x21c: {  	v8 =	vmul.f32 v8, v6;
	v14 =	vld [tilespmem:s22+$0xFFFFFFC0];
	[tilespmem:s22+$0x90] =	vst v10  }
0x21d: {  	v10 =	vmov s4;
	[tilespmem:s22+$0xFFFFFF60] =	vst v7;
	v7 =	vmul.f32 v11, v6;
	v11 =	vld [tilespmem:s22+$0xFFFFFFD0]  }
0x21e: {  	s1 =	sadd.s32 $0x1, s4;
	s5 =	sadd.s32 $0x2, s4;
	v15 =	vand.u32 $0x78, v10;
	v10 =	vand.u32 $0x4, v10;
	[tilespmem:s22+$0xFFFFFF70] =	vst v8;
	v8 =	vmul.f32 v12, v6;
	v18 =	vld [tilespmem:s22+$0xFFFFFFE0]  }
.Ltmp8:
0x21f: {  	v17 =	vmov s5;
	v16 =	vmov s1;
	[tilespmem:s22+$0xFFFFFF80] =	vst v7;
	v6 =	vmul.f32 v13, v6;
	v7 =	vld [tilespmem:s22+$0xFFFFFFF0];
	(pc) =	sbr.rel @p1 .LBB2_37-.Ltmp8, $4  }
0x220: {  	v15 =	vadd.s32 v2, v15;
	v12 =	vand.u32 $0x5, v16;
	[tilespmem:s22+$0xFFFFFF90] =	vst v8;
	v19 =	vmul.f32 v9, v5;
	v8 =	vld [tilespmem:s22+$0x0]  }
0x221: {  	v16 =	vand.u32 $0x78, v16;
	v13 =	vand.u32 $0x6, v17;
	[tilespmem:s22+$0xFFFFFFA0] =	vst v6;
	v20 =	vmul.f32 v14, v5;
	v9 =	vld [tilespmem:s22+$0x10]  }
0x222: {  	v6 =	vor.u32 v10, v15;
	v15 =	vand.u32 $0x78, v17;
	[tilespmem:s22+$0xFFFFFFB0] =	vst v19;
	v14 =	vmul.f32 v11, v5;
	v10 =	vld [tilespmem:s22+$0x20]  }
0x223: {  	s5 =	sadd.s32 $0x3, s4;
	s4 =	sadd.s32 $0x4, s4;
	v17 =	vadd.s32 v2, v16;
	v16 =	vadd.s32 v2, v15;
	[tilespmem:s22+$0xFFFFFFC0] =	vst v20;
	v15 =	vmul.f32 v18, v5;
	v11 =	vld [tilespmem:s22+$0x30]  }
0x224: {  	v19 =	vld [tilespmem:s22+$0x40]  }
0x225: {  	v20 =	vld [tilespmem:s22+$0x50]  }
0x226: {  	v23 =	vld [tilespmem:s22+$0x60]  }
0x227: {  	v24 =	vld [tilespmem:s22+$0x70]  }
0x228: {  	[tilespmem:s22+$0xFFFFFFD0] =	vst v14;
	v5 =	vmul.f32 v7, v5;
	v25 =	vld [tilespmem:s22+$0x80]  }
0x229: {  	v6 =	vld.idx.msk [tilespmem:v6+s17+$0x0], $0xffff;
	s4 =	sadd.s32 $0x140, s22;
	[tilespmem:s22+$0xFFFFFFE0] =	vst v15;
	v8 =	vmul.f32 v8, v4  }
0x22a: {  	v32 =	vld [tilespmem:s4+$0x90];
	[tilespmem:s22+$0xFFFFFFF0] =	vst v5;
	v26 =	vmul.f32 v9, v4  }
0x22b: {  	v34 =	vld [tilespmem:s4+$0xFFFFFF60];
	[tilespmem:s22+$0x0] =	vst v8;
	v28 =	vmul.f32 v10, v4  }
0x22c: {  	v12 =	vor.u32 v12, v17;
	v36 =	vld [tilespmem:s4+$0xFFFFFF70];
	[tilespmem:s22+$0x10] =	vst v26;
	v30 =	vmul.f32 v11, v4  }
0x22d: {  	v38 =	vld [tilespmem:s4+$0xFFFFFF80];
	[tilespmem:s22+$0x20] =	vst v28;
	v31 =	vmul.f32 v19, v4  }
0x22e: {  	v39 =	vld [tilespmem:s4+$0xFFFFFF90];
	v33 =	vmul.f32 v20, v3;
	[tilespmem:s22+$0x30] =	vst v30  }
0x22f: {  	v40 =	vld [tilespmem:s4+$0xFFFFFFA0];
	v35 =	vmul.f32 v23, v3;
	[tilespmem:s22+$0x40] =	vst v31  }
0x230: {  	v42 =	vld [tilespmem:s4+$0xFFFFFFB0];
	v37 =	vmul.f32 v24, v3;
	[tilespmem:s11+$0x50] =	vst v33  }
0x231: {  	v13 =	vor.u32 v13, v16;
	v27 =	vld.idx.msk [tilespmem:v12+s17+$0x0], $0xffff;
	v3 =	vmul.f32 v25, v3;
	[tilespmem:s11+$0x60] =	vst v35  }
0x232: {  	v18 =	vmov s5;
	v45 =	vld [tilespmem:s4+$0xFFFFFFD0];
	v43 =	vmul.f32 v36, v6;
	[tilespmem:s11+$0x70] =	vst v37  }
0x233: {  	v63 =	vand.u32 $0x78, v18;
	v44 =	vld [tilespmem:s4+$0xFFFFFFC0];
	[tilespmem:s11+$0x80] =	vst v3;
	v3 =	vmul.f32 v34, v6  }
0x234: {  	v22 =	vand.u32 $0x7, v18;
	v47 =	vld [tilespmem:s4+$0xFFFFFFF0];
	v2 =	vadd.s32 v2, v63;
	v4 =	vmul.f32 v39, v6;
	[tilespmem:s4+$0xFFFFFF70] =	vst v43  }
0x235: {  	v50 =	vld [tilespmem:s4+$0x10];
	v2 =	vor.u32 v22, v2;
	[tilespmem:s4+$0xFFFFFF60] =	vst v3;
	v3 =	vmul.f32 v38, v6  }
0x236: {  	v29 =	vld.idx.msk [tilespmem:v13+s17+$0x0], $0xffff;
	[tilespmem:s4+$0xFFFFFF90] =	vst v4;
	v48 =	vmul.f32 v42, v27  }
0x237: {  	v46 =	vld [tilespmem:s4+$0xFFFFFFE0];
	v51 =	vmul.f32 v45, v27;
	[tilespmem:s4+$0xFFFFFF80] =	vst v3  }
0x238: {  	v53 =	vld [tilespmem:s4+$0x30];
	v3 =	vmul.f32 v40, v6;
	[tilespmem:s4+$0xFFFFFFB0] =	vst v48  }
0x239: {  	v49 =	vld [tilespmem:s4+$0x0];
	v54 =	vmul.f32 v47, v27;
	[tilespmem:s4+$0xFFFFFFD0] =	vst v51  }
0x23a: {  	v2 =	vld.idx.msk [tilespmem:v2+s17+$0x0], $0xffff;
	[tilespmem:s4+$0xFFFFFFA0] =	vst v3;
	v3 =	vmul.f32 v44, v27  }
0x23b: {  	v52 =	vld [tilespmem:s4+$0x20];
	v57 =	vmul.f32 v50, v29;
	[tilespmem:s4+$0xFFFFFFF0] =	vst v54  }
0x23c: {  	v56 =	vld [tilespmem:s4+$0x50];
	[tilespmem:s4+$0xFFFFFFC0] =	vst v3;
	v3 =	vmul.f32 v46, v27  }
0x23d: {  	v55 =	vld [tilespmem:s4+$0x40];
	v60 =	vmul.f32 v53, v29;
	[tilespmem:s4+$0x10] =	vst v57  }
0x23e: {  	v59 =	vld [tilespmem:s4+$0x70];
	[tilespmem:s4+$0xFFFFFFE0] =	vst v3;
	v3 =	vmul.f32 v49, v29  }
0x23f: {  	v58 =	vld [tilespmem:s4+$0x60];
	[tilespmem:s4+$0x30] =	vst v60;
	v41 =	vmul.f32 v32, v2  }
0x240: {  	v61 =	vld [tilespmem:s4+$0x80];
	[tilespmem:s4+$0x0] =	vst v3;
	v3 =	vmul.f32 v52, v29  }
0x241: {  	v62 =	vmul.f32 v56, v2;
	[tilespmem:s4+$0x90] =	vst v41  }
0x242: {  	[tilespmem:s4+$0x20] =	vst v3;
	v3 =	vmul.f32 v55, v29  }
0x243: {  	v63 =	vmul.f32 v59, v2;
	[tilespmem:s4+$0x50] =	vst v62  }
0x244: {  	[tilespmem:s4+$0x40] =	vst v3;
	v3 =	vmul.f32 v58, v2  }
0x245: {  	[tilespmem:s4+$0x70] =	vst v63;
	v2 =	vmul.f32 v61, v2  }
0x246: {  	s1 =	sadd.s32 $0x4F50, s14;
	s10 =	sadd.s32 $0x1, s10;
	[tilespmem:s4+$0x60] =	vst v3  }
0x247: {  	s19 =	rddreg [dreg:$0x2];
	s26 =	sadd.s32 $0x150, s26;
	p1 =	sne.s32 s10, $0x1E;
	[tilespmem:s4+$0x80] =	vst v2  }
0x248: {  	[spmem:s19] =	stream.indirect.scatter.add.f32 [tilespmem:s9], [sflag:$0x6], $0x50, s1, s0, $0xb8;
	[tilespmem:$0x1CD70] =	vst v63  }
.Ltmp9:
0x249: {  	s28 =	sadd.s32 $0x150, s28;
	s16 =	sadd.s32 $0x150, s16;
	(pc) =	sbr.rel @p1 .LBB2_26-.Ltmp9, $4  }
0x24a: {  	s13 =	sadd.s32 $0x150, s13;
	s23 =	sadd.s32 $0x150, s23;
	_ =	swait.ge [sflag:s20], $0x2300  }
0x24b: {  	s24 =	sadd.s32 $0x150, s24;
	s12 =	sadd.s32 $0x150, s12;
	[sflag:s20] =	ssyncset.done $0x0  }
0x24c: {  	s22 =	sadd.s32 $0x28D0, s21;
	s25 =	rddreg [dreg:$0x7];
	[sflag:s20] =	ssyncadd.s32 $0xFFFFDD00  }
0x24d: {  	[tilespmem:s8], [sflag:$0x2] =	stream.indirect.gather [hbm4b:s25+s0], $0x50, s22, s0, $0xb8;
	[tilespmem:$0x1CD70] =	vst v63  }
0x24e: {  	_ =	swait.ge [sflag:s29], $0x2300  }
0x24f: {  	[sflag:s29] =	ssyncset.done $0x0  }
0x250: {  	[sflag:s29] =	ssyncadd.s32 $0xFFFFDD00  }
0x251: {  	_ =	swait.ge [sflag:s30], $0x2300  }
0x252: {  	[sflag:s30] =	ssyncset.done $0x0  }
0x253: {  	[sflag:s30] =	ssyncadd.s32 $0xFFFFDD00  }
0x254: {  	_ =	swait.ge [sflag:s18], $0x2300  }
0x255: {  	[sflag:s18] =	ssyncset.done $0x0  }
0x256: {  	s25 =	simm.s32 $0x2710;
	s23 =	rddreg [dreg:$0x6];
	[sflag:s18] =	ssyncadd.s32 $0xFFFFDD00  }
0x257: {  	[tilespmem:s2], [sflag:$0x1] =	stream.indirect.gather [hbm4b:s23+s0], $0x50, s25, s0, $0xb8;
	[tilespmem:$0x1CD70] =	vst v63  }
0x258: {  	s26 =	simm.s32 $0x2780  }
0x259: {  	[tilespmem:s8], [sflag:$0x2] =	stream.indirect.gather [hbm4b:s23+s0], $0x50, s26, s0, $0xb8;
	[tilespmem:$0x1CD70] =	vst v63  }
0x25a: {  	s10 =	simm.s32 $0x0;
	s6 =	simm.s32 $0x7;
	s24 =	rddreg [dreg:$0xa]  }
0x25b: {  	[tilespmem:s9], [sflag:$0x7] =	stream.linear.gather [hbm4b:s24+s10], $0x2300, $0x38;
	[tilespmem:$0x1CD70] =	vst v63  }
0x25c: {  	_ =	swait.ge [sflag:s6], $0x2300  }
0x25d: {  	[sflag:s6] =	ssyncset.done $0x0  }
0x25e: {  	s28 =	simm.s32 $0x76B0;
	[sflag:s6] =	ssyncadd.s32 $0xFFFFDD00  }
0x25f: {  	[spmem:s19] =	stream.indirect.scatter.add.f32 [tilespmem:s9], [sflag:$0x6], $0x50, s28, s0, $0xb8;
	[tilespmem:$0x1CD70] =	vst v63  }
0x260: {  	[bflag:$0x0] =	sbarrier.arrive $0xFFFF  }
0x261: {  	s7 =	rddreg [dreg:$0xe]  }
0x262: {  	s1 =	rddreg [dreg:$0x15]  }
0x263: {  	s4 =	rddreg [dreg:$0x1a]  }
0x264: {  	[hbm:s1], [sflag:s7] =	dma.local [spmem:s4], $0x18B0  }
0x265: {  	_ =	swait.ge [sflag:s6], $0x18B0  }
0x266: {  	[sflag:s6] =	ssyncset.done $0x0  }
0x267: {  	[sflag:s6] =	ssyncadd.s32 $0xFFFFE750  }
0x268: {  	[spmem:s4], [sflag:s7] =	dma.local [hbm:s24], $0x18B0  }
0x269: {  	_ =	swait.ge [sflag:s6], $0x18B0  }
0x26a: {  	[sflag:s6] =	ssyncset.done $0x0  }
0x26b: {  	[sflag:s6] =	ssyncadd.s32 $0xFFFFE750  }
0x26c: {  	s11 =	simm.s32 $0x0;
	[bflag:$0x0] =	sbarrier.arrive $0xFFFF  }
.LBB2_40:
0x26d: {  	s13 =	smul.u32 $0x3, s11;
	_ =	sdelay $0x1  }
0x26e: {  	v2 =	vmov s13  }
0x26f: {  	v3 =	vmov s10;
	v2 =	vmul.u32 $0x70, v2  }
0x270: {  	s1 =	simm.s32 $0x1;
	v4 =	vand.u32 $0x78, v3  }
0x271: {  	s4 =	simm.s32 $0x2;
	v3 =	vand.u32 $0x4, v3;
	v5 =	vmov s1;
	v2 =	vbroadcast v2, $0x0  }
0x272: {  	v6 =	vmov s4;
	v7 =	vand.u32 $0x5, v5;
	v5 =	vand.u32 $0x78, v5  }
0x273: {  	s15 =	simm.s32 $0x3;
	_ =	swait.ge [sflag:s29], $0x2300;
	v8 =	vand.u32 $0x6, v6;
	v4 =	vadd.s32 v2, v4;
	v5 =	vadd.s32 v2, v5  }
0x274: {  	[sflag:s29] =	ssyncset.done $0x0;
	v3 =	vor.u32 v3, v4;
	v4 =	vand.u32 $0x78, v6;
	v6 =	vmov s15  }
0x275: {  	s12 =	simm.s32 $0x9F90;
	[sflag:s29] =	ssyncadd.s32 $0xFFFFDD00;
	v5 =	vor.u32 v7, v5;
	v7 =	vand.u32 $0x78, v6  }
0x276: {  	v9 =	vld [tilespmem:s12+$0xFFFFFF70];
	v6 =	vand.u32 $0x7, v6;
	v7 =	vadd.s32 v2, v7  }
0x277: {  	v10 =	vld [tilespmem:s12+$0xFFFFFF80];
	v6 =	vor.u32 v6, v7  }
0x278: {  	v11 =	vld [tilespmem:s12+$0xFFFFFF90];
	v4 =	vadd.s32 v2, v4  }
0x279: {  	v4 =	vor.u32 v8, v4;
	v8 =	vld [tilespmem:s12+$0xFFFFFF60]  }
0x27a: {  	v7 =	vld.idx.msk [tilespmem:v3+s17+$0x0], $0xffff  }
0x27b: {  	v12 =	vld [tilespmem:s12+$0xFFFFFFA0]  }
0x27c: {  	v3 =	vld.idx.msk [tilespmem:v6+s17+$0x0], $0xffff  }
0x27d: {  	v6 =	vld [tilespmem:s12+$0x90]  }
0x27e: {  	v13 =	vld [tilespmem:s12+$0xFFFFFFB0]  }
0x27f: {  	v5 =	vld.idx.msk [tilespmem:v5+s17+$0x0], $0xffff;
	v8 =	vmul.f32 v8, v7  }
0x280: {  	v14 =	vld [tilespmem:s12+$0xFFFFFFC0];
	v9 =	vmul.f32 v9, v7  }
0x281: {  	v4 =	vld.idx.msk [tilespmem:v4+s17+$0x0], $0xffff;
	v18 =	vmul.f32 v12, v7;
	[tilespmem:s12+$0xFFFFFF60] =	vst v8  }
0x282: {  	s21 =	simm.s32 $0x5;
	s22 =	simm.s32 $0x6;
	v8 =	vmul.f32 v10, v7;
	v10 =	vld [tilespmem:s12+$0xFFFFFFD0];
	[tilespmem:s12+$0xFFFFFF70] =	vst v9;
	v6 =	vmul.f32 v6, v3  }
0x283: {  	s16 =	simm.s32 $0x4;
	v16 =	vmov s21;
	v17 =	vmov s22;
	v9 =	vmul.f32 v11, v7;
	v11 =	vld [tilespmem:s12+$0xFFFFFFE0];
	[tilespmem:s12+$0xFFFFFFA0] =	vst v18  }
0x284: {  	v12 =	vand.u32 $0x5, v16;
	v19 =	vmul.f32 v13, v5;
	v7 =	vld [tilespmem:s12+$0xFFFFFFF0];
	[tilespmem:s12+$0x90] =	vst v6;
	v6 =	vmov s16  }
0x285: {  	v16 =	vand.u32 $0x78, v16;
	v13 =	vand.u32 $0x6, v17;
	[tilespmem:s12+$0xFFFFFF80] =	vst v8;
	v8 =	vld [tilespmem:s12+$0x0];
	v15 =	vand.u32 $0x78, v6  }
0x286: {  	v18 =	vmul.f32 v14, v5;
	[tilespmem:s12+$0xFFFFFF90] =	vst v9;
	v9 =	vld [tilespmem:s12+$0x10];
	v6 =	vand.u32 $0x4, v6;
	v15 =	vadd.s32 v2, v15  }
0x287: {  	[tilespmem:s12+$0xFFFFFFB0] =	vst v19;
	v14 =	vmul.f32 v10, v5;
	v10 =	vld [tilespmem:s12+$0x20];
	v6 =	vor.u32 v6, v15;
	v15 =	vand.u32 $0x78, v17  }
0x288: {  	s5 =	simm.s32 $0x7;
	s14 =	simm.s32 $0x9F90;
	s4 =	simm.s32 $0x8;
	[tilespmem:s12+$0xFFFFFFC0] =	vst v18;
	v17 =	vadd.s32 v2, v16;
	v16 =	vadd.s32 v2, v15;
	v15 =	vmul.f32 v11, v5;
	v11 =	vld [tilespmem:s12+$0x30]  }
.LBB2_41:
0x289: {  	p1 =	slt.u32 s4, $0x6C;
	v12 =	vor.u32 v12, v17;
	v17 =	vmov s5;
	[tilespmem:s12+$0xFFFFFFD0] =	vst v14;
	v5 =	vmul.f32 v7, v5;
	v7 =	vld [tilespmem:s12+$0x40]  }
0x28a: {  	v13 =	vor.u32 v13, v16;
	v14 =	vand.u32 $0x78, v17;
	[tilespmem:s12+$0xFFFFFFE0] =	vst v15;
	v8 =	vmul.f32 v8, v4;
	v15 =	vld [tilespmem:s12+$0x50]  }
0x28b: {  	v16 =	vand.u32 $0x7, v17;
	v14 =	vadd.s32 v2, v14;
	[tilespmem:s12+$0xFFFFFFF0] =	vst v5;
	v5 =	vmul.f32 v9, v4;
	v9 =	vld [tilespmem:s12+$0x60]  }
0x28c: {  	v14 =	vor.u32 v16, v14;
	[tilespmem:s12+$0x0] =	vst v8;
	v8 =	vmul.f32 v10, v4;
	v10 =	vld [tilespmem:s12+$0x70]  }
0x28d: {  	[tilespmem:s12+$0x10] =	vst v5;
	v11 =	vmul.f32 v11, v4;
	v16 =	vld [tilespmem:s12+$0x80]  }
0x28e: {  	v6 =	vld.idx.msk [tilespmem:v6+s17+$0x0], $0xffff;
	[tilespmem:s12+$0x20] =	vst v8;
	v7 =	vmul.f32 v7, v4  }
0x28f: {  	v5 =	vld.idx.msk [tilespmem:v12+s17+$0x0], $0xffff;
	[tilespmem:s12+$0x30] =	vst v11;
	v8 =	vmul.f32 v15, v3  }
0x290: {  	v4 =	vld.idx.msk [tilespmem:v13+s17+$0x0], $0xffff;
	[tilespmem:s12+$0x40] =	vst v7;
	v7 =	vmul.f32 v9, v3  }
0x291: {  	s12 =	sadd.s32 $0x140, s12;
	v9 =	vld.idx.msk [tilespmem:v14+s17+$0x0], $0xffff;
	[tilespmem:s14+$0x50] =	vst v8;
	v8 =	vmul.f32 v10, v3  }
0x292: {  	v10 =	vld [tilespmem:s12+$0x90];
	[tilespmem:s14+$0x60] =	vst v7;
	v3 =	vmul.f32 v16, v3  }
0x293: {  	v7 =	vld [tilespmem:s12+$0xFFFFFF60];
	[tilespmem:s14+$0x70] =	vst v8  }
0x294: {  	v8 =	vld [tilespmem:s12+$0xFFFFFF70];
	[tilespmem:s14+$0x80] =	vst v3;
	s14 =	smov.u32 s12  }
0x295: {  	v11 =	vld [tilespmem:s12+$0xFFFFFF80]  }
0x296: {  	v12 =	vld [tilespmem:s12+$0xFFFFFF90]  }
0x297: {  	v3 =	vmov v9;
	v13 =	vld [tilespmem:s12+$0xFFFFFFA0];
	v10 =	vmul.f32 v10, v9  }
0x298: {  	v7 =	vmul.f32 v7, v6;
	v9 =	vld [tilespmem:s12+$0xFFFFFFB0]  }
0x299: {  	v8 =	vmul.f32 v8, v6;
	v14 =	vld [tilespmem:s12+$0xFFFFFFC0];
	[tilespmem:s12+$0x90] =	vst v10  }
0x29a: {  	v10 =	vmov s4;
	[tilespmem:s12+$0xFFFFFF60] =	vst v7;
	v7 =	vmul.f32 v11, v6;
	v11 =	vld [tilespmem:s12+$0xFFFFFFD0]  }
0x29b: {  	s1 =	sadd.s32 $0x1, s4;
	s5 =	sadd.s32 $0x2, s4;
	v15 =	vand.u32 $0x78, v10;
	v10 =	vand.u32 $0x4, v10;
	[tilespmem:s12+$0xFFFFFF70] =	vst v8;
	v8 =	vmul.f32 v12, v6;
	v18 =	vld [tilespmem:s12+$0xFFFFFFE0]  }
.Ltmp10:
0x29c: {  	v17 =	vmov s5;
	v16 =	vmov s1;
	[tilespmem:s12+$0xFFFFFF80] =	vst v7;
	v6 =	vmul.f32 v13, v6;
	v7 =	vld [tilespmem:s12+$0xFFFFFFF0];
	(pc) =	sbr.rel @p1 .LBB2_41-.Ltmp10, $4  }
0x29d: {  	v15 =	vadd.s32 v2, v15;
	v12 =	vand.u32 $0x5, v16;
	[tilespmem:s12+$0xFFFFFF90] =	vst v8;
	v19 =	vmul.f32 v9, v5;
	v8 =	vld [tilespmem:s12+$0x0]  }
0x29e: {  	v16 =	vand.u32 $0x78, v16;
	v13 =	vand.u32 $0x6, v17;
	[tilespmem:s12+$0xFFFFFFA0] =	vst v6;
	v20 =	vmul.f32 v14, v5;
	v9 =	vld [tilespmem:s12+$0x10]  }
0x29f: {  	v6 =	vor.u32 v10, v15;
	v15 =	vand.u32 $0x78, v17;
	[tilespmem:s12+$0xFFFFFFB0] =	vst v19;
	v14 =	vmul.f32 v11, v5;
	v10 =	vld [tilespmem:s12+$0x20]  }
0x2a0: {  	s5 =	sadd.s32 $0x3, s4;
	s4 =	sadd.s32 $0x4, s4;
	v17 =	vadd.s32 v2, v16;
	v16 =	vadd.s32 v2, v15;
	[tilespmem:s12+$0xFFFFFFC0] =	vst v20;
	v15 =	vmul.f32 v18, v5;
	v11 =	vld [tilespmem:s12+$0x30]  }
0x2a1: {  	_ = 	snop  }
0x2a2: {  	v19 =	vld [tilespmem:s12+$0x40]  }
0x2a3: {  	v20 =	vld [tilespmem:s12+$0x50]  }
0x2a4: {  	v18 =	vmov s5;
	v12 =	vor.u32 v12, v17;
	v5 =	vmul.f32 v7, v5;
	v7 =	vld [tilespmem:s12+$0x80]  }
0x2a5: {  	v13 =	vor.u32 v13, v16;
	v6 =	vld.idx.msk [tilespmem:v6+s17+$0x0], $0xffff;
	v17 =	vand.u32 $0x78, v18;
	v8 =	vmul.f32 v8, v4  }
0x2a6: {  	v16 =	vand.u32 $0x7, v18;
	v2 =	vadd.s32 v2, v17;
	v17 =	vld [tilespmem:s12+$0x60];
	[tilespmem:s12+$0xFFFFFFF0] =	vst v5;
	v5 =	vmul.f32 v9, v4  }
0x2a7: {  	s4 =	sadd.s32 $0x140, s12;
	v2 =	vor.u32 v16, v2;
	v16 =	vld [tilespmem:s12+$0x70];
	[tilespmem:s12+$0x0] =	vst v8  }
0x2a8: {  	v8 =	vmul.f32 v10, v4;
	[tilespmem:s12+$0x10] =	vst v5;
	v5 =	vmul.f32 v11, v4;
	v11 =	vld [tilespmem:s4+$0xFFFFFF60]  }
0x2a9: {  	[tilespmem:s12+$0xFFFFFFD0] =	vst v14;
	v9 =	vld.idx.msk [tilespmem:v12+s17+$0x0], $0xffff  }
0x2aa: {  	v10 =	vld.idx.msk [tilespmem:v13+s17+$0x0], $0xffff;
	[tilespmem:s12+$0x20] =	vst v8;
	v4 =	vmul.f32 v19, v4  }
0x2ab: {  	v8 =	vld [tilespmem:s4+$0x90];
	[tilespmem:s12+$0x30] =	vst v5;
	v5 =	vmul.f32 v20, v3  }
0x2ac: {  	[tilespmem:s12+$0x40] =	vst v4;
	v4 =	vmul.f32 v17, v3;
	v2 =	vld.idx.msk [tilespmem:v2+s17+$0x0], $0xffff  }
0x2ad: {  	v12 =	vld [tilespmem:s4+$0xFFFFFF70];
	[tilespmem:s14+$0x50] =	vst v5;
	v5 =	vmul.f32 v16, v3  }
0x2ae: {  	v13 =	vld [tilespmem:s4+$0xFFFFFF80];
	v3 =	vmul.f32 v7, v3;
	[tilespmem:s14+$0x60] =	vst v4  }
0x2af: {  	v4 =	vld [tilespmem:s4+$0xFFFFFF90];
	[tilespmem:s14+$0x70] =	vst v5  }
0x2b0: {  	v5 =	vld [tilespmem:s4+$0xFFFFFFA0];
	[tilespmem:s14+$0x80] =	vst v3;
	v3 =	vmul.f32 v11, v6  }
0x2b1: {  	[tilespmem:s12+$0xFFFFFFE0] =	vst v15;
	v7 =	vmul.f32 v8, v2;
	v8 =	vld [tilespmem:s4+$0xFFFFFFB0]  }
0x2b2: {  	v11 =	vmul.f32 v12, v6;
	v12 =	vld [tilespmem:s4+$0xFFFFFFC0];
	[tilespmem:s4+$0xFFFFFF60] =	vst v3  }
0x2b3: {  	v3 =	vmul.f32 v13, v6;
	[tilespmem:s4+$0x90] =	vst v7;
	v7 =	vld [tilespmem:s4+$0xFFFFFFD0]  }
0x2b4: {  	[tilespmem:s4+$0xFFFFFF70] =	vst v11;
	v11 =	vld [tilespmem:s4+$0xFFFFFFE0];
	v4 =	vmul.f32 v4, v6  }
0x2b5: {  	[tilespmem:s4+$0xFFFFFF80] =	vst v3;
	v3 =	vmul.f32 v5, v6;
	v5 =	vld [tilespmem:s4+$0xFFFFFFF0]  }
0x2b6: {  	v6 =	vld [tilespmem:s4+$0x0];
	[tilespmem:s4+$0xFFFFFF90] =	vst v4;
	v4 =	vmul.f32 v8, v9  }
0x2b7: {  	[tilespmem:s4+$0xFFFFFFA0] =	vst v3;
	v3 =	vmul.f32 v12, v9;
	v8 =	vld [tilespmem:s4+$0x10]  }
0x2b8: {  	[tilespmem:s4+$0xFFFFFFB0] =	vst v4;
	v4 =	vmul.f32 v7, v9;
	v7 =	vld [tilespmem:s4+$0x20]  }
0x2b9: {  	[tilespmem:s4+$0xFFFFFFC0] =	vst v3;
	v3 =	vmul.f32 v11, v9;
	v11 =	vld [tilespmem:s4+$0x30]  }
0x2ba: {  	[tilespmem:s4+$0xFFFFFFD0] =	vst v4;
	v4 =	vmul.f32 v5, v9;
	v5 =	vld [tilespmem:s4+$0x40]  }
0x2bb: {  	[tilespmem:s4+$0xFFFFFFE0] =	vst v3;
	v3 =	vmul.f32 v6, v10;
	v6 =	vld [tilespmem:s4+$0x50]  }
0x2bc: {  	[tilespmem:s4+$0xFFFFFFF0] =	vst v4;
	v4 =	vmul.f32 v8, v10;
	v8 =	vld [tilespmem:s4+$0x60]  }
0x2bd: {  	[tilespmem:s4+$0x0] =	vst v3;
	v3 =	vmul.f32 v7, v10;
	v7 =	vld [tilespmem:s4+$0x70]  }
0x2be: {  	v9 =	vld [tilespmem:s4+$0x80];
	[tilespmem:s4+$0x10] =	vst v4;
	v4 =	vmul.f32 v11, v10  }
0x2bf: {  	[tilespmem:s4+$0x20] =	vst v3;
	v3 =	vmul.f32 v5, v10  }
0x2c0: {  	[tilespmem:s4+$0x30] =	vst v4;
	v4 =	vmul.f32 v6, v2  }
0x2c1: {  	[tilespmem:s4+$0x40] =	vst v3;
	v3 =	vmul.f32 v8, v2  }
0x2c2: {  	s1 =	smul.u32 $0x540, s11;
	[tilespmem:s4+$0x50] =	vst v4;
	v4 =	vmul.f32 v7, v2  }
0x2c3: {  	v2 =	vmul.f32 v9, v2;
	[tilespmem:s4+$0x60] =	vst v3  }
0x2c4: {  	s5 =	simm.s32 $0x1;
	s12 =	sshra.s32 s1, $0x2;
	[tilespmem:s4+$0x70] =	vst v4  }
0x2c5: {  	s16 =	sadd.s32 $0x2, s13;
	s1 =	sadd.s32 $0x4F50, s12;
	s14 =	sadd.s32 $0x1, s13;
	[tilespmem:s4+$0x80] =	vst v2  }
0x2c6: {  	v2 =	vmov s14;
	[spmem:s19] =	stream.indirect.scatter.add.f32 [tilespmem:s2], [sflag:$0x4], $0x50, s1, s0, $0xb8;
	[tilespmem:$0x1CD70] =	vst v63  }
0x2c7: {  	s15 =	simm.s32 $0x2;
	s13 =	smul.u32 $0x70, s16;
	v2 =	vmul.u32 $0x70, v2;
	_ =	swait.ge [sflag:s18], $0x2300  }
0x2c8: {  	v5 =	vmov s5;
	v6 =	vmov s15;
	s4 =	simm.s32 $0x0;
	[sflag:s18] =	ssyncset.done $0x0  }
0x2c9: {  	s22 =	sadd.s32 $0x2710, s13;
	v8 =	vand.u32 $0x6, v6;
	v3 =	vmov s4;
	v2 =	vbroadcast v2, $0x0;
	[sflag:s18] =	ssyncadd.s32 $0xFFFFDD00  }
0x2ca: {  	v7 =	vand.u32 $0x5, v5;
	v5 =	vand.u32 $0x78, v5;
	v4 =	vand.u32 $0x78, v3;
	[tilespmem:s9], [sflag:$0x3] =	stream.indirect.gather [hbm4b:s23+s0], $0x50, s22, s0, $0xb8;
	[tilespmem:$0x1CD70] =	vst v63  }
0x2cb: {  	s21 =	simm.s32 $0x3;
	v3 =	vand.u32 $0x4, v3;
	v4 =	vadd.s32 v2, v4;
	v5 =	vadd.s32 v2, v5;
	_ =	swait.ge [sflag:s30], $0x2300  }
0x2cc: {  	v3 =	vor.u32 v3, v4;
	v4 =	vand.u32 $0x78, v6;
	v6 =	vmov s21;
	[sflag:s30] =	ssyncset.done $0x0  }
0x2cd: {  	v5 =	vor.u32 v7, v5;
	s21 =	simm.s32 $0xC290;
	v4 =	vadd.s32 v2, v4;
	v7 =	vand.u32 $0x78, v6;
	[sflag:s30] =	ssyncadd.s32 $0xFFFFDD00  }
0x2ce: {  	v6 =	vand.u32 $0x7, v6;
	v4 =	vor.u32 v8, v4;
	v7 =	vadd.s32 v2, v7;
	v8 =	vld [tilespmem:s21+$0xFFFFFF60]  }
0x2cf: {  	v6 =	vor.u32 v6, v7;
	v9 =	vld [tilespmem:s21+$0xFFFFFF70]  }
0x2d0: {  	v10 =	vld [tilespmem:s21+$0xFFFFFF80]  }
0x2d1: {  	v11 =	vld [tilespmem:s21+$0xFFFFFF90]  }
0x2d2: {  	v7 =	vld.idx.msk [tilespmem:v3+s17+$0x0], $0xffff  }
0x2d3: {  	v12 =	vld [tilespmem:s21+$0xFFFFFFA0]  }
0x2d4: {  	v3 =	vld.idx.msk [tilespmem:v6+s17+$0x0], $0xffff  }
0x2d5: {  	v6 =	vld [tilespmem:s21+$0x90]  }
0x2d6: {  	v13 =	vld [tilespmem:s21+$0xFFFFFFB0]  }
0x2d7: {  	v5 =	vld.idx.msk [tilespmem:v5+s17+$0x0], $0xffff;
	v8 =	vmul.f32 v8, v7  }
0x2d8: {  	v14 =	vld [tilespmem:s21+$0xFFFFFFC0];
	v9 =	vmul.f32 v9, v7  }
0x2d9: {  	v4 =	vld.idx.msk [tilespmem:v4+s17+$0x0], $0xffff;
	v18 =	vmul.f32 v12, v7;
	[tilespmem:s21+$0xFFFFFF60] =	vst v8  }
0x2da: {  	s15 =	simm.s32 $0x5;
	s22 =	simm.s32 $0x6;
	v8 =	vmul.f32 v10, v7;
	v10 =	vld [tilespmem:s21+$0xFFFFFFD0];
	[tilespmem:s21+$0xFFFFFF70] =	vst v9;
	v6 =	vmul.f32 v6, v3  }
0x2db: {  	s5 =	simm.s32 $0x4;
	v16 =	vmov s15;
	v17 =	vmov s22;
	v9 =	vmul.f32 v11, v7;
	v11 =	vld [tilespmem:s21+$0xFFFFFFE0];
	[tilespmem:s21+$0xFFFFFFA0] =	vst v18  }
0x2dc: {  	v12 =	vand.u32 $0x5, v16;
	v19 =	vmul.f32 v13, v5;
	v7 =	vld [tilespmem:s21+$0xFFFFFFF0];
	[tilespmem:s21+$0x90] =	vst v6;
	v6 =	vmov s5  }
0x2dd: {  	v16 =	vand.u32 $0x78, v16;
	v13 =	vand.u32 $0x6, v17;
	[tilespmem:s21+$0xFFFFFF80] =	vst v8;
	v8 =	vld [tilespmem:s21+$0x0];
	v15 =	vand.u32 $0x78, v6  }
0x2de: {  	v18 =	vmul.f32 v14, v5;
	[tilespmem:s21+$0xFFFFFF90] =	vst v9;
	v9 =	vld [tilespmem:s21+$0x10];
	v6 =	vand.u32 $0x4, v6;
	v15 =	vadd.s32 v2, v15  }
0x2df: {  	[tilespmem:s21+$0xFFFFFFB0] =	vst v19;
	v14 =	vmul.f32 v10, v5;
	v10 =	vld [tilespmem:s21+$0x20];
	v6 =	vor.u32 v6, v15;
	v15 =	vand.u32 $0x78, v17  }
0x2e0: {  	s4 =	simm.s32 $0x8;
	s22 =	simm.s32 $0xC290;
	[tilespmem:s21+$0xFFFFFFC0] =	vst v18;
	s5 =	simm.s32 $0x7;
	v17 =	vadd.s32 v2, v16;
	v16 =	vadd.s32 v2, v15;
	v15 =	vmul.f32 v11, v5;
	v11 =	vld [tilespmem:s21+$0x30]  }
.LBB2_43:
0x2e1: {  	p1 =	slt.u32 s4, $0x6C;
	v12 =	vor.u32 v12, v17;
	v17 =	vmov s5;
	[tilespmem:s21+$0xFFFFFFD0] =	vst v14;
	v5 =	vmul.f32 v7, v5;
	v7 =	vld [tilespmem:s21+$0x40]  }
0x2e2: {  	v13 =	vor.u32 v13, v16;
	v14 =	vand.u32 $0x78, v17;
	[tilespmem:s21+$0xFFFFFFE0] =	vst v15;
	v8 =	vmul.f32 v8, v4;
	v15 =	vld [tilespmem:s21+$0x50]  }
0x2e3: {  	v16 =	vand.u32 $0x7, v17;
	v14 =	vadd.s32 v2, v14;
	[tilespmem:s21+$0xFFFFFFF0] =	vst v5;
	v5 =	vmul.f32 v9, v4;
	v9 =	vld [tilespmem:s21+$0x60]  }
0x2e4: {  	v14 =	vor.u32 v16, v14;
	[tilespmem:s21+$0x0] =	vst v8;
	v8 =	vmul.f32 v10, v4;
	v10 =	vld [tilespmem:s21+$0x70]  }
0x2e5: {  	[tilespmem:s21+$0x10] =	vst v5;
	v11 =	vmul.f32 v11, v4;
	v16 =	vld [tilespmem:s21+$0x80]  }
0x2e6: {  	v6 =	vld.idx.msk [tilespmem:v6+s17+$0x0], $0xffff;
	[tilespmem:s21+$0x20] =	vst v8;
	v7 =	vmul.f32 v7, v4  }
0x2e7: {  	v5 =	vld.idx.msk [tilespmem:v12+s17+$0x0], $0xffff;
	[tilespmem:s21+$0x30] =	vst v11;
	v8 =	vmul.f32 v15, v3  }
0x2e8: {  	v4 =	vld.idx.msk [tilespmem:v13+s17+$0x0], $0xffff;
	[tilespmem:s21+$0x40] =	vst v7;
	v7 =	vmul.f32 v9, v3  }
0x2e9: {  	s21 =	sadd.s32 $0x140, s21;
	v9 =	vld.idx.msk [tilespmem:v14+s17+$0x0], $0xffff;
	[tilespmem:s22+$0x50] =	vst v8;
	v8 =	vmul.f32 v10, v3  }
0x2ea: {  	v10 =	vld [tilespmem:s21+$0x90];
	[tilespmem:s22+$0x60] =	vst v7;
	v3 =	vmul.f32 v16, v3  }
0x2eb: {  	v7 =	vld [tilespmem:s21+$0xFFFFFF60];
	[tilespmem:s22+$0x70] =	vst v8  }
0x2ec: {  	v8 =	vld [tilespmem:s21+$0xFFFFFF70];
	[tilespmem:s22+$0x80] =	vst v3;
	s22 =	smov.u32 s21  }
0x2ed: {  	v11 =	vld [tilespmem:s21+$0xFFFFFF80]  }
0x2ee: {  	v12 =	vld [tilespmem:s21+$0xFFFFFF90]  }
0x2ef: {  	v3 =	vmov v9;
	v13 =	vld [tilespmem:s21+$0xFFFFFFA0];
	v10 =	vmul.f32 v10, v9  }
0x2f0: {  	v7 =	vmul.f32 v7, v6;
	v9 =	vld [tilespmem:s21+$0xFFFFFFB0]  }
0x2f1: {  	v8 =	vmul.f32 v8, v6;
	v14 =	vld [tilespmem:s21+$0xFFFFFFC0];
	[tilespmem:s21+$0x90] =	vst v10  }
0x2f2: {  	v10 =	vmov s4;
	[tilespmem:s21+$0xFFFFFF60] =	vst v7;
	v7 =	vmul.f32 v11, v6;
	v11 =	vld [tilespmem:s21+$0xFFFFFFD0]  }
0x2f3: {  	s1 =	sadd.s32 $0x1, s4;
	s5 =	sadd.s32 $0x2, s4;
	v15 =	vand.u32 $0x78, v10;
	v10 =	vand.u32 $0x4, v10;
	[tilespmem:s21+$0xFFFFFF70] =	vst v8;
	v8 =	vmul.f32 v12, v6;
	v18 =	vld [tilespmem:s21+$0xFFFFFFE0]  }
.Ltmp11:
0x2f4: {  	v17 =	vmov s5;
	v16 =	vmov s1;
	[tilespmem:s21+$0xFFFFFF80] =	vst v7;
	v6 =	vmul.f32 v13, v6;
	v7 =	vld [tilespmem:s21+$0xFFFFFFF0];
	(pc) =	sbr.rel @p1 .LBB2_43-.Ltmp11, $4  }
0x2f5: {  	v15 =	vadd.s32 v2, v15;
	v12 =	vand.u32 $0x5, v16;
	[tilespmem:s21+$0xFFFFFF90] =	vst v8;
	v19 =	vmul.f32 v9, v5;
	v8 =	vld [tilespmem:s21+$0x0]  }
0x2f6: {  	v16 =	vand.u32 $0x78, v16;
	v13 =	vand.u32 $0x6, v17;
	[tilespmem:s21+$0xFFFFFFA0] =	vst v6;
	v20 =	vmul.f32 v14, v5;
	v9 =	vld [tilespmem:s21+$0x10]  }
0x2f7: {  	v6 =	vor.u32 v10, v15;
	v15 =	vand.u32 $0x78, v17;
	[tilespmem:s21+$0xFFFFFFB0] =	vst v19;
	v14 =	vmul.f32 v11, v5;
	v10 =	vld [tilespmem:s21+$0x20]  }
0x2f8: {  	s5 =	sadd.s32 $0x3, s4;
	s4 =	sadd.s32 $0x4, s4;
	v17 =	vadd.s32 v2, v16;
	v16 =	vadd.s32 v2, v15;
	[tilespmem:s21+$0xFFFFFFC0] =	vst v20;
	v15 =	vmul.f32 v18, v5;
	v11 =	vld [tilespmem:s21+$0x30]  }
0x2f9: {  	_ = 	snop  }
0x2fa: {  	v19 =	vld [tilespmem:s21+$0x40]  }
0x2fb: {  	v20 =	vld [tilespmem:s21+$0x50]  }
0x2fc: {  	v18 =	vmov s5;
	v12 =	vor.u32 v12, v17;
	v5 =	vmul.f32 v7, v5;
	v7 =	vld [tilespmem:s21+$0x80]  }
0x2fd: {  	v13 =	vor.u32 v13, v16;
	v6 =	vld.idx.msk [tilespmem:v6+s17+$0x0], $0xffff;
	v17 =	vand.u32 $0x78, v18;
	v8 =	vmul.f32 v8, v4  }
0x2fe: {  	v16 =	vand.u32 $0x7, v18;
	v2 =	vadd.s32 v2, v17;
	v17 =	vld [tilespmem:s21+$0x60];
	[tilespmem:s21+$0xFFFFFFF0] =	vst v5;
	v5 =	vmul.f32 v9, v4  }
0x2ff: {  	s4 =	sadd.s32 $0x140, s21;
	v2 =	vor.u32 v16, v2;
	v16 =	vld [tilespmem:s21+$0x70];
	[tilespmem:s21+$0x0] =	vst v8  }
0x300: {  	v8 =	vmul.f32 v10, v4;
	[tilespmem:s21+$0x10] =	vst v5;
	v5 =	vmul.f32 v11, v4;
	v11 =	vld [tilespmem:s4+$0xFFFFFF60]  }
0x301: {  	[tilespmem:s21+$0xFFFFFFD0] =	vst v14;
	v9 =	vld.idx.msk [tilespmem:v12+s17+$0x0], $0xffff  }
0x302: {  	v10 =	vld.idx.msk [tilespmem:v13+s17+$0x0], $0xffff;
	[tilespmem:s21+$0x20] =	vst v8;
	v4 =	vmul.f32 v19, v4  }
0x303: {  	v8 =	vld [tilespmem:s4+$0x90];
	[tilespmem:s21+$0x30] =	vst v5;
	v5 =	vmul.f32 v20, v3  }
0x304: {  	[tilespmem:s21+$0x40] =	vst v4;
	v4 =	vmul.f32 v17, v3;
	v2 =	vld.idx.msk [tilespmem:v2+s17+$0x0], $0xffff  }
0x305: {  	v12 =	vld [tilespmem:s4+$0xFFFFFF70];
	[tilespmem:s22+$0x50] =	vst v5;
	v5 =	vmul.f32 v16, v3  }
0x306: {  	v13 =	vld [tilespmem:s4+$0xFFFFFF80];
	v3 =	vmul.f32 v7, v3;
	[tilespmem:s22+$0x60] =	vst v4  }
0x307: {  	v4 =	vld [tilespmem:s4+$0xFFFFFF90];
	[tilespmem:s22+$0x70] =	vst v5  }
0x308: {  	v5 =	vld [tilespmem:s4+$0xFFFFFFA0];
	[tilespmem:s22+$0x80] =	vst v3;
	v3 =	vmul.f32 v11, v6  }
0x309: {  	[tilespmem:s21+$0xFFFFFFE0] =	vst v15;
	v7 =	vmul.f32 v8, v2;
	v8 =	vld [tilespmem:s4+$0xFFFFFFB0]  }
0x30a: {  	v11 =	vmul.f32 v12, v6;
	v12 =	vld [tilespmem:s4+$0xFFFFFFC0];
	[tilespmem:s4+$0xFFFFFF60] =	vst v3  }
0x30b: {  	v3 =	vmul.f32 v13, v6;
	[tilespmem:s4+$0x90] =	vst v7;
	v7 =	vld [tilespmem:s4+$0xFFFFFFD0]  }
0x30c: {  	[tilespmem:s4+$0xFFFFFF70] =	vst v11;
	v11 =	vld [tilespmem:s4+$0xFFFFFFE0];
	v4 =	vmul.f32 v4, v6  }
0x30d: {  	[tilespmem:s4+$0xFFFFFF80] =	vst v3;
	v3 =	vmul.f32 v5, v6;
	v5 =	vld [tilespmem:s4+$0xFFFFFFF0]  }
0x30e: {  	v6 =	vld [tilespmem:s4+$0x0];
	[tilespmem:s4+$0xFFFFFF90] =	vst v4;
	v4 =	vmul.f32 v8, v9  }
0x30f: {  	[tilespmem:s4+$0xFFFFFFA0] =	vst v3;
	v3 =	vmul.f32 v12, v9;
	v8 =	vld [tilespmem:s4+$0x10]  }
0x310: {  	[tilespmem:s4+$0xFFFFFFB0] =	vst v4;
	v4 =	vmul.f32 v7, v9;
	v7 =	vld [tilespmem:s4+$0x20]  }
0x311: {  	[tilespmem:s4+$0xFFFFFFC0] =	vst v3;
	v3 =	vmul.f32 v11, v9;
	v11 =	vld [tilespmem:s4+$0x30]  }
0x312: {  	[tilespmem:s4+$0xFFFFFFD0] =	vst v4;
	v4 =	vmul.f32 v5, v9;
	v5 =	vld [tilespmem:s4+$0x40]  }
0x313: {  	[tilespmem:s4+$0xFFFFFFE0] =	vst v3;
	v3 =	vmul.f32 v6, v10;
	v6 =	vld [tilespmem:s4+$0x50]  }
0x314: {  	[tilespmem:s4+$0xFFFFFFF0] =	vst v4;
	v4 =	vmul.f32 v8, v10;
	v8 =	vld [tilespmem:s4+$0x60]  }
0x315: {  	[tilespmem:s4+$0x0] =	vst v3;
	v3 =	vmul.f32 v7, v10;
	v7 =	vld [tilespmem:s4+$0x70]  }
0x316: {  	v9 =	vld [tilespmem:s4+$0x80];
	[tilespmem:s4+$0x10] =	vst v4;
	v4 =	vmul.f32 v11, v10  }
0x317: {  	[tilespmem:s4+$0x20] =	vst v3;
	v3 =	vmul.f32 v5, v10  }
0x318: {  	[tilespmem:s4+$0x30] =	vst v4;
	v4 =	vmul.f32 v6, v2  }
0x319: {  	[tilespmem:s4+$0x40] =	vst v3;
	v3 =	vmul.f32 v8, v2  }
0x31a: {  	s1 =	smul.u32 $0x1C0, s14;
	[tilespmem:s4+$0x50] =	vst v4;
	v4 =	vmul.f32 v7, v2  }
0x31b: {  	v2 =	vmul.f32 v9, v2;
	[tilespmem:s4+$0x60] =	vst v3  }
0x31c: {  	s1 =	sshra.s32 s1, $0x2;
	[tilespmem:s4+$0x70] =	vst v4  }
0x31d: {  	s1 =	sadd.s32 $0x4F50, s1;
	[tilespmem:s4+$0x80] =	vst v2  }
0x31e: {  	[spmem:s19] =	stream.indirect.scatter.add.f32 [tilespmem:s8], [sflag:$0x5], $0x50, s1, s0, $0xb8;
	[tilespmem:$0x1CD70] =	vst v63  }
0x31f: {  	v2 =	vmov s16;
	s1 =	simm.s32 $0x4  }
0x320: {  	s21 =	simm.s32 $0x1;
	s22 =	simm.s32 $0x2;
	v2 =	vmul.u32 $0x70, v2;
	_ =	swait.ge [sflag:s1], $0x2300  }
0x321: {  	v5 =	vmov s21;
	v6 =	vmov s22;
	s16 =	simm.s32 $0x0;
	[sflag:s1] =	ssyncset.done $0x0  }
0x322: {  	s15 =	sadd.s32 $0x2860, s12;
	v8 =	vand.u32 $0x6, v6;
	v3 =	vmov s16;
	v2 =	vbroadcast v2, $0x0;
	[sflag:s1] =	ssyncadd.s32 $0xFFFFDD00  }
0x323: {  	v7 =	vand.u32 $0x5, v5;
	v5 =	vand.u32 $0x78, v5;
	v4 =	vand.u32 $0x78, v3;
	[tilespmem:s2], [sflag:$0x1] =	stream.indirect.gather [hbm4b:s23+s0], $0x50, s15, s0, $0xb8;
	[tilespmem:$0x1CD70] =	vst v63  }
0x324: {  	s14 =	simm.s32 $0x3;
	v3 =	vand.u32 $0x4, v3;
	v4 =	vadd.s32 v2, v4;
	v5 =	vadd.s32 v2, v5;
	_ =	swait.ge [sflag:s31], $0x2300  }
0x325: {  	v3 =	vor.u32 v3, v4;
	v4 =	vand.u32 $0x78, v6;
	v6 =	vmov s14;
	[sflag:s31] =	ssyncset.done $0x0  }
0x326: {  	v5 =	vor.u32 v7, v5;
	s14 =	simm.s32 $0xE590;
	v4 =	vadd.s32 v2, v4;
	v7 =	vand.u32 $0x78, v6;
	[sflag:s31] =	ssyncadd.s32 $0xFFFFDD00  }
0x327: {  	v6 =	vand.u32 $0x7, v6;
	v4 =	vor.u32 v8, v4;
	v7 =	vadd.s32 v2, v7;
	v8 =	vld [tilespmem:s14+$0xFFFFFF60]  }
0x328: {  	v6 =	vor.u32 v6, v7;
	v9 =	vld [tilespmem:s14+$0xFFFFFF70]  }
0x329: {  	v10 =	vld [tilespmem:s14+$0xFFFFFF80]  }
0x32a: {  	v11 =	vld [tilespmem:s14+$0xFFFFFF90]  }
0x32b: {  	v7 =	vld.idx.msk [tilespmem:v3+s17+$0x0], $0xffff  }
0x32c: {  	v12 =	vld [tilespmem:s14+$0xFFFFFFA0]  }
0x32d: {  	v3 =	vld.idx.msk [tilespmem:v6+s17+$0x0], $0xffff  }
0x32e: {  	v6 =	vld [tilespmem:s14+$0x90]  }
0x32f: {  	v13 =	vld [tilespmem:s14+$0xFFFFFFB0]  }
0x330: {  	v5 =	vld.idx.msk [tilespmem:v5+s17+$0x0], $0xffff;
	v8 =	vmul.f32 v8, v7  }
0x331: {  	v14 =	vld [tilespmem:s14+$0xFFFFFFC0];
	v9 =	vmul.f32 v9, v7  }
0x332: {  	v4 =	vld.idx.msk [tilespmem:v4+s17+$0x0], $0xffff;
	v18 =	vmul.f32 v12, v7;
	[tilespmem:s14+$0xFFFFFF60] =	vst v8  }
0x333: {  	s21 =	simm.s32 $0x5;
	s22 =	simm.s32 $0x6;
	v8 =	vmul.f32 v10, v7;
	v10 =	vld [tilespmem:s14+$0xFFFFFFD0];
	[tilespmem:s14+$0xFFFFFF70] =	vst v9;
	v6 =	vmul.f32 v6, v3  }
0x334: {  	v16 =	vmov s21;
	v17 =	vmov s22;
	s16 =	simm.s32 $0x4;
	v9 =	vmul.f32 v11, v7;
	v11 =	vld [tilespmem:s14+$0xFFFFFFE0];
	[tilespmem:s14+$0xFFFFFFA0] =	vst v18  }
0x335: {  	v12 =	vand.u32 $0x5, v16;
	v19 =	vmul.f32 v13, v5;
	v7 =	vld [tilespmem:s14+$0xFFFFFFF0];
	[tilespmem:s14+$0x90] =	vst v6;
	v6 =	vmov s16  }
0x336: {  	v16 =	vand.u32 $0x78, v16;
	v13 =	vand.u32 $0x6, v17;
	[tilespmem:s14+$0xFFFFFF80] =	vst v8;
	v8 =	vld [tilespmem:s14+$0x0];
	v15 =	vand.u32 $0x78, v6  }
0x337: {  	v18 =	vmul.f32 v14, v5;
	[tilespmem:s14+$0xFFFFFF90] =	vst v9;
	v9 =	vld [tilespmem:s14+$0x10];
	v6 =	vand.u32 $0x4, v6;
	v15 =	vadd.s32 v2, v15  }
0x338: {  	[tilespmem:s14+$0xFFFFFFB0] =	vst v19;
	v14 =	vmul.f32 v10, v5;
	v10 =	vld [tilespmem:s14+$0x20];
	v6 =	vor.u32 v6, v15;
	v15 =	vand.u32 $0x78, v17  }
0x339: {  	s5 =	simm.s32 $0x7;
	s4 =	simm.s32 $0x8;
	[tilespmem:s14+$0xFFFFFFC0] =	vst v18;
	s16 =	simm.s32 $0xE590;
	v17 =	vadd.s32 v2, v16;
	v16 =	vadd.s32 v2, v15;
	v15 =	vmul.f32 v11, v5;
	v11 =	vld [tilespmem:s14+$0x30]  }
.LBB2_45:
0x33a: {  	p1 =	slt.u32 s4, $0x6C;
	v12 =	vor.u32 v12, v17;
	v17 =	vmov s5;
	[tilespmem:s14+$0xFFFFFFD0] =	vst v14;
	v5 =	vmul.f32 v7, v5;
	v7 =	vld [tilespmem:s14+$0x40]  }
0x33b: {  	v13 =	vor.u32 v13, v16;
	v14 =	vand.u32 $0x78, v17;
	[tilespmem:s14+$0xFFFFFFE0] =	vst v15;
	v8 =	vmul.f32 v8, v4;
	v15 =	vld [tilespmem:s14+$0x50]  }
0x33c: {  	v16 =	vand.u32 $0x7, v17;
	v14 =	vadd.s32 v2, v14;
	[tilespmem:s14+$0xFFFFFFF0] =	vst v5;
	v5 =	vmul.f32 v9, v4;
	v9 =	vld [tilespmem:s14+$0x60]  }
0x33d: {  	v14 =	vor.u32 v16, v14;
	[tilespmem:s14+$0x0] =	vst v8;
	v8 =	vmul.f32 v10, v4;
	v10 =	vld [tilespmem:s14+$0x70]  }
0x33e: {  	[tilespmem:s14+$0x10] =	vst v5;
	v11 =	vmul.f32 v11, v4;
	v16 =	vld [tilespmem:s14+$0x80]  }
0x33f: {  	v6 =	vld.idx.msk [tilespmem:v6+s17+$0x0], $0xffff;
	[tilespmem:s14+$0x20] =	vst v8;
	v7 =	vmul.f32 v7, v4  }
0x340: {  	v5 =	vld.idx.msk [tilespmem:v12+s17+$0x0], $0xffff;
	[tilespmem:s14+$0x30] =	vst v11;
	v8 =	vmul.f32 v15, v3  }
0x341: {  	v4 =	vld.idx.msk [tilespmem:v13+s17+$0x0], $0xffff;
	[tilespmem:s14+$0x40] =	vst v7;
	v7 =	vmul.f32 v9, v3  }
0x342: {  	s14 =	sadd.s32 $0x140, s14;
	v9 =	vld.idx.msk [tilespmem:v14+s17+$0x0], $0xffff;
	[tilespmem:s16+$0x50] =	vst v8;
	v8 =	vmul.f32 v10, v3  }
0x343: {  	v10 =	vld [tilespmem:s14+$0x90];
	[tilespmem:s16+$0x60] =	vst v7;
	v3 =	vmul.f32 v16, v3  }
0x344: {  	v7 =	vld [tilespmem:s14+$0xFFFFFF60];
	[tilespmem:s16+$0x70] =	vst v8  }
0x345: {  	v8 =	vld [tilespmem:s14+$0xFFFFFF70];
	[tilespmem:s16+$0x80] =	vst v3;
	s16 =	smov.u32 s14  }
0x346: {  	v11 =	vld [tilespmem:s14+$0xFFFFFF80]  }
0x347: {  	v12 =	vld [tilespmem:s14+$0xFFFFFF90]  }
0x348: {  	v3 =	vmov v9;
	v13 =	vld [tilespmem:s14+$0xFFFFFFA0];
	v10 =	vmul.f32 v10, v9  }
0x349: {  	v7 =	vmul.f32 v7, v6;
	v9 =	vld [tilespmem:s14+$0xFFFFFFB0]  }
0x34a: {  	v8 =	vmul.f32 v8, v6;
	v14 =	vld [tilespmem:s14+$0xFFFFFFC0];
	[tilespmem:s14+$0x90] =	vst v10  }
0x34b: {  	v10 =	vmov s4;
	[tilespmem:s14+$0xFFFFFF60] =	vst v7;
	v7 =	vmul.f32 v11, v6;
	v11 =	vld [tilespmem:s14+$0xFFFFFFD0]  }
0x34c: {  	s1 =	sadd.s32 $0x1, s4;
	s5 =	sadd.s32 $0x2, s4;
	v15 =	vand.u32 $0x78, v10;
	v10 =	vand.u32 $0x4, v10;
	[tilespmem:s14+$0xFFFFFF70] =	vst v8;
	v8 =	vmul.f32 v12, v6;
	v18 =	vld [tilespmem:s14+$0xFFFFFFE0]  }
.Ltmp12:
0x34d: {  	v17 =	vmov s5;
	v16 =	vmov s1;
	[tilespmem:s14+$0xFFFFFF80] =	vst v7;
	v6 =	vmul.f32 v13, v6;
	v7 =	vld [tilespmem:s14+$0xFFFFFFF0];
	(pc) =	sbr.rel @p1 .LBB2_45-.Ltmp12, $4  }
0x34e: {  	v15 =	vadd.s32 v2, v15;
	v12 =	vand.u32 $0x5, v16;
	[tilespmem:s14+$0xFFFFFF90] =	vst v8;
	v19 =	vmul.f32 v9, v5;
	v8 =	vld [tilespmem:s14+$0x0]  }
0x34f: {  	v16 =	vand.u32 $0x78, v16;
	v13 =	vand.u32 $0x6, v17;
	[tilespmem:s14+$0xFFFFFFA0] =	vst v6;
	v20 =	vmul.f32 v14, v5;
	v9 =	vld [tilespmem:s14+$0x10]  }
0x350: {  	v6 =	vor.u32 v10, v15;
	v15 =	vand.u32 $0x78, v17;
	[tilespmem:s14+$0xFFFFFFB0] =	vst v19;
	v14 =	vmul.f32 v11, v5;
	v10 =	vld [tilespmem:s14+$0x20]  }
0x351: {  	s5 =	sadd.s32 $0x3, s4;
	s4 =	sadd.s32 $0x4, s4;
	v17 =	vadd.s32 v2, v16;
	v16 =	vadd.s32 v2, v15;
	[tilespmem:s14+$0xFFFFFFC0] =	vst v20;
	v15 =	vmul.f32 v18, v5;
	v11 =	vld [tilespmem:s14+$0x30]  }
0x352: {  	v19 =	vld [tilespmem:s14+$0x40]  }
0x353: {  	v20 =	vld [tilespmem:s14+$0x50]  }
0x354: {  	v23 =	vld [tilespmem:s14+$0x60]  }
0x355: {  	v24 =	vld [tilespmem:s14+$0x70]  }
0x356: {  	[tilespmem:s14+$0xFFFFFFD0] =	vst v14;
	v5 =	vmul.f32 v7, v5;
	v25 =	vld [tilespmem:s14+$0x80]  }
0x357: {  	v6 =	vld.idx.msk [tilespmem:v6+s17+$0x0], $0xffff;
	s4 =	sadd.s32 $0x140, s14;
	[tilespmem:s14+$0xFFFFFFE0] =	vst v15;
	v8 =	vmul.f32 v8, v4  }
0x358: {  	v32 =	vld [tilespmem:s4+$0x90];
	[tilespmem:s14+$0xFFFFFFF0] =	vst v5;
	v26 =	vmul.f32 v9, v4  }
0x359: {  	v34 =	vld [tilespmem:s4+$0xFFFFFF60];
	[tilespmem:s14+$0x0] =	vst v8;
	v28 =	vmul.f32 v10, v4  }
0x35a: {  	v12 =	vor.u32 v12, v17;
	v36 =	vld [tilespmem:s4+$0xFFFFFF70];
	[tilespmem:s14+$0x10] =	vst v26;
	v30 =	vmul.f32 v11, v4  }
0x35b: {  	v38 =	vld [tilespmem:s4+$0xFFFFFF80];
	[tilespmem:s14+$0x20] =	vst v28;
	v31 =	vmul.f32 v19, v4  }
0x35c: {  	v39 =	vld [tilespmem:s4+$0xFFFFFF90];
	v33 =	vmul.f32 v20, v3;
	[tilespmem:s14+$0x30] =	vst v30  }
0x35d: {  	v40 =	vld [tilespmem:s4+$0xFFFFFFA0];
	v35 =	vmul.f32 v23, v3;
	[tilespmem:s14+$0x40] =	vst v31  }
0x35e: {  	v42 =	vld [tilespmem:s4+$0xFFFFFFB0];
	v37 =	vmul.f32 v24, v3;
	[tilespmem:s16+$0x50] =	vst v33  }
0x35f: {  	v13 =	vor.u32 v13, v16;
	v27 =	vld.idx.msk [tilespmem:v12+s17+$0x0], $0xffff;
	v3 =	vmul.f32 v25, v3;
	[tilespmem:s16+$0x60] =	vst v35  }
0x360: {  	v18 =	vmov s5;
	v45 =	vld [tilespmem:s4+$0xFFFFFFD0];
	v43 =	vmul.f32 v36, v6;
	[tilespmem:s16+$0x70] =	vst v37  }
0x361: {  	v63 =	vand.u32 $0x78, v18;
	v44 =	vld [tilespmem:s4+$0xFFFFFFC0];
	[tilespmem:s16+$0x80] =	vst v3;
	v3 =	vmul.f32 v34, v6  }
0x362: {  	v22 =	vand.u32 $0x7, v18;
	v47 =	vld [tilespmem:s4+$0xFFFFFFF0];
	v2 =	vadd.s32 v2, v63;
	v4 =	vmul.f32 v39, v6;
	[tilespmem:s4+$0xFFFFFF70] =	vst v43  }
0x363: {  	v50 =	vld [tilespmem:s4+$0x10];
	v2 =	vor.u32 v22, v2;
	[tilespmem:s4+$0xFFFFFF60] =	vst v3;
	v3 =	vmul.f32 v38, v6  }
0x364: {  	v29 =	vld.idx.msk [tilespmem:v13+s17+$0x0], $0xffff;
	[tilespmem:s4+$0xFFFFFF90] =	vst v4;
	v48 =	vmul.f32 v42, v27  }
0x365: {  	v46 =	vld [tilespmem:s4+$0xFFFFFFE0];
	v51 =	vmul.f32 v45, v27;
	[tilespmem:s4+$0xFFFFFF80] =	vst v3  }
0x366: {  	v53 =	vld [tilespmem:s4+$0x30];
	v3 =	vmul.f32 v40, v6;
	[tilespmem:s4+$0xFFFFFFB0] =	vst v48  }
0x367: {  	v49 =	vld [tilespmem:s4+$0x0];
	v54 =	vmul.f32 v47, v27;
	[tilespmem:s4+$0xFFFFFFD0] =	vst v51  }
0x368: {  	v2 =	vld.idx.msk [tilespmem:v2+s17+$0x0], $0xffff;
	[tilespmem:s4+$0xFFFFFFA0] =	vst v3;
	v3 =	vmul.f32 v44, v27  }
0x369: {  	v52 =	vld [tilespmem:s4+$0x20];
	v57 =	vmul.f32 v50, v29;
	[tilespmem:s4+$0xFFFFFFF0] =	vst v54  }
0x36a: {  	v56 =	vld [tilespmem:s4+$0x50];
	[tilespmem:s4+$0xFFFFFFC0] =	vst v3;
	v3 =	vmul.f32 v46, v27  }
0x36b: {  	v55 =	vld [tilespmem:s4+$0x40];
	v60 =	vmul.f32 v53, v29;
	[tilespmem:s4+$0x10] =	vst v57  }
0x36c: {  	v59 =	vld [tilespmem:s4+$0x70];
	[tilespmem:s4+$0xFFFFFFE0] =	vst v3;
	v3 =	vmul.f32 v49, v29  }
0x36d: {  	v58 =	vld [tilespmem:s4+$0x60];
	[tilespmem:s4+$0x30] =	vst v60;
	v41 =	vmul.f32 v32, v2  }
0x36e: {  	v61 =	vld [tilespmem:s4+$0x80];
	[tilespmem:s4+$0x0] =	vst v3;
	v3 =	vmul.f32 v52, v29  }
0x36f: {  	v62 =	vmul.f32 v56, v2;
	[tilespmem:s4+$0x90] =	vst v41  }
0x370: {  	[tilespmem:s4+$0x20] =	vst v3;
	v3 =	vmul.f32 v55, v29  }
0x371: {  	v63 =	vmul.f32 v59, v2;
	[tilespmem:s4+$0x50] =	vst v62  }
0x372: {  	[tilespmem:s4+$0x40] =	vst v3;
	v3 =	vmul.f32 v58, v2  }
0x373: {  	[tilespmem:s4+$0x70] =	vst v63;
	v2 =	vmul.f32 v61, v2  }
0x374: {  	s11 =	sadd.s32 $0x1, s11;
	[tilespmem:s4+$0x60] =	vst v3  }
0x375: {  	s1 =	sadd.s32 $0x4F50, s13;
	p1 =	sne.s32 s11, $0x1E;
	[tilespmem:s4+$0x80] =	vst v2  }
0x376: {  	[spmem:s19] =	stream.indirect.scatter.add.f32 [tilespmem:s9], [sflag:$0x6], $0x50, s1, s0, $0xb8;
	[tilespmem:$0x1CD70] =	vst v63  }
.Ltmp13:
0x377: {  	_ = 	snop;
	(pc) =	sbr.rel @p1 .LBB2_40-.Ltmp13, $4  }
0x378: {  	_ =	swait.ge [sflag:s20], $0x2300  }
0x379: {  	[sflag:s20] =	ssyncset.done $0x0  }
0x37a: {  	s22 =	sadd.s32 $0x28D0, s12;
	[sflag:s20] =	ssyncadd.s32 $0xFFFFDD00  }
0x37b: {  	[tilespmem:s8], [sflag:$0x2] =	stream.indirect.gather [hbm4b:s23+s0], $0x50, s22, s0, $0xb8;
	[tilespmem:$0x1CD70] =	vst v63  }
.Ltmp14:
0x37c: {  	(pc) =	sbr.rel .LBB2_48-.Ltmp14, $3  }
0x37d: {  	_ =	sdelay $0x1  }
0x37e: {  	s4 =	rddreg [dreg:$0x16]  }
0x37f: {  	s5 =	rddreg [dreg:$0x19]  }
.LBB2_2:
0x380: {  	s1 =	rddreg [dreg:$0x8]  }
0x381: {  	[tilespmem:s5], [sflag:$0x1] =	stream.linear.gather [hbm4b:s1+s5], $0x2710, $0x38;
	[tilespmem:$0x1CD70] =	vst v63  }
0x382: {  	s21 =	rddreg [dreg:$0x10]  }
0x383: {  	[tilespmem:s25], [sflag:$0x2] =	stream.linear.gather [hbm4b:s21+s5], $0x2840, $0x38;
	[tilespmem:$0x1CD70] =	vst v63  }
0x384: {  	s22 =	rddreg [dreg:$0x11];
	s4 =	simm.s32 $0x4F50  }
0x385: {  	[tilespmem:s4], [sflag:$0x3] =	stream.linear.gather [hbm4b:s22+s5], $0x2840, $0x38;
	[tilespmem:$0x1CD70] =	vst v63  }
0x386: {  	_ =	swait.ge [sflag:s29], $0x2710  }
0x387: {  	[sflag:s29] =	ssyncset.done $0x0  }
0x388: {  	[sflag:s29] =	ssyncadd.s32 $0xFFFFD8F0  }
0x389: {  	_ =	swait.ge [sflag:s30], $0x2840  }
0x38a: {  	[sflag:s30] =	ssyncset.done $0x0  }
0x38b: {  	[sflag:s30] =	ssyncadd.s32 $0xFFFFD7C0  }
0x38c: {  	_ =	swait.ge [sflag:s31], $0x2840  }
0x38d: {  	[sflag:s31] =	ssyncset.done $0x0  }
0x38e: {  	s23 =	rddreg [dreg:$0x5];
	[sflag:s31] =	ssyncadd.s32 $0xFFFFD7C0  }
0x38f: {  	[tilespmem:s2], [sflag:$0x1] =	stream.indirect.gather [hbm4b:s23+s0], $0x50, s25, s0, $0xb8;
	[tilespmem:$0x1CD70] =	vst v63  }
0x390: {  	_ = 	snop  }
0x391: {  	[tilespmem:s8], [sflag:$0x2] =	stream.indirect.gather [hbm4b:s23+s0], $0x50, s26, s0, $0xb8;
	[tilespmem:$0x1CD70] =	vst v63  }
0x392: {  	_ = 	snop  }
0x393: {  	[tilespmem:s9], [sflag:$0x7] =	stream.linear.gather [hbm4b:s24+s5], $0x2300, $0x38;
	[tilespmem:$0x1CD70] =	vst v63  }
0x394: {  	s16 =	simm.s32 $0x77A0;
	_ =	swait.ge [sflag:s6], $0x2300  }
0x395: {  	s13 =	simm.s32 $0x4FD0;
	s12 =	simm.s32 $0x7880;
	[sflag:s6] =	ssyncset.done $0x0  }
0x396: {  	s10 =	simm.s32 $0x0;
	s24 =	simm.s32 $0x5040;
	[sflag:s6] =	ssyncadd.s32 $0xFFFFDD00  }
0x397: {  	[spmem:s19] =	stream.indirect.scatter.add.f32 [tilespmem:s9], [sflag:$0x6], $0x50, s28, s0, $0xb8;
	[tilespmem:$0x1CD70] =	vst v63  }
0x398: {  	s26 =	rddreg [dreg:$0x18];
	s6 =	simm.s32 $0x7810;
	s28 =	simm.s32 $0x4F60  }
.LBB2_3:
0x399: {  	_ =	swait.ge [sflag:s29], $0x2300  }
0x39a: {  	s4 =	simm.s32 $0x10;
	[sflag:s29] =	ssyncset.done $0x0  }
0x39b: {  	v2 =	vmov s4;
	[sflag:s29] =	ssyncadd.s32 $0xFFFFDD00  }
0x39c: {  	v2 =	vmul.u32 $0x50, v2;
	v3 =	vld [tilespmem:s28+$0x0];
	_ =	sdelay $0x1  }
0x39d: {  	v2 =	vbroadcast v2, $0x0;
	_ =	sdelay $0x1  }
0x39e: {  	v2 =	vadd.s32 v0, v2;
	_ =	sdelay $0x2  }
0x39f: {  	s1 =	simm.s32 $0x0  }
0x3a0: {  	v4 =	vmov s1;
	v3 =	vld.idx.msk [tilespmem:v3+s3+$0x0], $0xffff  }
0x3a1: {  	v4 =	vmul.u32 $0x50, v4;
	v2 =	vld.idx.msk [tilespmem:v2+s2+$0x0], $0xffff;
	_ =	sdelay $0x1  }
0x3a2: {  	v5 =	vld [tilespmem:s28+$0xFFFFFFF0];
	v4 =	vbroadcast v4, $0x0;
	_ =	sdelay $0x1  }
0x3a3: {  	v4 =	vadd.s32 v0, v4  }
0x3a4: {  	v2 =	vadd.f32 v3, v2;
	_ =	sdelay $0x1  }
0x3a5: {  	s5 =	sadd.s32 $0x20, s28;
	v3 =	vmul.f32 $2.000000030e-01, v2  }
0x3a6: {  	v7 =	vld [tilespmem:s5+$0x0];
	vm0 =	vge.f32 v2, $0.0e+00  }
0x3a7: {  	v2 =	vsel vm0, v2, v3;
	v3 =	vld.idx.msk [tilespmem:v4+s2+$0x0], $0xffff  }
0x3a8: {  	v4 =	vld.idx.msk [tilespmem:v5+s3+$0x0], $0xffff  }
0x3a9: {  	v2 =	vmul.f32 $1.442695020e+00, v2  }
0x3aa: {  	s23 =	simm.s32 $0x30  }
0x3ab: {  	v6 =	vmov s23;
	(erf) = vpow2.f32 v2  }
0x3ac: {  	v6 =	vmul.u32 $0x50, v6  }
0x3ad: {  	s4 =	simm.s32 $0x20;
	v3 =	vadd.f32 v4, v3  }
0x3ae: {  	v5 =	vbroadcast v6, $0x0;
	v6 =	vmov s4  }
0x3af: {  	v2 =	vmul.u32 $0x50, v6;
	v4 =	vld.idx.msk [tilespmem:v7+s3+$0x0], $0xffff;
	v7 =	vmul.f32 $2.000000030e-01, v3  }
0x3b0: {  	vm15 =	vge.f32 v3, $0.0e+00  }
0x3b1: {  	v5 =	vadd.s32 v0, v5;
	v6 =	vld [tilespmem:s5+$0xFFFFFFF0];
	v2 =	vbroadcast v2, $0x0;
	v3 =	vsel vm15, v3, v7  }
0x3b2: {  	v3 =	vmul.f32 $1.442695020e+00, v3  }
0x3b3: {  	v2 =	vadd.s32 v0, v2  }
0x3b4: {  	v7 =	vpop (erf);
	(erf) = vpow2.f32 v3;
	_ =	sdelay $0x1  }
0x3b5: {  	v5 =	vld.idx.msk [tilespmem:v5+s2+$0x0], $0xffff  }
0x3b6: {  	s15 =	sadd.s32 $0x0, s26  }
0x3b7: {  	s14 =	smul.u32 $0x3, s10;
	s7 =	sadd.s32 $0x10, s15;
	v2 =	vld.idx.msk [tilespmem:v2+s2+$0x0], $0xffff  }
0x3b8: {  	s21 =	smul.u32 $0x150, s10;
	s25 =	rddreg [dreg:$0xf];
	p1 =	slt.u32 s7, $0x27100;
	v3 =	vld.idx.msk [tilespmem:v6+s3+$0x0], $0xffff  }
0x3b9: {  	s22 =	smov.u32 s16;
	s11 =	sadd.s32 s25, s14;
	s7 =	simm.s32 $0x2;
	v7 =	vpsel !p1, $0x0, v7  }
0x3ba: {  	s11 =	smul.u32 $0x70, s11;
	v4 =	vadd.f32 v4, v5;
	p1 =	slt.u32 s15, $0x27100;
	s15 =	simm.s32 $0x40;
	[tilespmem:s16+$0x0] =	vst v7  }
.LBB2_4:
0x3bb: {  	v5 =	vmov s15;
	s23 =	sadd.s32 $0x10, s15;
	s7 =	sadd.s32 $0x2, s7  }
0x3bc: {  	s5 =	sadd.s32 $0x20, s5;
	v5 =	vmul.u32 $0x50, v5;
	v6 =	vmov s23;
	p2 =	slt.u32 s7, $0x4;
	v7 =	vmul.f32 $2.000000030e-01, v4;
	v8 =	vpop (erf)  }
0x3bd: {  	v2 =	vadd.f32 v3, v2;
	vm0 =	vge.f32 v4, $0.0e+00;
	v6 =	vmul.u32 $0x50, v6;
	v9 =	vld [tilespmem:s5+$0x0]  }
0x3be: {  	v3 =	vbroadcast v5, $0x0;
	v5 =	vld [tilespmem:s5+$0xFFFFFFF0];
	v4 =	vsel vm0, v4, v7;
	v7 =	vpsel !p1, $0x0, v8  }
0x3bf: {  	vm0 =	vge.f32 v2, $0.0e+00;
	v6 =	vbroadcast v6, $0x0;
	v4 =	vmul.f32 $1.442695020e+00, v4;
	[tilespmem:s22+$0xFFFFFFF0] =	vst v7  }
0x3c0: {  	v7 =	vmul.f32 $2.000000030e-01, v2;
	v3 =	vadd.s32 v0, v3  }
0x3c1: {  	v6 =	vadd.s32 v0, v6;
	(erf) = vpow2.f32 v4  }
0x3c2: {  	v2 =	vsel vm0, v2, v7  }
0x3c3: {  	v2 =	vmul.f32 $1.442695020e+00, v2;
	_ =	sdelay $0x1  }
0x3c4: {  	v4 =	vld.idx.msk [tilespmem:v9+s3+$0x0], $0xffff;
	(erf) = vpow2.f32 v2  }
0x3c5: {  	v6 =	vld.idx.msk [tilespmem:v6+s2+$0x0], $0xffff  }
0x3c6: {  	v2 =	vld.idx.msk [tilespmem:v3+s2+$0x0], $0xffff  }
.Ltmp15:
0x3c7: {  	s23 =	sadd.s32 s4, s26;
	s4 =	smov.u32 s15;
	v3 =	vld.idx.msk [tilespmem:v5+s3+$0x0], $0xffff;
	(pc) =	sbr.rel @p2 .LBB2_4-.Ltmp15, $4  }
0x3c8: {  	p1 =	slt.u32 s23, $0x27100;
	s23 =	sadd.s32 $0x10, s23  }
0x3c9: {  	p3 =	slt.u32 s23, $0x27100;
	v5 =	vpop (erf)  }
0x3ca: {  	s22 =	sadd.s32 $0x20, s22;
	v5 =	vpsel !p3, $0x0, v5  }
0x3cb: {  	s15 =	sadd.s32 $0x20, s15;
	v4 =	vadd.f32 v4, v6;
	[tilespmem:s22+$0x0] =	vst v5  }
0x3cc: {  	v2 =	vadd.f32 v3, v2  }
0x3cd: {  	v3 =	vmul.f32 $2.000000030e-01, v4  }
0x3ce: {  	vm0 =	vge.f32 v4, $0.0e+00;
	v5 =	vmul.f32 $2.000000030e-01, v2  }
0x3cf: {  	vm14 =	vge.f32 v2, $0.0e+00;
	v3 =	vsel vm0, v4, v3  }
0x3d0: {  	v3 =	vmul.f32 $1.442695020e+00, v3;
	v2 =	vsel vm14, v2, v5  }
0x3d1: {  	v2 =	vmul.f32 $1.442695020e+00, v2  }
0x3d2: {  	(erf) = vpow2.f32 v3  }
0x3d3: {  	(erf) = vpow2.f32 v2;
	_ =	sdelay $0x5  }
0x3d4: {  	s4 =	sadd.s32 s4, s26  }
0x3d5: {  	s5 =	sadd.s32 $0x10, s4;
	v2 =	vpop (erf)  }
0x3d6: {  	p5 =	slt.u32 s5, $0x27100;
	v2 =	vpsel !p1, $0x0, v2;
	v3 =	vpop (erf)  }
0x3d7: {  	p2 =	slt.u32 s4, $0x27100;
	[tilespmem:s22+$0xFFFFFFF0] =	vst v2;
	s22 =	sadd.s32 $0x20, s22;
	v2 =	vpsel !p5, $0x0, v3;
	v3 =	vpop (erf)  }
0x3d8: {  	[tilespmem:s22+$0x0] =	vst v2;
	v2 =	vpsel !p2, $0x0, v3  }
0x3d9: {  	[tilespmem:s22+$0xFFFFFFF0] =	vst v2  }
0x3da: {  	v2 =	vld [tilespmem:s21+$0x4FB0];
	_ =	sdelay $0x6  }
0x3db: {  	s23 =	simm.s32 $0x0;
	v3 =	vld.idx.msk [tilespmem:v1+s2+$0x0], $0xffff  }
0x3dc: {  	v2 =	vld.idx.msk [tilespmem:v2+s23+$0x0], $0xffff;
	_ =	sdelay $0x4  }
0x3dd: {  	v2 =	vadd.f32 v2, v3;
	_ =	sdelay $0x1  }
0x3de: {  	v3 =	vmul.f32 $2.000000030e-01, v2  }
0x3df: {  	vm15 =	vge.f32 v2, $0.0e+00  }
0x3e0: {  	v2 =	vsel vm15, v2, v3  }
0x3e1: {  	v2 =	vmul.f32 $1.442695020e+00, v2;
	_ =	sdelay $0x1  }
0x3e2: {  	(erf) = vpow2.f32 v2  }
0x3e3: {  	v2 =	vmov s14  }
0x3e4: {  	v2 =	vmul.u32 $0x70, v2  }
0x3e5: {  	s25 =	simm.s32 $0x1  }
0x3e6: {  	v5 =	vmov s25;
	v3 =	vmov s23;
	v2 =	vbroadcast v2, $0x0  }
0x3e7: {  	v7 =	vand.u32 $0x5, v5;
	v4 =	vand.u32 $0x78, v3  }
0x3e8: {  	s1 =	simm.s32 $0x2;
	v5 =	vand.u32 $0x78, v5;
	v3 =	vand.u32 $0x4, v3;
	v4 =	vadd.s32 v2, v4  }
0x3e9: {  	v6 =	vmov s1;
	v5 =	vadd.s32 v2, v5;
	v3 =	vor.u32 v3, v4  }
0x3ea: {  	s7 =	simm.s32 $0x3;
	s11 =	sadd.s32 $0x60, s11;
	v4 =	vand.u32 $0x78, v6;
	v5 =	vor.u32 v7, v5  }
0x3eb: {  	p6 =	slt.u32 s11, $0x27100;
	v8 =	vand.u32 $0x6, v6;
	v6 =	vmov s7;
	v4 =	vadd.s32 v2, v4;
	v9 =	vpop (erf)  }
0x3ec: {  	v7 =	vand.u32 $0x78, v6;
	v4 =	vor.u32 v8, v4;
	v8 =	vpsel !p6, $0x0, v9  }
0x3ed: {  	v6 =	vand.u32 $0x7, v6;
	v7 =	vadd.s32 v2, v7;
	[tilespmem:s21+$0x77F0] =	vst v8  }
0x3ee: {  	v6 =	vor.u32 v6, v7;
	v7 =	vld.idx.msk [tilespmem:v3+s17+$0x0], $0xffff  }
0x3ef: {  	s22 =	simm.s32 $0x9F90;
	v5 =	vld.idx.msk [tilespmem:v5+s17+$0x0], $0xffff  }
0x3f0: {  	v8 =	vld [tilespmem:s22+$0xFFFFFF60]  }
0x3f1: {  	v9 =	vld [tilespmem:s22+$0xFFFFFF70]  }
0x3f2: {  	v10 =	vld [tilespmem:s22+$0xFFFFFF80]  }
0x3f3: {  	v12 =	vld [tilespmem:s22+$0xFFFFFFA0]  }
0x3f4: {  	v3 =	vld.idx.msk [tilespmem:v6+s17+$0x0], $0xffff  }
0x3f5: {  	v6 =	vld [tilespmem:s22+$0x90]  }
0x3f6: {  	v11 =	vld [tilespmem:s22+$0xFFFFFF90]  }
0x3f7: {  	v13 =	vld [tilespmem:s22+$0xFFFFFFB0];
	v8 =	vmul.f32 v8, v7  }
0x3f8: {  	v14 =	vld [tilespmem:s22+$0xFFFFFFC0];
	v9 =	vmul.f32 v9, v7  }
0x3f9: {  	v4 =	vld.idx.msk [tilespmem:v4+s17+$0x0], $0xffff;
	v18 =	vmul.f32 v12, v7;
	[tilespmem:s22+$0xFFFFFF60] =	vst v8  }
0x3fa: {  	s25 =	simm.s32 $0x6;
	s23 =	simm.s32 $0x5;
	v6 =	vmul.f32 v6, v3;
	v8 =	vmul.f32 v10, v7;
	v10 =	vld [tilespmem:s22+$0xFFFFFFD0];
	[tilespmem:s22+$0xFFFFFF70] =	vst v9  }
0x3fb: {  	s15 =	simm.s32 $0x4;
	v17 =	vmov s25;
	v16 =	vmov s23;
	v9 =	vmul.f32 v11, v7;
	v11 =	vld [tilespmem:s22+$0xFFFFFFE0];
	[tilespmem:s22+$0xFFFFFFA0] =	vst v18  }
0x3fc: {  	v12 =	vand.u32 $0x5, v16;
	v19 =	vmul.f32 v13, v5;
	v7 =	vld [tilespmem:s22+$0xFFFFFFF0];
	[tilespmem:s22+$0x90] =	vst v6;
	v6 =	vmov s15  }
0x3fd: {  	v16 =	vand.u32 $0x78, v16;
	v13 =	vand.u32 $0x6, v17;
	[tilespmem:s22+$0xFFFFFF80] =	vst v8;
	v8 =	vld [tilespmem:s22+$0x0];
	v15 =	vand.u32 $0x78, v6  }
0x3fe: {  	v18 =	vmul.f32 v14, v5;
	[tilespmem:s22+$0xFFFFFF90] =	vst v9;
	v9 =	vld [tilespmem:s22+$0x10];
	v6 =	vand.u32 $0x4, v6;
	v15 =	vadd.s32 v2, v15  }
0x3ff: {  	[tilespmem:s22+$0xFFFFFFB0] =	vst v19;
	v6 =	vor.u32 v6, v15;
	v15 =	vand.u32 $0x78, v17;
	v14 =	vmul.f32 v10, v5;
	v10 =	vld [tilespmem:s22+$0x20]  }
0x400: {  	s4 =	simm.s32 $0x7;
	s11 =	simm.s32 $0x8;
	s25 =	simm.s32 $0x9F90;
	[tilespmem:s22+$0xFFFFFFC0] =	vst v18;
	v17 =	vadd.s32 v2, v16;
	v16 =	vadd.s32 v2, v15;
	v15 =	vmul.f32 v11, v5;
	v11 =	vld [tilespmem:s22+$0x30]  }
.LBB2_6:
0x401: {  	p1 =	slt.u32 s11, $0x6C;
	v12 =	vor.u32 v12, v17;
	v17 =	vmov s4;
	[tilespmem:s22+$0xFFFFFFD0] =	vst v14;
	v5 =	vmul.f32 v7, v5;
	v7 =	vld [tilespmem:s22+$0x40]  }
0x402: {  	v13 =	vor.u32 v13, v16;
	v14 =	vand.u32 $0x78, v17;
	[tilespmem:s22+$0xFFFFFFE0] =	vst v15;
	v8 =	vmul.f32 v8, v4;
	v15 =	vld [tilespmem:s22+$0x50]  }
0x403: {  	v16 =	vand.u32 $0x7, v17;
	v14 =	vadd.s32 v2, v14;
	[tilespmem:s22+$0xFFFFFFF0] =	vst v5;
	v5 =	vmul.f32 v9, v4;
	v9 =	vld [tilespmem:s22+$0x60]  }
0x404: {  	v14 =	vor.u32 v16, v14;
	[tilespmem:s22+$0x0] =	vst v8;
	v8 =	vmul.f32 v10, v4;
	v10 =	vld [tilespmem:s22+$0x70]  }
0x405: {  	[tilespmem:s22+$0x10] =	vst v5;
	v11 =	vmul.f32 v11, v4;
	v16 =	vld [tilespmem:s22+$0x80]  }
0x406: {  	v6 =	vld.idx.msk [tilespmem:v6+s17+$0x0], $0xffff;
	[tilespmem:s22+$0x20] =	vst v8;
	v7 =	vmul.f32 v7, v4  }
0x407: {  	v5 =	vld.idx.msk [tilespmem:v12+s17+$0x0], $0xffff;
	[tilespmem:s22+$0x30] =	vst v11;
	v8 =	vmul.f32 v15, v3  }
0x408: {  	v4 =	vld.idx.msk [tilespmem:v13+s17+$0x0], $0xffff;
	[tilespmem:s22+$0x40] =	vst v7;
	v7 =	vmul.f32 v9, v3  }
0x409: {  	s22 =	sadd.s32 $0x140, s22;
	v9 =	vld.idx.msk [tilespmem:v14+s17+$0x0], $0xffff;
	[tilespmem:s25+$0x50] =	vst v8;
	v8 =	vmul.f32 v10, v3  }
0x40a: {  	v10 =	vld [tilespmem:s22+$0x90];
	[tilespmem:s25+$0x60] =	vst v7;
	v3 =	vmul.f32 v16, v3  }
0x40b: {  	v7 =	vld [tilespmem:s22+$0xFFFFFF60];
	[tilespmem:s25+$0x70] =	vst v8  }
0x40c: {  	v8 =	vld [tilespmem:s22+$0xFFFFFF70];
	[tilespmem:s25+$0x80] =	vst v3;
	s25 =	smov.u32 s22  }
0x40d: {  	v11 =	vld [tilespmem:s22+$0xFFFFFF80]  }
0x40e: {  	v12 =	vld [tilespmem:s22+$0xFFFFFF90]  }
0x40f: {  	v3 =	vmov v9;
	v13 =	vld [tilespmem:s22+$0xFFFFFFA0];
	v10 =	vmul.f32 v10, v9  }
0x410: {  	v7 =	vmul.f32 v7, v6;
	v9 =	vld [tilespmem:s22+$0xFFFFFFB0]  }
0x411: {  	v8 =	vmul.f32 v8, v6;
	v14 =	vld [tilespmem:s22+$0xFFFFFFC0];
	[tilespmem:s22+$0x90] =	vst v10  }
0x412: {  	v10 =	vmov s11;
	[tilespmem:s22+$0xFFFFFF60] =	vst v7;
	v7 =	vmul.f32 v11, v6;
	v11 =	vld [tilespmem:s22+$0xFFFFFFD0]  }
0x413: {  	s4 =	sadd.s32 $0x1, s11;
	s5 =	sadd.s32 $0x2, s11;
	v15 =	vand.u32 $0x78, v10;
	v10 =	vand.u32 $0x4, v10;
	[tilespmem:s22+$0xFFFFFF70] =	vst v8;
	v8 =	vmul.f32 v12, v6;
	v18 =	vld [tilespmem:s22+$0xFFFFFFE0]  }
.Ltmp16:
0x414: {  	v17 =	vmov s5;
	v16 =	vmov s4;
	[tilespmem:s22+$0xFFFFFF80] =	vst v7;
	v6 =	vmul.f32 v13, v6;
	v7 =	vld [tilespmem:s22+$0xFFFFFFF0];
	(pc) =	sbr.rel @p1 .LBB2_6-.Ltmp16, $4  }
0x415: {  	v15 =	vadd.s32 v2, v15;
	v12 =	vand.u32 $0x5, v16;
	[tilespmem:s22+$0xFFFFFF90] =	vst v8;
	v19 =	vmul.f32 v9, v5;
	v8 =	vld [tilespmem:s22+$0x0]  }
0x416: {  	v16 =	vand.u32 $0x78, v16;
	v13 =	vand.u32 $0x6, v17;
	[tilespmem:s22+$0xFFFFFFA0] =	vst v6;
	v20 =	vmul.f32 v14, v5;
	v9 =	vld [tilespmem:s22+$0x10]  }
0x417: {  	v6 =	vor.u32 v10, v15;
	v15 =	vand.u32 $0x78, v17;
	[tilespmem:s22+$0xFFFFFFB0] =	vst v19;
	v14 =	vmul.f32 v11, v5;
	v10 =	vld [tilespmem:s22+$0x20]  }
0x418: {  	s4 =	sadd.s32 $0x3, s11;
	s11 =	sadd.s32 $0x4, s11;
	v17 =	vadd.s32 v2, v16;
	v16 =	vadd.s32 v2, v15;
	[tilespmem:s22+$0xFFFFFFC0] =	vst v20;
	v15 =	vmul.f32 v18, v5;
	v11 =	vld [tilespmem:s22+$0x30]  }
0x419: {  	v19 =	vld [tilespmem:s22+$0x40]  }
0x41a: {  	v20 =	vld [tilespmem:s22+$0x50]  }
0x41b: {  	v18 =	vmov s4;
	v47 =	vld [tilespmem:s22+$0x60]  }
0x41c: {  	v48 =	vld [tilespmem:s22+$0x70];
	v5 =	vmul.f32 v7, v5;
	v45 =	vand.u32 $0x78, v18  }
0x41d: {  	[tilespmem:s22+$0xFFFFFFD0] =	vst v14;
	v7 =	vld [tilespmem:s22+$0x80];
	v46 =	vand.u32 $0x7, v18;
	v2 =	vadd.s32 v2, v45  }
0x41e: {  	v6 =	vld.idx.msk [tilespmem:v6+s17+$0x0], $0xffff;
	s7 =	sadd.s32 $0x140, s22;
	[tilespmem:s22+$0xFFFFFFF0] =	vst v5;
	v5 =	vmul.f32 v9, v4;
	v2 =	vor.u32 v46, v2  }
0x41f: {  	[tilespmem:s22+$0xFFFFFFE0] =	vst v15;
	v8 =	vmul.f32 v8, v4;
	v52 =	vld [tilespmem:s7+$0x90]  }
0x420: {  	v53 =	vld [tilespmem:s7+$0xFFFFFF60];
	[tilespmem:s22+$0x10] =	vst v5;
	v5 =	vmul.f32 v11, v4  }
0x421: {  	v54 =	vld [tilespmem:s7+$0xFFFFFF70];
	[tilespmem:s22+$0x0] =	vst v8;
	v50 =	vmul.f32 v10, v4;
	v4 =	vmul.f32 v19, v4  }
0x422: {  	v55 =	vld [tilespmem:s7+$0xFFFFFF80];
	[tilespmem:s22+$0x30] =	vst v5;
	v5 =	vmul.f32 v20, v3  }
0x423: {  	v12 =	vor.u32 v12, v17;
	[tilespmem:s22+$0x40] =	vst v4;
	v4 =	vmul.f32 v47, v3;
	v2 =	vld.idx.msk [tilespmem:v2+s17+$0x0], $0xffff  }
0x424: {  	v56 =	vld [tilespmem:s7+$0xFFFFFFB0];
	[tilespmem:s25+$0x50] =	vst v5;
	v5 =	vmul.f32 v48, v3  }
0x425: {  	v58 =	vld [tilespmem:s7+$0xFFFFFFC0];
	v3 =	vmul.f32 v7, v3;
	[tilespmem:s25+$0x60] =	vst v4  }
0x426: {  	v13 =	vor.u32 v13, v16;
	v4 =	vld [tilespmem:s7+$0xFFFFFF90];
	[tilespmem:s25+$0x70] =	vst v5  }
0x427: {  	v5 =	vld [tilespmem:s7+$0xFFFFFFA0];
	[tilespmem:s25+$0x80] =	vst v3;
	v3 =	vmul.f32 v53, v6  }
0x428: {  	v49 =	vld.idx.msk [tilespmem:v12+s17+$0x0], $0xffff;
	[tilespmem:s22+$0x20] =	vst v50;
	v7 =	vmul.f32 v52, v2  }
0x429: {  	v59 =	vld [tilespmem:s7+$0xFFFFFFE0];
	v57 =	vmul.f32 v54, v6;
	[tilespmem:s7+$0xFFFFFF60] =	vst v3  }
0x42a: {  	v3 =	vmul.f32 v55, v6;
	[tilespmem:s7+$0x90] =	vst v7;
	v7 =	vld [tilespmem:s7+$0xFFFFFFD0]  }
0x42b: {  	v51 =	vld.idx.msk [tilespmem:v13+s17+$0x0], $0xffff;
	[tilespmem:s7+$0xFFFFFF70] =	vst v57;
	v4 =	vmul.f32 v4, v6  }
0x42c: {  	[tilespmem:s7+$0xFFFFFF80] =	vst v3;
	v3 =	vmul.f32 v5, v6;
	v5 =	vld [tilespmem:s7+$0xFFFFFFF0]  }
0x42d: {  	v6 =	vld [tilespmem:s7+$0x0];
	[tilespmem:s7+$0xFFFFFF90] =	vst v4;
	v4 =	vmul.f32 v56, v49  }
0x42e: {  	v60 =	vld [tilespmem:s7+$0x10];
	[tilespmem:s7+$0xFFFFFFA0] =	vst v3;
	v3 =	vmul.f32 v58, v49  }
0x42f: {  	[tilespmem:s7+$0xFFFFFFB0] =	vst v4;
	v4 =	vmul.f32 v7, v49;
	v7 =	vld [tilespmem:s7+$0x20]  }
0x430: {  	v61 =	vld [tilespmem:s7+$0x30];
	[tilespmem:s7+$0xFFFFFFC0] =	vst v3;
	v3 =	vmul.f32 v59, v49  }
0x431: {  	[tilespmem:s7+$0xFFFFFFD0] =	vst v4;
	v4 =	vmul.f32 v5, v49;
	v5 =	vld [tilespmem:s7+$0x40]  }
0x432: {  	[tilespmem:s7+$0xFFFFFFE0] =	vst v3;
	v3 =	vmul.f32 v6, v51;
	v6 =	vld [tilespmem:s7+$0x50]  }
0x433: {  	v62 =	vld [tilespmem:s7+$0x60];
	[tilespmem:s7+$0xFFFFFFF0] =	vst v4;
	v4 =	vmul.f32 v60, v51  }
0x434: {  	[tilespmem:s7+$0x0] =	vst v3;
	v3 =	vmul.f32 v7, v51;
	v7 =	vld [tilespmem:s7+$0x70]  }
0x435: {  	v63 =	vld [tilespmem:s7+$0x80];
	[tilespmem:s7+$0x10] =	vst v4;
	v4 =	vmul.f32 v61, v51  }
0x436: {  	[tilespmem:s7+$0x20] =	vst v3;
	v3 =	vmul.f32 v5, v51  }
0x437: {  	[tilespmem:s7+$0x30] =	vst v4;
	v4 =	vmul.f32 v6, v2  }
0x438: {  	[tilespmem:s7+$0x40] =	vst v3;
	v3 =	vmul.f32 v62, v2  }
0x439: {  	[tilespmem:s7+$0x50] =	vst v4;
	v4 =	vmul.f32 v7, v2  }
0x43a: {  	v2 =	vmul.f32 v63, v2;
	[tilespmem:s7+$0x60] =	vst v3  }
0x43b: {  	[tilespmem:s7+$0x70] =	vst v4  }
0x43c: {  	s11 =	sadd.s32 $0x4F50, s21;
	[tilespmem:s7+$0x80] =	vst v2  }
0x43d: {  	[spmem:s19] =	stream.indirect.scatter.add.f32 [tilespmem:s2], [sflag:$0x4], $0x50, s11, s0, $0xb8;
	[tilespmem:$0x1CD70] =	vst v63  }
0x43e: {  	s7 =	smul.u32 $0x70, s14;
	_ =	swait.ge [sflag:s18], $0x2300  }
0x43f: {  	s19 =	simm.s32 $0x10;
	[sflag:s18] =	ssyncset.done $0x0  }
0x440: {  	s15 =	sadd.s32 $0x27F0, s7;
	s1 =	rddreg [dreg:$0x5];
	[sflag:s18] =	ssyncadd.s32 $0xFFFFDD00  }
0x441: {  	[tilespmem:s9], [sflag:$0x3] =	stream.indirect.gather [hbm4b:s1+s0], $0x50, s15, s0, $0xb8;
	[tilespmem:$0x1CD70] =	vst v63  }
0x442: {  	v2 =	vmov s19;
	_ =	swait.ge [sflag:s30], $0x2300  }
0x443: {  	v2 =	vmul.u32 $0x50, v2;
	[sflag:s30] =	ssyncset.done $0x0  }
0x444: {  	[sflag:s30] =	ssyncadd.s32 $0xFFFFDD00  }
0x445: {  	v2 =	vbroadcast v2, $0x0;
	v3 =	vld [tilespmem:s13+$0x0];
	_ =	sdelay $0x1  }
0x446: {  	v2 =	vadd.s32 v0, v2;
	_ =	sdelay $0x3  }
0x447: {  	s21 =	simm.s32 $0x0  }
0x448: {  	v4 =	vmov s21;
	v2 =	vld.idx.msk [tilespmem:v2+s8+$0x0], $0xffff  }
0x449: {  	v4 =	vmul.u32 $0x50, v4;
	v3 =	vld.idx.msk [tilespmem:v3+s3+$0x0], $0xffff;
	_ =	sdelay $0x1  }
0x44a: {  	v4 =	vbroadcast v4, $0x0;
	v5 =	vld [tilespmem:s13+$0xFFFFFFF0];
	_ =	sdelay $0x1  }
0x44b: {  	v4 =	vadd.s32 v0, v4  }
0x44c: {  	v2 =	vadd.f32 v3, v2;
	_ =	sdelay $0x1  }
0x44d: {  	s5 =	sadd.s32 $0x20, s13;
	v3 =	vmul.f32 $2.000000030e-01, v2  }
0x44e: {  	v7 =	vld [tilespmem:s5+$0x0];
	vm0 =	vge.f32 v2, $0.0e+00  }
0x44f: {  	v2 =	vsel vm0, v2, v3;
	v3 =	vld.idx.msk [tilespmem:v4+s8+$0x0], $0xffff  }
0x450: {  	v4 =	vld.idx.msk [tilespmem:v5+s3+$0x0], $0xffff  }
0x451: {  	v2 =	vmul.f32 $1.442695020e+00, v2  }
0x452: {  	s22 =	simm.s32 $0x30  }
0x453: {  	v6 =	vmov s22;
	(erf) = vpow2.f32 v2  }
0x454: {  	v6 =	vmul.u32 $0x50, v6  }
0x455: {  	s25 =	simm.s32 $0x20;
	v3 =	vadd.f32 v4, v3  }
0x456: {  	v5 =	vbroadcast v6, $0x0;
	v6 =	vmov s25  }
0x457: {  	v2 =	vmul.u32 $0x50, v6;
	v4 =	vld.idx.msk [tilespmem:v7+s3+$0x0], $0xffff;
	v7 =	vmul.f32 $2.000000030e-01, v3  }
0x458: {  	vm15 =	vge.f32 v3, $0.0e+00  }
0x459: {  	v5 =	vadd.s32 v0, v5;
	v6 =	vld [tilespmem:s5+$0xFFFFFFF0];
	v2 =	vbroadcast v2, $0x0;
	v3 =	vsel vm15, v3, v7  }
0x45a: {  	v3 =	vmul.f32 $1.442695020e+00, v3  }
0x45b: {  	v2 =	vadd.s32 v0, v2  }
0x45c: {  	v7 =	vpop (erf);
	(erf) = vpow2.f32 v3;
	_ =	sdelay $0x1  }
0x45d: {  	v5 =	vld.idx.msk [tilespmem:v5+s8+$0x0], $0xffff  }
0x45e: {  	s4 =	sadd.s32 $0x1, s14;
	s22 =	sadd.s32 $0x2, s14;
	s15 =	sadd.s32 $0x0, s26  }
0x45f: {  	s14 =	sadd.s32 $0xE0, s7;
	s21 =	sadd.s32 $0x70, s7;
	s11 =	sadd.s32 $0x80, s15;
	v2 =	vld.idx.msk [tilespmem:v2+s8+$0x0], $0xffff  }
0x460: {  	s15 =	sadd.s32 $0x70, s15;
	s23 =	rddreg [dreg:$0xf];
	p1 =	slt.u32 s11, $0x27100;
	v3 =	vld.idx.msk [tilespmem:v6+s3+$0x0], $0xffff  }
0x461: {  	s7 =	simm.s32 $0x2;
	p2 =	slt.u32 s15, $0x27100;
	s23 =	sadd.s32 s23, s4;
	v7 =	vpsel !p1, $0x0, v7  }
0x462: {  	s15 =	simm.s32 $0x40;
	s11 =	smul.u32 $0x70, s23;
	s23 =	smov.u32 s6;
	v4 =	vadd.f32 v4, v5;
	[tilespmem:s6+$0x0] =	vst v7  }
.LBB2_8:
0x463: {  	v5 =	vmov s15;
	s1 =	sadd.s32 $0x10, s15;
	s7 =	sadd.s32 $0x2, s7  }
0x464: {  	s5 =	sadd.s32 $0x20, s5;
	v5 =	vmul.u32 $0x50, v5;
	v6 =	vmov s1;
	p1 =	slt.u32 s7, $0x4;
	v7 =	vmul.f32 $2.000000030e-01, v4;
	v8 =	vpop (erf)  }
0x465: {  	v2 =	vadd.f32 v3, v2;
	vm0 =	vge.f32 v4, $0.0e+00;
	v6 =	vmul.u32 $0x50, v6;
	v9 =	vld [tilespmem:s5+$0x0]  }
0x466: {  	v3 =	vbroadcast v5, $0x0;
	v5 =	vld [tilespmem:s5+$0xFFFFFFF0];
	v4 =	vsel vm0, v4, v7;
	v7 =	vpsel !p2, $0x0, v8  }
0x467: {  	vm0 =	vge.f32 v2, $0.0e+00;
	v6 =	vbroadcast v6, $0x0;
	v4 =	vmul.f32 $1.442695020e+00, v4;
	[tilespmem:s23+$0xFFFFFFF0] =	vst v7  }
0x468: {  	v7 =	vmul.f32 $2.000000030e-01, v2;
	v3 =	vadd.s32 v0, v3  }
0x469: {  	v6 =	vadd.s32 v0, v6;
	(erf) = vpow2.f32 v4  }
0x46a: {  	v2 =	vsel vm0, v2, v7  }
0x46b: {  	v2 =	vmul.f32 $1.442695020e+00, v2;
	_ =	sdelay $0x1  }
0x46c: {  	v4 =	vld.idx.msk [tilespmem:v9+s3+$0x0], $0xffff;
	(erf) = vpow2.f32 v2  }
0x46d: {  	v6 =	vld.idx.msk [tilespmem:v6+s8+$0x0], $0xffff  }
0x46e: {  	v2 =	vld.idx.msk [tilespmem:v3+s8+$0x0], $0xffff  }
.Ltmp17:
0x46f: {  	s1 =	sadd.s32 s25, s26;
	s25 =	smov.u32 s15;
	v3 =	vld.idx.msk [tilespmem:v5+s3+$0x0], $0xffff;
	(pc) =	sbr.rel @p1 .LBB2_8-.Ltmp17, $4  }
0x470: {  	s19 =	sadd.s32 $0x70, s1;
	s1 =	sadd.s32 $0x80, s1  }
0x471: {  	p2 =	slt.u32 s19, $0x27100;
	p3 =	slt.u32 s1, $0x27100;
	v5 =	vpop (erf)  }
0x472: {  	s23 =	sadd.s32 $0x20, s23;
	v5 =	vpsel !p3, $0x0, v5  }
0x473: {  	s15 =	sadd.s32 $0x20, s15;
	v4 =	vadd.f32 v4, v6;
	[tilespmem:s23+$0x0] =	vst v5  }
0x474: {  	v2 =	vadd.f32 v3, v2  }
0x475: {  	v3 =	vmul.f32 $2.000000030e-01, v4  }
0x476: {  	vm0 =	vge.f32 v4, $0.0e+00;
	v5 =	vmul.f32 $2.000000030e-01, v2  }
0x477: {  	vm14 =	vge.f32 v2, $0.0e+00;
	v3 =	vsel vm0, v4, v3  }
0x478: {  	v3 =	vmul.f32 $1.442695020e+00, v3;
	v2 =	vsel vm14, v2, v5  }
0x479: {  	v2 =	vmul.f32 $1.442695020e+00, v2  }
0x47a: {  	(erf) = vpow2.f32 v3  }
0x47b: {  	(erf) = vpow2.f32 v2;
	_ =	sdelay $0x5  }
0x47c: {  	s1 =	sadd.s32 s25, s26  }
0x47d: {  	s5 =	sadd.s32 $0x80, s1;
	v2 =	vpop (erf)  }
0x47e: {  	s1 =	sadd.s32 $0x70, s1;
	p1 =	slt.u32 s5, $0x27100;
	v2 =	vpsel !p2, $0x0, v2;
	v3 =	vpop (erf)  }
0x47f: {  	p5 =	slt.u32 s1, $0x27100;
	[tilespmem:s23+$0xFFFFFFF0] =	vst v2;
	s23 =	sadd.s32 $0x20, s23;
	v2 =	vpsel !p1, $0x0, v3;
	v3 =	vpop (erf)  }
0x480: {  	[tilespmem:s23+$0x0] =	vst v2;
	v2 =	vpsel !p5, $0x0, v3  }
0x481: {  	[tilespmem:s23+$0xFFFFFFF0] =	vst v2  }
0x482: {  	v2 =	vld [tilespmem:s21+$0x4FB0];
	_ =	sdelay $0x6  }
0x483: {  	s25 =	simm.s32 $0x0;
	v3 =	vld.idx.msk [tilespmem:v1+s8+$0x0], $0xffff  }
0x484: {  	v2 =	vld.idx.msk [tilespmem:v2+s25+$0x0], $0xffff;
	_ =	sdelay $0x4  }
0x485: {  	v2 =	vadd.f32 v2, v3;
	_ =	sdelay $0x1  }
0x486: {  	v3 =	vmul.f32 $2.000000030e-01, v2  }
0x487: {  	vm15 =	vge.f32 v2, $0.0e+00  }
0x488: {  	v2 =	vsel vm15, v2, v3  }
0x489: {  	v2 =	vmul.f32 $1.442695020e+00, v2;
	_ =	sdelay $0x1  }
0x48a: {  	(erf) = vpow2.f32 v2  }
0x48b: {  	v2 =	vmov s4  }
0x48c: {  	v2 =	vmul.u32 $0x70, v2;
	_ =	sdelay $0x1  }
0x48d: {  	v3 =	vmov s25;
	s4 =	simm.s32 $0x1;
	v2 =	vbroadcast v2, $0x0  }
0x48e: {  	v4 =	vand.u32 $0x78, v3;
	v3 =	vand.u32 $0x4, v3;
	v5 =	vmov s4  }
0x48f: {  	s5 =	simm.s32 $0x2;
	v7 =	vand.u32 $0x5, v5;
	v5 =	vand.u32 $0x78, v5;
	v4 =	vadd.s32 v2, v4  }
0x490: {  	v6 =	vmov s5;
	v5 =	vadd.s32 v2, v5;
	v3 =	vor.u32 v3, v4  }
0x491: {  	s7 =	simm.s32 $0x3;
	s11 =	sadd.s32 $0x60, s11;
	v4 =	vand.u32 $0x78, v6;
	v5 =	vor.u32 v7, v5  }
0x492: {  	p6 =	slt.u32 s11, $0x27100;
	v8 =	vand.u32 $0x6, v6;
	v6 =	vmov s7;
	v4 =	vadd.s32 v2, v4;
	v9 =	vpop (erf)  }
0x493: {  	v7 =	vand.u32 $0x78, v6;
	v4 =	vor.u32 v8, v4;
	v8 =	vpsel !p6, $0x0, v9  }
0x494: {  	v6 =	vand.u32 $0x7, v6;
	v7 =	vadd.s32 v2, v7;
	[tilespmem:s21+$0x77F0] =	vst v8  }
0x495: {  	v6 =	vor.u32 v6, v7;
	v7 =	vld.idx.msk [tilespmem:v3+s17+$0x0], $0xffff  }
0x496: {  	s25 =	simm.s32 $0xC290;
	v5 =	vld.idx.msk [tilespmem:v5+s17+$0x0], $0xffff  }
0x497: {  	v8 =	vld [tilespmem:s25+$0xFFFFFF60]  }
0x498: {  	v9 =	vld [tilespmem:s25+$0xFFFFFF70]  }
0x499: {  	v10 =	vld [tilespmem:s25+$0xFFFFFF80]  }
0x49a: {  	v12 =	vld [tilespmem:s25+$0xFFFFFFA0]  }
0x49b: {  	v3 =	vld.idx.msk [tilespmem:v6+s17+$0x0], $0xffff  }
0x49c: {  	v6 =	vld [tilespmem:s25+$0x90]  }
0x49d: {  	v11 =	vld [tilespmem:s25+$0xFFFFFF90]  }
0x49e: {  	v13 =	vld [tilespmem:s25+$0xFFFFFFB0];
	v8 =	vmul.f32 v8, v7  }
0x49f: {  	v14 =	vld [tilespmem:s25+$0xFFFFFFC0];
	v9 =	vmul.f32 v9, v7  }
0x4a0: {  	v4 =	vld.idx.msk [tilespmem:v4+s17+$0x0], $0xffff;
	v18 =	vmul.f32 v12, v7;
	[tilespmem:s25+$0xFFFFFF60] =	vst v8  }
0x4a1: {  	s19 =	simm.s32 $0x5;
	s23 =	simm.s32 $0x6;
	v6 =	vmul.f32 v6, v3;
	v8 =	vmul.f32 v10, v7;
	v10 =	vld [tilespmem:s25+$0xFFFFFFD0];
	[tilespmem:s25+$0xFFFFFF70] =	vst v9  }
0x4a2: {  	s15 =	simm.s32 $0x4;
	v16 =	vmov s19;
	v17 =	vmov s23;
	v9 =	vmul.f32 v11, v7;
	v11 =	vld [tilespmem:s25+$0xFFFFFFE0];
	[tilespmem:s25+$0xFFFFFFA0] =	vst v18  }
0x4a3: {  	v12 =	vand.u32 $0x5, v16;
	v19 =	vmul.f32 v13, v5;
	v7 =	vld [tilespmem:s25+$0xFFFFFFF0];
	[tilespmem:s25+$0x90] =	vst v6;
	v6 =	vmov s15  }
0x4a4: {  	v16 =	vand.u32 $0x78, v16;
	v13 =	vand.u32 $0x6, v17;
	[tilespmem:s25+$0xFFFFFF80] =	vst v8;
	v8 =	vld [tilespmem:s25+$0x0];
	v15 =	vand.u32 $0x78, v6  }
0x4a5: {  	v18 =	vmul.f32 v14, v5;
	[tilespmem:s25+$0xFFFFFF90] =	vst v9;
	v9 =	vld [tilespmem:s25+$0x10];
	v6 =	vand.u32 $0x4, v6;
	v15 =	vadd.s32 v2, v15  }
0x4a6: {  	[tilespmem:s25+$0xFFFFFFB0] =	vst v19;
	v6 =	vor.u32 v6, v15;
	v15 =	vand.u32 $0x78, v17;
	v14 =	vmul.f32 v10, v5;
	v10 =	vld [tilespmem:s25+$0x20]  }
0x4a7: {  	s11 =	simm.s32 $0xC290;
	s5 =	simm.s32 $0x7;
	s4 =	simm.s32 $0x8;
	[tilespmem:s25+$0xFFFFFFC0] =	vst v18;
	v17 =	vadd.s32 v2, v16;
	v16 =	vadd.s32 v2, v15;
	v15 =	vmul.f32 v11, v5;
	v11 =	vld [tilespmem:s25+$0x30]  }
.LBB2_10:
0x4a8: {  	p1 =	slt.u32 s4, $0x6C;
	v12 =	vor.u32 v12, v17;
	v17 =	vmov s5;
	[tilespmem:s25+$0xFFFFFFD0] =	vst v14;
	v5 =	vmul.f32 v7, v5;
	v7 =	vld [tilespmem:s25+$0x40]  }
0x4a9: {  	v13 =	vor.u32 v13, v16;
	v14 =	vand.u32 $0x78, v17;
	[tilespmem:s25+$0xFFFFFFE0] =	vst v15;
	v8 =	vmul.f32 v8, v4;
	v15 =	vld [tilespmem:s25+$0x50]  }
0x4aa: {  	v16 =	vand.u32 $0x7, v17;
	v14 =	vadd.s32 v2, v14;
	[tilespmem:s25+$0xFFFFFFF0] =	vst v5;
	v5 =	vmul.f32 v9, v4;
	v9 =	vld [tilespmem:s25+$0x60]  }
0x4ab: {  	v14 =	vor.u32 v16, v14;
	[tilespmem:s25+$0x0] =	vst v8;
	v8 =	vmul.f32 v10, v4;
	v10 =	vld [tilespmem:s25+$0x70]  }
0x4ac: {  	[tilespmem:s25+$0x10] =	vst v5;
	v11 =	vmul.f32 v11, v4;
	v16 =	vld [tilespmem:s25+$0x80]  }
0x4ad: {  	v6 =	vld.idx.msk [tilespmem:v6+s17+$0x0], $0xffff;
	[tilespmem:s25+$0x20] =	vst v8;
	v7 =	vmul.f32 v7, v4  }
0x4ae: {  	v5 =	vld.idx.msk [tilespmem:v12+s17+$0x0], $0xffff;
	[tilespmem:s25+$0x30] =	vst v11;
	v8 =	vmul.f32 v15, v3  }
0x4af: {  	v4 =	vld.idx.msk [tilespmem:v13+s17+$0x0], $0xffff;
	[tilespmem:s25+$0x40] =	vst v7;
	v7 =	vmul.f32 v9, v3  }
0x4b0: {  	s25 =	sadd.s32 $0x140, s25;
	v9 =	vld.idx.msk [tilespmem:v14+s17+$0x0], $0xffff;
	[tilespmem:s11+$0x50] =	vst v8;
	v8 =	vmul.f32 v10, v3  }
0x4b1: {  	v10 =	vld [tilespmem:s25+$0x90];
	[tilespmem:s11+$0x60] =	vst v7;
	v3 =	vmul.f32 v16, v3  }
0x4b2: {  	v7 =	vld [tilespmem:s25+$0xFFFFFF60];
	[tilespmem:s11+$0x70] =	vst v8  }
0x4b3: {  	v8 =	vld [tilespmem:s25+$0xFFFFFF70];
	[tilespmem:s11+$0x80] =	vst v3;
	s11 =	smov.u32 s25  }
0x4b4: {  	v11 =	vld [tilespmem:s25+$0xFFFFFF80]  }
0x4b5: {  	v12 =	vld [tilespmem:s25+$0xFFFFFF90]  }
0x4b6: {  	v3 =	vmov v9;
	v13 =	vld [tilespmem:s25+$0xFFFFFFA0];
	v10 =	vmul.f32 v10, v9  }
0x4b7: {  	v7 =	vmul.f32 v7, v6;
	v9 =	vld [tilespmem:s25+$0xFFFFFFB0]  }
0x4b8: {  	v8 =	vmul.f32 v8, v6;
	v14 =	vld [tilespmem:s25+$0xFFFFFFC0];
	[tilespmem:s25+$0x90] =	vst v10  }
0x4b9: {  	v10 =	vmov s4;
	[tilespmem:s25+$0xFFFFFF60] =	vst v7;
	v7 =	vmul.f32 v11, v6;
	v11 =	vld [tilespmem:s25+$0xFFFFFFD0]  }
0x4ba: {  	s1 =	sadd.s32 $0x1, s4;
	s5 =	sadd.s32 $0x2, s4;
	v15 =	vand.u32 $0x78, v10;
	v10 =	vand.u32 $0x4, v10;
	[tilespmem:s25+$0xFFFFFF70] =	vst v8;
	v8 =	vmul.f32 v12, v6;
	v18 =	vld [tilespmem:s25+$0xFFFFFFE0]  }
.Ltmp18:
0x4bb: {  	v17 =	vmov s5;
	v16 =	vmov s1;
	[tilespmem:s25+$0xFFFFFF80] =	vst v7;
	v6 =	vmul.f32 v13, v6;
	v7 =	vld [tilespmem:s25+$0xFFFFFFF0];
	(pc) =	sbr.rel @p1 .LBB2_10-.Ltmp18, $4  }
0x4bc: {  	v15 =	vadd.s32 v2, v15;
	v12 =	vand.u32 $0x5, v16;
	[tilespmem:s25+$0xFFFFFF90] =	vst v8;
	v19 =	vmul.f32 v9, v5;
	v8 =	vld [tilespmem:s25+$0x0]  }
0x4bd: {  	v16 =	vand.u32 $0x78, v16;
	v13 =	vand.u32 $0x6, v17;
	[tilespmem:s25+$0xFFFFFFA0] =	vst v6;
	v20 =	vmul.f32 v14, v5;
	v9 =	vld [tilespmem:s25+$0x10]  }
0x4be: {  	v6 =	vor.u32 v10, v15;
	v15 =	vand.u32 $0x78, v17;
	[tilespmem:s25+$0xFFFFFFB0] =	vst v19;
	v14 =	vmul.f32 v11, v5;
	v10 =	vld [tilespmem:s25+$0x20]  }
0x4bf: {  	s5 =	sadd.s32 $0x3, s4;
	s4 =	sadd.s32 $0x4, s4;
	v17 =	vadd.s32 v2, v16;
	v16 =	vadd.s32 v2, v15;
	[tilespmem:s25+$0xFFFFFFC0] =	vst v20;
	v15 =	vmul.f32 v18, v5;
	v11 =	vld [tilespmem:s25+$0x30]  }
0x4c0: {  	v19 =	vld [tilespmem:s25+$0x40]  }
0x4c1: {  	v20 =	vld [tilespmem:s25+$0x50]  }
0x4c2: {  	v18 =	vmov s5;
	v47 =	vld [tilespmem:s25+$0x60]  }
0x4c3: {  	v48 =	vld [tilespmem:s25+$0x70];
	v5 =	vmul.f32 v7, v5;
	v45 =	vand.u32 $0x78, v18  }
0x4c4: {  	[tilespmem:s25+$0xFFFFFFD0] =	vst v14;
	v7 =	vld [tilespmem:s25+$0x80];
	v46 =	vand.u32 $0x7, v18;
	v2 =	vadd.s32 v2, v45  }
0x4c5: {  	v6 =	vld.idx.msk [tilespmem:v6+s17+$0x0], $0xffff;
	s4 =	sadd.s32 $0x140, s25;
	[tilespmem:s25+$0xFFFFFFF0] =	vst v5;
	v5 =	vmul.f32 v9, v4;
	v2 =	vor.u32 v46, v2  }
0x4c6: {  	[tilespmem:s25+$0xFFFFFFE0] =	vst v15;
	v8 =	vmul.f32 v8, v4;
	v52 =	vld [tilespmem:s4+$0x90]  }
0x4c7: {  	v53 =	vld [tilespmem:s4+$0xFFFFFF60];
	[tilespmem:s25+$0x10] =	vst v5;
	v5 =	vmul.f32 v11, v4  }
0x4c8: {  	v54 =	vld [tilespmem:s4+$0xFFFFFF70];
	[tilespmem:s25+$0x0] =	vst v8;
	v50 =	vmul.f32 v10, v4;
	v4 =	vmul.f32 v19, v4  }
0x4c9: {  	v55 =	vld [tilespmem:s4+$0xFFFFFF80];
	[tilespmem:s25+$0x30] =	vst v5;
	v5 =	vmul.f32 v20, v3  }
0x4ca: {  	v12 =	vor.u32 v12, v17;
	[tilespmem:s25+$0x40] =	vst v4;
	v4 =	vmul.f32 v47, v3;
	v2 =	vld.idx.msk [tilespmem:v2+s17+$0x0], $0xffff  }
0x4cb: {  	v56 =	vld [tilespmem:s4+$0xFFFFFFB0];
	[tilespmem:s11+$0x50] =	vst v5;
	v5 =	vmul.f32 v48, v3  }
0x4cc: {  	v58 =	vld [tilespmem:s4+$0xFFFFFFC0];
	v3 =	vmul.f32 v7, v3;
	[tilespmem:s11+$0x60] =	vst v4  }
0x4cd: {  	v13 =	vor.u32 v13, v16;
	v4 =	vld [tilespmem:s4+$0xFFFFFF90];
	[tilespmem:s11+$0x70] =	vst v5  }
0x4ce: {  	v5 =	vld [tilespmem:s4+$0xFFFFFFA0];
	[tilespmem:s11+$0x80] =	vst v3;
	v3 =	vmul.f32 v53, v6  }
0x4cf: {  	v49 =	vld.idx.msk [tilespmem:v12+s17+$0x0], $0xffff;
	[tilespmem:s25+$0x20] =	vst v50;
	v7 =	vmul.f32 v52, v2  }
0x4d0: {  	v59 =	vld [tilespmem:s4+$0xFFFFFFE0];
	v57 =	vmul.f32 v54, v6;
	[tilespmem:s4+$0xFFFFFF60] =	vst v3  }
0x4d1: {  	v3 =	vmul.f32 v55, v6;
	[tilespmem:s4+$0x90] =	vst v7;
	v7 =	vld [tilespmem:s4+$0xFFFFFFD0]  }
0x4d2: {  	v51 =	vld.idx.msk [tilespmem:v13+s17+$0x0], $0xffff;
	[tilespmem:s4+$0xFFFFFF70] =	vst v57;
	v4 =	vmul.f32 v4, v6  }
0x4d3: {  	[tilespmem:s4+$0xFFFFFF80] =	vst v3;
	v3 =	vmul.f32 v5, v6;
	v5 =	vld [tilespmem:s4+$0xFFFFFFF0]  }
0x4d4: {  	v6 =	vld [tilespmem:s4+$0x0];
	[tilespmem:s4+$0xFFFFFF90] =	vst v4;
	v4 =	vmul.f32 v56, v49  }
0x4d5: {  	v60 =	vld [tilespmem:s4+$0x10];
	[tilespmem:s4+$0xFFFFFFA0] =	vst v3;
	v3 =	vmul.f32 v58, v49  }
0x4d6: {  	[tilespmem:s4+$0xFFFFFFB0] =	vst v4;
	v4 =	vmul.f32 v7, v49;
	v7 =	vld [tilespmem:s4+$0x20]  }
0x4d7: {  	v61 =	vld [tilespmem:s4+$0x30];
	[tilespmem:s4+$0xFFFFFFC0] =	vst v3;
	v3 =	vmul.f32 v59, v49  }
0x4d8: {  	[tilespmem:s4+$0xFFFFFFD0] =	vst v4;
	v4 =	vmul.f32 v5, v49;
	v5 =	vld [tilespmem:s4+$0x40]  }
0x4d9: {  	[tilespmem:s4+$0xFFFFFFE0] =	vst v3;
	v3 =	vmul.f32 v6, v51;
	v6 =	vld [tilespmem:s4+$0x50]  }
0x4da: {  	v62 =	vld [tilespmem:s4+$0x60];
	[tilespmem:s4+$0xFFFFFFF0] =	vst v4;
	v4 =	vmul.f32 v60, v51  }
0x4db: {  	[tilespmem:s4+$0x0] =	vst v3;
	v3 =	vmul.f32 v7, v51;
	v7 =	vld [tilespmem:s4+$0x70]  }
0x4dc: {  	v63 =	vld [tilespmem:s4+$0x80];
	[tilespmem:s4+$0x10] =	vst v4;
	v4 =	vmul.f32 v61, v51  }
0x4dd: {  	[tilespmem:s4+$0x20] =	vst v3;
	v3 =	vmul.f32 v5, v51  }
0x4de: {  	[tilespmem:s4+$0x30] =	vst v4;
	v4 =	vmul.f32 v6, v2  }
0x4df: {  	[tilespmem:s4+$0x40] =	vst v3;
	v3 =	vmul.f32 v62, v2  }
0x4e0: {  	[tilespmem:s4+$0x50] =	vst v4;
	v4 =	vmul.f32 v7, v2  }
0x4e1: {  	v2 =	vmul.f32 v63, v2;
	[tilespmem:s4+$0x60] =	vst v3  }
0x4e2: {  	s1 =	sadd.s32 $0x4F50, s21;
	[tilespmem:s4+$0x70] =	vst v4  }
0x4e3: {  	s5 =	simm.s32 $0x4;
	s25 =	rddreg [dreg:$0x2];
	[tilespmem:s4+$0x80] =	vst v2;
	s4 =	smul.u32 $0x540, s10  }
0x4e4: {  	[spmem:s25] =	stream.indirect.scatter.add.f32 [tilespmem:s8], [sflag:$0x5], $0x50, s1, s0, $0xb8;
	[tilespmem:$0x1CD70] =	vst v63  }
0x4e5: {  	_ =	swait.ge [sflag:s5], $0x2300  }
0x4e6: {  	s11 =	simm.s32 $0x10;
	s21 =	sshra.s32 s4, $0x2;
	[sflag:s5] =	ssyncset.done $0x0  }
0x4e7: {  	s1 =	sadd.s32 $0x2860, s21;
	s7 =	rddreg [dreg:$0x5];
	[sflag:s5] =	ssyncadd.s32 $0xFFFFDD00  }
0x4e8: {  	[tilespmem:s2], [sflag:$0x1] =	stream.indirect.gather [hbm4b:s7+s0], $0x50, s1, s0, $0xb8;
	[tilespmem:$0x1CD70] =	vst v63  }
0x4e9: {  	v2 =	vmov s11;
	_ =	swait.ge [sflag:s31], $0x2300  }
0x4ea: {  	v2 =	vmul.u32 $0x50, v2;
	[sflag:s31] =	ssyncset.done $0x0  }
0x4eb: {  	[sflag:s31] =	ssyncadd.s32 $0xFFFFDD00  }
0x4ec: {  	v2 =	vbroadcast v2, $0x0;
	v3 =	vld [tilespmem:s24+$0x0];
	_ =	sdelay $0x1  }
0x4ed: {  	v2 =	vadd.s32 v0, v2;
	_ =	sdelay $0x3  }
0x4ee: {  	s15 =	simm.s32 $0x0  }
0x4ef: {  	v4 =	vmov s15;
	v2 =	vld.idx.msk [tilespmem:v2+s9+$0x0], $0xffff  }
0x4f0: {  	v4 =	vmul.u32 $0x50, v4;
	v3 =	vld.idx.msk [tilespmem:v3+s3+$0x0], $0xffff;
	_ =	sdelay $0x1  }
0x4f1: {  	v4 =	vbroadcast v4, $0x0;
	v5 =	vld [tilespmem:s24+$0xFFFFFFF0];
	_ =	sdelay $0x1  }
0x4f2: {  	v4 =	vadd.s32 v0, v4  }
0x4f3: {  	v2 =	vadd.f32 v3, v2;
	_ =	sdelay $0x1  }
0x4f4: {  	s5 =	sadd.s32 $0x20, s24;
	v3 =	vmul.f32 $2.000000030e-01, v2  }
0x4f5: {  	v7 =	vld [tilespmem:s5+$0x0];
	vm0 =	vge.f32 v2, $0.0e+00  }
0x4f6: {  	v2 =	vsel vm0, v2, v3;
	v3 =	vld.idx.msk [tilespmem:v4+s9+$0x0], $0xffff  }
0x4f7: {  	v4 =	vld.idx.msk [tilespmem:v5+s3+$0x0], $0xffff  }
0x4f8: {  	v2 =	vmul.f32 $1.442695020e+00, v2  }
0x4f9: {  	s19 =	simm.s32 $0x30  }
0x4fa: {  	v6 =	vmov s19;
	(erf) = vpow2.f32 v2  }
0x4fb: {  	v6 =	vmul.u32 $0x50, v6  }
0x4fc: {  	s4 =	simm.s32 $0x20;
	v3 =	vadd.f32 v4, v3  }
0x4fd: {  	v5 =	vbroadcast v6, $0x0;
	v6 =	vmov s4  }
0x4fe: {  	v2 =	vmul.u32 $0x50, v6;
	v4 =	vld.idx.msk [tilespmem:v7+s3+$0x0], $0xffff;
	v7 =	vmul.f32 $2.000000030e-01, v3  }
0x4ff: {  	vm15 =	vge.f32 v3, $0.0e+00  }
0x500: {  	v5 =	vadd.s32 v0, v5;
	v6 =	vld [tilespmem:s5+$0xFFFFFFF0];
	v2 =	vbroadcast v2, $0x0;
	v3 =	vsel vm15, v3, v7  }
0x501: {  	v3 =	vmul.f32 $1.442695020e+00, v3  }
0x502: {  	v2 =	vadd.s32 v0, v2  }
0x503: {  	v7 =	vpop (erf);
	(erf) = vpow2.f32 v3;
	_ =	sdelay $0x1  }
0x504: {  	v5 =	vld.idx.msk [tilespmem:v5+s9+$0x0], $0xffff  }
0x505: {  	s23 =	sadd.s32 $0x0, s26  }
0x506: {  	s7 =	sadd.s32 $0xF0, s23;
	v2 =	vld.idx.msk [tilespmem:v2+s9+$0x0], $0xffff  }
0x507: {  	s15 =	simm.s32 $0x40;
	p1 =	slt.u32 s7, $0x27100;
	s25 =	rddreg [dreg:$0xf];
	v3 =	vld.idx.msk [tilespmem:v6+s3+$0x0], $0xffff  }
0x508: {  	s1 =	sadd.s32 $0xE0, s23;
	s23 =	smov.u32 s12;
	s11 =	sadd.s32 s25, s22;
	v7 =	vpsel !p1, $0x0, v7  }
0x509: {  	s7 =	simm.s32 $0x2;
	p2 =	slt.u32 s1, $0x27100;
	s11 =	smul.u32 $0x70, s11;
	v4 =	vadd.f32 v4, v5;
	[tilespmem:s12+$0x0] =	vst v7  }
.LBB2_12:
0x50a: {  	v5 =	vmov s15;
	s1 =	sadd.s32 $0x10, s15;
	s7 =	sadd.s32 $0x2, s7  }
0x50b: {  	s5 =	sadd.s32 $0x20, s5;
	v5 =	vmul.u32 $0x50, v5;
	v6 =	vmov s1;
	p1 =	slt.u32 s7, $0x4;
	v7 =	vmul.f32 $2.000000030e-01, v4;
	v8 =	vpop (erf)  }
0x50c: {  	v2 =	vadd.f32 v3, v2;
	vm0 =	vge.f32 v4, $0.0e+00;
	v6 =	vmul.u32 $0x50, v6;
	v9 =	vld [tilespmem:s5+$0x0]  }
0x50d: {  	v3 =	vbroadcast v5, $0x0;
	v5 =	vld [tilespmem:s5+$0xFFFFFFF0];
	v4 =	vsel vm0, v4, v7;
	v7 =	vpsel !p2, $0x0, v8  }
0x50e: {  	vm0 =	vge.f32 v2, $0.0e+00;
	v6 =	vbroadcast v6, $0x0;
	v4 =	vmul.f32 $1.442695020e+00, v4;
	[tilespmem:s23+$0xFFFFFFF0] =	vst v7  }
0x50f: {  	v7 =	vmul.f32 $2.000000030e-01, v2;
	v3 =	vadd.s32 v0, v3  }
0x510: {  	v6 =	vadd.s32 v0, v6;
	(erf) = vpow2.f32 v4  }
0x511: {  	v2 =	vsel vm0, v2, v7  }
0x512: {  	v2 =	vmul.f32 $1.442695020e+00, v2;
	_ =	sdelay $0x1  }
0x513: {  	v4 =	vld.idx.msk [tilespmem:v9+s3+$0x0], $0xffff;
	(erf) = vpow2.f32 v2  }
0x514: {  	v6 =	vld.idx.msk [tilespmem:v6+s9+$0x0], $0xffff  }
0x515: {  	v2 =	vld.idx.msk [tilespmem:v3+s9+$0x0], $0xffff  }
.Ltmp19:
0x516: {  	s1 =	sadd.s32 s4, s26;
	s4 =	smov.u32 s15;
	v3 =	vld.idx.msk [tilespmem:v5+s3+$0x0], $0xffff;
	(pc) =	sbr.rel @p1 .LBB2_12-.Ltmp19, $4  }
0x517: {  	s19 =	sadd.s32 $0xE0, s1;
	s1 =	sadd.s32 $0xF0, s1  }
0x518: {  	p2 =	slt.u32 s19, $0x27100;
	p3 =	slt.u32 s1, $0x27100;
	v5 =	vpop (erf)  }
0x519: {  	s23 =	sadd.s32 $0x20, s23;
	v5 =	vpsel !p3, $0x0, v5  }
0x51a: {  	s15 =	sadd.s32 $0x20, s15;
	v4 =	vadd.f32 v4, v6;
	[tilespmem:s23+$0x0] =	vst v5  }
0x51b: {  	v2 =	vadd.f32 v3, v2  }
0x51c: {  	v3 =	vmul.f32 $2.000000030e-01, v4  }
0x51d: {  	vm0 =	vge.f32 v4, $0.0e+00;
	v5 =	vmul.f32 $2.000000030e-01, v2  }
0x51e: {  	vm14 =	vge.f32 v2, $0.0e+00;
	v3 =	vsel vm0, v4, v3  }
0x51f: {  	v3 =	vmul.f32 $1.442695020e+00, v3;
	v2 =	vsel vm14, v2, v5  }
0x520: {  	v2 =	vmul.f32 $1.442695020e+00, v2  }
0x521: {  	(erf) = vpow2.f32 v3  }
0x522: {  	(erf) = vpow2.f32 v2;
	_ =	sdelay $0x5  }
0x523: {  	s1 =	sadd.s32 s4, s26  }
0x524: {  	s4 =	sadd.s32 $0xF0, s1;
	v2 =	vpop (erf)  }
0x525: {  	s1 =	sadd.s32 $0xE0, s1;
	p1 =	slt.u32 s4, $0x27100;
	v2 =	vpsel !p2, $0x0, v2;
	v3 =	vpop (erf)  }
0x526: {  	p5 =	slt.u32 s1, $0x27100;
	[tilespmem:s23+$0xFFFFFFF0] =	vst v2;
	s23 =	sadd.s32 $0x20, s23;
	v2 =	vpsel !p1, $0x0, v3;
	v3 =	vpop (erf)  }
0x527: {  	[tilespmem:s23+$0x0] =	vst v2;
	v2 =	vpsel !p5, $0x0, v3  }
0x528: {  	[tilespmem:s23+$0xFFFFFFF0] =	vst v2  }
0x529: {  	v2 =	vld [tilespmem:s14+$0x4FB0];
	_ =	sdelay $0x6  }
0x52a: {  	s25 =	simm.s32 $0x0;
	v3 =	vld.idx.msk [tilespmem:v1+s9+$0x0], $0xffff  }
0x52b: {  	v2 =	vld.idx.msk [tilespmem:v2+s25+$0x0], $0xffff;
	_ =	sdelay $0x4  }
0x52c: {  	v2 =	vadd.f32 v2, v3;
	_ =	sdelay $0x1  }
0x52d: {  	v3 =	vmul.f32 $2.000000030e-01, v2  }
0x52e: {  	vm15 =	vge.f32 v2, $0.0e+00  }
0x52f: {  	v2 =	vsel vm15, v2, v3  }
0x530: {  	v2 =	vmul.f32 $1.442695020e+00, v2;
	_ =	sdelay $0x1  }
0x531: {  	(erf) = vpow2.f32 v2  }
0x532: {  	v2 =	vmov s22  }
0x533: {  	v2 =	vmul.u32 $0x70, v2  }
0x534: {  	s4 =	simm.s32 $0x1  }
0x535: {  	v5 =	vmov s4;
	v3 =	vmov s25;
	v2 =	vbroadcast v2, $0x0  }
0x536: {  	v7 =	vand.u32 $0x5, v5;
	v4 =	vand.u32 $0x78, v3  }
0x537: {  	s5 =	simm.s32 $0x2;
	v5 =	vand.u32 $0x78, v5;
	v3 =	vand.u32 $0x4, v3;
	v4 =	vadd.s32 v2, v4  }
0x538: {  	v6 =	vmov s5;
	v5 =	vadd.s32 v2, v5;
	v3 =	vor.u32 v3, v4  }
0x539: {  	s7 =	simm.s32 $0x3;
	s15 =	sadd.s32 $0x60, s11;
	v4 =	vand.u32 $0x78, v6;
	v5 =	vor.u32 v7, v5  }
0x53a: {  	p6 =	slt.u32 s15, $0x27100;
	v8 =	vand.u32 $0x6, v6;
	v6 =	vmov s7;
	v4 =	vadd.s32 v2, v4;
	v9 =	vpop (erf)  }
0x53b: {  	v7 =	vand.u32 $0x78, v6;
	v4 =	vor.u32 v8, v4;
	v8 =	vpsel !p6, $0x0, v9  }
0x53c: {  	v6 =	vand.u32 $0x7, v6;
	v7 =	vadd.s32 v2, v7;
	[tilespmem:s14+$0x77F0] =	vst v8  }
0x53d: {  	v6 =	vor.u32 v6, v7;
	v7 =	vld.idx.msk [tilespmem:v3+s17+$0x0], $0xffff  }
0x53e: {  	s22 =	simm.s32 $0xE590;
	v5 =	vld.idx.msk [tilespmem:v5+s17+$0x0], $0xffff  }
0x53f: {  	v8 =	vld [tilespmem:s22+$0xFFFFFF60]  }
0x540: {  	v9 =	vld [tilespmem:s22+$0xFFFFFF70]  }
0x541: {  	v10 =	vld [tilespmem:s22+$0xFFFFFF80]  }
0x542: {  	v12 =	vld [tilespmem:s22+$0xFFFFFFA0]  }
0x543: {  	v3 =	vld.idx.msk [tilespmem:v6+s17+$0x0], $0xffff  }
0x544: {  	v6 =	vld [tilespmem:s22+$0x90]  }
0x545: {  	v11 =	vld [tilespmem:s22+$0xFFFFFF90]  }
0x546: {  	v13 =	vld [tilespmem:s22+$0xFFFFFFB0];
	v8 =	vmul.f32 v8, v7  }
0x547: {  	v14 =	vld [tilespmem:s22+$0xFFFFFFC0];
	v9 =	vmul.f32 v9, v7  }
0x548: {  	v4 =	vld.idx.msk [tilespmem:v4+s17+$0x0], $0xffff;
	v18 =	vmul.f32 v12, v7;
	[tilespmem:s22+$0xFFFFFF60] =	vst v8  }
0x549: {  	s23 =	simm.s32 $0x5;
	s25 =	simm.s32 $0x6;
	v6 =	vmul.f32 v6, v3;
	v8 =	vmul.f32 v10, v7;
	v10 =	vld [tilespmem:s22+$0xFFFFFFD0];
	[tilespmem:s22+$0xFFFFFF70] =	vst v9  }
0x54a: {  	s19 =	simm.s32 $0x4;
	v16 =	vmov s23;
	v17 =	vmov s25;
	v9 =	vmul.f32 v11, v7;
	v11 =	vld [tilespmem:s22+$0xFFFFFFE0];
	[tilespmem:s22+$0xFFFFFFA0] =	vst v18  }
0x54b: {  	v12 =	vand.u32 $0x5, v16;
	v19 =	vmul.f32 v13, v5;
	v7 =	vld [tilespmem:s22+$0xFFFFFFF0];
	[tilespmem:s22+$0x90] =	vst v6;
	v6 =	vmov s19  }
0x54c: {  	v16 =	vand.u32 $0x78, v16;
	v13 =	vand.u32 $0x6, v17;
	[tilespmem:s22+$0xFFFFFF80] =	vst v8;
	v8 =	vld [tilespmem:s22+$0x0];
	v15 =	vand.u32 $0x78, v6  }
0x54d: {  	v18 =	vmul.f32 v14, v5;
	[tilespmem:s22+$0xFFFFFF90] =	vst v9;
	v9 =	vld [tilespmem:s22+$0x10];
	v6 =	vand.u32 $0x4, v6;
	v15 =	vadd.s32 v2, v15  }
0x54e: {  	[tilespmem:s22+$0xFFFFFFB0] =	vst v19;
	v6 =	vor.u32 v6, v15;
	v15 =	vand.u32 $0x78, v17;
	v14 =	vmul.f32 v10, v5;
	v10 =	vld [tilespmem:s22+$0x20]  }
0x54f: {  	s11 =	simm.s32 $0xE590;
	s5 =	simm.s32 $0x7;
	s4 =	simm.s32 $0x8;
	[tilespmem:s22+$0xFFFFFFC0] =	vst v18;
	v17 =	vadd.s32 v2, v16;
	v16 =	vadd.s32 v2, v15;
	v15 =	vmul.f32 v11, v5;
	v11 =	vld [tilespmem:s22+$0x30]  }
.LBB2_14:
0x550: {  	p1 =	slt.u32 s4, $0x6C;
	v12 =	vor.u32 v12, v17;
	v17 =	vmov s5;
	[tilespmem:s22+$0xFFFFFFD0] =	vst v14;
	v5 =	vmul.f32 v7, v5;
	v7 =	vld [tilespmem:s22+$0x40]  }
0x551: {  	v13 =	vor.u32 v13, v16;
	v14 =	vand.u32 $0x78, v17;
	[tilespmem:s22+$0xFFFFFFE0] =	vst v15;
	v8 =	vmul.f32 v8, v4;
	v15 =	vld [tilespmem:s22+$0x50]  }
0x552: {  	v16 =	vand.u32 $0x7, v17;
	v14 =	vadd.s32 v2, v14;
	[tilespmem:s22+$0xFFFFFFF0] =	vst v5;
	v5 =	vmul.f32 v9, v4;
	v9 =	vld [tilespmem:s22+$0x60]  }
0x553: {  	v14 =	vor.u32 v16, v14;
	[tilespmem:s22+$0x0] =	vst v8;
	v8 =	vmul.f32 v10, v4;
	v10 =	vld [tilespmem:s22+$0x70]  }
0x554: {  	[tilespmem:s22+$0x10] =	vst v5;
	v11 =	vmul.f32 v11, v4;
	v16 =	vld [tilespmem:s22+$0x80]  }
0x555: {  	v6 =	vld.idx.msk [tilespmem:v6+s17+$0x0], $0xffff;
	[tilespmem:s22+$0x20] =	vst v8;
	v7 =	vmul.f32 v7, v4  }
0x556: {  	v5 =	vld.idx.msk [tilespmem:v12+s17+$0x0], $0xffff;
	[tilespmem:s22+$0x30] =	vst v11;
	v8 =	vmul.f32 v15, v3  }
0x557: {  	v4 =	vld.idx.msk [tilespmem:v13+s17+$0x0], $0xffff;
	[tilespmem:s22+$0x40] =	vst v7;
	v7 =	vmul.f32 v9, v3  }
0x558: {  	s22 =	sadd.s32 $0x140, s22;
	v9 =	vld.idx.msk [tilespmem:v14+s17+$0x0], $0xffff;
	[tilespmem:s11+$0x50] =	vst v8;
	v8 =	vmul.f32 v10, v3  }
0x559: {  	v10 =	vld [tilespmem:s22+$0x90];
	[tilespmem:s11+$0x60] =	vst v7;
	v3 =	vmul.f32 v16, v3  }
0x55a: {  	v7 =	vld [tilespmem:s22+$0xFFFFFF60];
	[tilespmem:s11+$0x70] =	vst v8  }
0x55b: {  	v8 =	vld [tilespmem:s22+$0xFFFFFF70];
	[tilespmem:s11+$0x80] =	vst v3;
	s11 =	smov.u32 s22  }
0x55c: {  	v11 =	vld [tilespmem:s22+$0xFFFFFF80]  }
0x55d: {  	v12 =	vld [tilespmem:s22+$0xFFFFFF90]  }
0x55e: {  	v3 =	vmov v9;
	v13 =	vld [tilespmem:s22+$0xFFFFFFA0];
	v10 =	vmul.f32 v10, v9  }
0x55f: {  	v7 =	vmul.f32 v7, v6;
	v9 =	vld [tilespmem:s22+$0xFFFFFFB0]  }
0x560: {  	v8 =	vmul.f32 v8, v6;
	v14 =	vld [tilespmem:s22+$0xFFFFFFC0];
	[tilespmem:s22+$0x90] =	vst v10  }
0x561: {  	v10 =	vmov s4;
	[tilespmem:s22+$0xFFFFFF60] =	vst v7;
	v7 =	vmul.f32 v11, v6;
	v11 =	vld [tilespmem:s22+$0xFFFFFFD0]  }
0x562: {  	s1 =	sadd.s32 $0x1, s4;
	s5 =	sadd.s32 $0x2, s4;
	v15 =	vand.u32 $0x78, v10;
	v10 =	vand.u32 $0x4, v10;
	[tilespmem:s22+$0xFFFFFF70] =	vst v8;
	v8 =	vmul.f32 v12, v6;
	v18 =	vld [tilespmem:s22+$0xFFFFFFE0]  }
.Ltmp20:
0x563: {  	v17 =	vmov s5;
	v16 =	vmov s1;
	[tilespmem:s22+$0xFFFFFF80] =	vst v7;
	v6 =	vmul.f32 v13, v6;
	v7 =	vld [tilespmem:s22+$0xFFFFFFF0];
	(pc) =	sbr.rel @p1 .LBB2_14-.Ltmp20, $4  }
0x564: {  	v15 =	vadd.s32 v2, v15;
	v12 =	vand.u32 $0x5, v16;
	[tilespmem:s22+$0xFFFFFF90] =	vst v8;
	v19 =	vmul.f32 v9, v5;
	v8 =	vld [tilespmem:s22+$0x0]  }
0x565: {  	v16 =	vand.u32 $0x78, v16;
	v13 =	vand.u32 $0x6, v17;
	[tilespmem:s22+$0xFFFFFFA0] =	vst v6;
	v20 =	vmul.f32 v14, v5;
	v9 =	vld [tilespmem:s22+$0x10]  }
0x566: {  	v6 =	vor.u32 v10, v15;
	v15 =	vand.u32 $0x78, v17;
	[tilespmem:s22+$0xFFFFFFB0] =	vst v19;
	v14 =	vmul.f32 v11, v5;
	v10 =	vld [tilespmem:s22+$0x20]  }
0x567: {  	s5 =	sadd.s32 $0x3, s4;
	s4 =	sadd.s32 $0x4, s4;
	v17 =	vadd.s32 v2, v16;
	v16 =	vadd.s32 v2, v15;
	[tilespmem:s22+$0xFFFFFFC0] =	vst v20;
	v15 =	vmul.f32 v18, v5;
	v11 =	vld [tilespmem:s22+$0x30]  }
0x568: {  	v19 =	vld [tilespmem:s22+$0x40]  }
0x569: {  	v20 =	vld [tilespmem:s22+$0x50]  }
0x56a: {  	v23 =	vld [tilespmem:s22+$0x60]  }
0x56b: {  	v24 =	vld [tilespmem:s22+$0x70]  }
0x56c: {  	[tilespmem:s22+$0xFFFFFFD0] =	vst v14;
	v5 =	vmul.f32 v7, v5;
	v25 =	vld [tilespmem:s22+$0x80]  }
0x56d: {  	v6 =	vld.idx.msk [tilespmem:v6+s17+$0x0], $0xffff;
	s4 =	sadd.s32 $0x140, s22;
	[tilespmem:s22+$0xFFFFFFE0] =	vst v15;
	v8 =	vmul.f32 v8, v4  }
0x56e: {  	v32 =	vld [tilespmem:s4+$0x90];
	[tilespmem:s22+$0xFFFFFFF0] =	vst v5;
	v26 =	vmul.f32 v9, v4  }
0x56f: {  	v34 =	vld [tilespmem:s4+$0xFFFFFF60];
	[tilespmem:s22+$0x0] =	vst v8;
	v28 =	vmul.f32 v10, v4  }
0x570: {  	v12 =	vor.u32 v12, v17;
	v36 =	vld [tilespmem:s4+$0xFFFFFF70];
	[tilespmem:s22+$0x10] =	vst v26;
	v30 =	vmul.f32 v11, v4  }
0x571: {  	v38 =	vld [tilespmem:s4+$0xFFFFFF80];
	[tilespmem:s22+$0x20] =	vst v28;
	v31 =	vmul.f32 v19, v4  }
0x572: {  	v39 =	vld [tilespmem:s4+$0xFFFFFF90];
	v33 =	vmul.f32 v20, v3;
	[tilespmem:s22+$0x30] =	vst v30  }
0x573: {  	v40 =	vld [tilespmem:s4+$0xFFFFFFA0];
	v35 =	vmul.f32 v23, v3;
	[tilespmem:s22+$0x40] =	vst v31  }
0x574: {  	v42 =	vld [tilespmem:s4+$0xFFFFFFB0];
	v37 =	vmul.f32 v24, v3;
	[tilespmem:s11+$0x50] =	vst v33  }
0x575: {  	v13 =	vor.u32 v13, v16;
	v27 =	vld.idx.msk [tilespmem:v12+s17+$0x0], $0xffff;
	v3 =	vmul.f32 v25, v3;
	[tilespmem:s11+$0x60] =	vst v35  }
0x576: {  	v18 =	vmov s5;
	v45 =	vld [tilespmem:s4+$0xFFFFFFD0];
	v43 =	vmul.f32 v36, v6;
	[tilespmem:s11+$0x70] =	vst v37  }
0x577: {  	v63 =	vand.u32 $0x78, v18;
	v44 =	vld [tilespmem:s4+$0xFFFFFFC0];
	[tilespmem:s11+$0x80] =	vst v3;
	v3 =	vmul.f32 v34, v6  }
0x578: {  	v22 =	vand.u32 $0x7, v18;
	v47 =	vld [tilespmem:s4+$0xFFFFFFF0];
	v2 =	vadd.s32 v2, v63;
	v4 =	vmul.f32 v39, v6;
	[tilespmem:s4+$0xFFFFFF70] =	vst v43  }
0x579: {  	v50 =	vld [tilespmem:s4+$0x10];
	v2 =	vor.u32 v22, v2;
	[tilespmem:s4+$0xFFFFFF60] =	vst v3;
	v3 =	vmul.f32 v38, v6  }
0x57a: {  	v29 =	vld.idx.msk [tilespmem:v13+s17+$0x0], $0xffff;
	[tilespmem:s4+$0xFFFFFF90] =	vst v4;
	v48 =	vmul.f32 v42, v27  }
0x57b: {  	v46 =	vld [tilespmem:s4+$0xFFFFFFE0];
	v51 =	vmul.f32 v45, v27;
	[tilespmem:s4+$0xFFFFFF80] =	vst v3  }
0x57c: {  	v53 =	vld [tilespmem:s4+$0x30];
	v3 =	vmul.f32 v40, v6;
	[tilespmem:s4+$0xFFFFFFB0] =	vst v48  }
0x57d: {  	v49 =	vld [tilespmem:s4+$0x0];
	v54 =	vmul.f32 v47, v27;
	[tilespmem:s4+$0xFFFFFFD0] =	vst v51  }
0x57e: {  	v2 =	vld.idx.msk [tilespmem:v2+s17+$0x0], $0xffff;
	[tilespmem:s4+$0xFFFFFFA0] =	vst v3;
	v3 =	vmul.f32 v44, v27  }
0x57f: {  	v52 =	vld [tilespmem:s4+$0x20];
	v57 =	vmul.f32 v50, v29;
	[tilespmem:s4+$0xFFFFFFF0] =	vst v54  }
0x580: {  	v56 =	vld [tilespmem:s4+$0x50];
	[tilespmem:s4+$0xFFFFFFC0] =	vst v3;
	v3 =	vmul.f32 v46, v27  }
0x581: {  	v55 =	vld [tilespmem:s4+$0x40];
	v60 =	vmul.f32 v53, v29;
	[tilespmem:s4+$0x10] =	vst v57  }
0x582: {  	v59 =	vld [tilespmem:s4+$0x70];
	[tilespmem:s4+$0xFFFFFFE0] =	vst v3;
	v3 =	vmul.f32 v49, v29  }
0x583: {  	v58 =	vld [tilespmem:s4+$0x60];
	[tilespmem:s4+$0x30] =	vst v60;
	v41 =	vmul.f32 v32, v2  }
0x584: {  	v61 =	vld [tilespmem:s4+$0x80];
	[tilespmem:s4+$0x0] =	vst v3;
	v3 =	vmul.f32 v52, v29  }
0x585: {  	v62 =	vmul.f32 v56, v2;
	[tilespmem:s4+$0x90] =	vst v41  }
0x586: {  	[tilespmem:s4+$0x20] =	vst v3;
	v3 =	vmul.f32 v55, v29  }
0x587: {  	v63 =	vmul.f32 v59, v2;
	[tilespmem:s4+$0x50] =	vst v62  }
0x588: {  	[tilespmem:s4+$0x40] =	vst v3;
	v3 =	vmul.f32 v58, v2  }
0x589: {  	[tilespmem:s4+$0x70] =	vst v63;
	v2 =	vmul.f32 v61, v2  }
0x58a: {  	s1 =	sadd.s32 $0x4F50, s14;
	s10 =	sadd.s32 $0x1, s10;
	[tilespmem:s4+$0x60] =	vst v3  }
0x58b: {  	s19 =	rddreg [dreg:$0x2];
	s23 =	sadd.s32 $0x28D0, s21;
	p1 =	sne.s32 s10, $0x1E;
	[tilespmem:s4+$0x80] =	vst v2  }
0x58c: {  	[spmem:s19] =	stream.indirect.scatter.add.f32 [tilespmem:s9], [sflag:$0x6], $0x50, s1, s0, $0xb8;
	[tilespmem:$0x1CD70] =	vst v63  }
.Ltmp21:
0x58d: {  	s26 =	sadd.s32 $0x150, s26;
	s28 =	sadd.s32 $0x150, s28;
	(pc) =	sbr.rel @p1 .LBB2_3-.Ltmp21, $4  }
0x58e: {  	s16 =	sadd.s32 $0x150, s16;
	s13 =	sadd.s32 $0x150, s13;
	_ =	swait.ge [sflag:s20], $0x2300  }
0x58f: {  	s6 =	sadd.s32 $0x150, s6;
	s24 =	sadd.s32 $0x150, s24;
	[sflag:s20] =	ssyncset.done $0x0  }
0x590: {  	s12 =	sadd.s32 $0x150, s12;
	s25 =	rddreg [dreg:$0x5];
	[sflag:s20] =	ssyncadd.s32 $0xFFFFDD00  }
0x591: {  	[tilespmem:s8], [sflag:$0x2] =	stream.indirect.gather [hbm4b:s25+s0], $0x50, s23, s0, $0xb8;
	[tilespmem:$0x1CD70] =	vst v63  }
0x592: {  	_ =	swait.ge [sflag:s29], $0x2300  }
0x593: {  	[sflag:s29] =	ssyncset.done $0x0  }
0x594: {  	[sflag:s29] =	ssyncadd.s32 $0xFFFFDD00  }
0x595: {  	_ =	swait.ge [sflag:s30], $0x2300  }
0x596: {  	[sflag:s30] =	ssyncset.done $0x0  }
0x597: {  	[sflag:s30] =	ssyncadd.s32 $0xFFFFDD00  }
0x598: {  	_ =	swait.ge [sflag:s18], $0x2300  }
0x599: {  	[sflag:s18] =	ssyncset.done $0x0  }
0x59a: {  	s25 =	simm.s32 $0x2710;
	s15 =	rddreg [dreg:$0x4];
	[sflag:s18] =	ssyncadd.s32 $0xFFFFDD00  }
0x59b: {  	[tilespmem:s2], [sflag:$0x1] =	stream.indirect.gather [hbm4b:s15+s0], $0x50, s25, s0, $0xb8;
	[tilespmem:$0x1CD70] =	vst v63  }
0x59c: {  	s26 =	simm.s32 $0x2780  }
0x59d: {  	[tilespmem:s8], [sflag:$0x2] =	stream.indirect.gather [hbm4b:s15+s0], $0x50, s26, s0, $0xb8;
	[tilespmem:$0x1CD70] =	vst v63  }
0x59e: {  	s10 =	simm.s32 $0x0;
	s6 =	simm.s32 $0x7;
	s24 =	rddreg [dreg:$0xa]  }
0x59f: {  	[tilespmem:s9], [sflag:$0x7] =	stream.linear.gather [hbm4b:s24+s10], $0x2300, $0x38;
	[tilespmem:$0x1CD70] =	vst v63  }
0x5a0: {  	_ =	swait.ge [sflag:s6], $0x2300  }
0x5a1: {  	[sflag:s6] =	ssyncset.done $0x0  }
0x5a2: {  	s28 =	simm.s32 $0x76B0;
	[sflag:s6] =	ssyncadd.s32 $0xFFFFDD00  }
0x5a3: {  	[spmem:s19] =	stream.indirect.scatter.add.f32 [tilespmem:s9], [sflag:$0x6], $0x50, s28, s0, $0xb8;
	[tilespmem:$0x1CD70] =	vst v63  }
0x5a4: {  	[bflag:$0x0] =	sbarrier.arrive $0xFFFF  }
0x5a5: {  	s7 =	rddreg [dreg:$0xe]  }
0x5a6: {  	s1 =	rddreg [dreg:$0x12]  }
0x5a7: {  	s4 =	rddreg [dreg:$0x1a]  }
0x5a8: {  	[hbm:s1], [sflag:s7] =	dma.local [spmem:s4], $0x18B0  }
0x5a9: {  	_ =	swait.ge [sflag:s6], $0x18B0  }
0x5aa: {  	[sflag:s6] =	ssyncset.done $0x0  }
0x5ab: {  	[sflag:s6] =	ssyncadd.s32 $0xFFFFE750  }
0x5ac: {  	[spmem:s4], [sflag:s7] =	dma.local [hbm:s24], $0x18B0  }
0x5ad: {  	_ =	swait.ge [sflag:s6], $0x18B0  }
0x5ae: {  	[sflag:s6] =	ssyncset.done $0x0  }
0x5af: {  	[sflag:s6] =	ssyncadd.s32 $0xFFFFE750  }
0x5b0: {  	s11 =	simm.s32 $0x0;
	[bflag:$0x0] =	sbarrier.arrive $0xFFFF  }
.LBB2_17:
0x5b1: {  	s13 =	smul.u32 $0x3, s11;
	_ =	sdelay $0x1  }
0x5b2: {  	v2 =	vmov s13  }
0x5b3: {  	v3 =	vmov s10;
	v2 =	vmul.u32 $0x70, v2  }
0x5b4: {  	s1 =	simm.s32 $0x1;
	v4 =	vand.u32 $0x78, v3  }
0x5b5: {  	s4 =	simm.s32 $0x2;
	v3 =	vand.u32 $0x4, v3;
	v5 =	vmov s1;
	v2 =	vbroadcast v2, $0x0  }
0x5b6: {  	v6 =	vmov s4;
	v7 =	vand.u32 $0x5, v5;
	v5 =	vand.u32 $0x78, v5  }
0x5b7: {  	s16 =	simm.s32 $0x3;
	_ =	swait.ge [sflag:s29], $0x2300;
	v8 =	vand.u32 $0x6, v6;
	v4 =	vadd.s32 v2, v4;
	v5 =	vadd.s32 v2, v5  }
0x5b8: {  	[sflag:s29] =	ssyncset.done $0x0;
	v3 =	vor.u32 v3, v4;
	v4 =	vand.u32 $0x78, v6;
	v6 =	vmov s16  }
0x5b9: {  	s12 =	simm.s32 $0x9F90;
	[sflag:s29] =	ssyncadd.s32 $0xFFFFDD00;
	v5 =	vor.u32 v7, v5;
	v7 =	vand.u32 $0x78, v6  }
0x5ba: {  	v9 =	vld [tilespmem:s12+$0xFFFFFF70];
	v6 =	vand.u32 $0x7, v6;
	v7 =	vadd.s32 v2, v7  }
0x5bb: {  	v10 =	vld [tilespmem:s12+$0xFFFFFF80];
	v6 =	vor.u32 v6, v7  }
0x5bc: {  	v11 =	vld [tilespmem:s12+$0xFFFFFF90];
	v4 =	vadd.s32 v2, v4  }
0x5bd: {  	v4 =	vor.u32 v8, v4;
	v8 =	vld [tilespmem:s12+$0xFFFFFF60]  }
0x5be: {  	v7 =	vld.idx.msk [tilespmem:v3+s17+$0x0], $0xffff  }
0x5bf: {  	v12 =	vld [tilespmem:s12+$0xFFFFFFA0]  }
0x5c0: {  	v3 =	vld.idx.msk [tilespmem:v6+s17+$0x0], $0xffff  }
0x5c1: {  	v6 =	vld [tilespmem:s12+$0x90]  }
0x5c2: {  	v13 =	vld [tilespmem:s12+$0xFFFFFFB0]  }
0x5c3: {  	v5 =	vld.idx.msk [tilespmem:v5+s17+$0x0], $0xffff;
	v8 =	vmul.f32 v8, v7  }
0x5c4: {  	v14 =	vld [tilespmem:s12+$0xFFFFFFC0];
	v9 =	vmul.f32 v9, v7  }
0x5c5: {  	v4 =	vld.idx.msk [tilespmem:v4+s17+$0x0], $0xffff;
	v18 =	vmul.f32 v12, v7;
	[tilespmem:s12+$0xFFFFFF60] =	vst v8  }
0x5c6: {  	s22 =	simm.s32 $0x5;
	s23 =	simm.s32 $0x6;
	v8 =	vmul.f32 v10, v7;
	v10 =	vld [tilespmem:s12+$0xFFFFFFD0];
	[tilespmem:s12+$0xFFFFFF70] =	vst v9;
	v6 =	vmul.f32 v6, v3  }
0x5c7: {  	s21 =	simm.s32 $0x4;
	v16 =	vmov s22;
	v17 =	vmov s23;
	v9 =	vmul.f32 v11, v7;
	v11 =	vld [tilespmem:s12+$0xFFFFFFE0];
	[tilespmem:s12+$0xFFFFFFA0] =	vst v18  }
0x5c8: {  	v12 =	vand.u32 $0x5, v16;
	v19 =	vmul.f32 v13, v5;
	v7 =	vld [tilespmem:s12+$0xFFFFFFF0];
	[tilespmem:s12+$0x90] =	vst v6;
	v6 =	vmov s21  }
0x5c9: {  	v16 =	vand.u32 $0x78, v16;
	v13 =	vand.u32 $0x6, v17;
	[tilespmem:s12+$0xFFFFFF80] =	vst v8;
	v8 =	vld [tilespmem:s12+$0x0];
	v15 =	vand.u32 $0x78, v6  }
0x5ca: {  	v18 =	vmul.f32 v14, v5;
	[tilespmem:s12+$0xFFFFFF90] =	vst v9;
	v9 =	vld [tilespmem:s12+$0x10];
	v6 =	vand.u32 $0x4, v6;
	v15 =	vadd.s32 v2, v15  }
0x5cb: {  	[tilespmem:s12+$0xFFFFFFB0] =	vst v19;
	v14 =	vmul.f32 v10, v5;
	v10 =	vld [tilespmem:s12+$0x20];
	v6 =	vor.u32 v6, v15;
	v15 =	vand.u32 $0x78, v17  }
0x5cc: {  	s5 =	simm.s32 $0x7;
	s14 =	simm.s32 $0x9F90;
	s4 =	simm.s32 $0x8;
	[tilespmem:s12+$0xFFFFFFC0] =	vst v18;
	v17 =	vadd.s32 v2, v16;
	v16 =	vadd.s32 v2, v15;
	v15 =	vmul.f32 v11, v5;
	v11 =	vld [tilespmem:s12+$0x30]  }
.LBB2_18:
0x5cd: {  	p1 =	slt.u32 s4, $0x6C;
	v12 =	vor.u32 v12, v17;
	v17 =	vmov s5;
	[tilespmem:s12+$0xFFFFFFD0] =	vst v14;
	v5 =	vmul.f32 v7, v5;
	v7 =	vld [tilespmem:s12+$0x40]  }
0x5ce: {  	v13 =	vor.u32 v13, v16;
	v14 =	vand.u32 $0x78, v17;
	[tilespmem:s12+$0xFFFFFFE0] =	vst v15;
	v8 =	vmul.f32 v8, v4;
	v15 =	vld [tilespmem:s12+$0x50]  }
0x5cf: {  	v16 =	vand.u32 $0x7, v17;
	v14 =	vadd.s32 v2, v14;
	[tilespmem:s12+$0xFFFFFFF0] =	vst v5;
	v5 =	vmul.f32 v9, v4;
	v9 =	vld [tilespmem:s12+$0x60]  }
0x5d0: {  	v14 =	vor.u32 v16, v14;
	[tilespmem:s12+$0x0] =	vst v8;
	v8 =	vmul.f32 v10, v4;
	v10 =	vld [tilespmem:s12+$0x70]  }
0x5d1: {  	[tilespmem:s12+$0x10] =	vst v5;
	v11 =	vmul.f32 v11, v4;
	v16 =	vld [tilespmem:s12+$0x80]  }
0x5d2: {  	v6 =	vld.idx.msk [tilespmem:v6+s17+$0x0], $0xffff;
	[tilespmem:s12+$0x20] =	vst v8;
	v7 =	vmul.f32 v7, v4  }
0x5d3: {  	v5 =	vld.idx.msk [tilespmem:v12+s17+$0x0], $0xffff;
	[tilespmem:s12+$0x30] =	vst v11;
	v8 =	vmul.f32 v15, v3  }
0x5d4: {  	v4 =	vld.idx.msk [tilespmem:v13+s17+$0x0], $0xffff;
	[tilespmem:s12+$0x40] =	vst v7;
	v7 =	vmul.f32 v9, v3  }
0x5d5: {  	s12 =	sadd.s32 $0x140, s12;
	v9 =	vld.idx.msk [tilespmem:v14+s17+$0x0], $0xffff;
	[tilespmem:s14+$0x50] =	vst v8;
	v8 =	vmul.f32 v10, v3  }
0x5d6: {  	v10 =	vld [tilespmem:s12+$0x90];
	[tilespmem:s14+$0x60] =	vst v7;
	v3 =	vmul.f32 v16, v3  }
0x5d7: {  	v7 =	vld [tilespmem:s12+$0xFFFFFF60];
	[tilespmem:s14+$0x70] =	vst v8  }
0x5d8: {  	v8 =	vld [tilespmem:s12+$0xFFFFFF70];
	[tilespmem:s14+$0x80] =	vst v3;
	s14 =	smov.u32 s12  }
0x5d9: {  	v11 =	vld [tilespmem:s12+$0xFFFFFF80]  }
0x5da: {  	v12 =	vld [tilespmem:s12+$0xFFFFFF90]  }
0x5db: {  	v3 =	vmov v9;
	v13 =	vld [tilespmem:s12+$0xFFFFFFA0];
	v10 =	vmul.f32 v10, v9  }
0x5dc: {  	v7 =	vmul.f32 v7, v6;
	v9 =	vld [tilespmem:s12+$0xFFFFFFB0]  }
0x5dd: {  	v8 =	vmul.f32 v8, v6;
	v14 =	vld [tilespmem:s12+$0xFFFFFFC0];
	[tilespmem:s12+$0x90] =	vst v10  }
0x5de: {  	v10 =	vmov s4;
	[tilespmem:s12+$0xFFFFFF60] =	vst v7;
	v7 =	vmul.f32 v11, v6;
	v11 =	vld [tilespmem:s12+$0xFFFFFFD0]  }
0x5df: {  	s1 =	sadd.s32 $0x1, s4;
	s5 =	sadd.s32 $0x2, s4;
	v15 =	vand.u32 $0x78, v10;
	v10 =	vand.u32 $0x4, v10;
	[tilespmem:s12+$0xFFFFFF70] =	vst v8;
	v8 =	vmul.f32 v12, v6;
	v18 =	vld [tilespmem:s12+$0xFFFFFFE0]  }
.Ltmp22:
0x5e0: {  	v17 =	vmov s5;
	v16 =	vmov s1;
	[tilespmem:s12+$0xFFFFFF80] =	vst v7;
	v6 =	vmul.f32 v13, v6;
	v7 =	vld [tilespmem:s12+$0xFFFFFFF0];
	(pc) =	sbr.rel @p1 .LBB2_18-.Ltmp22, $4  }
0x5e1: {  	v15 =	vadd.s32 v2, v15;
	v12 =	vand.u32 $0x5, v16;
	[tilespmem:s12+$0xFFFFFF90] =	vst v8;
	v19 =	vmul.f32 v9, v5;
	v8 =	vld [tilespmem:s12+$0x0]  }
0x5e2: {  	v16 =	vand.u32 $0x78, v16;
	v13 =	vand.u32 $0x6, v17;
	[tilespmem:s12+$0xFFFFFFA0] =	vst v6;
	v20 =	vmul.f32 v14, v5;
	v9 =	vld [tilespmem:s12+$0x10]  }
0x5e3: {  	v6 =	vor.u32 v10, v15;
	v15 =	vand.u32 $0x78, v17;
	[tilespmem:s12+$0xFFFFFFB0] =	vst v19;
	v14 =	vmul.f32 v11, v5;
	v10 =	vld [tilespmem:s12+$0x20]  }
0x5e4: {  	s5 =	sadd.s32 $0x3, s4;
	s4 =	sadd.s32 $0x4, s4;
	v17 =	vadd.s32 v2, v16;
	v16 =	vadd.s32 v2, v15;
	[tilespmem:s12+$0xFFFFFFC0] =	vst v20;
	v15 =	vmul.f32 v18, v5;
	v11 =	vld [tilespmem:s12+$0x30]  }
0x5e5: {  	_ = 	snop  }
0x5e6: {  	v19 =	vld [tilespmem:s12+$0x40]  }
0x5e7: {  	v20 =	vld [tilespmem:s12+$0x50]  }
0x5e8: {  	v18 =	vmov s5;
	v12 =	vor.u32 v12, v17;
	v5 =	vmul.f32 v7, v5;
	v7 =	vld [tilespmem:s12+$0x80]  }
0x5e9: {  	v13 =	vor.u32 v13, v16;
	v6 =	vld.idx.msk [tilespmem:v6+s17+$0x0], $0xffff;
	v17 =	vand.u32 $0x78, v18;
	v8 =	vmul.f32 v8, v4  }
0x5ea: {  	v16 =	vand.u32 $0x7, v18;
	v2 =	vadd.s32 v2, v17;
	v17 =	vld [tilespmem:s12+$0x60];
	[tilespmem:s12+$0xFFFFFFF0] =	vst v5;
	v5 =	vmul.f32 v9, v4  }
0x5eb: {  	s4 =	sadd.s32 $0x140, s12;
	v2 =	vor.u32 v16, v2;
	v16 =	vld [tilespmem:s12+$0x70];
	[tilespmem:s12+$0x0] =	vst v8  }
0x5ec: {  	v8 =	vmul.f32 v10, v4;
	[tilespmem:s12+$0x10] =	vst v5;
	v5 =	vmul.f32 v11, v4;
	v11 =	vld [tilespmem:s4+$0xFFFFFF60]  }
0x5ed: {  	[tilespmem:s12+$0xFFFFFFD0] =	vst v14;
	v9 =	vld.idx.msk [tilespmem:v12+s17+$0x0], $0xffff  }
0x5ee: {  	v10 =	vld.idx.msk [tilespmem:v13+s17+$0x0], $0xffff;
	[tilespmem:s12+$0x20] =	vst v8;
	v4 =	vmul.f32 v19, v4  }
0x5ef: {  	v8 =	vld [tilespmem:s4+$0x90];
	[tilespmem:s12+$0x30] =	vst v5;
	v5 =	vmul.f32 v20, v3  }
0x5f0: {  	[tilespmem:s12+$0x40] =	vst v4;
	v4 =	vmul.f32 v17, v3;
	v2 =	vld.idx.msk [tilespmem:v2+s17+$0x0], $0xffff  }
0x5f1: {  	v12 =	vld [tilespmem:s4+$0xFFFFFF70];
	[tilespmem:s14+$0x50] =	vst v5;
	v5 =	vmul.f32 v16, v3  }
0x5f2: {  	v13 =	vld [tilespmem:s4+$0xFFFFFF80];
	v3 =	vmul.f32 v7, v3;
	[tilespmem:s14+$0x60] =	vst v4  }
0x5f3: {  	v4 =	vld [tilespmem:s4+$0xFFFFFF90];
	[tilespmem:s14+$0x70] =	vst v5  }
0x5f4: {  	v5 =	vld [tilespmem:s4+$0xFFFFFFA0];
	[tilespmem:s14+$0x80] =	vst v3;
	v3 =	vmul.f32 v11, v6  }
0x5f5: {  	[tilespmem:s12+$0xFFFFFFE0] =	vst v15;
	v7 =	vmul.f32 v8, v2;
	v8 =	vld [tilespmem:s4+$0xFFFFFFB0]  }
0x5f6: {  	v11 =	vmul.f32 v12, v6;
	v12 =	vld [tilespmem:s4+$0xFFFFFFC0];
	[tilespmem:s4+$0xFFFFFF60] =	vst v3  }
0x5f7: {  	v3 =	vmul.f32 v13, v6;
	[tilespmem:s4+$0x90] =	vst v7;
	v7 =	vld [tilespmem:s4+$0xFFFFFFD0]  }
0x5f8: {  	[tilespmem:s4+$0xFFFFFF70] =	vst v11;
	v11 =	vld [tilespmem:s4+$0xFFFFFFE0];
	v4 =	vmul.f32 v4, v6  }
0x5f9: {  	[tilespmem:s4+$0xFFFFFF80] =	vst v3;
	v3 =	vmul.f32 v5, v6;
	v5 =	vld [tilespmem:s4+$0xFFFFFFF0]  }
0x5fa: {  	v6 =	vld [tilespmem:s4+$0x0];
	[tilespmem:s4+$0xFFFFFF90] =	vst v4;
	v4 =	vmul.f32 v8, v9  }
0x5fb: {  	[tilespmem:s4+$0xFFFFFFA0] =	vst v3;
	v3 =	vmul.f32 v12, v9;
	v8 =	vld [tilespmem:s4+$0x10]  }
0x5fc: {  	[tilespmem:s4+$0xFFFFFFB0] =	vst v4;
	v4 =	vmul.f32 v7, v9;
	v7 =	vld [tilespmem:s4+$0x20]  }
0x5fd: {  	[tilespmem:s4+$0xFFFFFFC0] =	vst v3;
	v3 =	vmul.f32 v11, v9;
	v11 =	vld [tilespmem:s4+$0x30]  }
0x5fe: {  	[tilespmem:s4+$0xFFFFFFD0] =	vst v4;
	v4 =	vmul.f32 v5, v9;
	v5 =	vld [tilespmem:s4+$0x40]  }
0x5ff: {  	[tilespmem:s4+$0xFFFFFFE0] =	vst v3;
	v3 =	vmul.f32 v6, v10;
	v6 =	vld [tilespmem:s4+$0x50]  }
0x600: {  	[tilespmem:s4+$0xFFFFFFF0] =	vst v4;
	v4 =	vmul.f32 v8, v10;
	v8 =	vld [tilespmem:s4+$0x60]  }
0x601: {  	[tilespmem:s4+$0x0] =	vst v3;
	v3 =	vmul.f32 v7, v10;
	v7 =	vld [tilespmem:s4+$0x70]  }
0x602: {  	v9 =	vld [tilespmem:s4+$0x80];
	[tilespmem:s4+$0x10] =	vst v4;
	v4 =	vmul.f32 v11, v10  }
0x603: {  	[tilespmem:s4+$0x20] =	vst v3;
	v3 =	vmul.f32 v5, v10  }
0x604: {  	[tilespmem:s4+$0x30] =	vst v4;
	v4 =	vmul.f32 v6, v2  }
0x605: {  	[tilespmem:s4+$0x40] =	vst v3;
	v3 =	vmul.f32 v8, v2  }
0x606: {  	s1 =	smul.u32 $0x540, s11;
	[tilespmem:s4+$0x50] =	vst v4;
	v4 =	vmul.f32 v7, v2  }
0x607: {  	v2 =	vmul.f32 v9, v2;
	[tilespmem:s4+$0x60] =	vst v3  }
0x608: {  	s5 =	simm.s32 $0x1;
	s12 =	sshra.s32 s1, $0x2;
	[tilespmem:s4+$0x70] =	vst v4  }
0x609: {  	s16 =	sadd.s32 $0x2, s13;
	s1 =	sadd.s32 $0x4F50, s12;
	s14 =	sadd.s32 $0x1, s13;
	[tilespmem:s4+$0x80] =	vst v2  }
0x60a: {  	v2 =	vmov s14;
	[spmem:s19] =	stream.indirect.scatter.add.f32 [tilespmem:s2], [sflag:$0x4], $0x50, s1, s0, $0xb8;
	[tilespmem:$0x1CD70] =	vst v63  }
0x60b: {  	s21 =	simm.s32 $0x2;
	s13 =	smul.u32 $0x70, s16;
	v2 =	vmul.u32 $0x70, v2;
	_ =	swait.ge [sflag:s18], $0x2300  }
0x60c: {  	v5 =	vmov s5;
	v6 =	vmov s21;
	s4 =	simm.s32 $0x0;
	[sflag:s18] =	ssyncset.done $0x0  }
0x60d: {  	s23 =	sadd.s32 $0x2710, s13;
	v8 =	vand.u32 $0x6, v6;
	v3 =	vmov s4;
	v2 =	vbroadcast v2, $0x0;
	[sflag:s18] =	ssyncadd.s32 $0xFFFFDD00  }
0x60e: {  	v7 =	vand.u32 $0x5, v5;
	v5 =	vand.u32 $0x78, v5;
	v4 =	vand.u32 $0x78, v3;
	[tilespmem:s9], [sflag:$0x3] =	stream.indirect.gather [hbm4b:s15+s0], $0x50, s23, s0, $0xb8;
	[tilespmem:$0x1CD70] =	vst v63  }
0x60f: {  	s22 =	simm.s32 $0x3;
	v3 =	vand.u32 $0x4, v3;
	v4 =	vadd.s32 v2, v4;
	v5 =	vadd.s32 v2, v5;
	_ =	swait.ge [sflag:s30], $0x2300  }
0x610: {  	v3 =	vor.u32 v3, v4;
	v4 =	vand.u32 $0x78, v6;
	v6 =	vmov s22;
	[sflag:s30] =	ssyncset.done $0x0  }
0x611: {  	s21 =	simm.s32 $0xC290;
	v5 =	vor.u32 v7, v5;
	v4 =	vadd.s32 v2, v4;
	v7 =	vand.u32 $0x78, v6;
	[sflag:s30] =	ssyncadd.s32 $0xFFFFDD00  }
0x612: {  	v6 =	vand.u32 $0x7, v6;
	v4 =	vor.u32 v8, v4;
	v7 =	vadd.s32 v2, v7;
	v8 =	vld [tilespmem:s21+$0xFFFFFF60]  }
0x613: {  	v6 =	vor.u32 v6, v7;
	v9 =	vld [tilespmem:s21+$0xFFFFFF70]  }
0x614: {  	v10 =	vld [tilespmem:s21+$0xFFFFFF80]  }
0x615: {  	v11 =	vld [tilespmem:s21+$0xFFFFFF90]  }
0x616: {  	v7 =	vld.idx.msk [tilespmem:v3+s17+$0x0], $0xffff  }
0x617: {  	v12 =	vld [tilespmem:s21+$0xFFFFFFA0]  }
0x618: {  	v3 =	vld.idx.msk [tilespmem:v6+s17+$0x0], $0xffff  }
0x619: {  	v6 =	vld [tilespmem:s21+$0x90]  }
0x61a: {  	v13 =	vld [tilespmem:s21+$0xFFFFFFB0]  }
0x61b: {  	v5 =	vld.idx.msk [tilespmem:v5+s17+$0x0], $0xffff;
	v8 =	vmul.f32 v8, v7  }
0x61c: {  	v14 =	vld [tilespmem:s21+$0xFFFFFFC0];
	v9 =	vmul.f32 v9, v7  }
0x61d: {  	v4 =	vld.idx.msk [tilespmem:v4+s17+$0x0], $0xffff;
	v18 =	vmul.f32 v12, v7;
	[tilespmem:s21+$0xFFFFFF60] =	vst v8  }
0x61e: {  	s23 =	simm.s32 $0x6;
	s22 =	simm.s32 $0x5;
	v8 =	vmul.f32 v10, v7;
	v10 =	vld [tilespmem:s21+$0xFFFFFFD0];
	[tilespmem:s21+$0xFFFFFF70] =	vst v9;
	v6 =	vmul.f32 v6, v3  }
0x61f: {  	s5 =	simm.s32 $0x4;
	v17 =	vmov s23;
	v16 =	vmov s22;
	v9 =	vmul.f32 v11, v7;
	v11 =	vld [tilespmem:s21+$0xFFFFFFE0];
	[tilespmem:s21+$0xFFFFFFA0] =	vst v18  }
0x620: {  	v12 =	vand.u32 $0x5, v16;
	v19 =	vmul.f32 v13, v5;
	v7 =	vld [tilespmem:s21+$0xFFFFFFF0];
	[tilespmem:s21+$0x90] =	vst v6;
	v6 =	vmov s5  }
0x621: {  	v16 =	vand.u32 $0x78, v16;
	v13 =	vand.u32 $0x6, v17;
	[tilespmem:s21+$0xFFFFFF80] =	vst v8;
	v8 =	vld [tilespmem:s21+$0x0];
	v15 =	vand.u32 $0x78, v6  }
0x622: {  	v18 =	vmul.f32 v14, v5;
	[tilespmem:s21+$0xFFFFFF90] =	vst v9;
	v9 =	vld [tilespmem:s21+$0x10];
	v6 =	vand.u32 $0x4, v6;
	v15 =	vadd.s32 v2, v15  }
0x623: {  	[tilespmem:s21+$0xFFFFFFB0] =	vst v19;
	v14 =	vmul.f32 v10, v5;
	v10 =	vld [tilespmem:s21+$0x20];
	v6 =	vor.u32 v6, v15;
	v15 =	vand.u32 $0x78, v17  }
0x624: {  	s4 =	simm.s32 $0x8;
	s22 =	simm.s32 $0xC290;
	[tilespmem:s21+$0xFFFFFFC0] =	vst v18;
	s5 =	simm.s32 $0x7;
	v17 =	vadd.s32 v2, v16;
	v16 =	vadd.s32 v2, v15;
	v15 =	vmul.f32 v11, v5;
	v11 =	vld [tilespmem:s21+$0x30]  }
.LBB2_20:
0x625: {  	p1 =	slt.u32 s4, $0x6C;
	v12 =	vor.u32 v12, v17;
	v17 =	vmov s5;
	[tilespmem:s21+$0xFFFFFFD0] =	vst v14;
	v5 =	vmul.f32 v7, v5;
	v7 =	vld [tilespmem:s21+$0x40]  }
0x626: {  	v13 =	vor.u32 v13, v16;
	v14 =	vand.u32 $0x78, v17;
	[tilespmem:s21+$0xFFFFFFE0] =	vst v15;
	v8 =	vmul.f32 v8, v4;
	v15 =	vld [tilespmem:s21+$0x50]  }
0x627: {  	v16 =	vand.u32 $0x7, v17;
	v14 =	vadd.s32 v2, v14;
	[tilespmem:s21+$0xFFFFFFF0] =	vst v5;
	v5 =	vmul.f32 v9, v4;
	v9 =	vld [tilespmem:s21+$0x60]  }
0x628: {  	v14 =	vor.u32 v16, v14;
	[tilespmem:s21+$0x0] =	vst v8;
	v8 =	vmul.f32 v10, v4;
	v10 =	vld [tilespmem:s21+$0x70]  }
0x629: {  	[tilespmem:s21+$0x10] =	vst v5;
	v11 =	vmul.f32 v11, v4;
	v16 =	vld [tilespmem:s21+$0x80]  }
0x62a: {  	v6 =	vld.idx.msk [tilespmem:v6+s17+$0x0], $0xffff;
	[tilespmem:s21+$0x20] =	vst v8;
	v7 =	vmul.f32 v7, v4  }
0x62b: {  	v5 =	vld.idx.msk [tilespmem:v12+s17+$0x0], $0xffff;
	[tilespmem:s21+$0x30] =	vst v11;
	v8 =	vmul.f32 v15, v3  }
0x62c: {  	v4 =	vld.idx.msk [tilespmem:v13+s17+$0x0], $0xffff;
	[tilespmem:s21+$0x40] =	vst v7;
	v7 =	vmul.f32 v9, v3  }
0x62d: {  	s21 =	sadd.s32 $0x140, s21;
	v9 =	vld.idx.msk [tilespmem:v14+s17+$0x0], $0xffff;
	[tilespmem:s22+$0x50] =	vst v8;
	v8 =	vmul.f32 v10, v3  }
0x62e: {  	v10 =	vld [tilespmem:s21+$0x90];
	[tilespmem:s22+$0x60] =	vst v7;
	v3 =	vmul.f32 v16, v3  }
0x62f: {  	v7 =	vld [tilespmem:s21+$0xFFFFFF60];
	[tilespmem:s22+$0x70] =	vst v8  }
0x630: {  	v8 =	vld [tilespmem:s21+$0xFFFFFF70];
	[tilespmem:s22+$0x80] =	vst v3;
	s22 =	smov.u32 s21  }
0x631: {  	v11 =	vld [tilespmem:s21+$0xFFFFFF80]  }
0x632: {  	v12 =	vld [tilespmem:s21+$0xFFFFFF90]  }
0x633: {  	v3 =	vmov v9;
	v13 =	vld [tilespmem:s21+$0xFFFFFFA0];
	v10 =	vmul.f32 v10, v9  }
0x634: {  	v7 =	vmul.f32 v7, v6;
	v9 =	vld [tilespmem:s21+$0xFFFFFFB0]  }
0x635: {  	v8 =	vmul.f32 v8, v6;
	v14 =	vld [tilespmem:s21+$0xFFFFFFC0];
	[tilespmem:s21+$0x90] =	vst v10  }
0x636: {  	v10 =	vmov s4;
	[tilespmem:s21+$0xFFFFFF60] =	vst v7;
	v7 =	vmul.f32 v11, v6;
	v11 =	vld [tilespmem:s21+$0xFFFFFFD0]  }
0x637: {  	s1 =	sadd.s32 $0x1, s4;
	s5 =	sadd.s32 $0x2, s4;
	v15 =	vand.u32 $0x78, v10;
	v10 =	vand.u32 $0x4, v10;
	[tilespmem:s21+$0xFFFFFF70] =	vst v8;
	v8 =	vmul.f32 v12, v6;
	v18 =	vld [tilespmem:s21+$0xFFFFFFE0]  }
.Ltmp23:
0x638: {  	v17 =	vmov s5;
	v16 =	vmov s1;
	[tilespmem:s21+$0xFFFFFF80] =	vst v7;
	v6 =	vmul.f32 v13, v6;
	v7 =	vld [tilespmem:s21+$0xFFFFFFF0];
	(pc) =	sbr.rel @p1 .LBB2_20-.Ltmp23, $4  }
0x639: {  	v15 =	vadd.s32 v2, v15;
	v12 =	vand.u32 $0x5, v16;
	[tilespmem:s21+$0xFFFFFF90] =	vst v8;
	v19 =	vmul.f32 v9, v5;
	v8 =	vld [tilespmem:s21+$0x0]  }
0x63a: {  	v16 =	vand.u32 $0x78, v16;
	v13 =	vand.u32 $0x6, v17;
	[tilespmem:s21+$0xFFFFFFA0] =	vst v6;
	v20 =	vmul.f32 v14, v5;
	v9 =	vld [tilespmem:s21+$0x10]  }
0x63b: {  	v6 =	vor.u32 v10, v15;
	v15 =	vand.u32 $0x78, v17;
	[tilespmem:s21+$0xFFFFFFB0] =	vst v19;
	v14 =	vmul.f32 v11, v5;
	v10 =	vld [tilespmem:s21+$0x20]  }
0x63c: {  	s5 =	sadd.s32 $0x3, s4;
	s4 =	sadd.s32 $0x4, s4;
	v17 =	vadd.s32 v2, v16;
	v16 =	vadd.s32 v2, v15;
	[tilespmem:s21+$0xFFFFFFC0] =	vst v20;
	v15 =	vmul.f32 v18, v5;
	v11 =	vld [tilespmem:s21+$0x30]  }
0x63d: {  	_ = 	snop  }
0x63e: {  	v19 =	vld [tilespmem:s21+$0x40]  }
0x63f: {  	v20 =	vld [tilespmem:s21+$0x50]  }
0x640: {  	v18 =	vmov s5;
	v12 =	vor.u32 v12, v17;
	v5 =	vmul.f32 v7, v5;
	v7 =	vld [tilespmem:s21+$0x80]  }
0x641: {  	v13 =	vor.u32 v13, v16;
	v6 =	vld.idx.msk [tilespmem:v6+s17+$0x0], $0xffff;
	v17 =	vand.u32 $0x78, v18;
	v8 =	vmul.f32 v8, v4  }
0x642: {  	v16 =	vand.u32 $0x7, v18;
	v2 =	vadd.s32 v2, v17;
	v17 =	vld [tilespmem:s21+$0x60];
	[tilespmem:s21+$0xFFFFFFF0] =	vst v5;
	v5 =	vmul.f32 v9, v4  }
0x643: {  	s4 =	sadd.s32 $0x140, s21;
	v2 =	vor.u32 v16, v2;
	v16 =	vld [tilespmem:s21+$0x70];
	[tilespmem:s21+$0x0] =	vst v8  }
0x644: {  	v8 =	vmul.f32 v10, v4;
	[tilespmem:s21+$0x10] =	vst v5;
	v5 =	vmul.f32 v11, v4;
	v11 =	vld [tilespmem:s4+$0xFFFFFF60]  }
0x645: {  	[tilespmem:s21+$0xFFFFFFD0] =	vst v14;
	v9 =	vld.idx.msk [tilespmem:v12+s17+$0x0], $0xffff  }
0x646: {  	v10 =	vld.idx.msk [tilespmem:v13+s17+$0x0], $0xffff;
	[tilespmem:s21+$0x20] =	vst v8;
	v4 =	vmul.f32 v19, v4  }
0x647: {  	v8 =	vld [tilespmem:s4+$0x90];
	[tilespmem:s21+$0x30] =	vst v5;
	v5 =	vmul.f32 v20, v3  }
0x648: {  	[tilespmem:s21+$0x40] =	vst v4;
	v4 =	vmul.f32 v17, v3;
	v2 =	vld.idx.msk [tilespmem:v2+s17+$0x0], $0xffff  }
0x649: {  	v12 =	vld [tilespmem:s4+$0xFFFFFF70];
	[tilespmem:s22+$0x50] =	vst v5;
	v5 =	vmul.f32 v16, v3  }
0x64a: {  	v13 =	vld [tilespmem:s4+$0xFFFFFF80];
	v3 =	vmul.f32 v7, v3;
	[tilespmem:s22+$0x60] =	vst v4  }
0x64b: {  	v4 =	vld [tilespmem:s4+$0xFFFFFF90];
	[tilespmem:s22+$0x70] =	vst v5  }
0x64c: {  	v5 =	vld [tilespmem:s4+$0xFFFFFFA0];
	[tilespmem:s22+$0x80] =	vst v3;
	v3 =	vmul.f32 v11, v6  }
0x64d: {  	[tilespmem:s21+$0xFFFFFFE0] =	vst v15;
	v7 =	vmul.f32 v8, v2;
	v8 =	vld [tilespmem:s4+$0xFFFFFFB0]  }
0x64e: {  	v11 =	vmul.f32 v12, v6;
	v12 =	vld [tilespmem:s4+$0xFFFFFFC0];
	[tilespmem:s4+$0xFFFFFF60] =	vst v3  }
0x64f: {  	v3 =	vmul.f32 v13, v6;
	[tilespmem:s4+$0x90] =	vst v7;
	v7 =	vld [tilespmem:s4+$0xFFFFFFD0]  }
0x650: {  	[tilespmem:s4+$0xFFFFFF70] =	vst v11;
	v11 =	vld [tilespmem:s4+$0xFFFFFFE0];
	v4 =	vmul.f32 v4, v6  }
0x651: {  	[tilespmem:s4+$0xFFFFFF80] =	vst v3;
	v3 =	vmul.f32 v5, v6;
	v5 =	vld [tilespmem:s4+$0xFFFFFFF0]  }
0x652: {  	v6 =	vld [tilespmem:s4+$0x0];
	[tilespmem:s4+$0xFFFFFF90] =	vst v4;
	v4 =	vmul.f32 v8, v9  }
0x653: {  	[tilespmem:s4+$0xFFFFFFA0] =	vst v3;
	v3 =	vmul.f32 v12, v9;
	v8 =	vld [tilespmem:s4+$0x10]  }
0x654: {  	[tilespmem:s4+$0xFFFFFFB0] =	vst v4;
	v4 =	vmul.f32 v7, v9;
	v7 =	vld [tilespmem:s4+$0x20]  }
0x655: {  	[tilespmem:s4+$0xFFFFFFC0] =	vst v3;
	v3 =	vmul.f32 v11, v9;
	v11 =	vld [tilespmem:s4+$0x30]  }
0x656: {  	[tilespmem:s4+$0xFFFFFFD0] =	vst v4;
	v4 =	vmul.f32 v5, v9;
	v5 =	vld [tilespmem:s4+$0x40]  }
0x657: {  	[tilespmem:s4+$0xFFFFFFE0] =	vst v3;
	v3 =	vmul.f32 v6, v10;
	v6 =	vld [tilespmem:s4+$0x50]  }
0x658: {  	[tilespmem:s4+$0xFFFFFFF0] =	vst v4;
	v4 =	vmul.f32 v8, v10;
	v8 =	vld [tilespmem:s4+$0x60]  }
0x659: {  	[tilespmem:s4+$0x0] =	vst v3;
	v3 =	vmul.f32 v7, v10;
	v7 =	vld [tilespmem:s4+$0x70]  }
0x65a: {  	v9 =	vld [tilespmem:s4+$0x80];
	[tilespmem:s4+$0x10] =	vst v4;
	v4 =	vmul.f32 v11, v10  }
0x65b: {  	[tilespmem:s4+$0x20] =	vst v3;
	v3 =	vmul.f32 v5, v10  }
0x65c: {  	[tilespmem:s4+$0x30] =	vst v4;
	v4 =	vmul.f32 v6, v2  }
0x65d: {  	[tilespmem:s4+$0x40] =	vst v3;
	v3 =	vmul.f32 v8, v2  }
0x65e: {  	s1 =	smul.u32 $0x1C0, s14;
	[tilespmem:s4+$0x50] =	vst v4;
	v4 =	vmul.f32 v7, v2  }
0x65f: {  	v2 =	vmul.f32 v9, v2;
	[tilespmem:s4+$0x60] =	vst v3  }
0x660: {  	s1 =	sshra.s32 s1, $0x2;
	[tilespmem:s4+$0x70] =	vst v4  }
0x661: {  	s1 =	sadd.s32 $0x4F50, s1;
	[tilespmem:s4+$0x80] =	vst v2  }
0x662: {  	[spmem:s19] =	stream.indirect.scatter.add.f32 [tilespmem:s8], [sflag:$0x5], $0x50, s1, s0, $0xb8;
	[tilespmem:$0x1CD70] =	vst v63  }
0x663: {  	v2 =	vmov s16;
	s1 =	simm.s32 $0x4  }
0x664: {  	s23 =	simm.s32 $0x2;
	s22 =	simm.s32 $0x1;
	v2 =	vmul.u32 $0x70, v2;
	_ =	swait.ge [sflag:s1], $0x2300  }
0x665: {  	s21 =	simm.s32 $0x0;
	v5 =	vmov s22;
	v6 =	vmov s23;
	[sflag:s1] =	ssyncset.done $0x0  }
0x666: {  	v8 =	vand.u32 $0x6, v6;
	v3 =	vmov s21;
	s16 =	sadd.s32 $0x2860, s12;
	v2 =	vbroadcast v2, $0x0;
	[sflag:s1] =	ssyncadd.s32 $0xFFFFDD00  }
0x667: {  	v7 =	vand.u32 $0x5, v5;
	v5 =	vand.u32 $0x78, v5;
	v4 =	vand.u32 $0x78, v3;
	[tilespmem:s2], [sflag:$0x1] =	stream.indirect.gather [hbm4b:s15+s0], $0x50, s16, s0, $0xb8;
	[tilespmem:$0x1CD70] =	vst v63  }
0x668: {  	s14 =	simm.s32 $0x3;
	v3 =	vand.u32 $0x4, v3;
	v4 =	vadd.s32 v2, v4;
	v5 =	vadd.s32 v2, v5;
	_ =	swait.ge [sflag:s31], $0x2300  }
0x669: {  	v3 =	vor.u32 v3, v4;
	v4 =	vand.u32 $0x78, v6;
	v6 =	vmov s14;
	[sflag:s31] =	ssyncset.done $0x0  }
0x66a: {  	v5 =	vor.u32 v7, v5;
	s14 =	simm.s32 $0xE590;
	v4 =	vadd.s32 v2, v4;
	v7 =	vand.u32 $0x78, v6;
	[sflag:s31] =	ssyncadd.s32 $0xFFFFDD00  }
0x66b: {  	v6 =	vand.u32 $0x7, v6;
	v4 =	vor.u32 v8, v4;
	v7 =	vadd.s32 v2, v7;
	v8 =	vld [tilespmem:s14+$0xFFFFFF60]  }
0x66c: {  	v6 =	vor.u32 v6, v7;
	v9 =	vld [tilespmem:s14+$0xFFFFFF70]  }
0x66d: {  	v10 =	vld [tilespmem:s14+$0xFFFFFF80]  }
0x66e: {  	v11 =	vld [tilespmem:s14+$0xFFFFFF90]  }
0x66f: {  	v7 =	vld.idx.msk [tilespmem:v3+s17+$0x0], $0xffff  }
0x670: {  	v12 =	vld [tilespmem:s14+$0xFFFFFFA0]  }
0x671: {  	v3 =	vld.idx.msk [tilespmem:v6+s17+$0x0], $0xffff  }
0x672: {  	v6 =	vld [tilespmem:s14+$0x90]  }
0x673: {  	v13 =	vld [tilespmem:s14+$0xFFFFFFB0]  }
0x674: {  	v5 =	vld.idx.msk [tilespmem:v5+s17+$0x0], $0xffff;
	v8 =	vmul.f32 v8, v7  }
0x675: {  	v14 =	vld [tilespmem:s14+$0xFFFFFFC0];
	v9 =	vmul.f32 v9, v7  }
0x676: {  	v4 =	vld.idx.msk [tilespmem:v4+s17+$0x0], $0xffff;
	v18 =	vmul.f32 v12, v7;
	[tilespmem:s14+$0xFFFFFF60] =	vst v8  }
0x677: {  	s22 =	simm.s32 $0x5;
	s23 =	simm.s32 $0x6;
	v8 =	vmul.f32 v10, v7;
	v10 =	vld [tilespmem:s14+$0xFFFFFFD0];
	[tilespmem:s14+$0xFFFFFF70] =	vst v9;
	v6 =	vmul.f32 v6, v3  }
0x678: {  	v16 =	vmov s22;
	v17 =	vmov s23;
	s21 =	simm.s32 $0x4;
	v9 =	vmul.f32 v11, v7;
	v11 =	vld [tilespmem:s14+$0xFFFFFFE0];
	[tilespmem:s14+$0xFFFFFFA0] =	vst v18  }
0x679: {  	v12 =	vand.u32 $0x5, v16;
	v19 =	vmul.f32 v13, v5;
	v7 =	vld [tilespmem:s14+$0xFFFFFFF0];
	[tilespmem:s14+$0x90] =	vst v6;
	v6 =	vmov s21  }
0x67a: {  	v16 =	vand.u32 $0x78, v16;
	v13 =	vand.u32 $0x6, v17;
	[tilespmem:s14+$0xFFFFFF80] =	vst v8;
	v8 =	vld [tilespmem:s14+$0x0];
	v15 =	vand.u32 $0x78, v6  }
0x67b: {  	v18 =	vmul.f32 v14, v5;
	[tilespmem:s14+$0xFFFFFF90] =	vst v9;
	v9 =	vld [tilespmem:s14+$0x10];
	v6 =	vand.u32 $0x4, v6;
	v15 =	vadd.s32 v2, v15  }
0x67c: {  	[tilespmem:s14+$0xFFFFFFB0] =	vst v19;
	v14 =	vmul.f32 v10, v5;
	v10 =	vld [tilespmem:s14+$0x20];
	v6 =	vor.u32 v6, v15;
	v15 =	vand.u32 $0x78, v17  }
0x67d: {  	s5 =	simm.s32 $0x7;
	s4 =	simm.s32 $0x8;
	s16 =	simm.s32 $0xE590;
	[tilespmem:s14+$0xFFFFFFC0] =	vst v18;
	v17 =	vadd.s32 v2, v16;
	v16 =	vadd.s32 v2, v15;
	v15 =	vmul.f32 v11, v5;
	v11 =	vld [tilespmem:s14+$0x30]  }
.LBB2_22:
0x67e: {  	p1 =	slt.u32 s4, $0x6C;
	v12 =	vor.u32 v12, v17;
	v17 =	vmov s5;
	[tilespmem:s14+$0xFFFFFFD0] =	vst v14;
	v5 =	vmul.f32 v7, v5;
	v7 =	vld [tilespmem:s14+$0x40]  }
0x67f: {  	v13 =	vor.u32 v13, v16;
	v14 =	vand.u32 $0x78, v17;
	[tilespmem:s14+$0xFFFFFFE0] =	vst v15;
	v8 =	vmul.f32 v8, v4;
	v15 =	vld [tilespmem:s14+$0x50]  }
0x680: {  	v16 =	vand.u32 $0x7, v17;
	v14 =	vadd.s32 v2, v14;
	[tilespmem:s14+$0xFFFFFFF0] =	vst v5;
	v5 =	vmul.f32 v9, v4;
	v9 =	vld [tilespmem:s14+$0x60]  }
0x681: {  	v14 =	vor.u32 v16, v14;
	[tilespmem:s14+$0x0] =	vst v8;
	v8 =	vmul.f32 v10, v4;
	v10 =	vld [tilespmem:s14+$0x70]  }
0x682: {  	[tilespmem:s14+$0x10] =	vst v5;
	v11 =	vmul.f32 v11, v4;
	v16 =	vld [tilespmem:s14+$0x80]  }
0x683: {  	v6 =	vld.idx.msk [tilespmem:v6+s17+$0x0], $0xffff;
	[tilespmem:s14+$0x20] =	vst v8;
	v7 =	vmul.f32 v7, v4  }
0x684: {  	v5 =	vld.idx.msk [tilespmem:v12+s17+$0x0], $0xffff;
	[tilespmem:s14+$0x30] =	vst v11;
	v8 =	vmul.f32 v15, v3  }
0x685: {  	v4 =	vld.idx.msk [tilespmem:v13+s17+$0x0], $0xffff;
	[tilespmem:s14+$0x40] =	vst v7;
	v7 =	vmul.f32 v9, v3  }
0x686: {  	s14 =	sadd.s32 $0x140, s14;
	v9 =	vld.idx.msk [tilespmem:v14+s17+$0x0], $0xffff;
	[tilespmem:s16+$0x50] =	vst v8;
	v8 =	vmul.f32 v10, v3  }
0x687: {  	v10 =	vld [tilespmem:s14+$0x90];
	[tilespmem:s16+$0x60] =	vst v7;
	v3 =	vmul.f32 v16, v3  }
0x688: {  	v7 =	vld [tilespmem:s14+$0xFFFFFF60];
	[tilespmem:s16+$0x70] =	vst v8  }
0x689: {  	v8 =	vld [tilespmem:s14+$0xFFFFFF70];
	[tilespmem:s16+$0x80] =	vst v3;
	s16 =	smov.u32 s14  }
0x68a: {  	v11 =	vld [tilespmem:s14+$0xFFFFFF80]  }
0x68b: {  	v12 =	vld [tilespmem:s14+$0xFFFFFF90]  }
0x68c: {  	v3 =	vmov v9;
	v13 =	vld [tilespmem:s14+$0xFFFFFFA0];
	v10 =	vmul.f32 v10, v9  }
0x68d: {  	v7 =	vmul.f32 v7, v6;
	v9 =	vld [tilespmem:s14+$0xFFFFFFB0]  }
0x68e: {  	v8 =	vmul.f32 v8, v6;
	v14 =	vld [tilespmem:s14+$0xFFFFFFC0];
	[tilespmem:s14+$0x90] =	vst v10  }
0x68f: {  	v10 =	vmov s4;
	[tilespmem:s14+$0xFFFFFF60] =	vst v7;
	v7 =	vmul.f32 v11, v6;
	v11 =	vld [tilespmem:s14+$0xFFFFFFD0]  }
0x690: {  	s1 =	sadd.s32 $0x1, s4;
	s5 =	sadd.s32 $0x2, s4;
	v15 =	vand.u32 $0x78, v10;
	v10 =	vand.u32 $0x4, v10;
	[tilespmem:s14+$0xFFFFFF70] =	vst v8;
	v8 =	vmul.f32 v12, v6;
	v18 =	vld [tilespmem:s14+$0xFFFFFFE0]  }
.Ltmp24:
0x691: {  	v17 =	vmov s5;
	v16 =	vmov s1;
	[tilespmem:s14+$0xFFFFFF80] =	vst v7;
	v6 =	vmul.f32 v13, v6;
	v7 =	vld [tilespmem:s14+$0xFFFFFFF0];
	(pc) =	sbr.rel @p1 .LBB2_22-.Ltmp24, $4  }
0x692: {  	v15 =	vadd.s32 v2, v15;
	v12 =	vand.u32 $0x5, v16;
	[tilespmem:s14+$0xFFFFFF90] =	vst v8;
	v19 =	vmul.f32 v9, v5;
	v8 =	vld [tilespmem:s14+$0x0]  }
0x693: {  	v16 =	vand.u32 $0x78, v16;
	v13 =	vand.u32 $0x6, v17;
	[tilespmem:s14+$0xFFFFFFA0] =	vst v6;
	v20 =	vmul.f32 v14, v5;
	v9 =	vld [tilespmem:s14+$0x10]  }
0x694: {  	v6 =	vor.u32 v10, v15;
	v15 =	vand.u32 $0x78, v17;
	[tilespmem:s14+$0xFFFFFFB0] =	vst v19;
	v14 =	vmul.f32 v11, v5;
	v10 =	vld [tilespmem:s14+$0x20]  }
0x695: {  	s5 =	sadd.s32 $0x3, s4;
	s4 =	sadd.s32 $0x4, s4;
	v17 =	vadd.s32 v2, v16;
	v16 =	vadd.s32 v2, v15;
	[tilespmem:s14+$0xFFFFFFC0] =	vst v20;
	v15 =	vmul.f32 v18, v5;
	v11 =	vld [tilespmem:s14+$0x30]  }
0x696: {  	v19 =	vld [tilespmem:s14+$0x40]  }
0x697: {  	v20 =	vld [tilespmem:s14+$0x50]  }
0x698: {  	v23 =	vld [tilespmem:s14+$0x60]  }
0x699: {  	v24 =	vld [tilespmem:s14+$0x70]  }
0x69a: {  	[tilespmem:s14+$0xFFFFFFD0] =	vst v14;
	v5 =	vmul.f32 v7, v5;
	v25 =	vld [tilespmem:s14+$0x80]  }
0x69b: {  	v6 =	vld.idx.msk [tilespmem:v6+s17+$0x0], $0xffff;
	s4 =	sadd.s32 $0x140, s14;
	[tilespmem:s14+$0xFFFFFFE0] =	vst v15;
	v8 =	vmul.f32 v8, v4  }
0x69c: {  	v32 =	vld [tilespmem:s4+$0x90];
	[tilespmem:s14+$0xFFFFFFF0] =	vst v5;
	v26 =	vmul.f32 v9, v4  }
0x69d: {  	v34 =	vld [tilespmem:s4+$0xFFFFFF60];
	[tilespmem:s14+$0x0] =	vst v8;
	v28 =	vmul.f32 v10, v4  }
0x69e: {  	v12 =	vor.u32 v12, v17;
	v36 =	vld [tilespmem:s4+$0xFFFFFF70];
	[tilespmem:s14+$0x10] =	vst v26;
	v30 =	vmul.f32 v11, v4  }
0x69f: {  	v38 =	vld [tilespmem:s4+$0xFFFFFF80];
	[tilespmem:s14+$0x20] =	vst v28;
	v31 =	vmul.f32 v19, v4  }
0x6a0: {  	v39 =	vld [tilespmem:s4+$0xFFFFFF90];
	v33 =	vmul.f32 v20, v3;
	[tilespmem:s14+$0x30] =	vst v30  }
0x6a1: {  	v40 =	vld [tilespmem:s4+$0xFFFFFFA0];
	v35 =	vmul.f32 v23, v3;
	[tilespmem:s14+$0x40] =	vst v31  }
0x6a2: {  	v42 =	vld [tilespmem:s4+$0xFFFFFFB0];
	v37 =	vmul.f32 v24, v3;
	[tilespmem:s16+$0x50] =	vst v33  }
0x6a3: {  	v13 =	vor.u32 v13, v16;
	v27 =	vld.idx.msk [tilespmem:v12+s17+$0x0], $0xffff;
	v3 =	vmul.f32 v25, v3;
	[tilespmem:s16+$0x60] =	vst v35  }
0x6a4: {  	v18 =	vmov s5;
	v45 =	vld [tilespmem:s4+$0xFFFFFFD0];
	v43 =	vmul.f32 v36, v6;
	[tilespmem:s16+$0x70] =	vst v37  }
0x6a5: {  	v63 =	vand.u32 $0x78, v18;
	v44 =	vld [tilespmem:s4+$0xFFFFFFC0];
	[tilespmem:s16+$0x80] =	vst v3;
	v3 =	vmul.f32 v34, v6  }
0x6a6: {  	v22 =	vand.u32 $0x7, v18;
	v47 =	vld [tilespmem:s4+$0xFFFFFFF0];
	v2 =	vadd.s32 v2, v63;
	v4 =	vmul.f32 v39, v6;
	[tilespmem:s4+$0xFFFFFF70] =	vst v43  }
0x6a7: {  	v50 =	vld [tilespmem:s4+$0x10];
	v2 =	vor.u32 v22, v2;
	[tilespmem:s4+$0xFFFFFF60] =	vst v3;
	v3 =	vmul.f32 v38, v6  }
0x6a8: {  	v29 =	vld.idx.msk [tilespmem:v13+s17+$0x0], $0xffff;
	[tilespmem:s4+$0xFFFFFF90] =	vst v4;
	v48 =	vmul.f32 v42, v27  }
0x6a9: {  	v46 =	vld [tilespmem:s4+$0xFFFFFFE0];
	v51 =	vmul.f32 v45, v27;
	[tilespmem:s4+$0xFFFFFF80] =	vst v3  }
0x6aa: {  	v53 =	vld [tilespmem:s4+$0x30];
	v3 =	vmul.f32 v40, v6;
	[tilespmem:s4+$0xFFFFFFB0] =	vst v48  }
0x6ab: {  	v49 =	vld [tilespmem:s4+$0x0];
	v54 =	vmul.f32 v47, v27;
	[tilespmem:s4+$0xFFFFFFD0] =	vst v51  }
0x6ac: {  	v2 =	vld.idx.msk [tilespmem:v2+s17+$0x0], $0xffff;
	[tilespmem:s4+$0xFFFFFFA0] =	vst v3;
	v3 =	vmul.f32 v44, v27  }
0x6ad: {  	v52 =	vld [tilespmem:s4+$0x20];
	v57 =	vmul.f32 v50, v29;
	[tilespmem:s4+$0xFFFFFFF0] =	vst v54  }
0x6ae: {  	v56 =	vld [tilespmem:s4+$0x50];
	[tilespmem:s4+$0xFFFFFFC0] =	vst v3;
	v3 =	vmul.f32 v46, v27  }
0x6af: {  	v55 =	vld [tilespmem:s4+$0x40];
	v60 =	vmul.f32 v53, v29;
	[tilespmem:s4+$0x10] =	vst v57  }
0x6b0: {  	v59 =	vld [tilespmem:s4+$0x70];
	[tilespmem:s4+$0xFFFFFFE0] =	vst v3;
	v3 =	vmul.f32 v49, v29  }
0x6b1: {  	v58 =	vld [tilespmem:s4+$0x60];
	[tilespmem:s4+$0x30] =	vst v60;
	v41 =	vmul.f32 v32, v2  }
0x6b2: {  	v61 =	vld [tilespmem:s4+$0x80];
	[tilespmem:s4+$0x0] =	vst v3;
	v3 =	vmul.f32 v52, v29  }
0x6b3: {  	v62 =	vmul.f32 v56, v2;
	[tilespmem:s4+$0x90] =	vst v41  }
0x6b4: {  	[tilespmem:s4+$0x20] =	vst v3;
	v3 =	vmul.f32 v55, v29  }
0x6b5: {  	v63 =	vmul.f32 v59, v2;
	[tilespmem:s4+$0x50] =	vst v62  }
0x6b6: {  	[tilespmem:s4+$0x40] =	vst v3;
	v3 =	vmul.f32 v58, v2  }
0x6b7: {  	[tilespmem:s4+$0x70] =	vst v63;
	v2 =	vmul.f32 v61, v2  }
0x6b8: {  	s11 =	sadd.s32 $0x1, s11;
	[tilespmem:s4+$0x60] =	vst v3  }
0x6b9: {  	s1 =	sadd.s32 $0x4F50, s13;
	p1 =	seq.s32 s11, $0x1E;
	[tilespmem:s4+$0x80] =	vst v2  }
0x6ba: {  	[spmem:s19] =	stream.indirect.scatter.add.f32 [tilespmem:s9], [sflag:$0x6], $0x50, s1, s0, $0xb8;
	[tilespmem:$0x1CD70] =	vst v63  }
.Ltmp25:
0x6bb: {  	_ = 	snop;
	(pc) =	sbr.rel @!p1 .LBB2_17-.Ltmp25, $4  }
0x6bc: {  	_ =	swait.ge [sflag:s20], $0x2300  }
0x6bd: {  	[sflag:s20] =	ssyncset.done $0x0  }
0x6be: {  	s23 =	sadd.s32 $0x28D0, s12;
	[sflag:s20] =	ssyncadd.s32 $0xFFFFDD00  }
0x6bf: {  	[tilespmem:s8], [sflag:$0x2] =	stream.indirect.gather [hbm4b:s15+s0], $0x50, s23, s0, $0xb8;
	[tilespmem:$0x1CD70] =	vst v63  }
.Ltmp26:
0x6c0: {  	(pc) =	sbr.rel .LBB2_48-.Ltmp26, $3  }
0x6c1: {  	_ =	sdelay $0x1  }
0x6c2: {  	s4 =	rddreg [dreg:$0xb]  }
0x6c3: {  	s5 =	rddreg [dreg:$0x19]  }
.LBB2_49:
0x6c4: {  	_ =	sfence.sel $0x180000  }
0x6c5: {  	[bflag:$0x0] =	sbarrier.arrive $0xFFFF  }
0x6c6: {  	_ =	strace $0x90000047  }
0x6c7: {  	s0 =	stileid.u32;
	[bflag:$0x2] =	sbarrier.arrive $0xFFFF  }
0x6c8: {  	p0 =	sne.s32 s0, $0x0;
	s0 =	rddreg [dreg:$0x3]  }
0x6c9: {  	s0 =	sadd.s32 @!p0 $0x100000, s0  }
0x6ca: {  	[sflag:s0] =	ssyncadd.tile.s32 @!p0 $0x1;
	_ =	shalt  }
.Lfunc_end2:
_tile_overlayer_lowered:
.L_overlay_start_2:
0x6cb: {  	(tag) =	ssettag $0x2  }
0x6cc: {  	s0 =	rddreg [dreg:$0x0];
	s2 =	stileid.u32  }
0x6cd: {  	s1 =	rddreg [dreg:$0x1];
	p0 =	sne.s32 s2, $0x0  }
0x6ce: {  	s3 =	rddreg [dreg:$0x2];
	[bflag:$0x3] =	sbarrier.arrive $0xFFFF;
	s2 =	simm.s32 @!p0 $0x1C07  }
0x6cf: {  	[timem:s3], [sflag:s2] =	dma.local @!p0 [hbm:s0], s1  }
0x6d0: {  	s0 =	simm.s32 @!p0 $0x7  }
0x6d1: {  	_ =	swait.ge @!p0 [sflag:s0], s1  }
0x6d2: {  	s1 =	ssub.s32 @!p0 $0x0, s1;
	[sflag:s0] =	ssyncset.done @!p0 $0x0  }
0x6d3: {  	[sflag:s0] =	ssyncadd.s32 @!p0 s1  }
0x6d4: {  	[bflag:$0x3] =	sbarrier.arrive $0xFFFF  }
0x6d5: {  	_ =	shalt  }

</sc_bundles>
